<compile_context>
chip_gen: v7x
topology: tpu7x:2x2x1
jax: 0.10.2.dev20260603
libtpu: 0.0.44.dev20260713+nightly
codegen_flags: <defaults>
</compile_context>

<pallas_src>
import functools

import jax
import jax.numpy as jnp
from jax import lax
from jax.experimental import pallas as pl
from jax.experimental.pallas import tpu as pltpu
from jax.experimental.pallas import tpu_sc as plsc

N = 100000
E = 3200000
ROWS = 784
NP = ROWS * 128
NC, NS = 2, 16
NW = NC * NS
EW = E // NW
SL = NP // NS

CD = 20000
NCHD = EW // CD
CP = 10000
NCHP = EW // CP

_mesh = plsc.VectorSubcoreMesh(core_axis_name="c", subcore_axis_name="s")


def _ids():
    cid = lax.axis_index("c")
    sid = lax.axis_index("s")
    return cid, sid, sid * NC + cid


@functools.partial(
    pl.kernel,
    out_type=jax.ShapeDtypeStruct((NC, NP), jnp.float32),
    mesh=_mesh,
    scratch_types=[
        pltpu.VMEM((CD,), jnp.int32),
        pltpu.VMEM((CD,), jnp.int32),
        pltpu.VMEM((CD,), jnp.float32),
        pltpu.VMEM_SHARED((NP,), jnp.float32),
        pltpu.SemaphoreType.DMA((2,)),
        pltpu.SemaphoreType.DMA((2,)),
    ],
)
def _deg_pass(ei_hbm, ones_hbm, zeros_hbm, out_hbm,
              idx0_v, idx1_v, ones_v, acc_sh, sem_i, sem_sc):
    cid, sid, wid = _ids()
    idx_v = [idx0_v, idx1_v]

    def idx_start(c):
        b = c % 2
        base = wid * EW + c * CD
        return pltpu.async_copy(ei_hbm.at[pl.ds(E + base, CD)], idx_v[b],
                                sem_i.at[b])

    icp = idx_start(0)
    pltpu.sync_copy(zeros_hbm.at[pl.ds(sid * SL, SL)],
                    acc_sh.at[pl.ds(sid * SL, SL)])
    pltpu.sync_copy(ones_hbm, ones_v)
    plsc.subcore_barrier()

    sc_cp = [None, None]
    for c in range(NCHD):
        b = c % 2
        icp.wait()
        if sc_cp[b] is not None:
            sc_cp[b].wait()
        sc_cp[b] = pltpu.async_copy(ones_v, acc_sh.at[idx_v[b]],
                                    sem_sc.at[b], add=True)
        if c + 1 < NCHD:
            if sc_cp[1 - b] is not None:
                sc_cp[1 - b].wait()
                sc_cp[1 - b] = None
            icp = idx_start(c + 1)
    for cp in sc_cp:
        if cp is not None:
            cp.wait()
    plsc.subcore_barrier()
    pltpu.sync_copy(acc_sh.at[pl.ds(sid * SL, SL)],
                    out_hbm.at[cid, pl.ds(sid * SL, SL)])


@functools.partial(
    pl.kernel,
    out_type=jax.ShapeDtypeStruct((NC, NP), jnp.float32),
    mesh=_mesh,
    scratch_types=[
        pltpu.VMEM((CP,), jnp.int32),
        pltpu.VMEM((CP,), jnp.int32),
        pltpu.VMEM((CP,), jnp.int32),
        pltpu.VMEM((CP,), jnp.int32),
        pltpu.VMEM((CP,), jnp.float32),
        pltpu.VMEM((CP,), jnp.float32),
        pltpu.VMEM_SHARED((NP,), jnp.float32),
        pltpu.VMEM_SHARED((NP,), jnp.float32),
        pltpu.SemaphoreType.DMA((2,)),
        pltpu.SemaphoreType.DMA((2,)),
        pltpu.SemaphoreType.DMA((2,)),
        pltpu.SemaphoreType.DMA((2,)),
    ],
)
def _scalar_pass(ei_hbm, y_hbm, zeros_hbm, out_hbm,
                 idxs0_v, idxs1_v, idxd0_v, idxd1_v, vals0_v, vals1_v,
                 acc_sh, y_sh,
                 sem_is, sem_id, sem_g, sem_sc):
    cid, sid, wid = _ids()
    idxs_v = [idxs0_v, idxs1_v]
    idxd_v = [idxd0_v, idxd1_v]
    vals_v = [vals0_v, vals1_v]

    def idx_start(c):
        b = c % 2
        base = wid * EW + c * CP
        cs = pltpu.async_copy(ei_hbm.at[pl.ds(base, CP)], idxs_v[b],
                              sem_is.at[b])
        cd = pltpu.async_copy(ei_hbm.at[pl.ds(E + base, CP)], idxd_v[b],
                              sem_id.at[b])
        return cs, cd

    idx_cp = idx_start(0)
    pltpu.sync_copy(zeros_hbm.at[pl.ds(sid * SL, SL)],
                    acc_sh.at[pl.ds(sid * SL, SL)])
    pltpu.sync_copy(y_hbm.at[pl.ds(sid * SL, SL)],
                    y_sh.at[pl.ds(sid * SL, SL)])
    plsc.subcore_barrier()

    sc_cp = [None, None]
    for c in range(NCHP):
        b = c % 2
        idx_cp[0].wait()
        idx_cp[1].wait()
        if sc_cp[b] is not None:
            sc_cp[b].wait()
        g = pltpu.async_copy(y_sh.at[idxs_v[b]], vals_v[b], sem_g.at[b])
        g.wait()
        sc_cp[b] = pltpu.async_copy(vals_v[b], acc_sh.at[idxd_v[b]],
                                    sem_sc.at[b], add=True)
        if c + 1 < NCHP:
            if sc_cp[1 - b] is not None:
                sc_cp[1 - b].wait()
                sc_cp[1 - b] = None
            idx_cp = idx_start(c + 1)
    for cp in sc_cp:
        if cp is not None:
            cp.wait()
    plsc.subcore_barrier()
    pltpu.sync_copy(acc_sh.at[pl.ds(sid * SL, SL)],
                    out_hbm.at[cid, pl.ds(sid * SL, SL)])


@functools.partial(
    pl.kernel,
    out_type=(jax.ShapeDtypeStruct((NC, NP), jnp.float32),
              jax.ShapeDtypeStruct((NC, NP), jnp.float32)),
    mesh=_mesh,
    scratch_types=[
        pltpu.VMEM((CP,), jnp.int32),
        pltpu.VMEM((CP,), jnp.int32),
        pltpu.VMEM((CP,), jnp.int32),
        pltpu.VMEM((CP,), jnp.int32),
        pltpu.VMEM((CP,), jnp.float32),
        pltpu.VMEM((CP,), jnp.float32),
        pltpu.VMEM((CP,), jnp.float32),
        pltpu.VMEM((CP,), jnp.float32),
        pltpu.VMEM_SHARED((NP,), jnp.float32),
        pltpu.VMEM_SHARED((NP,), jnp.float32),
        pltpu.VMEM_SHARED((NP,), jnp.float32),
        pltpu.VMEM_SHARED((NP,), jnp.float32),
        pltpu.SemaphoreType.DMA((2,)),
        pltpu.SemaphoreType.DMA((2,)),
        pltpu.SemaphoreType.DMA((2,)),
        pltpu.SemaphoreType.DMA((2,)),
        pltpu.SemaphoreType.DMA((2,)),
        pltpu.SemaphoreType.DMA((2,)),
    ],
)
def _pair_pass(ei_hbm, z01_hbm, zeros_hbm, out0_hbm, out1_hbm,
               idxs0_v, idxs1_v, idxd0_v, idxd1_v,
               v00_v, v01_v, v10_v, v11_v,
               acc0_sh, acc1_sh, z0_sh, z1_sh,
               sem_is, sem_id, sem_g0, sem_g1, sem_s0, sem_s1):
    cid, sid, wid = _ids()
    idxs_v = [idxs0_v, idxs1_v]
    idxd_v = [idxd0_v, idxd1_v]
    v0_v = [v00_v, v01_v]
    v1_v = [v10_v, v11_v]

    def idx_start(c):
        b = c % 2
        base = wid * EW + c * CP
        cs = pltpu.async_copy(ei_hbm.at[pl.ds(base, CP)], idxs_v[b],
                              sem_is.at[b])
        cd = pltpu.async_copy(ei_hbm.at[pl.ds(E + base, CP)], idxd_v[b],
                              sem_id.at[b])
        return cs, cd

    idx_cp = idx_start(0)
    pltpu.sync_copy(zeros_hbm.at[pl.ds(sid * SL, SL)],
                    acc0_sh.at[pl.ds(sid * SL, SL)])
    pltpu.sync_copy(zeros_hbm.at[pl.ds(sid * SL, SL)],
                    acc1_sh.at[pl.ds(sid * SL, SL)])
    pltpu.sync_copy(z01_hbm.at[pl.ds(sid * SL, SL)],
                    z0_sh.at[pl.ds(sid * SL, SL)])
    pltpu.sync_copy(z01_hbm.at[pl.ds(NP + sid * SL, SL)],
                    z1_sh.at[pl.ds(sid * SL, SL)])
    plsc.subcore_barrier()

    sc0 = [None, None]
    sc1 = [None, None]
    for c in range(NCHP):
        b = c % 2
        idx_cp[0].wait()
        idx_cp[1].wait()
        if sc0[b] is not None:
            sc0[b].wait()
            sc1[b].wait()
        g0 = pltpu.async_copy(z0_sh.at[idxs_v[b]], v0_v[b], sem_g0.at[b])
        g1 = pltpu.async_copy(z1_sh.at[idxs_v[b]], v1_v[b], sem_g1.at[b])
        g0.wait()
        g1.wait()
        sc0[b] = pltpu.async_copy(v0_v[b], acc0_sh.at[idxd_v[b]],
                                  sem_s0.at[b], add=True)
        sc1[b] = pltpu.async_copy(v1_v[b], acc1_sh.at[idxd_v[b]],
                                  sem_s1.at[b], add=True)
        if c + 1 < NCHP:
            if sc0[1 - b] is not None:
                sc0[1 - b].wait()
                sc1[1 - b].wait()
                sc0[1 - b] = None
                sc1[1 - b] = None
            idx_cp = idx_start(c + 1)
    for cp in sc0 + sc1:
        if cp is not None:
            cp.wait()
    plsc.subcore_barrier()
    pltpu.sync_copy(acc0_sh.at[pl.ds(sid * SL, SL)],
                    out0_hbm.at[cid, pl.ds(sid * SL, SL)])
    pltpu.sync_copy(acc1_sh.at[pl.ds(sid * SL, SL)],
                    out1_hbm.at[cid, pl.ds(sid * SL, SL)])


def _tc1_body(degp_ref, x_ref, dinv_ref, y_ref):
    deg = degp_ref[0] + degp_ref[1] + 1.0
    dinv = lax.rsqrt(deg)
    dinv_ref[...] = dinv
    y_ref[...] = dinv * x_ref[...]


_tc1 = pl.pallas_call(
    _tc1_body,
    out_shape=(jax.ShapeDtypeStruct((ROWS, 128), jnp.float32),
               jax.ShapeDtypeStruct((ROWS, 128), jnp.float32)),
)


def _tc2_body(sp_ref, y_ref, dinv_ref, w1_ref, b1_ref, w2t_ref, z_ref):
    dinv = dinv_ref[...]
    s = dinv * (sp_ref[0] + sp_ref[1] + y_ref[...])
    g0 = jnp.zeros_like(s)
    g1 = jnp.zeros_like(s)
    for j in range(16):
        h = jnp.maximum(s * w1_ref[0, j] + b1_ref[0, j], 0.0)
        g0 = g0 + h * w2t_ref[0, j]
        g1 = g1 + h * w2t_ref[1, j]
    z_ref[0] = dinv * g0
    z_ref[1] = dinv * g1


_tc2 = pl.pallas_call(
    _tc2_body,
    in_specs=[
        pl.BlockSpec(memory_space=pltpu.VMEM),
        pl.BlockSpec(memory_space=pltpu.VMEM),
        pl.BlockSpec(memory_space=pltpu.VMEM),
        pl.BlockSpec(memory_space=pltpu.SMEM),
        pl.BlockSpec(memory_space=pltpu.SMEM),
        pl.BlockSpec(memory_space=pltpu.SMEM),
    ],
    out_shape=jax.ShapeDtypeStruct((2, ROWS, 128), jnp.float32),
)


def _tc3_body(op0_ref, op1_ref, z_ref, dinv_ref, b2_ref, out0_ref, out1_ref):
    dinv = dinv_ref[...]
    o0 = dinv * (op0_ref[0] + op0_ref[1] + z_ref[0]) + b2_ref[0, 0]
    o1 = dinv * (op1_ref[0] + op1_ref[1] + z_ref[1]) + b2_ref[0, 1]
    m = jnp.maximum(o0, o1)
    lse = m + jnp.log(jnp.exp(o0 - m) + jnp.exp(o1 - m))
    out0_ref[...] = o0 - lse
    out1_ref[...] = o1 - lse


_tc3 = pl.pallas_call(
    _tc3_body,
    in_specs=[
        pl.BlockSpec(memory_space=pltpu.VMEM),
        pl.BlockSpec(memory_space=pltpu.VMEM),
        pl.BlockSpec(memory_space=pltpu.VMEM),
        pl.BlockSpec(memory_space=pltpu.VMEM),
        pl.BlockSpec(memory_space=pltpu.SMEM),
    ],
    out_shape=(jax.ShapeDtypeStruct((ROWS, 128), jnp.float32),
               jax.ShapeDtypeStruct((ROWS, 128), jnp.float32)),
)


def kernel(x, edge_index, W1, b1, W2, b2):
    ei = edge_index.astype(jnp.int32).reshape(2 * E)
    xp = jnp.zeros((NP,), jnp.float32).at[:N].set(x[:, 0])
    zeros = jnp.zeros((NP,), jnp.float32)
    ones = jnp.ones((CD,), jnp.float32)

    degp = _deg_pass(ei, ones, zeros)
    dinv, y = _tc1(degp.reshape(NC, ROWS, 128), xp.reshape(ROWS, 128))

    sp = _scalar_pass(ei, y.reshape(NP), zeros)
    z01 = _tc2(sp.reshape(NC, ROWS, 128), y, dinv,
               W1, b1.reshape(1, 16), W2.T)

    op0, op1 = _pair_pass(ei, z01.reshape(NC * NP), zeros)
    out0, out1 = _tc3(op0.reshape(NC, ROWS, 128), op1.reshape(NC, ROWS, 128),
                      z01, dinv, b2.reshape(1, 2))

    return jnp.stack([out0.reshape(NP)[:N], out1.reshape(NP)[:N]], axis=1)

# --- scband reference (transcript-rebuilt; emitter-appended) ---
"""Pipeline reference for scband-gnn-47107201302761 (READ-ONLY COPY).

The authoritative reference and input builder live on the scoring server;
editing this copy changes nothing except your own understanding.
"""

import jax, jax.numpy as jnp
import numpy as np

N_NODES = 100000
N_EDGES = 3200000


def gcn_conv(x, edge_index, W, b, num_nodes):
    # PyG GCNConv: add self-loops, symmetric normalization D^-1/2 (A+I) D^-1/2 X W + b
    src = edge_index[0]
    dst = edge_index[1]
    loop = jnp.arange(num_nodes, dtype=edge_index.dtype)
    src = jnp.concatenate([src, loop])
    dst = jnp.concatenate([dst, loop])
    xw = x @ W
    deg = jnp.zeros((num_nodes,), dtype=xw.dtype).at[dst].add(1.0)
    dinv = jnp.where(deg > 0, deg ** -0.5, 0.0)
    norm = dinv[src] * dinv[dst]
    msg = xw[src] * norm[:, None]
    out = jnp.zeros((num_nodes, xw.shape[1]), dtype=xw.dtype).at[dst].add(msg)
    return out + b


def setup_inputs(seed: int = 0) -> dict:
    key = jax.random.key(seed)
    k1, k2, k3, k4, k5, k6 = jax.random.split(key, 6)
    x = jax.random.normal(k1, (N_NODES, 1), dtype=jnp.float32)
    edge_index = jax.random.randint(k2, (2, N_EDGES), 0, N_NODES, dtype=jnp.int64)
    # GCNConv(1, 16) and GCNConv(16, 2) parameters (glorot-ish init)
    W1 = jax.random.normal(k3, (1, 16), dtype=jnp.float32) * (1.0 / np.sqrt(1))
    b1 = jnp.zeros((16,), dtype=jnp.float32)
    W2 = jax.random.normal(k4, (16, 2), dtype=jnp.float32) * (1.0 / np.sqrt(16))
    b2 = jnp.zeros((2,), dtype=jnp.float32)
    return {"x": x, "edge_index": edge_index, "W1": W1, "b1": b1, "W2": W2, "b2": b2}


def reference(x, edge_index, W1, b1, W2, b2):
    h = gcn_conv(x, edge_index, W1, b1, N_NODES)
    h = jax.nn.relu(h)
    h = gcn_conv(h, edge_index, W2, b2, N_NODES)
    return jax.nn.log_softmax(h, axis=1)

if __name__ == "__main__":
    import jax
    _d = setup_inputs()
    print(jax.jit(kernel)(*tuple(_d.values())))

</pallas_src>

<mosaic_0001>
#map = affine_map<(d0, d1) -> (0)>
#map1 = affine_map<(d0, d1) -> (0, 0)>
module attributes {stable_mosaic.version = 14 : i64} {
  func.func @_deg_pass(%arg0: i32, %arg1: i32, %arg2: memref<6400000xi32, #tpu.memory_space<hbm>>, %arg3: memref<20000xf32, #tpu.memory_space<hbm>>, %arg4: memref<100352xf32, #tpu.memory_space<hbm>>, %arg5: memref<2x100352xf32, #tpu.memory_space<hbm>>, %arg6: memref<20000xi32, #tpu.memory_space<vmem>>, %arg7: memref<20000xi32, #tpu.memory_space<vmem>>, %arg8: memref<20000xf32, #tpu.memory_space<vmem>>, %arg9: memref<100352xf32, #tpu.memory_space<vmem_shared>>, %arg10: memref<2x!tpu.dma_semaphore, #tpu.memory_space<semaphore_mem>>, %arg11: memref<2x!tpu.dma_semaphore, #tpu.memory_space<semaphore_mem>>) attributes {dimension_semantics = [#tpu.dimension_semantics<core_parallel>, #tpu.dimension_semantics<subcore_parallel>], iteration_bounds = array<i64: 2, 16>, scalar_prefetch = 0 : i64, scratch_operands = 6 : i64, tpu.core_type = #tpu.core_type<sc_vector_subcore>, window_params = [{transform_indices = #map}, {transform_indices = #map}, {transform_indices = #map}, {transform_indices = #map1}]} {
    %mul3A = arith.constant 2 : i32
    %mul3A_0 = arith.muli %arg1, %mul3A : i32
    %add3A = arith.addi %mul3A_0, %arg0 : i32
    %mul3A_1 = arith.constant 100000 : i32
    %mul3A_2 = arith.muli %add3A, %mul3A_1 : i32
    %add3A_3 = arith.constant 0 : i32
    %add3A_4 = arith.addi %mul3A_2, %add3A_3 : i32
    %add3A_5 = arith.constant 3200000 : i32
    %add3A_6 = arith.addi %add3A_5, %add3A_4 : i32
    %dma_start3A = arith.constant 0 : i32
    %dma_start3A_7 = tpu.memref_slice %arg2[%add3A_6] : memref<6400000xi32, #tpu.memory_space<hbm>> -> memref<20000xi32, #tpu.memory_space<hbm>>
    %dma_start3A_8 = tpu.memref_slice %arg10[%dma_start3A] : memref<2x!tpu.dma_semaphore, #tpu.memory_space<semaphore_mem>> -> memref<1x!tpu.dma_semaphore, #tpu.memory_space<semaphore_mem>>
    %dma_start3A_9 = tpu.memref_squeeze %dma_start3A_8 : memref<1x!tpu.dma_semaphore, #tpu.memory_space<semaphore_mem>> -> memref<!tpu.dma_semaphore, #tpu.memory_space<semaphore_mem>>
    %dma_start3A_10 = tpu.memref_slice %arg2[%add3A_6] : memref<6400000xi32, #tpu.memory_space<hbm>> -> memref<20000xi32, #tpu.memory_space<hbm>>
    tpu.enqueue_dma source(%dma_start3A_10 : memref<20000xi32, #tpu.memory_space<hbm>>) target(%arg6 : memref<20000xi32, #tpu.memory_space<vmem>>) target_semaphore(%dma_start3A_9 : memref<!tpu.dma_semaphore, #tpu.memory_space<semaphore_mem>>)
    %mul3A_11 = arith.constant 6272 : i32
    %mul3A_12 = arith.muli %arg1, %mul3A_11 : i32
    %mul3A_13 = arith.constant 6272 : i32
    %mul3A_14 = arith.muli %arg1, %mul3A_13 : i32
    "tpu.region"() ({
      %run_scoped3A = tpu.sem_alloc : memref<!tpu.dma_semaphore, #tpu.memory_space<semaphore_mem>>
      %dma_start3A_138 = tpu.memref_slice %arg9[%mul3A_14] : memref<100352xf32, #tpu.memory_space<vmem_shared>> -> memref<6272xf32, #tpu.memory_space<vmem_shared>>
      %dma_start3A_139 = tpu.memref_slice %arg4[%mul3A_12] : memref<100352xf32, #tpu.memory_space<hbm>> -> memref<6272xf32, #tpu.memory_space<hbm>>
      tpu.enqueue_dma source(%dma_start3A_139 : memref<6272xf32, #tpu.memory_space<hbm>>) target(%dma_start3A_138 : memref<6272xf32, #tpu.memory_space<vmem_shared>>) target_semaphore(%run_scoped3A : memref<!tpu.dma_semaphore, #tpu.memory_space<semaphore_mem>>)
      %dma_wait3A_140 = tpu.memref_slice %arg9[%mul3A_14] : memref<100352xf32, #tpu.memory_space<vmem_shared>> -> memref<6272xf32, #tpu.memory_space<vmem_shared>>
      %dma_wait3A_141 = tpu.memref_slice %arg4[%mul3A_12] : memref<100352xf32, #tpu.memory_space<hbm>> -> memref<6272xf32, #tpu.memory_space<hbm>>
      tpu.wait_dma2 semaphore(%run_scoped3A : memref<!tpu.dma_semaphore, #tpu.memory_space<semaphore_mem>>) src(%dma_wait3A_141 : memref<6272xf32, #tpu.memory_space<hbm>>) dst(%dma_wait3A_140 : memref<6272xf32, #tpu.memory_space<vmem_shared>>)
      tpu.yield
    }) : () -> ()
    "tpu.region"() ({
      %run_scoped3A = tpu.sem_alloc : memref<!tpu.dma_semaphore, #tpu.memory_space<semaphore_mem>>
      tpu.enqueue_dma source(%arg3 : memref<20000xf32, #tpu.memory_space<hbm>>) target(%arg8 : memref<20000xf32, #tpu.memory_space<vmem>>) target_semaphore(%run_scoped3A : memref<!tpu.dma_semaphore, #tpu.memory_space<semaphore_mem>>)
      tpu.wait_dma2 semaphore(%run_scoped3A : memref<!tpu.dma_semaphore, #tpu.memory_space<semaphore_mem>>) src(%arg3 : memref<20000xf32, #tpu.memory_space<hbm>>) dst(%arg8 : memref<20000xf32, #tpu.memory_space<vmem>>)
      tpu.yield
    }) : () -> ()
    %barrier3A = arith.constant 0 : index
    tpu.barrier barrier_id(%barrier3A)
    %dma_wait3A = arith.constant 0 : i32
    %dma_wait3A_15 = tpu.memref_slice %arg2[%add3A_6] : memref<6400000xi32, #tpu.memory_space<hbm>> -> memref<20000xi32, #tpu.memory_space<hbm>>
    %dma_wait3A_16 = tpu.memref_slice %arg10[%dma_wait3A] : memref<2x!tpu.dma_semaphore, #tpu.memory_space<semaphore_mem>> -> memref<1x!tpu.dma_semaphore, #tpu.memory_space<semaphore_mem>>
    %dma_wait3A_17 = tpu.memref_squeeze %dma_wait3A_16 : memref<1x!tpu.dma_semaphore, #tpu.memory_space<semaphore_mem>> -> memref<!tpu.dma_semaphore, #tpu.memory_space<semaphore_mem>>
    %dma_wait3A_18 = tpu.memref_slice %arg2[%add3A_6] : memref<6400000xi32, #tpu.memory_space<hbm>> -> memref<20000xi32, #tpu.memory_space<hbm>>
    tpu.wait_dma2 semaphore(%dma_wait3A_17 : memref<!tpu.dma_semaphore, #tpu.memory_space<semaphore_mem>>) src(%dma_wait3A_18 : memref<20000xi32, #tpu.memory_space<hbm>>) dst(%arg6 : memref<20000xi32, #tpu.memory_space<vmem>>)
    %dma_start3A_19 = arith.constant 0 : i32
    %dma_start3A_20 = arith.constant 0 : i32
    %dma_start3A_21 = tpu.memref_slice %arg9[%dma_start3A_20] : memref<100352xf32, #tpu.memory_space<vmem_shared>> -> memref<100352xf32, #tpu.memory_space<vmem_shared>>
    %dma_start3A_22 = tpu.memref_slice %arg11[%dma_start3A_19] : memref<2x!tpu.dma_semaphore, #tpu.memory_space<semaphore_mem>> -> memref<1x!tpu.dma_semaphore, #tpu.memory_space<semaphore_mem>>
    %dma_start3A_23 = tpu.memref_squeeze %dma_start3A_22 : memref<1x!tpu.dma_semaphore, #tpu.memory_space<semaphore_mem>> -> memref<!tpu.dma_semaphore, #tpu.memory_space<semaphore_mem>>
    tpu.enqueue_indirect_dma source(%arg8 : memref<20000xf32, #tpu.memory_space<vmem>>) target(%dma_start3A_21 : memref<100352xf32, #tpu.memory_space<vmem_shared>>) offsets(%arg6 : memref<20000xi32, #tpu.memory_space<vmem>>) semaphore(%dma_start3A_23 : memref<!tpu.dma_semaphore, #tpu.memory_space<semaphore_mem>>) {add = true}
    %mul3A_24 = arith.constant 100000 : i32
    %mul3A_25 = arith.muli %add3A, %mul3A_24 : i32
    %add3A_26 = arith.constant 20000 : i32
    %add3A_27 = arith.addi %mul3A_25, %add3A_26 : i32
    %add3A_28 = arith.constant 3200000 : i32
    %add3A_29 = arith.addi %add3A_28, %add3A_27 : i32
    %dma_start3A_30 = arith.constant 1 : i32
    %dma_start3A_31 = tpu.memref_slice %arg2[%add3A_29] : memref<6400000xi32, #tpu.memory_space<hbm>> -> memref<20000xi32, #tpu.memory_space<hbm>>
    %dma_start3A_32 = tpu.memref_slice %arg10[%dma_start3A_30] : memref<2x!tpu.dma_semaphore, #tpu.memory_space<semaphore_mem>> -> memref<1x!tpu.dma_semaphore, #tpu.memory_space<semaphore_mem>>
    %dma_start3A_33 = tpu.memref_squeeze %dma_start3A_32 : memref<1x!tpu.dma_semaphore, #tpu.memory_space<semaphore_mem>> -> memref<!tpu.dma_semaphore, #tpu.memory_space<semaphore_mem>>
    %dma_start3A_34 = tpu.memref_slice %arg2[%add3A_29] : memref<6400000xi32, #tpu.memory_space<hbm>> -> memref<20000xi32, #tpu.memory_space<hbm>>
    tpu.enqueue_dma source(%dma_start3A_34 : memref<20000xi32, #tpu.memory_space<hbm>>) target(%arg7 : memref<20000xi32, #tpu.memory_space<vmem>>) target_semaphore(%dma_start3A_33 : memref<!tpu.dma_semaphore, #tpu.memory_space<semaphore_mem>>)
    %dma_wait3A_35 = arith.constant 1 : i32
    %dma_wait3A_36 = tpu.memref_slice %arg2[%add3A_29] : memref<6400000xi32, #tpu.memory_space<hbm>> -> memref<20000xi32, #tpu.memory_space<hbm>>
    %dma_wait3A_37 = tpu.memref_slice %arg10[%dma_wait3A_35] : memref<2x!tpu.dma_semaphore, #tpu.memory_space<semaphore_mem>> -> memref<1x!tpu.dma_semaphore, #tpu.memory_space<semaphore_mem>>
    %dma_wait3A_38 = tpu.memref_squeeze %dma_wait3A_37 : memref<1x!tpu.dma_semaphore, #tpu.memory_space<semaphore_mem>> -> memref<!tpu.dma_semaphore, #tpu.memory_space<semaphore_mem>>
    %dma_wait3A_39 = tpu.memref_slice %arg2[%add3A_29] : memref<6400000xi32, #tpu.memory_space<hbm>> -> memref<20000xi32, #tpu.memory_space<hbm>>
    tpu.wait_dma2 semaphore(%dma_wait3A_38 : memref<!tpu.dma_semaphore, #tpu.memory_space<semaphore_mem>>) src(%dma_wait3A_39 : memref<20000xi32, #tpu.memory_space<hbm>>) dst(%arg7 : memref<20000xi32, #tpu.memory_space<vmem>>)
    %dma_start3A_40 = arith.constant 1 : i32
    %dma_start3A_41 = arith.constant 0 : i32
    %dma_start3A_42 = tpu.memref_slice %arg9[%dma_start3A_41] : memref<100352xf32, #tpu.memory_space<vmem_shared>> -> memref<100352xf32, #tpu.memory_space<vmem_shared>>
    %dma_start3A_43 = tpu.memref_slice %arg11[%dma_start3A_40] : memref<2x!tpu.dma_semaphore, #tpu.memory_space<semaphore_mem>> -> memref<1x!tpu.dma_semaphore, #tpu.memory_space<semaphore_mem>>
    %dma_start3A_44 = tpu.memref_squeeze %dma_start3A_43 : memref<1x!tpu.dma_semaphore, #tpu.memory_space<semaphore_mem>> -> memref<!tpu.dma_semaphore, #tpu.memory_space<semaphore_mem>>
    tpu.enqueue_indirect_dma source(%arg8 : memref<20000xf32, #tpu.memory_space<vmem>>) target(%dma_start3A_42 : memref<100352xf32, #tpu.memory_space<vmem_shared>>) offsets(%arg7 : memref<20000xi32, #tpu.memory_space<vmem>>) semaphore(%dma_start3A_44 : memref<!tpu.dma_semaphore, #tpu.memory_space<semaphore_mem>>) {add = true}
    %dma_wait3A_45 = arith.constant 0 : i32
    %dma_wait3A_46 = arith.constant 0 : i32
    %dma_wait3A_47 = tpu.memref_slice %arg9[%dma_wait3A_46] : memref<100352xf32, #tpu.memory_space<vmem_shared>> -> memref<100352xf32, #tpu.memory_space<vmem_shared>>
    %dma_wait3A_48 = tpu.memref_slice %arg11[%dma_wait3A_45] : memref<2x!tpu.dma_semaphore, #tpu.memory_space<semaphore_mem>> -> memref<1x!tpu.dma_semaphore, #tpu.memory_space<semaphore_mem>>
    %dma_wait3A_49 = tpu.memref_squeeze %dma_wait3A_48 : memref<1x!tpu.dma_semaphore, #tpu.memory_space<semaphore_mem>> -> memref<!tpu.dma_semaphore, #tpu.memory_space<semaphore_mem>>
    tpu.wait_indirect_dma semaphore(%dma_wait3A_49 : memref<!tpu.dma_semaphore, #tpu.memory_space<semaphore_mem>>) src(%arg8 : memref<20000xf32, #tpu.memory_space<vmem>>) dst(%dma_wait3A_47 : memref<100352xf32, #tpu.memory_space<vmem_shared>>)
    %mul3A_50 = arith.constant 100000 : i32
    %mul3A_51 = arith.muli %add3A, %mul3A_50 : i32
    %add3A_52 = arith.constant 40000 : i32
    %add3A_53 = arith.addi %mul3A_51, %add3A_52 : i32
    %add3A_54 = arith.constant 3200000 : i32
    %add3A_55 = arith.addi %add3A_54, %add3A_53 : i32
    %dma_start3A_56 = arith.constant 0 : i32
    %dma_start3A_57 = tpu.memref_slice %arg2[%add3A_55] : memref<6400000xi32, #tpu.memory_space<hbm>> -> memref<20000xi32, #tpu.memory_space<hbm>>
    %dma_start3A_58 = tpu.memref_slice %arg10[%dma_start3A_56] : memref<2x!tpu.dma_semaphore, #tpu.memory_space<semaphore_mem>> -> memref<1x!tpu.dma_semaphore, #tpu.memory_space<semaphore_mem>>
    %dma_start3A_59 = tpu.memref_squeeze %dma_start3A_58 : memref<1x!tpu.dma_semaphore, #tpu.memory_space<semaphore_mem>> -> memref<!tpu.dma_semaphore, #tpu.memory_space<semaphore_mem>>
    %dma_start3A_60 = tpu.memref_slice %arg2[%add3A_55] : memref<6400000xi32, #tpu.memory_space<hbm>> -> memref<20000xi32, #tpu.memory_space<hbm>>
    tpu.enqueue_dma source(%dma_start3A_60 : memref<20000xi32, #tpu.memory_space<hbm>>) target(%arg6 : memref<20000xi32, #tpu.memory_space<vmem>>) target_semaphore(%dma_start3A_59 : memref<!tpu.dma_semaphore, #tpu.memory_space<semaphore_mem>>)
    %dma_wait3A_61 = arith.constant 0 : i32
    %dma_wait3A_62 = tpu.memref_slice %arg2[%add3A_55] : memref<6400000xi32, #tpu.memory_space<hbm>> -> memref<20000xi32, #tpu.memory_space<hbm>>
    %dma_wait3A_63 = tpu.memref_slice %arg10[%dma_wait3A_61] : memref<2x!tpu.dma_semaphore, #tpu.memory_space<semaphore_mem>> -> memref<1x!tpu.dma_semaphore, #tpu.memory_space<semaphore_mem>>
    %dma_wait3A_64 = tpu.memref_squeeze %dma_wait3A_63 : memref<1x!tpu.dma_semaphore, #tpu.memory_space<semaphore_mem>> -> memref<!tpu.dma_semaphore, #tpu.memory_space<semaphore_mem>>
    %dma_wait3A_65 = tpu.memref_slice %arg2[%add3A_55] : memref<6400000xi32, #tpu.memory_space<hbm>> -> memref<20000xi32, #tpu.memory_space<hbm>>
    tpu.wait_dma2 semaphore(%dma_wait3A_64 : memref<!tpu.dma_semaphore, #tpu.memory_space<semaphore_mem>>) src(%dma_wait3A_65 : memref<20000xi32, #tpu.memory_space<hbm>>) dst(%arg6 : memref<20000xi32, #tpu.memory_space<vmem>>)
    %dma_start3A_66 = arith.constant 0 : i32
    %dma_start3A_67 = arith.constant 0 : i32
    %dma_start3A_68 = tpu.memref_slice %arg9[%dma_start3A_67] : memref<100352xf32, #tpu.memory_space<vmem_shared>> -> memref<100352xf32, #tpu.memory_space<vmem_shared>>
    %dma_start3A_69 = tpu.memref_slice %arg11[%dma_start3A_66] : memref<2x!tpu.dma_semaphore, #tpu.memory_space<semaphore_mem>> -> memref<1x!tpu.dma_semaphore, #tpu.memory_space<semaphore_mem>>
    %dma_start3A_70 = tpu.memref_squeeze %dma_start3A_69 : memref<1x!tpu.dma_semaphore, #tpu.memory_space<semaphore_mem>> -> memref<!tpu.dma_semaphore, #tpu.memory_space<semaphore_mem>>
    tpu.enqueue_indirect_dma source(%arg8 : memref<20000xf32, #tpu.memory_space<vmem>>) target(%dma_start3A_68 : memref<100352xf32, #tpu.memory_space<vmem_shared>>) offsets(%arg6 : memref<20000xi32, #tpu.memory_space<vmem>>) semaphore(%dma_start3A_70 : memref<!tpu.dma_semaphore, #tpu.memory_space<semaphore_mem>>) {add = true}
    %dma_wait3A_71 = arith.constant 1 : i32
    %dma_wait3A_72 = arith.constant 0 : i32
    %dma_wait3A_73 = tpu.memref_slice %arg9[%dma_wait3A_72] : memref<100352xf32, #tpu.memory_space<vmem_shared>> -> memref<100352xf32, #tpu.memory_space<vmem_shared>>
    %dma_wait3A_74 = tpu.memref_slice %arg11[%dma_wait3A_71] : memref<2x!tpu.dma_semaphore, #tpu.memory_space<semaphore_mem>> -> memref<1x!tpu.dma_semaphore, #tpu.memory_space<semaphore_mem>>
    %dma_wait3A_75 = tpu.memref_squeeze %dma_wait3A_74 : memref<1x!tpu.dma_semaphore, #tpu.memory_space<semaphore_mem>> -> memref<!tpu.dma_semaphore, #tpu.memory_space<semaphore_mem>>
    tpu.wait_indirect_dma semaphore(%dma_wait3A_75 : memref<!tpu.dma_semaphore, #tpu.memory_space<semaphore_mem>>) src(%arg8 : memref<20000xf32, #tpu.memory_space<vmem>>) dst(%dma_wait3A_73 : memref<100352xf32, #tpu.memory_space<vmem_shared>>)
    %mul3A_76 = arith.constant 100000 : i32
    %mul3A_77 = arith.muli %add3A, %mul3A_76 : i32
    %add3A_78 = arith.constant 60000 : i32
    %add3A_79 = arith.addi %mul3A_77, %add3A_78 : i32
    %add3A_80 = arith.constant 3200000 : i32
    %add3A_81 = arith.addi %add3A_80, %add3A_79 : i32
    %dma_start3A_82 = arith.constant 1 : i32
    %dma_start3A_83 = tpu.memref_slice %arg2[%add3A_81] : memref<6400000xi32, #tpu.memory_space<hbm>> -> memref<20000xi32, #tpu.memory_space<hbm>>
    %dma_start3A_84 = tpu.memref_slice %arg10[%dma_start3A_82] : memref<2x!tpu.dma_semaphore, #tpu.memory_space<semaphore_mem>> -> memref<1x!tpu.dma_semaphore, #tpu.memory_space<semaphore_mem>>
    %dma_start3A_85 = tpu.memref_squeeze %dma_start3A_84 : memref<1x!tpu.dma_semaphore, #tpu.memory_space<semaphore_mem>> -> memref<!tpu.dma_semaphore, #tpu.memory_space<semaphore_mem>>
    %dma_start3A_86 = tpu.memref_slice %arg2[%add3A_81] : memref<6400000xi32, #tpu.memory_space<hbm>> -> memref<20000xi32, #tpu.memory_space<hbm>>
    tpu.enqueue_dma source(%dma_start3A_86 : memref<20000xi32, #tpu.memory_space<hbm>>) target(%arg7 : memref<20000xi32, #tpu.memory_space<vmem>>) target_semaphore(%dma_start3A_85 : memref<!tpu.dma_semaphore, #tpu.memory_space<semaphore_mem>>)
    %dma_wait3A_87 = arith.constant 1 : i32
    %dma_wait3A_88 = tpu.memref_slice %arg2[%add3A_81] : memref<6400000xi32, #tpu.memory_space<hbm>> -> memref<20000xi32, #tpu.memory_space<hbm>>
    %dma_wait3A_89 = tpu.memref_slice %arg10[%dma_wait3A_87] : memref<2x!tpu.dma_semaphore, #tpu.memory_space<semaphore_mem>> -> memref<1x!tpu.dma_semaphore, #tpu.memory_space<semaphore_mem>>
    %dma_wait3A_90 = tpu.memref_squeeze %dma_wait3A_89 : memref<1x!tpu.dma_semaphore, #tpu.memory_space<semaphore_mem>> -> memref<!tpu.dma_semaphore, #tpu.memory_space<semaphore_mem>>
    %dma_wait3A_91 = tpu.memref_slice %arg2[%add3A_81] : memref<6400000xi32, #tpu.memory_space<hbm>> -> memref<20000xi32, #tpu.memory_space<hbm>>
    tpu.wait_dma2 semaphore(%dma_wait3A_90 : memref<!tpu.dma_semaphore, #tpu.memory_space<semaphore_mem>>) src(%dma_wait3A_91 : memref<20000xi32, #tpu.memory_space<hbm>>) dst(%arg7 : memref<20000xi32, #tpu.memory_space<vmem>>)
    %dma_start3A_92 = arith.constant 1 : i32
    %dma_start3A_93 = arith.constant 0 : i32
    %dma_start3A_94 = tpu.memref_slice %arg9[%dma_start3A_93] : memref<100352xf32, #tpu.memory_space<vmem_shared>> -> memref<100352xf32, #tpu.memory_space<vmem_shared>>
    %dma_start3A_95 = tpu.memref_slice %arg11[%dma_start3A_92] : memref<2x!tpu.dma_semaphore, #tpu.memory_space<semaphore_mem>> -> memref<1x!tpu.dma_semaphore, #tpu.memory_space<semaphore_mem>>
    %dma_start3A_96 = tpu.memref_squeeze %dma_start3A_95 : memref<1x!tpu.dma_semaphore, #tpu.memory_space<semaphore_mem>> -> memref<!tpu.dma_semaphore, #tpu.memory_space<semaphore_mem>>
    tpu.enqueue_indirect_dma source(%arg8 : memref<20000xf32, #tpu.memory_space<vmem>>) target(%dma_start3A_94 : memref<100352xf32, #tpu.memory_space<vmem_shared>>) offsets(%arg7 : memref<20000xi32, #tpu.memory_space<vmem>>) semaphore(%dma_start3A_96 : memref<!tpu.dma_semaphore, #tpu.memory_space<semaphore_mem>>) {add = true}
    %dma_wait3A_97 = arith.constant 0 : i32
    %dma_wait3A_98 = arith.constant 0 : i32
    %dma_wait3A_99 = tpu.memref_slice %arg9[%dma_wait3A_98] : memref<100352xf32, #tpu.memory_space<vmem_shared>> -> memref<100352xf32, #tpu.memory_space<vmem_shared>>
    %dma_wait3A_100 = tpu.memref_slice %arg11[%dma_wait3A_97] : memref<2x!tpu.dma_semaphore, #tpu.memory_space<semaphore_mem>> -> memref<1x!tpu.dma_semaphore, #tpu.memory_space<semaphore_mem>>
    %dma_wait3A_101 = tpu.memref_squeeze %dma_wait3A_100 : memref<1x!tpu.dma_semaphore, #tpu.memory_space<semaphore_mem>> -> memref<!tpu.dma_semaphore, #tpu.memory_space<semaphore_mem>>
    tpu.wait_indirect_dma semaphore(%dma_wait3A_101 : memref<!tpu.dma_semaphore, #tpu.memory_space<semaphore_mem>>) src(%arg8 : memref<20000xf32, #tpu.memory_space<vmem>>) dst(%dma_wait3A_99 : memref<100352xf32, #tpu.memory_space<vmem_shared>>)
    %mul3A_102 = arith.constant 100000 : i32
    %mul3A_103 = arith.muli %add3A, %mul3A_102 : i32
    %add3A_104 = arith.constant 80000 : i32
    %add3A_105 = arith.addi %mul3A_103, %add3A_104 : i32
    %add3A_106 = arith.constant 3200000 : i32
    %add3A_107 = arith.addi %add3A_106, %add3A_105 : i32
    %dma_start3A_108 = arith.constant 0 : i32
    %dma_start3A_109 = tpu.memref_slice %arg2[%add3A_107] : memref<6400000xi32, #tpu.memory_space<hbm>> -> memref<20000xi32, #tpu.memory_space<hbm>>
    %dma_start3A_110 = tpu.memref_slice %arg10[%dma_start3A_108] : memref<2x!tpu.dma_semaphore, #tpu.memory_space<semaphore_mem>> -> memref<1x!tpu.dma_semaphore, #tpu.memory_space<semaphore_mem>>
    %dma_start3A_111 = tpu.memref_squeeze %dma_start3A_110 : memref<1x!tpu.dma_semaphore, #tpu.memory_space<semaphore_mem>> -> memref<!tpu.dma_semaphore, #tpu.memory_space<semaphore_mem>>
    %dma_start3A_112 = tpu.memref_slice %arg2[%add3A_107] : memref<6400000xi32, #tpu.memory_space<hbm>> -> memref<20000xi32, #tpu.memory_space<hbm>>
    tpu.enqueue_dma source(%dma_start3A_112 : memref<20000xi32, #tpu.memory_space<hbm>>) target(%arg6 : memref<20000xi32, #tpu.memory_space<vmem>>) target_semaphore(%dma_start3A_111 : memref<!tpu.dma_semaphore, #tpu.memory_space<semaphore_mem>>)
    %dma_wait3A_113 = arith.constant 0 : i32
    %dma_wait3A_114 = tpu.memref_slice %arg2[%add3A_107] : memref<6400000xi32, #tpu.memory_space<hbm>> -> memref<20000xi32, #tpu.memory_space<hbm>>
    %dma_wait3A_115 = tpu.memref_slice %arg10[%dma_wait3A_113] : memref<2x!tpu.dma_semaphore, #tpu.memory_space<semaphore_mem>> -> memref<1x!tpu.dma_semaphore, #tpu.memory_space<semaphore_mem>>
    %dma_wait3A_116 = tpu.memref_squeeze %dma_wait3A_115 : memref<1x!tpu.dma_semaphore, #tpu.memory_space<semaphore_mem>> -> memref<!tpu.dma_semaphore, #tpu.memory_space<semaphore_mem>>
    %dma_wait3A_117 = tpu.memref_slice %arg2[%add3A_107] : memref<6400000xi32, #tpu.memory_space<hbm>> -> memref<20000xi32, #tpu.memory_space<hbm>>
    tpu.wait_dma2 semaphore(%dma_wait3A_116 : memref<!tpu.dma_semaphore, #tpu.memory_space<semaphore_mem>>) src(%dma_wait3A_117 : memref<20000xi32, #tpu.memory_space<hbm>>) dst(%arg6 : memref<20000xi32, #tpu.memory_space<vmem>>)
    %dma_start3A_118 = arith.constant 0 : i32
    %dma_start3A_119 = arith.constant 0 : i32
    %dma_start3A_120 = tpu.memref_slice %arg9[%dma_start3A_119] : memref<100352xf32, #tpu.memory_space<vmem_shared>> -> memref<100352xf32, #tpu.memory_space<vmem_shared>>
    %dma_start3A_121 = tpu.memref_slice %arg11[%dma_start3A_118] : memref<2x!tpu.dma_semaphore, #tpu.memory_space<semaphore_mem>> -> memref<1x!tpu.dma_semaphore, #tpu.memory_space<semaphore_mem>>
    %dma_start3A_122 = tpu.memref_squeeze %dma_start3A_121 : memref<1x!tpu.dma_semaphore, #tpu.memory_space<semaphore_mem>> -> memref<!tpu.dma_semaphore, #tpu.memory_space<semaphore_mem>>
    tpu.enqueue_indirect_dma source(%arg8 : memref<20000xf32, #tpu.memory_space<vmem>>) target(%dma_start3A_120 : memref<100352xf32, #tpu.memory_space<vmem_shared>>) offsets(%arg6 : memref<20000xi32, #tpu.memory_space<vmem>>) semaphore(%dma_start3A_122 : memref<!tpu.dma_semaphore, #tpu.memory_space<semaphore_mem>>) {add = true}
    %dma_wait3A_123 = arith.constant 0 : i32
    %dma_wait3A_124 = arith.constant 0 : i32
    %dma_wait3A_125 = tpu.memref_slice %arg9[%dma_wait3A_124] : memref<100352xf32, #tpu.memory_space<vmem_shared>> -> memref<100352xf32, #tpu.memory_space<vmem_shared>>
    %dma_wait3A_126 = tpu.memref_slice %arg11[%dma_wait3A_123] : memref<2x!tpu.dma_semaphore, #tpu.memory_space<semaphore_mem>> -> memref<1x!tpu.dma_semaphore, #tpu.memory_space<semaphore_mem>>
    %dma_wait3A_127 = tpu.memref_squeeze %dma_wait3A_126 : memref<1x!tpu.dma_semaphore, #tpu.memory_space<semaphore_mem>> -> memref<!tpu.dma_semaphore, #tpu.memory_space<semaphore_mem>>
    tpu.wait_indirect_dma semaphore(%dma_wait3A_127 : memref<!tpu.dma_semaphore, #tpu.memory_space<semaphore_mem>>) src(%arg8 : memref<20000xf32, #tpu.memory_space<vmem>>) dst(%dma_wait3A_125 : memref<100352xf32, #tpu.memory_space<vmem_shared>>)
    %dma_wait3A_128 = arith.constant 1 : i32
    %dma_wait3A_129 = arith.constant 0 : i32
    %dma_wait3A_130 = tpu.memref_slice %arg9[%dma_wait3A_129] : memref<100352xf32, #tpu.memory_space<vmem_shared>> -> memref<100352xf32, #tpu.memory_space<vmem_shared>>
    %dma_wait3A_131 = tpu.memref_slice %arg11[%dma_wait3A_128] : memref<2x!tpu.dma_semaphore, #tpu.memory_space<semaphore_mem>> -> memref<1x!tpu.dma_semaphore, #tpu.memory_space<semaphore_mem>>
    %dma_wait3A_132 = tpu.memref_squeeze %dma_wait3A_131 : memref<1x!tpu.dma_semaphore, #tpu.memory_space<semaphore_mem>> -> memref<!tpu.dma_semaphore, #tpu.memory_space<semaphore_mem>>
    tpu.wait_indirect_dma semaphore(%dma_wait3A_132 : memref<!tpu.dma_semaphore, #tpu.memory_space<semaphore_mem>>) src(%arg8 : memref<20000xf32, #tpu.memory_space<vmem>>) dst(%dma_wait3A_130 : memref<100352xf32, #tpu.memory_space<vmem_shared>>)
    %barrier3A_133 = arith.constant 0 : index
    tpu.barrier barrier_id(%barrier3A_133)
    %mul3A_134 = arith.constant 6272 : i32
    %mul3A_135 = arith.muli %arg1, %mul3A_134 : i32
    %mul3A_136 = arith.constant 6272 : i32
    %mul3A_137 = arith.muli %arg1, %mul3A_136 : i32
    "tpu.region"() ({
      %run_scoped3A = tpu.sem_alloc : memref<!tpu.dma_semaphore, #tpu.memory_space<semaphore_mem>>
      %dma_start3A_138 = tpu.memref_slice %arg5[%arg0, %mul3A_137] : memref<2x100352xf32, #tpu.memory_space<hbm>> -> memref<1x6272xf32, #tpu.memory_space<hbm>>
      %dma_start3A_139 = tpu.memref_squeeze %dma_start3A_138 : memref<1x6272xf32, #tpu.memory_space<hbm>> -> memref<6272xf32, #tpu.memory_space<hbm>>
      %dma_start3A_140 = tpu.memref_slice %arg9[%mul3A_135] : memref<100352xf32, #tpu.memory_space<vmem_shared>> -> memref<6272xf32, #tpu.memory_space<vmem_shared>>
      tpu.enqueue_dma source(%dma_start3A_140 : memref<6272xf32, #tpu.memory_space<vmem_shared>>) target(%dma_start3A_139 : memref<6272xf32, #tpu.memory_space<hbm>>) target_semaphore(%run_scoped3A : memref<!tpu.dma_semaphore, #tpu.memory_space<semaphore_mem>>)
      %dma_wait3A_141 = tpu.memref_slice %arg5[%arg0, %mul3A_137] : memref<2x100352xf32, #tpu.memory_space<hbm>> -> memref<1x6272xf32, #tpu.memory_space<hbm>>
      %dma_wait3A_142 = tpu.memref_squeeze %dma_wait3A_141 : memref<1x6272xf32, #tpu.memory_space<hbm>> -> memref<6272xf32, #tpu.memory_space<hbm>>
      %dma_wait3A_143 = tpu.memref_slice %arg9[%mul3A_135] : memref<100352xf32, #tpu.memory_space<vmem_shared>> -> memref<6272xf32, #tpu.memory_space<vmem_shared>>
      tpu.wait_dma2 semaphore(%run_scoped3A : memref<!tpu.dma_semaphore, #tpu.memory_space<semaphore_mem>>) src(%dma_wait3A_143 : memref<6272xf32, #tpu.memory_space<vmem_shared>>) dst(%dma_wait3A_142 : memref<6272xf32, #tpu.memory_space<hbm>>)
      tpu.yield
    }) : () -> ()
    return
  }
}

#map = affine_map<(d0, d1) -> (0)>
#map1 = affine_map<(d0, d1) -> (0, 0)>
module attributes {stable_mosaic.version = 14 : i64} {
  func.func @_scalar_pass(%arg0: i32, %arg1: i32, %arg2: memref<6400000xi32, #tpu.memory_space<hbm>>, %arg3: memref<100352xf32, #tpu.memory_space<hbm>>, %arg4: memref<100352xf32, #tpu.memory_space<hbm>>, %arg5: memref<2x100352xf32, #tpu.memory_space<hbm>>, %arg6: memref<10000xi32, #tpu.memory_space<vmem>>, %arg7: memref<10000xi32, #tpu.memory_space<vmem>>, %arg8: memref<10000xi32, #tpu.memory_space<vmem>>, %arg9: memref<10000xi32, #tpu.memory_space<vmem>>, %arg10: memref<10000xf32, #tpu.memory_space<vmem>>, %arg11: memref<10000xf32, #tpu.memory_space<vmem>>, %arg12: memref<100352xf32, #tpu.memory_space<vmem_shared>>, %arg13: memref<100352xf32, #tpu.memory_space<vmem_shared>>, %arg14: memref<2x!tpu.dma_semaphore, #tpu.memory_space<semaphore_mem>>, %arg15: memref<2x!tpu.dma_semaphore, #tpu.memory_space<semaphore_mem>>, %arg16: memref<2x!tpu.dma_semaphore, #tpu.memory_space<semaphore_mem>>, %arg17: memref<2x!tpu.dma_semaphore, #tpu.memory_space<semaphore_mem>>) attributes {dimension_semantics = [#tpu.dimension_semantics<core_parallel>, #tpu.dimension_semantics<subcore_parallel>], iteration_bounds = array<i64: 2, 16>, scalar_prefetch = 0 : i64, scratch_operands = 12 : i64, tpu.core_type = #tpu.core_type<sc_vector_subcore>, window_params = [{transform_indices = #map}, {transform_indices = #map}, {transform_indices = #map}, {transform_indices = #map1}]} {
    %mul3A = arith.constant 2 : i32
    %mul3A_0 = arith.muli %arg1, %mul3A : i32
    %add3A = arith.addi %mul3A_0, %arg0 : i32
    %mul3A_1 = arith.constant 100000 : i32
    %mul3A_2 = arith.muli %add3A, %mul3A_1 : i32
    %add3A_3 = arith.constant 0 : i32
    %add3A_4 = arith.addi %mul3A_2, %add3A_3 : i32
    %dma_start3A = arith.constant 0 : i32
    %dma_start3A_5 = tpu.memref_slice %arg2[%add3A_4] : memref<6400000xi32, #tpu.memory_space<hbm>> -> memref<10000xi32, #tpu.memory_space<hbm>>
    %dma_start3A_6 = tpu.memref_slice %arg14[%dma_start3A] : memref<2x!tpu.dma_semaphore, #tpu.memory_space<semaphore_mem>> -> memref<1x!tpu.dma_semaphore, #tpu.memory_space<semaphore_mem>>
    %dma_start3A_7 = tpu.memref_squeeze %dma_start3A_6 : memref<1x!tpu.dma_semaphore, #tpu.memory_space<semaphore_mem>> -> memref<!tpu.dma_semaphore, #tpu.memory_space<semaphore_mem>>
    %dma_start3A_8 = tpu.memref_slice %arg2[%add3A_4] : memref<6400000xi32, #tpu.memory_space<hbm>> -> memref<10000xi32, #tpu.memory_space<hbm>>
    tpu.enqueue_dma source(%dma_start3A_8 : memref<10000xi32, #tpu.memory_space<hbm>>) target(%arg6 : memref<10000xi32, #tpu.memory_space<vmem>>) target_semaphore(%dma_start3A_7 : memref<!tpu.dma_semaphore, #tpu.memory_space<semaphore_mem>>)
    %add3A_9 = arith.constant 3200000 : i32
    %add3A_10 = arith.addi %add3A_9, %add3A_4 : i32
    %dma_start3A_11 = arith.constant 0 : i32
    %dma_start3A_12 = tpu.memref_slice %arg2[%add3A_10] : memref<6400000xi32, #tpu.memory_space<hbm>> -> memref<10000xi32, #tpu.memory_space<hbm>>
    %dma_start3A_13 = tpu.memref_slice %arg15[%dma_start3A_11] : memref<2x!tpu.dma_semaphore, #tpu.memory_space<semaphore_mem>> -> memref<1x!tpu.dma_semaphore, #tpu.memory_space<semaphore_mem>>
    %dma_start3A_14 = tpu.memref_squeeze %dma_start3A_13 : memref<1x!tpu.dma_semaphore, #tpu.memory_space<semaphore_mem>> -> memref<!tpu.dma_semaphore, #tpu.memory_space<semaphore_mem>>
    %dma_start3A_15 = tpu.memref_slice %arg2[%add3A_10] : memref<6400000xi32, #tpu.memory_space<hbm>> -> memref<10000xi32, #tpu.memory_space<hbm>>
    tpu.enqueue_dma source(%dma_start3A_15 : memref<10000xi32, #tpu.memory_space<hbm>>) target(%arg8 : memref<10000xi32, #tpu.memory_space<vmem>>) target_semaphore(%dma_start3A_14 : memref<!tpu.dma_semaphore, #tpu.memory_space<semaphore_mem>>)
    %mul3A_16 = arith.constant 6272 : i32
    %mul3A_17 = arith.muli %arg1, %mul3A_16 : i32
    %mul3A_18 = arith.constant 6272 : i32
    %mul3A_19 = arith.muli %arg1, %mul3A_18 : i32
    "tpu.region"() ({
      %run_scoped3A = tpu.sem_alloc : memref<!tpu.dma_semaphore, #tpu.memory_space<semaphore_mem>>
      %dma_start3A_472 = tpu.memref_slice %arg12[%mul3A_19] : memref<100352xf32, #tpu.memory_space<vmem_shared>> -> memref<6272xf32, #tpu.memory_space<vmem_shared>>
      %dma_start3A_473 = tpu.memref_slice %arg4[%mul3A_17] : memref<100352xf32, #tpu.memory_space<hbm>> -> memref<6272xf32, #tpu.memory_space<hbm>>
      tpu.enqueue_dma source(%dma_start3A_473 : memref<6272xf32, #tpu.memory_space<hbm>>) target(%dma_start3A_472 : memref<6272xf32, #tpu.memory_space<vmem_shared>>) target_semaphore(%run_scoped3A : memref<!tpu.dma_semaphore, #tpu.memory_space<semaphore_mem>>)
      %dma_wait3A_474 = tpu.memref_slice %arg12[%mul3A_19] : memref<100352xf32, #tpu.memory_space<vmem_shared>> -> memref<6272xf32, #tpu.memory_space<vmem_shared>>
      %dma_wait3A_475 = tpu.memref_slice %arg4[%mul3A_17] : memref<100352xf32, #tpu.memory_space<hbm>> -> memref<6272xf32, #tpu.memory_space<hbm>>
      tpu.wait_dma2 semaphore(%run_scoped3A : memref<!tpu.dma_semaphore, #tpu.memory_space<semaphore_mem>>) src(%dma_wait3A_475 : memref<6272xf32, #tpu.memory_space<hbm>>) dst(%dma_wait3A_474 : memref<6272xf32, #tpu.memory_space<vmem_shared>>)
      tpu.yield
    }) : () -> ()
    %mul3A_20 = arith.constant 6272 : i32
    %mul3A_21 = arith.muli %arg1, %mul3A_20 : i32
    %mul3A_22 = arith.constant 6272 : i32
    %mul3A_23 = arith.muli %arg1, %mul3A_22 : i32
    "tpu.region"() ({
      %run_scoped3A = tpu.sem_alloc : memref<!tpu.dma_semaphore, #tpu.memory_space<semaphore_mem>>
      %dma_start3A_472 = tpu.memref_slice %arg13[%mul3A_23] : memref<100352xf32, #tpu.memory_space<vmem_shared>> -> memref<6272xf32, #tpu.memory_space<vmem_shared>>
      %dma_start3A_473 = tpu.memref_slice %arg3[%mul3A_21] : memref<100352xf32, #tpu.memory_space<hbm>> -> memref<6272xf32, #tpu.memory_space<hbm>>
      tpu.enqueue_dma source(%dma_start3A_473 : memref<6272xf32, #tpu.memory_space<hbm>>) target(%dma_start3A_472 : memref<6272xf32, #tpu.memory_space<vmem_shared>>) target_semaphore(%run_scoped3A : memref<!tpu.dma_semaphore, #tpu.memory_space<semaphore_mem>>)
      %dma_wait3A_474 = tpu.memref_slice %arg13[%mul3A_23] : memref<100352xf32, #tpu.memory_space<vmem_shared>> -> memref<6272xf32, #tpu.memory_space<vmem_shared>>
      %dma_wait3A_475 = tpu.memref_slice %arg3[%mul3A_21] : memref<100352xf32, #tpu.memory_space<hbm>> -> memref<6272xf32, #tpu.memory_space<hbm>>
      tpu.wait_dma2 semaphore(%run_scoped3A : memref<!tpu.dma_semaphore, #tpu.memory_space<semaphore_mem>>) src(%dma_wait3A_475 : memref<6272xf32, #tpu.memory_space<hbm>>) dst(%dma_wait3A_474 : memref<6272xf32, #tpu.memory_space<vmem_shared>>)
      tpu.yield
    }) : () -> ()
    %barrier3A = arith.constant 0 : index
    tpu.barrier barrier_id(%barrier3A)
    %dma_wait3A = arith.constant 0 : i32
    %dma_wait3A_24 = tpu.memref_slice %arg2[%add3A_4] : memref<6400000xi32, #tpu.memory_space<hbm>> -> memref<10000xi32, #tpu.memory_space<hbm>>
    %dma_wait3A_25 = tpu.memref_slice %arg14[%dma_wait3A] : memref<2x!tpu.dma_semaphore, #tpu.memory_space<semaphore_mem>> -> memref<1x!tpu.dma_semaphore, #tpu.memory_space<semaphore_mem>>
    %dma_wait3A_26 = tpu.memref_squeeze %dma_wait3A_25 : memref<1x!tpu.dma_semaphore, #tpu.memory_space<semaphore_mem>> -> memref<!tpu.dma_semaphore, #tpu.memory_space<semaphore_mem>>
    %dma_wait3A_27 = tpu.memref_slice %arg2[%add3A_4] : memref<6400000xi32, #tpu.memory_space<hbm>> -> memref<10000xi32, #tpu.memory_space<hbm>>
    tpu.wait_dma2 semaphore(%dma_wait3A_26 : memref<!tpu.dma_semaphore, #tpu.memory_space<semaphore_mem>>) src(%dma_wait3A_27 : memref<10000xi32, #tpu.memory_space<hbm>>) dst(%arg6 : memref<10000xi32, #tpu.memory_space<vmem>>)
    %dma_wait3A_28 = arith.constant 0 : i32
    %dma_wait3A_29 = tpu.memref_slice %arg2[%add3A_10] : memref<6400000xi32, #tpu.memory_space<hbm>> -> memref<10000xi32, #tpu.memory_space<hbm>>
    %dma_wait3A_30 = tpu.memref_slice %arg15[%dma_wait3A_28] : memref<2x!tpu.dma_semaphore, #tpu.memory_space<semaphore_mem>> -> memref<1x!tpu.dma_semaphore, #tpu.memory_space<semaphore_mem>>
    %dma_wait3A_31 = tpu.memref_squeeze %dma_wait3A_30 : memref<1x!tpu.dma_semaphore, #tpu.memory_space<semaphore_mem>> -> memref<!tpu.dma_semaphore, #tpu.memory_space<semaphore_mem>>
    %dma_wait3A_32 = tpu.memref_slice %arg2[%add3A_10] : memref<6400000xi32, #tpu.memory_space<hbm>> -> memref<10000xi32, #tpu.memory_space<hbm>>
    tpu.wait_dma2 semaphore(%dma_wait3A_31 : memref<!tpu.dma_semaphore, #tpu.memory_space<semaphore_mem>>) src(%dma_wait3A_32 : memref<10000xi32, #tpu.memory_space<hbm>>) dst(%arg8 : memref<10000xi32, #tpu.memory_space<vmem>>)
    %dma_start3A_33 = arith.constant 0 : i32
    %dma_start3A_34 = arith.constant 0 : i32
    %dma_start3A_35 = tpu.memref_slice %arg13[%dma_start3A_34] : memref<100352xf32, #tpu.memory_space<vmem_shared>> -> memref<100352xf32, #tpu.memory_space<vmem_shared>>
    %dma_start3A_36 = tpu.memref_slice %arg16[%dma_start3A_33] : memref<2x!tpu.dma_semaphore, #tpu.memory_space<semaphore_mem>> -> memref<1x!tpu.dma_semaphore, #tpu.memory_space<semaphore_mem>>
    %dma_start3A_37 = tpu.memref_squeeze %dma_start3A_36 : memref<1x!tpu.dma_semaphore, #tpu.memory_space<semaphore_mem>> -> memref<!tpu.dma_semaphore, #tpu.memory_space<semaphore_mem>>
    tpu.enqueue_indirect_dma source(%dma_start3A_35 : memref<100352xf32, #tpu.memory_space<vmem_shared>>) target(%arg10 : memref<10000xf32, #tpu.memory_space<vmem>>) offsets(%arg6 : memref<10000xi32, #tpu.memory_space<vmem>>) semaphore(%dma_start3A_37 : memref<!tpu.dma_semaphore, #tpu.memory_space<semaphore_mem>>)
    %dma_wait3A_38 = arith.constant 0 : i32
    %dma_wait3A_39 = arith.constant 0 : i32
    %dma_wait3A_40 = tpu.memref_slice %arg13[%dma_wait3A_39] : memref<100352xf32, #tpu.memory_space<vmem_shared>> -> memref<100352xf32, #tpu.memory_space<vmem_shared>>
    %dma_wait3A_41 = tpu.memref_slice %arg16[%dma_wait3A_38] : memref<2x!tpu.dma_semaphore, #tpu.memory_space<semaphore_mem>> -> memref<1x!tpu.dma_semaphore, #tpu.memory_space<semaphore_mem>>
    %dma_wait3A_42 = tpu.memref_squeeze %dma_wait3A_41 : memref<1x!tpu.dma_semaphore, #tpu.memory_space<semaphore_mem>> -> memref<!tpu.dma_semaphore, #tpu.memory_space<semaphore_mem>>
    tpu.wait_indirect_dma semaphore(%dma_wait3A_42 : memref<!tpu.dma_semaphore, #tpu.memory_space<semaphore_mem>>) src(%dma_wait3A_40 : memref<100352xf32, #tpu.memory_space<vmem_shared>>) dst(%arg10 : memref<10000xf32, #tpu.memory_space<vmem>>)
    %dma_start3A_43 = arith.constant 0 : i32
    %dma_start3A_44 = arith.constant 0 : i32
    %dma_start3A_45 = tpu.memref_slice %arg12[%dma_start3A_44] : memref<100352xf32, #tpu.memory_space<vmem_shared>> -> memref<100352xf32, #tpu.memory_space<vmem_shared>>
    %dma_start3A_46 = tpu.memref_slice %arg17[%dma_start3A_43] : memref<2x!tpu.dma_semaphore, #tpu.memory_space<semaphore_mem>> -> memref<1x!tpu.dma_semaphore, #tpu.memory_space<semaphore_mem>>
    %dma_start3A_47 = tpu.memref_squeeze %dma_start3A_46 : memref<1x!tpu.dma_semaphore, #tpu.memory_space<semaphore_mem>> -> memref<!tpu.dma_semaphore, #tpu.memory_space<semaphore_mem>>
    tpu.enqueue_indirect_dma source(%arg10 : memref<10000xf32, #tpu.memory_space<vmem>>) target(%dma_start3A_45 : memref<100352xf32, #tpu.memory_space<vmem_shared>>) offsets(%arg8 : memref<10000xi32, #tpu.memory_space<vmem>>) semaphore(%dma_start3A_47 : memref<!tpu.dma_semaphore, #tpu.memory_space<semaphore_mem>>) {add = true}
    %mul3A_48 = arith.constant 100000 : i32
    %mul3A_49 = arith.muli %add3A, %mul3A_48 : i32
    %add3A_50 = arith.constant 10000 : i32
    %add3A_51 = arith.addi %mul3A_49, %add3A_50 : i32
    %dma_start3A_52 = arith.constant 1 : i32
    %dma_start3A_53 = tpu.memref_slice %arg2[%add3A_51] : memref<6400000xi32, #tpu.memory_space<hbm>> -> memref<10000xi32, #tpu.memory_space<hbm>>
    %dma_start3A_54 = tpu.memref_slice %arg14[%dma_start3A_52] : memref<2x!tpu.dma_semaphore, #tpu.memory_space<semaphore_mem>> -> memref<1x!tpu.dma_semaphore, #tpu.memory_space<semaphore_mem>>
    %dma_start3A_55 = tpu.memref_squeeze %dma_start3A_54 : memref<1x!tpu.dma_semaphore, #tpu.memory_space<semaphore_mem>> -> memref<!tpu.dma_semaphore, #tpu.memory_space<semaphore_mem>>
    %dma_start3A_56 = tpu.memref_slice %arg2[%add3A_51] : memref<6400000xi32, #tpu.memory_space<hbm>> -> memref<10000xi32, #tpu.memory_space<hbm>>
    tpu.enqueue_dma source(%dma_start3A_56 : memref<10000xi32, #tpu.memory_space<hbm>>) target(%arg7 : memref<10000xi32, #tpu.memory_space<vmem>>) target_semaphore(%dma_start3A_55 : memref<!tpu.dma_semaphore, #tpu.memory_space<semaphore_mem>>)
    %add3A_57 = arith.constant 3200000 : i32
    %add3A_58 = arith.addi %add3A_57, %add3A_51 : i32
    %dma_start3A_59 = arith.constant 1 : i32
    %dma_start3A_60 = tpu.memref_slice %arg2[%add3A_58] : memref<6400000xi32, #tpu.memory_space<hbm>> -> memref<10000xi32, #tpu.memory_space<hbm>>
    %dma_start3A_61 = tpu.memref_slice %arg15[%dma_start3A_59] : memref<2x!tpu.dma_semaphore, #tpu.memory_space<semaphore_mem>> -> memref<1x!tpu.dma_semaphore, #tpu.memory_space<semaphore_mem>>
    %dma_start3A_62 = tpu.memref_squeeze %dma_start3A_61 : memref<1x!tpu.dma_semaphore, #tpu.memory_space<semaphore_mem>> -> memref<!tpu.dma_semaphore, #tpu.memory_space<semaphore_mem>>
    %dma_start3A_63 = tpu.memref_slice %arg2[%add3A_58] : memref<6400000xi32, #tpu.memory_space<hbm>> -> memref<10000xi32, #tpu.memory_space<hbm>>
    tpu.enqueue_dma source(%dma_start3A_63 : memref<10000xi32, #tpu.memory_space<hbm>>) target(%arg9 : memref<10000xi32, #tpu.memory_space<vmem>>) target_semaphore(%dma_start3A_62 : memref<!tpu.dma_semaphore, #tpu.memory_space<semaphore_mem>>)
    %dma_wait3A_64 = arith.constant 1 : i32
    %dma_wait3A_65 = tpu.memref_slice %arg2[%add3A_51] : memref<6400000xi32, #tpu.memory_space<hbm>> -> memref<10000xi32, #tpu.memory_space<hbm>>
    %dma_wait3A_66 = tpu.memref_slice %arg14[%dma_wait3A_64] : memref<2x!tpu.dma_semaphore, #tpu.memory_space<semaphore_mem>> -> memref<1x!tpu.dma_semaphore, #tpu.memory_space<semaphore_mem>>
    %dma_wait3A_67 = tpu.memref_squeeze %dma_wait3A_66 : memref<1x!tpu.dma_semaphore, #tpu.memory_space<semaphore_mem>> -> memref<!tpu.dma_semaphore, #tpu.memory_space<semaphore_mem>>
    %dma_wait3A_68 = tpu.memref_slice %arg2[%add3A_51] : memref<6400000xi32, #tpu.memory_space<hbm>> -> memref<10000xi32, #tpu.memory_space<hbm>>
    tpu.wait_dma2 semaphore(%dma_wait3A_67 : memref<!tpu.dma_semaphore, #tpu.memory_space<semaphore_mem>>) src(%dma_wait3A_68 : memref<10000xi32, #tpu.memory_space<hbm>>) dst(%arg7 : memref<10000xi32, #tpu.memory_space<vmem>>)
    %dma_wait3A_69 = arith.constant 1 : i32
    %dma_wait3A_70 = tpu.memref_slice %arg2[%add3A_58] : memref<6400000xi32, #tpu.memory_space<hbm>> -> memref<10000xi32, #tpu.memory_space<hbm>>
    %dma_wait3A_71 = tpu.memref_slice %arg15[%dma_wait3A_69] : memref<2x!tpu.dma_semaphore, #tpu.memory_space<semaphore_mem>> -> memref<1x!tpu.dma_semaphore, #tpu.memory_space<semaphore_mem>>
    %dma_wait3A_72 = tpu.memref_squeeze %dma_wait3A_71 : memref<1x!tpu.dma_semaphore, #tpu.memory_space<semaphore_mem>> -> memref<!tpu.dma_semaphore, #tpu.memory_space<semaphore_mem>>
    %dma_wait3A_73 = tpu.memref_slice %arg2[%add3A_58] : memref<6400000xi32, #tpu.memory_space<hbm>> -> memref<10000xi32, #tpu.memory_space<hbm>>
    tpu.wait_dma2 semaphore(%dma_wait3A_72 : memref<!tpu.dma_semaphore, #tpu.memory_space<semaphore_mem>>) src(%dma_wait3A_73 : memref<10000xi32, #tpu.memory_space<hbm>>) dst(%arg9 : memref<10000xi32, #tpu.memory_space<vmem>>)
    %dma_start3A_74 = arith.constant 1 : i32
    %dma_start3A_75 = arith.constant 0 : i32
    %dma_start3A_76 = tpu.memref_slice %arg13[%dma_start3A_75] : memref<100352xf32, #tpu.memory_space<vmem_shared>> -> memref<100352xf32, #tpu.memory_space<vmem_shared>>
    %dma_start3A_77 = tpu.memref_slice %arg16[%dma_start3A_74] : memref<2x!tpu.dma_semaphore, #tpu.memory_space<semaphore_mem>> -> memref<1x!tpu.dma_semaphore, #tpu.memory_space<semaphore_mem>>
    %dma_start3A_78 = tpu.memref_squeeze %dma_start3A_77 : memref<1x!tpu.dma_semaphore, #tpu.memory_space<semaphore_mem>> -> memref<!tpu.dma_semaphore, #tpu.memory_space<semaphore_mem>>
    tpu.enqueue_indirect_dma source(%dma_start3A_76 : memref<100352xf32, #tpu.memory_space<vmem_shared>>) target(%arg11 : memref<10000xf32, #tpu.memory_space<vmem>>) offsets(%arg7 : memref<10000xi32, #tpu.memory_space<vmem>>) semaphore(%dma_start3A_78 : memref<!tpu.dma_semaphore, #tpu.memory_space<semaphore_mem>>)
    %dma_wait3A_79 = arith.constant 1 : i32
    %dma_wait3A_80 = arith.constant 0 : i32
    %dma_wait3A_81 = tpu.memref_slice %arg13[%dma_wait3A_80] : memref<100352xf32, #tpu.memory_space<vmem_shared>> -> memref<100352xf32, #tpu.memory_space<vmem_shared>>
    %dma_wait3A_82 = tpu.memref_slice %arg16[%dma_wait3A_79] : memref<2x!tpu.dma_semaphore, #tpu.memory_space<semaphore_mem>> -> memref<1x!tpu.dma_semaphore, #tpu.memory_space<semaphore_mem>>
    %dma_wait3A_83 = tpu.memref_squeeze %dma_wait3A_82 : memref<1x!tpu.dma_semaphore, #tpu.memory_space<semaphore_mem>> -> memref<!tpu.dma_semaphore, #tpu.memory_space<semaphore_mem>>
    tpu.wait_indirect_dma semaphore(%dma_wait3A_83 : memref<!tpu.dma_semaphore, #tpu.memory_space<semaphore_mem>>) src(%dma_wait3A_81 : memref<100352xf32, #tpu.memory_space<vmem_shared>>) dst(%arg11 : memref<10000xf32, #tpu.memory_space<vmem>>)
    %dma_start3A_84 = arith.constant 1 : i32
    %dma_start3A_85 = arith.constant 0 : i32
    %dma_start3A_86 = tpu.memref_slice %arg12[%dma_start3A_85] : memref<100352xf32, #tpu.memory_space<vmem_shared>> -> memref<100352xf32, #tpu.memory_space<vmem_shared>>
    %dma_start3A_87 = tpu.memref_slice %arg17[%dma_start3A_84] : memref<2x!tpu.dma_semaphore, #tpu.memory_space<semaphore_mem>> -> memref<1x!tpu.dma_semaphore, #tpu.memory_space<semaphore_mem>>
    %dma_start3A_88 = tpu.memref_squeeze %dma_start3A_87 : memref<1x!tpu.dma_semaphore, #tpu.memory_space<semaphore_mem>> -> memref<!tpu.dma_semaphore, #tpu.memory_space<semaphore_mem>>
    tpu.enqueue_indirect_dma source(%arg11 : memref<10000xf32, #tpu.memory_space<vmem>>) target(%dma_start3A_86 : memref<100352xf32, #tpu.memory_space<vmem_shared>>) offsets(%arg9 : memref<10000xi32, #tpu.memory_space<vmem>>) semaphore(%dma_start3A_88 : memref<!tpu.dma_semaphore, #tpu.memory_space<semaphore_mem>>) {add = true}
    %dma_wait3A_89 = arith.constant 0 : i32
    %dma_wait3A_90 = arith.constant 0 : i32
    %dma_wait3A_91 = tpu.memref_slice %arg12[%dma_wait3A_90] : memref<100352xf32, #tpu.memory_space<vmem_shared>> -> memref<100352xf32, #tpu.memory_space<vmem_shared>>
    %dma_wait3A_92 = tpu.memref_slice %arg17[%dma_wait3A_89] : memref<2x!tpu.dma_semaphore, #tpu.memory_space<semaphore_mem>> -> memref<1x!tpu.dma_semaphore, #tpu.memory_space<semaphore_mem>>
    %dma_wait3A_93 = tpu.memref_squeeze %dma_wait3A_92 : memref<1x!tpu.dma_semaphore, #tpu.memory_space<semaphore_mem>> -> memref<!tpu.dma_semaphore, #tpu.memory_space<semaphore_mem>>
    tpu.wait_indirect_dma semaphore(%dma_wait3A_93 : memref<!tpu.dma_semaphore, #tpu.memory_space<semaphore_mem>>) src(%arg10 : memref<10000xf32, #tpu.memory_space<vmem>>) dst(%dma_wait3A_91 : memref<100352xf32, #tpu.memory_space<vmem_shared>>)
    %mul3A_94 = arith.constant 100000 : i32
    %mul3A_95 = arith.muli %add3A, %mul3A_94 : i32
    %add3A_96 = arith.constant 20000 : i32
    %add3A_97 = arith.addi %mul3A_95, %add3A_96 : i32
    %dma_start3A_98 = arith.constant 0 : i32
    %dma_start3A_99 = tpu.memref_slice %arg2[%add3A_97] : memref<6400000xi32, #tpu.memory_space<hbm>> -> memref<10000xi32, #tpu.memory_space<hbm>>
    %dma_start3A_100 = tpu.memref_slice %arg14[%dma_start3A_98] : memref<2x!tpu.dma_semaphore, #tpu.memory_space<semaphore_mem>> -> memref<1x!tpu.dma_semaphore, #tpu.memory_space<semaphore_mem>>
    %dma_start3A_101 = tpu.memref_squeeze %dma_start3A_100 : memref<1x!tpu.dma_semaphore, #tpu.memory_space<semaphore_mem>> -> memref<!tpu.dma_semaphore, #tpu.memory_space<semaphore_mem>>
    %dma_start3A_102 = tpu.memref_slice %arg2[%add3A_97] : memref<6400000xi32, #tpu.memory_space<hbm>> -> memref<10000xi32, #tpu.memory_space<hbm>>
    tpu.enqueue_dma source(%dma_start3A_102 : memref<10000xi32, #tpu.memory_space<hbm>>) target(%arg6 : memref<10000xi32, #tpu.memory_space<vmem>>) target_semaphore(%dma_start3A_101 : memref<!tpu.dma_semaphore, #tpu.memory_space<semaphore_mem>>)
    %add3A_103 = arith.constant 3200000 : i32
    %add3A_104 = arith.addi %add3A_103, %add3A_97 : i32
    %dma_start3A_105 = arith.constant 0 : i32
    %dma_start3A_106 = tpu.memref_slice %arg2[%add3A_104] : memref<6400000xi32, #tpu.memory_space<hbm>> -> memref<10000xi32, #tpu.memory_space<hbm>>
    %dma_start3A_107 = tpu.memref_slice %arg15[%dma_start3A_105] : memref<2x!tpu.dma_semaphore, #tpu.memory_space<semaphore_mem>> -> memref<1x!tpu.dma_semaphore, #tpu.memory_space<semaphore_mem>>
    %dma_start3A_108 = tpu.memref_squeeze %dma_start3A_107 : memref<1x!tpu.dma_semaphore, #tpu.memory_space<semaphore_mem>> -> memref<!tpu.dma_semaphore, #tpu.memory_space<semaphore_mem>>
    %dma_start3A_109 = tpu.memref_slice %arg2[%add3A_104] : memref<6400000xi32, #tpu.memory_space<hbm>> -> memref<10000xi32, #tpu.memory_space<hbm>>
    tpu.enqueue_dma source(%dma_start3A_109 : memref<10000xi32, #tpu.memory_space<hbm>>) target(%arg8 : memref<10000xi32, #tpu.memory_space<vmem>>) target_semaphore(%dma_start3A_108 : memref<!tpu.dma_semaphore, #tpu.memory_space<semaphore_mem>>)
    %dma_wait3A_110 = arith.constant 0 : i32
    %dma_wait3A_111 = tpu.memref_slice %arg2[%add3A_97] : memref<6400000xi32, #tpu.memory_space<hbm>> -> memref<10000xi32, #tpu.memory_space<hbm>>
    %dma_wait3A_112 = tpu.memref_slice %arg14[%dma_wait3A_110] : memref<2x!tpu.dma_semaphore, #tpu.memory_space<semaphore_mem>> -> memref<1x!tpu.dma_semaphore, #tpu.memory_space<semaphore_mem>>
    %dma_wait3A_113 = tpu.memref_squeeze %dma_wait3A_112 : memref<1x!tpu.dma_semaphore, #tpu.memory_space<semaphore_mem>> -> memref<!tpu.dma_semaphore, #tpu.memory_space<semaphore_mem>>
    %dma_wait3A_114 = tpu.memref_slice %arg2[%add3A_97] : memref<6400000xi32, #tpu.memory_space<hbm>> -> memref<10000xi32, #tpu.memory_space<hbm>>
    tpu.wait_dma2 semaphore(%dma_wait3A_113 : memref<!tpu.dma_semaphore, #tpu.memory_space<semaphore_mem>>) src(%dma_wait3A_114 : memref<10000xi32, #tpu.memory_space<hbm>>) dst(%arg6 : memref<10000xi32, #tpu.memory_space<vmem>>)
    %dma_wait3A_115 = arith.constant 0 : i32
    %dma_wait3A_116 = tpu.memref_slice %arg2[%add3A_104] : memref<6400000xi32, #tpu.memory_space<hbm>> -> memref<10000xi32, #tpu.memory_space<hbm>>
    %dma_wait3A_117 = tpu.memref_slice %arg15[%dma_wait3A_115] : memref<2x!tpu.dma_semaphore, #tpu.memory_space<semaphore_mem>> -> memref<1x!tpu.dma_semaphore, #tpu.memory_space<semaphore_mem>>
    %dma_wait3A_118 = tpu.memref_squeeze %dma_wait3A_117 : memref<1x!tpu.dma_semaphore, #tpu.memory_space<semaphore_mem>> -> memref<!tpu.dma_semaphore, #tpu.memory_space<semaphore_mem>>
    %dma_wait3A_119 = tpu.memref_slice %arg2[%add3A_104] : memref<6400000xi32, #tpu.memory_space<hbm>> -> memref<10000xi32, #tpu.memory_space<hbm>>
    tpu.wait_dma2 semaphore(%dma_wait3A_118 : memref<!tpu.dma_semaphore, #tpu.memory_space<semaphore_mem>>) src(%dma_wait3A_119 : memref<10000xi32, #tpu.memory_space<hbm>>) dst(%arg8 : memref<10000xi32, #tpu.memory_space<vmem>>)
    %dma_start3A_120 = arith.constant 0 : i32
    %dma_start3A_121 = arith.constant 0 : i32
    %dma_start3A_122 = tpu.memref_slice %arg13[%dma_start3A_121] : memref<100352xf32, #tpu.memory_space<vmem_shared>> -> memref<100352xf32, #tpu.memory_space<vmem_shared>>
    %dma_start3A_123 = tpu.memref_slice %arg16[%dma_start3A_120] : memref<2x!tpu.dma_semaphore, #tpu.memory_space<semaphore_mem>> -> memref<1x!tpu.dma_semaphore, #tpu.memory_space<semaphore_mem>>
    %dma_start3A_124 = tpu.memref_squeeze %dma_start3A_123 : memref<1x!tpu.dma_semaphore, #tpu.memory_space<semaphore_mem>> -> memref<!tpu.dma_semaphore, #tpu.memory_space<semaphore_mem>>
    tpu.enqueue_indirect_dma source(%dma_start3A_122 : memref<100352xf32, #tpu.memory_space<vmem_shared>>) target(%arg10 : memref<10000xf32, #tpu.memory_space<vmem>>) offsets(%arg6 : memref<10000xi32, #tpu.memory_space<vmem>>) semaphore(%dma_start3A_124 : memref<!tpu.dma_semaphore, #tpu.memory_space<semaphore_mem>>)
    %dma_wait3A_125 = arith.constant 0 : i32
    %dma_wait3A_126 = arith.constant 0 : i32
    %dma_wait3A_127 = tpu.memref_slice %arg13[%dma_wait3A_126] : memref<100352xf32, #tpu.memory_space<vmem_shared>> -> memref<100352xf32, #tpu.memory_space<vmem_shared>>
    %dma_wait3A_128 = tpu.memref_slice %arg16[%dma_wait3A_125] : memref<2x!tpu.dma_semaphore, #tpu.memory_space<semaphore_mem>> -> memref<1x!tpu.dma_semaphore, #tpu.memory_space<semaphore_mem>>
    %dma_wait3A_129 = tpu.memref_squeeze %dma_wait3A_128 : memref<1x!tpu.dma_semaphore, #tpu.memory_space<semaphore_mem>> -> memref<!tpu.dma_semaphore, #tpu.memory_space<semaphore_mem>>
    tpu.wait_indirect_dma semaphore(%dma_wait3A_129 : memref<!tpu.dma_semaphore, #tpu.memory_space<semaphore_mem>>) src(%dma_wait3A_127 : memref<100352xf32, #tpu.memory_space<vmem_shared>>) dst(%arg10 : memref<10000xf32, #tpu.memory_space<vmem>>)
    %dma_start3A_130 = arith.constant 0 : i32
    %dma_start3A_131 = arith.constant 0 : i32
    %dma_start3A_132 = tpu.memref_slice %arg12[%dma_start3A_131] : memref<100352xf32, #tpu.memory_space<vmem_shared>> -> memref<100352xf32, #tpu.memory_space<vmem_shared>>
    %dma_start3A_133 = tpu.memref_slice %arg17[%dma_start3A_130] : memref<2x!tpu.dma_semaphore, #tpu.memory_space<semaphore_mem>> -> memref<1x!tpu.dma_semaphore, #tpu.memory_space<semaphore_mem>>
    %dma_start3A_134 = tpu.memref_squeeze %dma_start3A_133 : memref<1x!tpu.dma_semaphore, #tpu.memory_space<semaphore_mem>> -> memref<!tpu.dma_semaphore, #tpu.memory_space<semaphore_mem>>
    tpu.enqueue_indirect_dma source(%arg10 : memref<10000xf32, #tpu.memory_space<vmem>>) target(%dma_start3A_132 : memref<100352xf32, #tpu.memory_space<vmem_shared>>) offsets(%arg8 : memref<10000xi32, #tpu.memory_space<vmem>>) semaphore(%dma_start3A_134 : memref<!tpu.dma_semaphore, #tpu.memory_space<semaphore_mem>>) {add = true}
    %dma_wait3A_135 = arith.constant 1 : i32
    %dma_wait3A_136 = arith.constant 0 : i32
    %dma_wait3A_137 = tpu.memref_slice %arg12[%dma_wait3A_136] : memref<100352xf32, #tpu.memory_space<vmem_shared>> -> memref<100352xf32, #tpu.memory_space<vmem_shared>>
    %dma_wait3A_138 = tpu.memref_slice %arg17[%dma_wait3A_135] : memref<2x!tpu.dma_semaphore, #tpu.memory_space<semaphore_mem>> -> memref<1x!tpu.dma_semaphore, #tpu.memory_space<semaphore_mem>>
    %dma_wait3A_139 = tpu.memref_squeeze %dma_wait3A_138 : memref<1x!tpu.dma_semaphore, #tpu.memory_space<semaphore_mem>> -> memref<!tpu.dma_semaphore, #tpu.memory_space<semaphore_mem>>
    tpu.wait_indirect_dma semaphore(%dma_wait3A_139 : memref<!tpu.dma_semaphore, #tpu.memory_space<semaphore_mem>>) src(%arg11 : memref<10000xf32, #tpu.memory_space<vmem>>) dst(%dma_wait3A_137 : memref<100352xf32, #tpu.memory_space<vmem_shared>>)
    %mul3A_140 = arith.constant 100000 : i32
    %mul3A_141 = arith.muli %add3A, %mul3A_140 : i32
    %add3A_142 = arith.constant 30000 : i32
    %add3A_143 = arith.addi %mul3A_141, %add3A_142 : i32
    %dma_start3A_144 = arith.constant 1 : i32
    %dma_start3A_145 = tpu.memref_slice %arg2[%add3A_143] : memref<6400000xi32, #tpu.memory_space<hbm>> -> memref<10000xi32, #tpu.memory_space<hbm>>
    %dma_start3A_146 = tpu.memref_slice %arg14[%dma_start3A_144] : memref<2x!tpu.dma_semaphore, #tpu.memory_space<semaphore_mem>> -> memref<1x!tpu.dma_semaphore, #tpu.memory_space<semaphore_mem>>
    %dma_start3A_147 = tpu.memref_squeeze %dma_start3A_146 : memref<1x!tpu.dma_semaphore, #tpu.memory_space<semaphore_mem>> -> memref<!tpu.dma_semaphore, #tpu.memory_space<semaphore_mem>>
    %dma_start3A_148 = tpu.memref_slice %arg2[%add3A_143] : memref<6400000xi32, #tpu.memory_space<hbm>> -> memref<10000xi32, #tpu.memory_space<hbm>>
    tpu.enqueue_dma source(%dma_start3A_148 : memref<10000xi32, #tpu.memory_space<hbm>>) target(%arg7 : memref<10000xi32, #tpu.memory_space<vmem>>) target_semaphore(%dma_start3A_147 : memref<!tpu.dma_semaphore, #tpu.memory_space<semaphore_mem>>)
    %add3A_149 = arith.constant 3200000 : i32
    %add3A_150 = arith.addi %add3A_149, %add3A_143 : i32
    %dma_start3A_151 = arith.constant 1 : i32
    %dma_start3A_152 = tpu.memref_slice %arg2[%add3A_150] : memref<6400000xi32, #tpu.memory_space<hbm>> -> memref<10000xi32, #tpu.memory_space<hbm>>
    %dma_start3A_153 = tpu.memref_slice %arg15[%dma_start3A_151] : memref<2x!tpu.dma_semaphore, #tpu.memory_space<semaphore_mem>> -> memref<1x!tpu.dma_semaphore, #tpu.memory_space<semaphore_mem>>
    %dma_start3A_154 = tpu.memref_squeeze %dma_start3A_153 : memref<1x!tpu.dma_semaphore, #tpu.memory_space<semaphore_mem>> -> memref<!tpu.dma_semaphore, #tpu.memory_space<semaphore_mem>>
    %dma_start3A_155 = tpu.memref_slice %arg2[%add3A_150] : memref<6400000xi32, #tpu.memory_space<hbm>> -> memref<10000xi32, #tpu.memory_space<hbm>>
    tpu.enqueue_dma source(%dma_start3A_155 : memref<10000xi32, #tpu.memory_space<hbm>>) target(%arg9 : memref<10000xi32, #tpu.memory_space<vmem>>) target_semaphore(%dma_start3A_154 : memref<!tpu.dma_semaphore, #tpu.memory_space<semaphore_mem>>)
    %dma_wait3A_156 = arith.constant 1 : i32
    %dma_wait3A_157 = tpu.memref_slice %arg2[%add3A_143] : memref<6400000xi32, #tpu.memory_space<hbm>> -> memref<10000xi32, #tpu.memory_space<hbm>>
    %dma_wait3A_158 = tpu.memref_slice %arg14[%dma_wait3A_156] : memref<2x!tpu.dma_semaphore, #tpu.memory_space<semaphore_mem>> -> memref<1x!tpu.dma_semaphore, #tpu.memory_space<semaphore_mem>>
    %dma_wait3A_159 = tpu.memref_squeeze %dma_wait3A_158 : memref<1x!tpu.dma_semaphore, #tpu.memory_space<semaphore_mem>> -> memref<!tpu.dma_semaphore, #tpu.memory_space<semaphore_mem>>
    %dma_wait3A_160 = tpu.memref_slice %arg2[%add3A_143] : memref<6400000xi32, #tpu.memory_space<hbm>> -> memref<10000xi32, #tpu.memory_space<hbm>>
    tpu.wait_dma2 semaphore(%dma_wait3A_159 : memref<!tpu.dma_semaphore, #tpu.memory_space<semaphore_mem>>) src(%dma_wait3A_160 : memref<10000xi32, #tpu.memory_space<hbm>>) dst(%arg7 : memref<10000xi32, #tpu.memory_space<vmem>>)
    %dma_wait3A_161 = arith.constant 1 : i32
    %dma_wait3A_162 = tpu.memref_slice %arg2[%add3A_150] : memref<6400000xi32, #tpu.memory_space<hbm>> -> memref<10000xi32, #tpu.memory_space<hbm>>
    %dma_wait3A_163 = tpu.memref_slice %arg15[%dma_wait3A_161] : memref<2x!tpu.dma_semaphore, #tpu.memory_space<semaphore_mem>> -> memref<1x!tpu.dma_semaphore, #tpu.memory_space<semaphore_mem>>
    %dma_wait3A_164 = tpu.memref_squeeze %dma_wait3A_163 : memref<1x!tpu.dma_semaphore, #tpu.memory_space<semaphore_mem>> -> memref<!tpu.dma_semaphore, #tpu.memory_space<semaphore_mem>>
    %dma_wait3A_165 = tpu.memref_slice %arg2[%add3A_150] : memref<6400000xi32, #tpu.memory_space<hbm>> -> memref<10000xi32, #tpu.memory_space<hbm>>
    tpu.wait_dma2 semaphore(%dma_wait3A_164 : memref<!tpu.dma_semaphore, #tpu.memory_space<semaphore_mem>>) src(%dma_wait3A_165 : memref<10000xi32, #tpu.memory_space<hbm>>) dst(%arg9 : memref<10000xi32, #tpu.memory_space<vmem>>)
    %dma_start3A_166 = arith.constant 1 : i32
    %dma_start3A_167 = arith.constant 0 : i32
    %dma_start3A_168 = tpu.memref_slice %arg13[%dma_start3A_167] : memref<100352xf32, #tpu.memory_space<vmem_shared>> -> memref<100352xf32, #tpu.memory_space<vmem_shared>>
    %dma_start3A_169 = tpu.memref_slice %arg16[%dma_start3A_166] : memref<2x!tpu.dma_semaphore, #tpu.memory_space<semaphore_mem>> -> memref<1x!tpu.dma_semaphore, #tpu.memory_space<semaphore_mem>>
    %dma_start3A_170 = tpu.memref_squeeze %dma_start3A_169 : memref<1x!tpu.dma_semaphore, #tpu.memory_space<semaphore_mem>> -> memref<!tpu.dma_semaphore, #tpu.memory_space<semaphore_mem>>
    tpu.enqueue_indirect_dma source(%dma_start3A_168 : memref<100352xf32, #tpu.memory_space<vmem_shared>>) target(%arg11 : memref<10000xf32, #tpu.memory_space<vmem>>) offsets(%arg7 : memref<10000xi32, #tpu.memory_space<vmem>>) semaphore(%dma_start3A_170 : memref<!tpu.dma_semaphore, #tpu.memory_space<semaphore_mem>>)
    %dma_wait3A_171 = arith.constant 1 : i32
    %dma_wait3A_172 = arith.constant 0 : i32
    %dma_wait3A_173 = tpu.memref_slice %arg13[%dma_wait3A_172] : memref<100352xf32, #tpu.memory_space<vmem_shared>> -> memref<100352xf32, #tpu.memory_space<vmem_shared>>
    %dma_wait3A_174 = tpu.memref_slice %arg16[%dma_wait3A_171] : memref<2x!tpu.dma_semaphore, #tpu.memory_space<semaphore_mem>> -> memref<1x!tpu.dma_semaphore, #tpu.memory_space<semaphore_mem>>
    %dma_wait3A_175 = tpu.memref_squeeze %dma_wait3A_174 : memref<1x!tpu.dma_semaphore, #tpu.memory_space<semaphore_mem>> -> memref<!tpu.dma_semaphore, #tpu.memory_space<semaphore_mem>>
    tpu.wait_indirect_dma semaphore(%dma_wait3A_175 : memref<!tpu.dma_semaphore, #tpu.memory_space<semaphore_mem>>) src(%dma_wait3A_173 : memref<100352xf32, #tpu.memory_space<vmem_shared>>) dst(%arg11 : memref<10000xf32, #tpu.memory_space<vmem>>)
    %dma_start3A_176 = arith.constant 1 : i32
    %dma_start3A_177 = arith.constant 0 : i32
    %dma_start3A_178 = tpu.memref_slice %arg12[%dma_start3A_177] : memref<100352xf32, #tpu.memory_space<vmem_shared>> -> memref<100352xf32, #tpu.memory_space<vmem_shared>>
    %dma_start3A_179 = tpu.memref_slice %arg17[%dma_start3A_176] : memref<2x!tpu.dma_semaphore, #tpu.memory_space<semaphore_mem>> -> memref<1x!tpu.dma_semaphore, #tpu.memory_space<semaphore_mem>>
    %dma_start3A_180 = tpu.memref_squeeze %dma_start3A_179 : memref<1x!tpu.dma_semaphore, #tpu.memory_space<semaphore_mem>> -> memref<!tpu.dma_semaphore, #tpu.memory_space<semaphore_mem>>
    tpu.enqueue_indirect_dma source(%arg11 : memref<10000xf32, #tpu.memory_space<vmem>>) target(%dma_start3A_178 : memref<100352xf32, #tpu.memory_space<vmem_shared>>) offsets(%arg9 : memref<10000xi32, #tpu.memory_space<vmem>>) semaphore(%dma_start3A_180 : memref<!tpu.dma_semaphore, #tpu.memory_space<semaphore_mem>>) {add = true}
    %dma_wait3A_181 = arith.constant 0 : i32
    %dma_wait3A_182 = arith.constant 0 : i32
    %dma_wait3A_183 = tpu.memref_slice %arg12[%dma_wait3A_182] : memref<100352xf32, #tpu.memory_space<vmem_shared>> -> memref<100352xf32, #tpu.memory_space<vmem_shared>>
    %dma_wait3A_184 = tpu.memref_slice %arg17[%dma_wait3A_181] : memref<2x!tpu.dma_semaphore, #tpu.memory_space<semaphore_mem>> -> memref<1x!tpu.dma_semaphore, #tpu.memory_space<semaphore_mem>>
    %dma_wait3A_185 = tpu.memref_squeeze %dma_wait3A_184 : memref<1x!tpu.dma_semaphore, #tpu.memory_space<semaphore_mem>> -> memref<!tpu.dma_semaphore, #tpu.memory_space<semaphore_mem>>
    tpu.wait_indirect_dma semaphore(%dma_wait3A_185 : memref<!tpu.dma_semaphore, #tpu.memory_space<semaphore_mem>>) src(%arg10 : memref<10000xf32, #tpu.memory_space<vmem>>) dst(%dma_wait3A_183 : memref<100352xf32, #tpu.memory_space<vmem_shared>>)
    %mul3A_186 = arith.constant 100000 : i32
    %mul3A_187 = arith.muli %add3A, %mul3A_186 : i32
    %add3A_188 = arith.constant 40000 : i32
    %add3A_189 = arith.addi %mul3A_187, %add3A_188 : i32
    %dma_start3A_190 = arith.constant 0 : i32
    %dma_start3A_191 = tpu.memref_slice %arg2[%add3A_189] : memref<6400000xi32, #tpu.memory_space<hbm>> -> memref<10000xi32, #tpu.memory_space<hbm>>
    %dma_start3A_192 = tpu.memref_slice %arg14[%dma_start3A_190] : memref<2x!tpu.dma_semaphore, #tpu.memory_space<semaphore_mem>> -> memref<1x!tpu.dma_semaphore, #tpu.memory_space<semaphore_mem>>
    %dma_start3A_193 = tpu.memref_squeeze %dma_start3A_192 : memref<1x!tpu.dma_semaphore, #tpu.memory_space<semaphore_mem>> -> memref<!tpu.dma_semaphore, #tpu.memory_space<semaphore_mem>>
    %dma_start3A_194 = tpu.memref_slice %arg2[%add3A_189] : memref<6400000xi32, #tpu.memory_space<hbm>> -> memref<10000xi32, #tpu.memory_space<hbm>>
    tpu.enqueue_dma source(%dma_start3A_194 : memref<10000xi32, #tpu.memory_space<hbm>>) target(%arg6 : memref<10000xi32, #tpu.memory_space<vmem>>) target_semaphore(%dma_start3A_193 : memref<!tpu.dma_semaphore, #tpu.memory_space<semaphore_mem>>)
    %add3A_195 = arith.constant 3200000 : i32
    %add3A_196 = arith.addi %add3A_195, %add3A_189 : i32
    %dma_start3A_197 = arith.constant 0 : i32
    %dma_start3A_198 = tpu.memref_slice %arg2[%add3A_196] : memref<6400000xi32, #tpu.memory_space<hbm>> -> memref<10000xi32, #tpu.memory_space<hbm>>
    %dma_start3A_199 = tpu.memref_slice %arg15[%dma_start3A_197] : memref<2x!tpu.dma_semaphore, #tpu.memory_space<semaphore_mem>> -> memref<1x!tpu.dma_semaphore, #tpu.memory_space<semaphore_mem>>
    %dma_start3A_200 = tpu.memref_squeeze %dma_start3A_199 : memref<1x!tpu.dma_semaphore, #tpu.memory_space<semaphore_mem>> -> memref<!tpu.dma_semaphore, #tpu.memory_space<semaphore_mem>>
    %dma_start3A_201 = tpu.memref_slice %arg2[%add3A_196] : memref<6400000xi32, #tpu.memory_space<hbm>> -> memref<10000xi32, #tpu.memory_space<hbm>>
    tpu.enqueue_dma source(%dma_start3A_201 : memref<10000xi32, #tpu.memory_space<hbm>>) target(%arg8 : memref<10000xi32, #tpu.memory_space<vmem>>) target_semaphore(%dma_start3A_200 : memref<!tpu.dma_semaphore, #tpu.memory_space<semaphore_mem>>)
    %dma_wait3A_202 = arith.constant 0 : i32
    %dma_wait3A_203 = tpu.memref_slice %arg2[%add3A_189] : memref<6400000xi32, #tpu.memory_space<hbm>> -> memref<10000xi32, #tpu.memory_space<hbm>>
    %dma_wait3A_204 = tpu.memref_slice %arg14[%dma_wait3A_202] : memref<2x!tpu.dma_semaphore, #tpu.memory_space<semaphore_mem>> -> memref<1x!tpu.dma_semaphore, #tpu.memory_space<semaphore_mem>>
    %dma_wait3A_205 = tpu.memref_squeeze %dma_wait3A_204 : memref<1x!tpu.dma_semaphore, #tpu.memory_space<semaphore_mem>> -> memref<!tpu.dma_semaphore, #tpu.memory_space<semaphore_mem>>
    %dma_wait3A_206 = tpu.memref_slice %arg2[%add3A_189] : memref<6400000xi32, #tpu.memory_space<hbm>> -> memref<10000xi32, #tpu.memory_space<hbm>>
    tpu.wait_dma2 semaphore(%dma_wait3A_205 : memref<!tpu.dma_semaphore, #tpu.memory_space<semaphore_mem>>) src(%dma_wait3A_206 : memref<10000xi32, #tpu.memory_space<hbm>>) dst(%arg6 : memref<10000xi32, #tpu.memory_space<vmem>>)
    %dma_wait3A_207 = arith.constant 0 : i32
    %dma_wait3A_208 = tpu.memref_slice %arg2[%add3A_196] : memref<6400000xi32, #tpu.memory_space<hbm>> -> memref<10000xi32, #tpu.memory_space<hbm>>
    %dma_wait3A_209 = tpu.memref_slice %arg15[%dma_wait3A_207] : memref<2x!tpu.dma_semaphore, #tpu.memory_space<semaphore_mem>> -> memref<1x!tpu.dma_semaphore, #tpu.memory_space<semaphore_mem>>
    %dma_wait3A_210 = tpu.memref_squeeze %dma_wait3A_209 : memref<1x!tpu.dma_semaphore, #tpu.memory_space<semaphore_mem>> -> memref<!tpu.dma_semaphore, #tpu.memory_space<semaphore_mem>>
    %dma_wait3A_211 = tpu.memref_slice %arg2[%add3A_196] : memref<6400000xi32, #tpu.memory_space<hbm>> -> memref<10000xi32, #tpu.memory_space<hbm>>
    tpu.wait_dma2 semaphore(%dma_wait3A_210 : memref<!tpu.dma_semaphore, #tpu.memory_space<semaphore_mem>>) src(%dma_wait3A_211 : memref<10000xi32, #tpu.memory_space<hbm>>) dst(%arg8 : memref<10000xi32, #tpu.memory_space<vmem>>)
    %dma_start3A_212 = arith.constant 0 : i32
    %dma_start3A_213 = arith.constant 0 : i32
    %dma_start3A_214 = tpu.memref_slice %arg13[%dma_start3A_213] : memref<100352xf32, #tpu.memory_space<vmem_shared>> -> memref<100352xf32, #tpu.memory_space<vmem_shared>>
    %dma_start3A_215 = tpu.memref_slice %arg16[%dma_start3A_212] : memref<2x!tpu.dma_semaphore, #tpu.memory_space<semaphore_mem>> -> memref<1x!tpu.dma_semaphore, #tpu.memory_space<semaphore_mem>>
    %dma_start3A_216 = tpu.memref_squeeze %dma_start3A_215 : memref<1x!tpu.dma_semaphore, #tpu.memory_space<semaphore_mem>> -> memref<!tpu.dma_semaphore, #tpu.memory_space<semaphore_mem>>
    tpu.enqueue_indirect_dma source(%dma_start3A_214 : memref<100352xf32, #tpu.memory_space<vmem_shared>>) target(%arg10 : memref<10000xf32, #tpu.memory_space<vmem>>) offsets(%arg6 : memref<10000xi32, #tpu.memory_space<vmem>>) semaphore(%dma_start3A_216 : memref<!tpu.dma_semaphore, #tpu.memory_space<semaphore_mem>>)
    %dma_wait3A_217 = arith.constant 0 : i32
    %dma_wait3A_218 = arith.constant 0 : i32
    %dma_wait3A_219 = tpu.memref_slice %arg13[%dma_wait3A_218] : memref<100352xf32, #tpu.memory_space<vmem_shared>> -> memref<100352xf32, #tpu.memory_space<vmem_shared>>
    %dma_wait3A_220 = tpu.memref_slice %arg16[%dma_wait3A_217] : memref<2x!tpu.dma_semaphore, #tpu.memory_space<semaphore_mem>> -> memref<1x!tpu.dma_semaphore, #tpu.memory_space<semaphore_mem>>
    %dma_wait3A_221 = tpu.memref_squeeze %dma_wait3A_220 : memref<1x!tpu.dma_semaphore, #tpu.memory_space<semaphore_mem>> -> memref<!tpu.dma_semaphore, #tpu.memory_space<semaphore_mem>>
    tpu.wait_indirect_dma semaphore(%dma_wait3A_221 : memref<!tpu.dma_semaphore, #tpu.memory_space<semaphore_mem>>) src(%dma_wait3A_219 : memref<100352xf32, #tpu.memory_space<vmem_shared>>) dst(%arg10 : memref<10000xf32, #tpu.memory_space<vmem>>)
    %dma_start3A_222 = arith.constant 0 : i32
    %dma_start3A_223 = arith.constant 0 : i32
    %dma_start3A_224 = tpu.memref_slice %arg12[%dma_start3A_223] : memref<100352xf32, #tpu.memory_space<vmem_shared>> -> memref<100352xf32, #tpu.memory_space<vmem_shared>>
    %dma_start3A_225 = tpu.memref_slice %arg17[%dma_start3A_222] : memref<2x!tpu.dma_semaphore, #tpu.memory_space<semaphore_mem>> -> memref<1x!tpu.dma_semaphore, #tpu.memory_space<semaphore_mem>>
    %dma_start3A_226 = tpu.memref_squeeze %dma_start3A_225 : memref<1x!tpu.dma_semaphore, #tpu.memory_space<semaphore_mem>> -> memref<!tpu.dma_semaphore, #tpu.memory_space<semaphore_mem>>
    tpu.enqueue_indirect_dma source(%arg10 : memref<10000xf32, #tpu.memory_space<vmem>>) target(%dma_start3A_224 : memref<100352xf32, #tpu.memory_space<vmem_shared>>) offsets(%arg8 : memref<10000xi32, #tpu.memory_space<vmem>>) semaphore(%dma_start3A_226 : memref<!tpu.dma_semaphore, #tpu.memory_space<semaphore_mem>>) {add = true}
    %dma_wait3A_227 = arith.constant 1 : i32
    %dma_wait3A_228 = arith.constant 0 : i32
    %dma_wait3A_229 = tpu.memref_slice %arg12[%dma_wait3A_228] : memref<100352xf32, #tpu.memory_space<vmem_shared>> -> memref<100352xf32, #tpu.memory_space<vmem_shared>>
    %dma_wait3A_230 = tpu.memref_slice %arg17[%dma_wait3A_227] : memref<2x!tpu.dma_semaphore, #tpu.memory_space<semaphore_mem>> -> memref<1x!tpu.dma_semaphore, #tpu.memory_space<semaphore_mem>>
    %dma_wait3A_231 = tpu.memref_squeeze %dma_wait3A_230 : memref<1x!tpu.dma_semaphore, #tpu.memory_space<semaphore_mem>> -> memref<!tpu.dma_semaphore, #tpu.memory_space<semaphore_mem>>
    tpu.wait_indirect_dma semaphore(%dma_wait3A_231 : memref<!tpu.dma_semaphore, #tpu.memory_space<semaphore_mem>>) src(%arg11 : memref<10000xf32, #tpu.memory_space<vmem>>) dst(%dma_wait3A_229 : memref<100352xf32, #tpu.memory_space<vmem_shared>>)
    %mul3A_232 = arith.constant 100000 : i32
    %mul3A_233 = arith.muli %add3A, %mul3A_232 : i32
    %add3A_234 = arith.constant 50000 : i32
    %add3A_235 = arith.addi %mul3A_233, %add3A_234 : i32
    %dma_start3A_236 = arith.constant 1 : i32
    %dma_start3A_237 = tpu.memref_slice %arg2[%add3A_235] : memref<6400000xi32, #tpu.memory_space<hbm>> -> memref<10000xi32, #tpu.memory_space<hbm>>
    %dma_start3A_238 = tpu.memref_slice %arg14[%dma_start3A_236] : memref<2x!tpu.dma_semaphore, #tpu.memory_space<semaphore_mem>> -> memref<1x!tpu.dma_semaphore, #tpu.memory_space<semaphore_mem>>
    %dma_start3A_239 = tpu.memref_squeeze %dma_start3A_238 : memref<1x!tpu.dma_semaphore, #tpu.memory_space<semaphore_mem>> -> memref<!tpu.dma_semaphore, #tpu.memory_space<semaphore_mem>>
    %dma_start3A_240 = tpu.memref_slice %arg2[%add3A_235] : memref<6400000xi32, #tpu.memory_space<hbm>> -> memref<10000xi32, #tpu.memory_space<hbm>>
    tpu.enqueue_dma source(%dma_start3A_240 : memref<10000xi32, #tpu.memory_space<hbm>>) target(%arg7 : memref<10000xi32, #tpu.memory_space<vmem>>) target_semaphore(%dma_start3A_239 : memref<!tpu.dma_semaphore, #tpu.memory_space<semaphore_mem>>)
    %add3A_241 = arith.constant 3200000 : i32
    %add3A_242 = arith.addi %add3A_241, %add3A_235 : i32
    %dma_start3A_243 = arith.constant 1 : i32
    %dma_start3A_244 = tpu.memref_slice %arg2[%add3A_242] : memref<6400000xi32, #tpu.memory_space<hbm>> -> memref<10000xi32, #tpu.memory_space<hbm>>
    %dma_start3A_245 = tpu.memref_slice %arg15[%dma_start3A_243] : memref<2x!tpu.dma_semaphore, #tpu.memory_space<semaphore_mem>> -> memref<1x!tpu.dma_semaphore, #tpu.memory_space<semaphore_mem>>
    %dma_start3A_246 = tpu.memref_squeeze %dma_start3A_245 : memref<1x!tpu.dma_semaphore, #tpu.memory_space<semaphore_mem>> -> memref<!tpu.dma_semaphore, #tpu.memory_space<semaphore_mem>>
    %dma_start3A_247 = tpu.memref_slice %arg2[%add3A_242] : memref<6400000xi32, #tpu.memory_space<hbm>> -> memref<10000xi32, #tpu.memory_space<hbm>>
    tpu.enqueue_dma source(%dma_start3A_247 : memref<10000xi32, #tpu.memory_space<hbm>>) target(%arg9 : memref<10000xi32, #tpu.memory_space<vmem>>) target_semaphore(%dma_start3A_246 : memref<!tpu.dma_semaphore, #tpu.memory_space<semaphore_mem>>)
    %dma_wait3A_248 = arith.constant 1 : i32
    %dma_wait3A_249 = tpu.memref_slice %arg2[%add3A_235] : memref<6400000xi32, #tpu.memory_space<hbm>> -> memref<10000xi32, #tpu.memory_space<hbm>>
    %dma_wait3A_250 = tpu.memref_slice %arg14[%dma_wait3A_248] : memref<2x!tpu.dma_semaphore, #tpu.memory_space<semaphore_mem>> -> memref<1x!tpu.dma_semaphore, #tpu.memory_space<semaphore_mem>>
    %dma_wait3A_251 = tpu.memref_squeeze %dma_wait3A_250 : memref<1x!tpu.dma_semaphore, #tpu.memory_space<semaphore_mem>> -> memref<!tpu.dma_semaphore, #tpu.memory_space<semaphore_mem>>
    %dma_wait3A_252 = tpu.memref_slice %arg2[%add3A_235] : memref<6400000xi32, #tpu.memory_space<hbm>> -> memref<10000xi32, #tpu.memory_space<hbm>>
    tpu.wait_dma2 semaphore(%dma_wait3A_251 : memref<!tpu.dma_semaphore, #tpu.memory_space<semaphore_mem>>) src(%dma_wait3A_252 : memref<10000xi32, #tpu.memory_space<hbm>>) dst(%arg7 : memref<10000xi32, #tpu.memory_space<vmem>>)
    %dma_wait3A_253 = arith.constant 1 : i32
    %dma_wait3A_254 = tpu.memref_slice %arg2[%add3A_242] : memref<6400000xi32, #tpu.memory_space<hbm>> -> memref<10000xi32, #tpu.memory_space<hbm>>
    %dma_wait3A_255 = tpu.memref_slice %arg15[%dma_wait3A_253] : memref<2x!tpu.dma_semaphore, #tpu.memory_space<semaphore_mem>> -> memref<1x!tpu.dma_semaphore, #tpu.memory_space<semaphore_mem>>
    %dma_wait3A_256 = tpu.memref_squeeze %dma_wait3A_255 : memref<1x!tpu.dma_semaphore, #tpu.memory_space<semaphore_mem>> -> memref<!tpu.dma_semaphore, #tpu.memory_space<semaphore_mem>>
    %dma_wait3A_257 = tpu.memref_slice %arg2[%add3A_242] : memref<6400000xi32, #tpu.memory_space<hbm>> -> memref<10000xi32, #tpu.memory_space<hbm>>
    tpu.wait_dma2 semaphore(%dma_wait3A_256 : memref<!tpu.dma_semaphore, #tpu.memory_space<semaphore_mem>>) src(%dma_wait3A_257 : memref<10000xi32, #tpu.memory_space<hbm>>) dst(%arg9 : memref<10000xi32, #tpu.memory_space<vmem>>)
    %dma_start3A_258 = arith.constant 1 : i32
    %dma_start3A_259 = arith.constant 0 : i32
    %dma_start3A_260 = tpu.memref_slice %arg13[%dma_start3A_259] : memref<100352xf32, #tpu.memory_space<vmem_shared>> -> memref<100352xf32, #tpu.memory_space<vmem_shared>>
    %dma_start3A_261 = tpu.memref_slice %arg16[%dma_start3A_258] : memref<2x!tpu.dma_semaphore, #tpu.memory_space<semaphore_mem>> -> memref<1x!tpu.dma_semaphore, #tpu.memory_space<semaphore_mem>>
    %dma_start3A_262 = tpu.memref_squeeze %dma_start3A_261 : memref<1x!tpu.dma_semaphore, #tpu.memory_space<semaphore_mem>> -> memref<!tpu.dma_semaphore, #tpu.memory_space<semaphore_mem>>
    tpu.enqueue_indirect_dma source(%dma_start3A_260 : memref<100352xf32, #tpu.memory_space<vmem_shared>>) target(%arg11 : memref<10000xf32, #tpu.memory_space<vmem>>) offsets(%arg7 : memref<10000xi32, #tpu.memory_space<vmem>>) semaphore(%dma_start3A_262 : memref<!tpu.dma_semaphore, #tpu.memory_space<semaphore_mem>>)
    %dma_wait3A_263 = arith.constant 1 : i32
    %dma_wait3A_264 = arith.constant 0 : i32
    %dma_wait3A_265 = tpu.memref_slice %arg13[%dma_wait3A_264] : memref<100352xf32, #tpu.memory_space<vmem_shared>> -> memref<100352xf32, #tpu.memory_space<vmem_shared>>
    %dma_wait3A_266 = tpu.memref_slice %arg16[%dma_wait3A_263] : memref<2x!tpu.dma_semaphore, #tpu.memory_space<semaphore_mem>> -> memref<1x!tpu.dma_semaphore, #tpu.memory_space<semaphore_mem>>
    %dma_wait3A_267 = tpu.memref_squeeze %dma_wait3A_266 : memref<1x!tpu.dma_semaphore, #tpu.memory_space<semaphore_mem>> -> memref<!tpu.dma_semaphore, #tpu.memory_space<semaphore_mem>>
    tpu.wait_indirect_dma semaphore(%dma_wait3A_267 : memref<!tpu.dma_semaphore, #tpu.memory_space<semaphore_mem>>) src(%dma_wait3A_265 : memref<100352xf32, #tpu.memory_space<vmem_shared>>) dst(%arg11 : memref<10000xf32, #tpu.memory_space<vmem>>)
    %dma_start3A_268 = arith.constant 1 : i32
    %dma_start3A_269 = arith.constant 0 : i32
    %dma_start3A_270 = tpu.memref_slice %arg12[%dma_start3A_269] : memref<100352xf32, #tpu.memory_space<vmem_shared>> -> memref<100352xf32, #tpu.memory_space<vmem_shared>>
    %dma_start3A_271 = tpu.memref_slice %arg17[%dma_start3A_268] : memref<2x!tpu.dma_semaphore, #tpu.memory_space<semaphore_mem>> -> memref<1x!tpu.dma_semaphore, #tpu.memory_space<semaphore_mem>>
    %dma_start3A_272 = tpu.memref_squeeze %dma_start3A_271 : memref<1x!tpu.dma_semaphore, #tpu.memory_space<semaphore_mem>> -> memref<!tpu.dma_semaphore, #tpu.memory_space<semaphore_mem>>
    tpu.enqueue_indirect_dma source(%arg11 : memref<10000xf32, #tpu.memory_space<vmem>>) target(%dma_start3A_270 : memref<100352xf32, #tpu.memory_space<vmem_shared>>) offsets(%arg9 : memref<10000xi32, #tpu.memory_space<vmem>>) semaphore(%dma_start3A_272 : memref<!tpu.dma_semaphore, #tpu.memory_space<semaphore_mem>>) {add = true}
    %dma_wait3A_273 = arith.constant 0 : i32
    %dma_wait3A_274 = arith.constant 0 : i32
    %dma_wait3A_275 = tpu.memref_slice %arg12[%dma_wait3A_274] : memref<100352xf32, #tpu.memory_space<vmem_shared>> -> memref<100352xf32, #tpu.memory_space<vmem_shared>>
    %dma_wait3A_276 = tpu.memref_slice %arg17[%dma_wait3A_273] : memref<2x!tpu.dma_semaphore, #tpu.memory_space<semaphore_mem>> -> memref<1x!tpu.dma_semaphore, #tpu.memory_space<semaphore_mem>>
    %dma_wait3A_277 = tpu.memref_squeeze %dma_wait3A_276 : memref<1x!tpu.dma_semaphore, #tpu.memory_space<semaphore_mem>> -> memref<!tpu.dma_semaphore, #tpu.memory_space<semaphore_mem>>
    tpu.wait_indirect_dma semaphore(%dma_wait3A_277 : memref<!tpu.dma_semaphore, #tpu.memory_space<semaphore_mem>>) src(%arg10 : memref<10000xf32, #tpu.memory_space<vmem>>) dst(%dma_wait3A_275 : memref<100352xf32, #tpu.memory_space<vmem_shared>>)
    %mul3A_278 = arith.constant 100000 : i32
    %mul3A_279 = arith.muli %add3A, %mul3A_278 : i32
    %add3A_280 = arith.constant 60000 : i32
    %add3A_281 = arith.addi %mul3A_279, %add3A_280 : i32
    %dma_start3A_282 = arith.constant 0 : i32
    %dma_start3A_283 = tpu.memref_slice %arg2[%add3A_281] : memref<6400000xi32, #tpu.memory_space<hbm>> -> memref<10000xi32, #tpu.memory_space<hbm>>
    %dma_start3A_284 = tpu.memref_slice %arg14[%dma_start3A_282] : memref<2x!tpu.dma_semaphore, #tpu.memory_space<semaphore_mem>> -> memref<1x!tpu.dma_semaphore, #tpu.memory_space<semaphore_mem>>
    %dma_start3A_285 = tpu.memref_squeeze %dma_start3A_284 : memref<1x!tpu.dma_semaphore, #tpu.memory_space<semaphore_mem>> -> memref<!tpu.dma_semaphore, #tpu.memory_space<semaphore_mem>>
    %dma_start3A_286 = tpu.memref_slice %arg2[%add3A_281] : memref<6400000xi32, #tpu.memory_space<hbm>> -> memref<10000xi32, #tpu.memory_space<hbm>>
    tpu.enqueue_dma source(%dma_start3A_286 : memref<10000xi32, #tpu.memory_space<hbm>>) target(%arg6 : memref<10000xi32, #tpu.memory_space<vmem>>) target_semaphore(%dma_start3A_285 : memref<!tpu.dma_semaphore, #tpu.memory_space<semaphore_mem>>)
    %add3A_287 = arith.constant 3200000 : i32
    %add3A_288 = arith.addi %add3A_287, %add3A_281 : i32
    %dma_start3A_289 = arith.constant 0 : i32
    %dma_start3A_290 = tpu.memref_slice %arg2[%add3A_288] : memref<6400000xi32, #tpu.memory_space<hbm>> -> memref<10000xi32, #tpu.memory_space<hbm>>
    %dma_start3A_291 = tpu.memref_slice %arg15[%dma_start3A_289] : memref<2x!tpu.dma_semaphore, #tpu.memory_space<semaphore_mem>> -> memref<1x!tpu.dma_semaphore, #tpu.memory_space<semaphore_mem>>
    %dma_start3A_292 = tpu.memref_squeeze %dma_start3A_291 : memref<1x!tpu.dma_semaphore, #tpu.memory_space<semaphore_mem>> -> memref<!tpu.dma_semaphore, #tpu.memory_space<semaphore_mem>>
    %dma_start3A_293 = tpu.memref_slice %arg2[%add3A_288] : memref<6400000xi32, #tpu.memory_space<hbm>> -> memref<10000xi32, #tpu.memory_space<hbm>>
    tpu.enqueue_dma source(%dma_start3A_293 : memref<10000xi32, #tpu.memory_space<hbm>>) target(%arg8 : memref<10000xi32, #tpu.memory_space<vmem>>) target_semaphore(%dma_start3A_292 : memref<!tpu.dma_semaphore, #tpu.memory_space<semaphore_mem>>)
    %dma_wait3A_294 = arith.constant 0 : i32
    %dma_wait3A_295 = tpu.memref_slice %arg2[%add3A_281] : memref<6400000xi32, #tpu.memory_space<hbm>> -> memref<10000xi32, #tpu.memory_space<hbm>>
    %dma_wait3A_296 = tpu.memref_slice %arg14[%dma_wait3A_294] : memref<2x!tpu.dma_semaphore, #tpu.memory_space<semaphore_mem>> -> memref<1x!tpu.dma_semaphore, #tpu.memory_space<semaphore_mem>>
    %dma_wait3A_297 = tpu.memref_squeeze %dma_wait3A_296 : memref<1x!tpu.dma_semaphore, #tpu.memory_space<semaphore_mem>> -> memref<!tpu.dma_semaphore, #tpu.memory_space<semaphore_mem>>
    %dma_wait3A_298 = tpu.memref_slice %arg2[%add3A_281] : memref<6400000xi32, #tpu.memory_space<hbm>> -> memref<10000xi32, #tpu.memory_space<hbm>>
    tpu.wait_dma2 semaphore(%dma_wait3A_297 : memref<!tpu.dma_semaphore, #tpu.memory_space<semaphore_mem>>) src(%dma_wait3A_298 : memref<10000xi32, #tpu.memory_space<hbm>>) dst(%arg6 : memref<10000xi32, #tpu.memory_space<vmem>>)
    %dma_wait3A_299 = arith.constant 0 : i32
    %dma_wait3A_300 = tpu.memref_slice %arg2[%add3A_288] : memref<6400000xi32, #tpu.memory_space<hbm>> -> memref<10000xi32, #tpu.memory_space<hbm>>
    %dma_wait3A_301 = tpu.memref_slice %arg15[%dma_wait3A_299] : memref<2x!tpu.dma_semaphore, #tpu.memory_space<semaphore_mem>> -> memref<1x!tpu.dma_semaphore, #tpu.memory_space<semaphore_mem>>
    %dma_wait3A_302 = tpu.memref_squeeze %dma_wait3A_301 : memref<1x!tpu.dma_semaphore, #tpu.memory_space<semaphore_mem>> -> memref<!tpu.dma_semaphore, #tpu.memory_space<semaphore_mem>>
    %dma_wait3A_303 = tpu.memref_slice %arg2[%add3A_288] : memref<6400000xi32, #tpu.memory_space<hbm>> -> memref<10000xi32, #tpu.memory_space<hbm>>
    tpu.wait_dma2 semaphore(%dma_wait3A_302 : memref<!tpu.dma_semaphore, #tpu.memory_space<semaphore_mem>>) src(%dma_wait3A_303 : memref<10000xi32, #tpu.memory_space<hbm>>) dst(%arg8 : memref<10000xi32, #tpu.memory_space<vmem>>)
    %dma_start3A_304 = arith.constant 0 : i32
    %dma_start3A_305 = arith.constant 0 : i32
    %dma_start3A_306 = tpu.memref_slice %arg13[%dma_start3A_305] : memref<100352xf32, #tpu.memory_space<vmem_shared>> -> memref<100352xf32, #tpu.memory_space<vmem_shared>>
    %dma_start3A_307 = tpu.memref_slice %arg16[%dma_start3A_304] : memref<2x!tpu.dma_semaphore, #tpu.memory_space<semaphore_mem>> -> memref<1x!tpu.dma_semaphore, #tpu.memory_space<semaphore_mem>>
    %dma_start3A_308 = tpu.memref_squeeze %dma_start3A_307 : memref<1x!tpu.dma_semaphore, #tpu.memory_space<semaphore_mem>> -> memref<!tpu.dma_semaphore, #tpu.memory_space<semaphore_mem>>
    tpu.enqueue_indirect_dma source(%dma_start3A_306 : memref<100352xf32, #tpu.memory_space<vmem_shared>>) target(%arg10 : memref<10000xf32, #tpu.memory_space<vmem>>) offsets(%arg6 : memref<10000xi32, #tpu.memory_space<vmem>>) semaphore(%dma_start3A_308 : memref<!tpu.dma_semaphore, #tpu.memory_space<semaphore_mem>>)
    %dma_wait3A_309 = arith.constant 0 : i32
    %dma_wait3A_310 = arith.constant 0 : i32
    %dma_wait3A_311 = tpu.memref_slice %arg13[%dma_wait3A_310] : memref<100352xf32, #tpu.memory_space<vmem_shared>> -> memref<100352xf32, #tpu.memory_space<vmem_shared>>
    %dma_wait3A_312 = tpu.memref_slice %arg16[%dma_wait3A_309] : memref<2x!tpu.dma_semaphore, #tpu.memory_space<semaphore_mem>> -> memref<1x!tpu.dma_semaphore, #tpu.memory_space<semaphore_mem>>
    %dma_wait3A_313 = tpu.memref_squeeze %dma_wait3A_312 : memref<1x!tpu.dma_semaphore, #tpu.memory_space<semaphore_mem>> -> memref<!tpu.dma_semaphore, #tpu.memory_space<semaphore_mem>>
    tpu.wait_indirect_dma semaphore(%dma_wait3A_313 : memref<!tpu.dma_semaphore, #tpu.memory_space<semaphore_mem>>) src(%dma_wait3A_311 : memref<100352xf32, #tpu.memory_space<vmem_shared>>) dst(%arg10 : memref<10000xf32, #tpu.memory_space<vmem>>)
    %dma_start3A_314 = arith.constant 0 : i32
    %dma_start3A_315 = arith.constant 0 : i32
    %dma_start3A_316 = tpu.memref_slice %arg12[%dma_start3A_315] : memref<100352xf32, #tpu.memory_space<vmem_shared>> -> memref<100352xf32, #tpu.memory_space<vmem_shared>>
    %dma_start3A_317 = tpu.memref_slice %arg17[%dma_start3A_314] : memref<2x!tpu.dma_semaphore, #tpu.memory_space<semaphore_mem>> -> memref<1x!tpu.dma_semaphore, #tpu.memory_space<semaphore_mem>>
    %dma_start3A_318 = tpu.memref_squeeze %dma_start3A_317 : memref<1x!tpu.dma_semaphore, #tpu.memory_space<semaphore_mem>> -> memref<!tpu.dma_semaphore, #tpu.memory_space<semaphore_mem>>
    tpu.enqueue_indirect_dma source(%arg10 : memref<10000xf32, #tpu.memory_space<vmem>>) target(%dma_start3A_316 : memref<100352xf32, #tpu.memory_space<vmem_shared>>) offsets(%arg8 : memref<10000xi32, #tpu.memory_space<vmem>>) semaphore(%dma_start3A_318 : memref<!tpu.dma_semaphore, #tpu.memory_space<semaphore_mem>>) {add = true}
    %dma_wait3A_319 = arith.constant 1 : i32
    %dma_wait3A_320 = arith.constant 0 : i32
    %dma_wait3A_321 = tpu.memref_slice %arg12[%dma_wait3A_320] : memref<100352xf32, #tpu.memory_space<vmem_shared>> -> memref<100352xf32, #tpu.memory_space<vmem_shared>>
    %dma_wait3A_322 = tpu.memref_slice %arg17[%dma_wait3A_319] : memref<2x!tpu.dma_semaphore, #tpu.memory_space<semaphore_mem>> -> memref<1x!tpu.dma_semaphore, #tpu.memory_space<semaphore_mem>>
    %dma_wait3A_323 = tpu.memref_squeeze %dma_wait3A_322 : memref<1x!tpu.dma_semaphore, #tpu.memory_space<semaphore_mem>> -> memref<!tpu.dma_semaphore, #tpu.memory_space<semaphore_mem>>
    tpu.wait_indirect_dma semaphore(%dma_wait3A_323 : memref<!tpu.dma_semaphore, #tpu.memory_space<semaphore_mem>>) src(%arg11 : memref<10000xf32, #tpu.memory_space<vmem>>) dst(%dma_wait3A_321 : memref<100352xf32, #tpu.memory_space<vmem_shared>>)
    %mul3A_324 = arith.constant 100000 : i32
    %mul3A_325 = arith.muli %add3A, %mul3A_324 : i32
    %add3A_326 = arith.constant 70000 : i32
    %add3A_327 = arith.addi %mul3A_325, %add3A_326 : i32
    %dma_start3A_328 = arith.constant 1 : i32
    %dma_start3A_329 = tpu.memref_slice %arg2[%add3A_327] : memref<6400000xi32, #tpu.memory_space<hbm>> -> memref<10000xi32, #tpu.memory_space<hbm>>
    %dma_start3A_330 = tpu.memref_slice %arg14[%dma_start3A_328] : memref<2x!tpu.dma_semaphore, #tpu.memory_space<semaphore_mem>> -> memref<1x!tpu.dma_semaphore, #tpu.memory_space<semaphore_mem>>
    %dma_start3A_331 = tpu.memref_squeeze %dma_start3A_330 : memref<1x!tpu.dma_semaphore, #tpu.memory_space<semaphore_mem>> -> memref<!tpu.dma_semaphore, #tpu.memory_space<semaphore_mem>>
    %dma_start3A_332 = tpu.memref_slice %arg2[%add3A_327] : memref<6400000xi32, #tpu.memory_space<hbm>> -> memref<10000xi32, #tpu.memory_space<hbm>>
    tpu.enqueue_dma source(%dma_start3A_332 : memref<10000xi32, #tpu.memory_space<hbm>>) target(%arg7 : memref<10000xi32, #tpu.memory_space<vmem>>) target_semaphore(%dma_start3A_331 : memref<!tpu.dma_semaphore, #tpu.memory_space<semaphore_mem>>)
    %add3A_333 = arith.constant 3200000 : i32
    %add3A_334 = arith.addi %add3A_333, %add3A_327 : i32
    %dma_start3A_335 = arith.constant 1 : i32
    %dma_start3A_336 = tpu.memref_slice %arg2[%add3A_334] : memref<6400000xi32, #tpu.memory_space<hbm>> -> memref<10000xi32, #tpu.memory_space<hbm>>
    %dma_start3A_337 = tpu.memref_slice %arg15[%dma_start3A_335] : memref<2x!tpu.dma_semaphore, #tpu.memory_space<semaphore_mem>> -> memref<1x!tpu.dma_semaphore, #tpu.memory_space<semaphore_mem>>
    %dma_start3A_338 = tpu.memref_squeeze %dma_start3A_337 : memref<1x!tpu.dma_semaphore, #tpu.memory_space<semaphore_mem>> -> memref<!tpu.dma_semaphore, #tpu.memory_space<semaphore_mem>>
    %dma_start3A_339 = tpu.memref_slice %arg2[%add3A_334] : memref<6400000xi32, #tpu.memory_space<hbm>> -> memref<10000xi32, #tpu.memory_space<hbm>>
    tpu.enqueue_dma source(%dma_start3A_339 : memref<10000xi32, #tpu.memory_space<hbm>>) target(%arg9 : memref<10000xi32, #tpu.memory_space<vmem>>) target_semaphore(%dma_start3A_338 : memref<!tpu.dma_semaphore, #tpu.memory_space<semaphore_mem>>)
    %dma_wait3A_340 = arith.constant 1 : i32
    %dma_wait3A_341 = tpu.memref_slice %arg2[%add3A_327] : memref<6400000xi32, #tpu.memory_space<hbm>> -> memref<10000xi32, #tpu.memory_space<hbm>>
    %dma_wait3A_342 = tpu.memref_slice %arg14[%dma_wait3A_340] : memref<2x!tpu.dma_semaphore, #tpu.memory_space<semaphore_mem>> -> memref<1x!tpu.dma_semaphore, #tpu.memory_space<semaphore_mem>>
    %dma_wait3A_343 = tpu.memref_squeeze %dma_wait3A_342 : memref<1x!tpu.dma_semaphore, #tpu.memory_space<semaphore_mem>> -> memref<!tpu.dma_semaphore, #tpu.memory_space<semaphore_mem>>
    %dma_wait3A_344 = tpu.memref_slice %arg2[%add3A_327] : memref<6400000xi32, #tpu.memory_space<hbm>> -> memref<10000xi32, #tpu.memory_space<hbm>>
    tpu.wait_dma2 semaphore(%dma_wait3A_343 : memref<!tpu.dma_semaphore, #tpu.memory_space<semaphore_mem>>) src(%dma_wait3A_344 : memref<10000xi32, #tpu.memory_space<hbm>>) dst(%arg7 : memref<10000xi32, #tpu.memory_space<vmem>>)
    %dma_wait3A_345 = arith.constant 1 : i32
    %dma_wait3A_346 = tpu.memref_slice %arg2[%add3A_334] : memref<6400000xi32, #tpu.memory_space<hbm>> -> memref<10000xi32, #tpu.memory_space<hbm>>
    %dma_wait3A_347 = tpu.memref_slice %arg15[%dma_wait3A_345] : memref<2x!tpu.dma_semaphore, #tpu.memory_space<semaphore_mem>> -> memref<1x!tpu.dma_semaphore, #tpu.memory_space<semaphore_mem>>
    %dma_wait3A_348 = tpu.memref_squeeze %dma_wait3A_347 : memref<1x!tpu.dma_semaphore, #tpu.memory_space<semaphore_mem>> -> memref<!tpu.dma_semaphore, #tpu.memory_space<semaphore_mem>>
    %dma_wait3A_349 = tpu.memref_slice %arg2[%add3A_334] : memref<6400000xi32, #tpu.memory_space<hbm>> -> memref<10000xi32, #tpu.memory_space<hbm>>
    tpu.wait_dma2 semaphore(%dma_wait3A_348 : memref<!tpu.dma_semaphore, #tpu.memory_space<semaphore_mem>>) src(%dma_wait3A_349 : memref<10000xi32, #tpu.memory_space<hbm>>) dst(%arg9 : memref<10000xi32, #tpu.memory_space<vmem>>)
    %dma_start3A_350 = arith.constant 1 : i32
    %dma_start3A_351 = arith.constant 0 : i32
    %dma_start3A_352 = tpu.memref_slice %arg13[%dma_start3A_351] : memref<100352xf32, #tpu.memory_space<vmem_shared>> -> memref<100352xf32, #tpu.memory_space<vmem_shared>>
    %dma_start3A_353 = tpu.memref_slice %arg16[%dma_start3A_350] : memref<2x!tpu.dma_semaphore, #tpu.memory_space<semaphore_mem>> -> memref<1x!tpu.dma_semaphore, #tpu.memory_space<semaphore_mem>>
    %dma_start3A_354 = tpu.memref_squeeze %dma_start3A_353 : memref<1x!tpu.dma_semaphore, #tpu.memory_space<semaphore_mem>> -> memref<!tpu.dma_semaphore, #tpu.memory_space<semaphore_mem>>
    tpu.enqueue_indirect_dma source(%dma_start3A_352 : memref<100352xf32, #tpu.memory_space<vmem_shared>>) target(%arg11 : memref<10000xf32, #tpu.memory_space<vmem>>) offsets(%arg7 : memref<10000xi32, #tpu.memory_space<vmem>>) semaphore(%dma_start3A_354 : memref<!tpu.dma_semaphore, #tpu.memory_space<semaphore_mem>>)
    %dma_wait3A_355 = arith.constant 1 : i32
    %dma_wait3A_356 = arith.constant 0 : i32
    %dma_wait3A_357 = tpu.memref_slice %arg13[%dma_wait3A_356] : memref<100352xf32, #tpu.memory_space<vmem_shared>> -> memref<100352xf32, #tpu.memory_space<vmem_shared>>
    %dma_wait3A_358 = tpu.memref_slice %arg16[%dma_wait3A_355] : memref<2x!tpu.dma_semaphore, #tpu.memory_space<semaphore_mem>> -> memref<1x!tpu.dma_semaphore, #tpu.memory_space<semaphore_mem>>
    %dma_wait3A_359 = tpu.memref_squeeze %dma_wait3A_358 : memref<1x!tpu.dma_semaphore, #tpu.memory_space<semaphore_mem>> -> memref<!tpu.dma_semaphore, #tpu.memory_space<semaphore_mem>>
    tpu.wait_indirect_dma semaphore(%dma_wait3A_359 : memref<!tpu.dma_semaphore, #tpu.memory_space<semaphore_mem>>) src(%dma_wait3A_357 : memref<100352xf32, #tpu.memory_space<vmem_shared>>) dst(%arg11 : memref<10000xf32, #tpu.memory_space<vmem>>)
    %dma_start3A_360 = arith.constant 1 : i32
    %dma_start3A_361 = arith.constant 0 : i32
    %dma_start3A_362 = tpu.memref_slice %arg12[%dma_start3A_361] : memref<100352xf32, #tpu.memory_space<vmem_shared>> -> memref<100352xf32, #tpu.memory_space<vmem_shared>>
    %dma_start3A_363 = tpu.memref_slice %arg17[%dma_start3A_360] : memref<2x!tpu.dma_semaphore, #tpu.memory_space<semaphore_mem>> -> memref<1x!tpu.dma_semaphore, #tpu.memory_space<semaphore_mem>>
    %dma_start3A_364 = tpu.memref_squeeze %dma_start3A_363 : memref<1x!tpu.dma_semaphore, #tpu.memory_space<semaphore_mem>> -> memref<!tpu.dma_semaphore, #tpu.memory_space<semaphore_mem>>
    tpu.enqueue_indirect_dma source(%arg11 : memref<10000xf32, #tpu.memory_space<vmem>>) target(%dma_start3A_362 : memref<100352xf32, #tpu.memory_space<vmem_shared>>) offsets(%arg9 : memref<10000xi32, #tpu.memory_space<vmem>>) semaphore(%dma_start3A_364 : memref<!tpu.dma_semaphore, #tpu.memory_space<semaphore_mem>>) {add = true}
    %dma_wait3A_365 = arith.constant 0 : i32
    %dma_wait3A_366 = arith.constant 0 : i32
    %dma_wait3A_367 = tpu.memref_slice %arg12[%dma_wait3A_366] : memref<100352xf32, #tpu.memory_space<vmem_shared>> -> memref<100352xf32, #tpu.memory_space<vmem_shared>>
    %dma_wait3A_368 = tpu.memref_slice %arg17[%dma_wait3A_365] : memref<2x!tpu.dma_semaphore, #tpu.memory_space<semaphore_mem>> -> memref<1x!tpu.dma_semaphore, #tpu.memory_space<semaphore_mem>>
    %dma_wait3A_369 = tpu.memref_squeeze %dma_wait3A_368 : memref<1x!tpu.dma_semaphore, #tpu.memory_space<semaphore_mem>> -> memref<!tpu.dma_semaphore, #tpu.memory_space<semaphore_mem>>
    tpu.wait_indirect_dma semaphore(%dma_wait3A_369 : memref<!tpu.dma_semaphore, #tpu.memory_space<semaphore_mem>>) src(%arg10 : memref<10000xf32, #tpu.memory_space<vmem>>) dst(%dma_wait3A_367 : memref<100352xf32, #tpu.memory_space<vmem_shared>>)
    %mul3A_370 = arith.constant 100000 : i32
    %mul3A_371 = arith.muli %add3A, %mul3A_370 : i32
    %add3A_372 = arith.constant 80000 : i32
    %add3A_373 = arith.addi %mul3A_371, %add3A_372 : i32
    %dma_start3A_374 = arith.constant 0 : i32
    %dma_start3A_375 = tpu.memref_slice %arg2[%add3A_373] : memref<6400000xi32, #tpu.memory_space<hbm>> -> memref<10000xi32, #tpu.memory_space<hbm>>
    %dma_start3A_376 = tpu.memref_slice %arg14[%dma_start3A_374] : memref<2x!tpu.dma_semaphore, #tpu.memory_space<semaphore_mem>> -> memref<1x!tpu.dma_semaphore, #tpu.memory_space<semaphore_mem>>
    %dma_start3A_377 = tpu.memref_squeeze %dma_start3A_376 : memref<1x!tpu.dma_semaphore, #tpu.memory_space<semaphore_mem>> -> memref<!tpu.dma_semaphore, #tpu.memory_space<semaphore_mem>>
    %dma_start3A_378 = tpu.memref_slice %arg2[%add3A_373] : memref<6400000xi32, #tpu.memory_space<hbm>> -> memref<10000xi32, #tpu.memory_space<hbm>>
    tpu.enqueue_dma source(%dma_start3A_378 : memref<10000xi32, #tpu.memory_space<hbm>>) target(%arg6 : memref<10000xi32, #tpu.memory_space<vmem>>) target_semaphore(%dma_start3A_377 : memref<!tpu.dma_semaphore, #tpu.memory_space<semaphore_mem>>)
    %add3A_379 = arith.constant 3200000 : i32
    %add3A_380 = arith.addi %add3A_379, %add3A_373 : i32
    %dma_start3A_381 = arith.constant 0 : i32
    %dma_start3A_382 = tpu.memref_slice %arg2[%add3A_380] : memref<6400000xi32, #tpu.memory_space<hbm>> -> memref<10000xi32, #tpu.memory_space<hbm>>
    %dma_start3A_383 = tpu.memref_slice %arg15[%dma_start3A_381] : memref<2x!tpu.dma_semaphore, #tpu.memory_space<semaphore_mem>> -> memref<1x!tpu.dma_semaphore, #tpu.memory_space<semaphore_mem>>
    %dma_start3A_384 = tpu.memref_squeeze %dma_start3A_383 : memref<1x!tpu.dma_semaphore, #tpu.memory_space<semaphore_mem>> -> memref<!tpu.dma_semaphore, #tpu.memory_space<semaphore_mem>>
    %dma_start3A_385 = tpu.memref_slice %arg2[%add3A_380] : memref<6400000xi32, #tpu.memory_space<hbm>> -> memref<10000xi32, #tpu.memory_space<hbm>>
    tpu.enqueue_dma source(%dma_start3A_385 : memref<10000xi32, #tpu.memory_space<hbm>>) target(%arg8 : memref<10000xi32, #tpu.memory_space<vmem>>) target_semaphore(%dma_start3A_384 : memref<!tpu.dma_semaphore, #tpu.memory_space<semaphore_mem>>)
    %dma_wait3A_386 = arith.constant 0 : i32
    %dma_wait3A_387 = tpu.memref_slice %arg2[%add3A_373] : memref<6400000xi32, #tpu.memory_space<hbm>> -> memref<10000xi32, #tpu.memory_space<hbm>>
    %dma_wait3A_388 = tpu.memref_slice %arg14[%dma_wait3A_386] : memref<2x!tpu.dma_semaphore, #tpu.memory_space<semaphore_mem>> -> memref<1x!tpu.dma_semaphore, #tpu.memory_space<semaphore_mem>>
    %dma_wait3A_389 = tpu.memref_squeeze %dma_wait3A_388 : memref<1x!tpu.dma_semaphore, #tpu.memory_space<semaphore_mem>> -> memref<!tpu.dma_semaphore, #tpu.memory_space<semaphore_mem>>
    %dma_wait3A_390 = tpu.memref_slice %arg2[%add3A_373] : memref<6400000xi32, #tpu.memory_space<hbm>> -> memref<10000xi32, #tpu.memory_space<hbm>>
    tpu.wait_dma2 semaphore(%dma_wait3A_389 : memref<!tpu.dma_semaphore, #tpu.memory_space<semaphore_mem>>) src(%dma_wait3A_390 : memref<10000xi32, #tpu.memory_space<hbm>>) dst(%arg6 : memref<10000xi32, #tpu.memory_space<vmem>>)
    %dma_wait3A_391 = arith.constant 0 : i32
    %dma_wait3A_392 = tpu.memref_slice %arg2[%add3A_380] : memref<6400000xi32, #tpu.memory_space<hbm>> -> memref<10000xi32, #tpu.memory_space<hbm>>
    %dma_wait3A_393 = tpu.memref_slice %arg15[%dma_wait3A_391] : memref<2x!tpu.dma_semaphore, #tpu.memory_space<semaphore_mem>> -> memref<1x!tpu.dma_semaphore, #tpu.memory_space<semaphore_mem>>
    %dma_wait3A_394 = tpu.memref_squeeze %dma_wait3A_393 : memref<1x!tpu.dma_semaphore, #tpu.memory_space<semaphore_mem>> -> memref<!tpu.dma_semaphore, #tpu.memory_space<semaphore_mem>>
    %dma_wait3A_395 = tpu.memref_slice %arg2[%add3A_380] : memref<6400000xi32, #tpu.memory_space<hbm>> -> memref<10000xi32, #tpu.memory_space<hbm>>
    tpu.wait_dma2 semaphore(%dma_wait3A_394 : memref<!tpu.dma_semaphore, #tpu.memory_space<semaphore_mem>>) src(%dma_wait3A_395 : memref<10000xi32, #tpu.memory_space<hbm>>) dst(%arg8 : memref<10000xi32, #tpu.memory_space<vmem>>)
    %dma_start3A_396 = arith.constant 0 : i32
    %dma_start3A_397 = arith.constant 0 : i32
    %dma_start3A_398 = tpu.memref_slice %arg13[%dma_start3A_397] : memref<100352xf32, #tpu.memory_space<vmem_shared>> -> memref<100352xf32, #tpu.memory_space<vmem_shared>>
    %dma_start3A_399 = tpu.memref_slice %arg16[%dma_start3A_396] : memref<2x!tpu.dma_semaphore, #tpu.memory_space<semaphore_mem>> -> memref<1x!tpu.dma_semaphore, #tpu.memory_space<semaphore_mem>>
    %dma_start3A_400 = tpu.memref_squeeze %dma_start3A_399 : memref<1x!tpu.dma_semaphore, #tpu.memory_space<semaphore_mem>> -> memref<!tpu.dma_semaphore, #tpu.memory_space<semaphore_mem>>
    tpu.enqueue_indirect_dma source(%dma_start3A_398 : memref<100352xf32, #tpu.memory_space<vmem_shared>>) target(%arg10 : memref<10000xf32, #tpu.memory_space<vmem>>) offsets(%arg6 : memref<10000xi32, #tpu.memory_space<vmem>>) semaphore(%dma_start3A_400 : memref<!tpu.dma_semaphore, #tpu.memory_space<semaphore_mem>>)
    %dma_wait3A_401 = arith.constant 0 : i32
    %dma_wait3A_402 = arith.constant 0 : i32
    %dma_wait3A_403 = tpu.memref_slice %arg13[%dma_wait3A_402] : memref<100352xf32, #tpu.memory_space<vmem_shared>> -> memref<100352xf32, #tpu.memory_space<vmem_shared>>
    %dma_wait3A_404 = tpu.memref_slice %arg16[%dma_wait3A_401] : memref<2x!tpu.dma_semaphore, #tpu.memory_space<semaphore_mem>> -> memref<1x!tpu.dma_semaphore, #tpu.memory_space<semaphore_mem>>
    %dma_wait3A_405 = tpu.memref_squeeze %dma_wait3A_404 : memref<1x!tpu.dma_semaphore, #tpu.memory_space<semaphore_mem>> -> memref<!tpu.dma_semaphore, #tpu.memory_space<semaphore_mem>>
    tpu.wait_indirect_dma semaphore(%dma_wait3A_405 : memref<!tpu.dma_semaphore, #tpu.memory_space<semaphore_mem>>) src(%dma_wait3A_403 : memref<100352xf32, #tpu.memory_space<vmem_shared>>) dst(%arg10 : memref<10000xf32, #tpu.memory_space<vmem>>)
    %dma_start3A_406 = arith.constant 0 : i32
    %dma_start3A_407 = arith.constant 0 : i32
    %dma_start3A_408 = tpu.memref_slice %arg12[%dma_start3A_407] : memref<100352xf32, #tpu.memory_space<vmem_shared>> -> memref<100352xf32, #tpu.memory_space<vmem_shared>>
    %dma_start3A_409 = tpu.memref_slice %arg17[%dma_start3A_406] : memref<2x!tpu.dma_semaphore, #tpu.memory_space<semaphore_mem>> -> memref<1x!tpu.dma_semaphore, #tpu.memory_space<semaphore_mem>>
    %dma_start3A_410 = tpu.memref_squeeze %dma_start3A_409 : memref<1x!tpu.dma_semaphore, #tpu.memory_space<semaphore_mem>> -> memref<!tpu.dma_semaphore, #tpu.memory_space<semaphore_mem>>
    tpu.enqueue_indirect_dma source(%arg10 : memref<10000xf32, #tpu.memory_space<vmem>>) target(%dma_start3A_408 : memref<100352xf32, #tpu.memory_space<vmem_shared>>) offsets(%arg8 : memref<10000xi32, #tpu.memory_space<vmem>>) semaphore(%dma_start3A_410 : memref<!tpu.dma_semaphore, #tpu.memory_space<semaphore_mem>>) {add = true}
    %dma_wait3A_411 = arith.constant 1 : i32
    %dma_wait3A_412 = arith.constant 0 : i32
    %dma_wait3A_413 = tpu.memref_slice %arg12[%dma_wait3A_412] : memref<100352xf32, #tpu.memory_space<vmem_shared>> -> memref<100352xf32, #tpu.memory_space<vmem_shared>>
    %dma_wait3A_414 = tpu.memref_slice %arg17[%dma_wait3A_411] : memref<2x!tpu.dma_semaphore, #tpu.memory_space<semaphore_mem>> -> memref<1x!tpu.dma_semaphore, #tpu.memory_space<semaphore_mem>>
    %dma_wait3A_415 = tpu.memref_squeeze %dma_wait3A_414 : memref<1x!tpu.dma_semaphore, #tpu.memory_space<semaphore_mem>> -> memref<!tpu.dma_semaphore, #tpu.memory_space<semaphore_mem>>
    tpu.wait_indirect_dma semaphore(%dma_wait3A_415 : memref<!tpu.dma_semaphore, #tpu.memory_space<semaphore_mem>>) src(%arg11 : memref<10000xf32, #tpu.memory_space<vmem>>) dst(%dma_wait3A_413 : memref<100352xf32, #tpu.memory_space<vmem_shared>>)
    %mul3A_416 = arith.constant 100000 : i32
    %mul3A_417 = arith.muli %add3A, %mul3A_416 : i32
    %add3A_418 = arith.constant 90000 : i32
    %add3A_419 = arith.addi %mul3A_417, %add3A_418 : i32
    %dma_start3A_420 = arith.constant 1 : i32
    %dma_start3A_421 = tpu.memref_slice %arg2[%add3A_419] : memref<6400000xi32, #tpu.memory_space<hbm>> -> memref<10000xi32, #tpu.memory_space<hbm>>
    %dma_start3A_422 = tpu.memref_slice %arg14[%dma_start3A_420] : memref<2x!tpu.dma_semaphore, #tpu.memory_space<semaphore_mem>> -> memref<1x!tpu.dma_semaphore, #tpu.memory_space<semaphore_mem>>
    %dma_start3A_423 = tpu.memref_squeeze %dma_start3A_422 : memref<1x!tpu.dma_semaphore, #tpu.memory_space<semaphore_mem>> -> memref<!tpu.dma_semaphore, #tpu.memory_space<semaphore_mem>>
    %dma_start3A_424 = tpu.memref_slice %arg2[%add3A_419] : memref<6400000xi32, #tpu.memory_space<hbm>> -> memref<10000xi32, #tpu.memory_space<hbm>>
    tpu.enqueue_dma source(%dma_start3A_424 : memref<10000xi32, #tpu.memory_space<hbm>>) target(%arg7 : memref<10000xi32, #tpu.memory_space<vmem>>) target_semaphore(%dma_start3A_423 : memref<!tpu.dma_semaphore, #tpu.memory_space<semaphore_mem>>)
    %add3A_425 = arith.constant 3200000 : i32
    %add3A_426 = arith.addi %add3A_425, %add3A_419 : i32
    %dma_start3A_427 = arith.constant 1 : i32
    %dma_start3A_428 = tpu.memref_slice %arg2[%add3A_426] : memref<6400000xi32, #tpu.memory_space<hbm>> -> memref<10000xi32, #tpu.memory_space<hbm>>
    %dma_start3A_429 = tpu.memref_slice %arg15[%dma_start3A_427] : memref<2x!tpu.dma_semaphore, #tpu.memory_space<semaphore_mem>> -> memref<1x!tpu.dma_semaphore, #tpu.memory_space<semaphore_mem>>
    %dma_start3A_430 = tpu.memref_squeeze %dma_start3A_429 : memref<1x!tpu.dma_semaphore, #tpu.memory_space<semaphore_mem>> -> memref<!tpu.dma_semaphore, #tpu.memory_space<semaphore_mem>>
    %dma_start3A_431 = tpu.memref_slice %arg2[%add3A_426] : memref<6400000xi32, #tpu.memory_space<hbm>> -> memref<10000xi32, #tpu.memory_space<hbm>>
    tpu.enqueue_dma source(%dma_start3A_431 : memref<10000xi32, #tpu.memory_space<hbm>>) target(%arg9 : memref<10000xi32, #tpu.memory_space<vmem>>) target_semaphore(%dma_start3A_430 : memref<!tpu.dma_semaphore, #tpu.memory_space<semaphore_mem>>)
    %dma_wait3A_432 = arith.constant 1 : i32
    %dma_wait3A_433 = tpu.memref_slice %arg2[%add3A_419] : memref<6400000xi32, #tpu.memory_space<hbm>> -> memref<10000xi32, #tpu.memory_space<hbm>>
    %dma_wait3A_434 = tpu.memref_slice %arg14[%dma_wait3A_432] : memref<2x!tpu.dma_semaphore, #tpu.memory_space<semaphore_mem>> -> memref<1x!tpu.dma_semaphore, #tpu.memory_space<semaphore_mem>>
    %dma_wait3A_435 = tpu.memref_squeeze %dma_wait3A_434 : memref<1x!tpu.dma_semaphore, #tpu.memory_space<semaphore_mem>> -> memref<!tpu.dma_semaphore, #tpu.memory_space<semaphore_mem>>
    %dma_wait3A_436 = tpu.memref_slice %arg2[%add3A_419] : memref<6400000xi32, #tpu.memory_space<hbm>> -> memref<10000xi32, #tpu.memory_space<hbm>>
    tpu.wait_dma2 semaphore(%dma_wait3A_435 : memref<!tpu.dma_semaphore, #tpu.memory_space<semaphore_mem>>) src(%dma_wait3A_436 : memref<10000xi32, #tpu.memory_space<hbm>>) dst(%arg7 : memref<10000xi32, #tpu.memory_space<vmem>>)
    %dma_wait3A_437 = arith.constant 1 : i32
    %dma_wait3A_438 = tpu.memref_slice %arg2[%add3A_426] : memref<6400000xi32, #tpu.memory_space<hbm>> -> memref<10000xi32, #tpu.memory_space<hbm>>
    %dma_wait3A_439 = tpu.memref_slice %arg15[%dma_wait3A_437] : memref<2x!tpu.dma_semaphore, #tpu.memory_space<semaphore_mem>> -> memref<1x!tpu.dma_semaphore, #tpu.memory_space<semaphore_mem>>
    %dma_wait3A_440 = tpu.memref_squeeze %dma_wait3A_439 : memref<1x!tpu.dma_semaphore, #tpu.memory_space<semaphore_mem>> -> memref<!tpu.dma_semaphore, #tpu.memory_space<semaphore_mem>>
    %dma_wait3A_441 = tpu.memref_slice %arg2[%add3A_426] : memref<6400000xi32, #tpu.memory_space<hbm>> -> memref<10000xi32, #tpu.memory_space<hbm>>
    tpu.wait_dma2 semaphore(%dma_wait3A_440 : memref<!tpu.dma_semaphore, #tpu.memory_space<semaphore_mem>>) src(%dma_wait3A_441 : memref<10000xi32, #tpu.memory_space<hbm>>) dst(%arg9 : memref<10000xi32, #tpu.memory_space<vmem>>)
    %dma_start3A_442 = arith.constant 1 : i32
    %dma_start3A_443 = arith.constant 0 : i32
    %dma_start3A_444 = tpu.memref_slice %arg13[%dma_start3A_443] : memref<100352xf32, #tpu.memory_space<vmem_shared>> -> memref<100352xf32, #tpu.memory_space<vmem_shared>>
    %dma_start3A_445 = tpu.memref_slice %arg16[%dma_start3A_442] : memref<2x!tpu.dma_semaphore, #tpu.memory_space<semaphore_mem>> -> memref<1x!tpu.dma_semaphore, #tpu.memory_space<semaphore_mem>>
    %dma_start3A_446 = tpu.memref_squeeze %dma_start3A_445 : memref<1x!tpu.dma_semaphore, #tpu.memory_space<semaphore_mem>> -> memref<!tpu.dma_semaphore, #tpu.memory_space<semaphore_mem>>
    tpu.enqueue_indirect_dma source(%dma_start3A_444 : memref<100352xf32, #tpu.memory_space<vmem_shared>>) target(%arg11 : memref<10000xf32, #tpu.memory_space<vmem>>) offsets(%arg7 : memref<10000xi32, #tpu.memory_space<vmem>>) semaphore(%dma_start3A_446 : memref<!tpu.dma_semaphore, #tpu.memory_space<semaphore_mem>>)
    %dma_wait3A_447 = arith.constant 1 : i32
    %dma_wait3A_448 = arith.constant 0 : i32
    %dma_wait3A_449 = tpu.memref_slice %arg13[%dma_wait3A_448] : memref<100352xf32, #tpu.memory_space<vmem_shared>> -> memref<100352xf32, #tpu.memory_space<vmem_shared>>
    %dma_wait3A_450 = tpu.memref_slice %arg16[%dma_wait3A_447] : memref<2x!tpu.dma_semaphore, #tpu.memory_space<semaphore_mem>> -> memref<1x!tpu.dma_semaphore, #tpu.memory_space<semaphore_mem>>
    %dma_wait3A_451 = tpu.memref_squeeze %dma_wait3A_450 : memref<1x!tpu.dma_semaphore, #tpu.memory_space<semaphore_mem>> -> memref<!tpu.dma_semaphore, #tpu.memory_space<semaphore_mem>>
    tpu.wait_indirect_dma semaphore(%dma_wait3A_451 : memref<!tpu.dma_semaphore, #tpu.memory_space<semaphore_mem>>) src(%dma_wait3A_449 : memref<100352xf32, #tpu.memory_space<vmem_shared>>) dst(%arg11 : memref<10000xf32, #tpu.memory_space<vmem>>)
    %dma_start3A_452 = arith.constant 1 : i32
    %dma_start3A_453 = arith.constant 0 : i32
    %dma_start3A_454 = tpu.memref_slice %arg12[%dma_start3A_453] : memref<100352xf32, #tpu.memory_space<vmem_shared>> -> memref<100352xf32, #tpu.memory_space<vmem_shared>>
    %dma_start3A_455 = tpu.memref_slice %arg17[%dma_start3A_452] : memref<2x!tpu.dma_semaphore, #tpu.memory_space<semaphore_mem>> -> memref<1x!tpu.dma_semaphore, #tpu.memory_space<semaphore_mem>>
    %dma_start3A_456 = tpu.memref_squeeze %dma_start3A_455 : memref<1x!tpu.dma_semaphore, #tpu.memory_space<semaphore_mem>> -> memref<!tpu.dma_semaphore, #tpu.memory_space<semaphore_mem>>
    tpu.enqueue_indirect_dma source(%arg11 : memref<10000xf32, #tpu.memory_space<vmem>>) target(%dma_start3A_454 : memref<100352xf32, #tpu.memory_space<vmem_shared>>) offsets(%arg9 : memref<10000xi32, #tpu.memory_space<vmem>>) semaphore(%dma_start3A_456 : memref<!tpu.dma_semaphore, #tpu.memory_space<semaphore_mem>>) {add = true}
    %dma_wait3A_457 = arith.constant 0 : i32
    %dma_wait3A_458 = arith.constant 0 : i32
    %dma_wait3A_459 = tpu.memref_slice %arg12[%dma_wait3A_458] : memref<100352xf32, #tpu.memory_space<vmem_shared>> -> memref<100352xf32, #tpu.memory_space<vmem_shared>>
    %dma_wait3A_460 = tpu.memref_slice %arg17[%dma_wait3A_457] : memref<2x!tpu.dma_semaphore, #tpu.memory_space<semaphore_mem>> -> memref<1x!tpu.dma_semaphore, #tpu.memory_space<semaphore_mem>>
    %dma_wait3A_461 = tpu.memref_squeeze %dma_wait3A_460 : memref<1x!tpu.dma_semaphore, #tpu.memory_space<semaphore_mem>> -> memref<!tpu.dma_semaphore, #tpu.memory_space<semaphore_mem>>
    tpu.wait_indirect_dma semaphore(%dma_wait3A_461 : memref<!tpu.dma_semaphore, #tpu.memory_space<semaphore_mem>>) src(%arg10 : memref<10000xf32, #tpu.memory_space<vmem>>) dst(%dma_wait3A_459 : memref<100352xf32, #tpu.memory_space<vmem_shared>>)
    %dma_wait3A_462 = arith.constant 1 : i32
    %dma_wait3A_463 = arith.constant 0 : i32
    %dma_wait3A_464 = tpu.memref_slice %arg12[%dma_wait3A_463] : memref<100352xf32, #tpu.memory_space<vmem_shared>> -> memref<100352xf32, #tpu.memory_space<vmem_shared>>
    %dma_wait3A_465 = tpu.memref_slice %arg17[%dma_wait3A_462] : memref<2x!tpu.dma_semaphore, #tpu.memory_space<semaphore_mem>> -> memref<1x!tpu.dma_semaphore, #tpu.memory_space<semaphore_mem>>
    %dma_wait3A_466 = tpu.memref_squeeze %dma_wait3A_465 : memref<1x!tpu.dma_semaphore, #tpu.memory_space<semaphore_mem>> -> memref<!tpu.dma_semaphore, #tpu.memory_space<semaphore_mem>>
    tpu.wait_indirect_dma semaphore(%dma_wait3A_466 : memref<!tpu.dma_semaphore, #tpu.memory_space<semaphore_mem>>) src(%arg11 : memref<10000xf32, #tpu.memory_space<vmem>>) dst(%dma_wait3A_464 : memref<100352xf32, #tpu.memory_space<vmem_shared>>)
    %barrier3A_467 = arith.constant 0 : index
    tpu.barrier barrier_id(%barrier3A_467)
    %mul3A_468 = arith.constant 6272 : i32
    %mul3A_469 = arith.muli %arg1, %mul3A_468 : i32
    %mul3A_470 = arith.constant 6272 : i32
    %mul3A_471 = arith.muli %arg1, %mul3A_470 : i32
    "tpu.region"() ({
      %run_scoped3A = tpu.sem_alloc : memref<!tpu.dma_semaphore, #tpu.memory_space<semaphore_mem>>
      %dma_start3A_472 = tpu.memref_slice %arg5[%arg0, %mul3A_471] : memref<2x100352xf32, #tpu.memory_space<hbm>> -> memref<1x6272xf32, #tpu.memory_space<hbm>>
      %dma_start3A_473 = tpu.memref_squeeze %dma_start3A_472 : memref<1x6272xf32, #tpu.memory_space<hbm>> -> memref<6272xf32, #tpu.memory_space<hbm>>
      %dma_start3A_474 = tpu.memref_slice %arg12[%mul3A_469] : memref<100352xf32, #tpu.memory_space<vmem_shared>> -> memref<6272xf32, #tpu.memory_space<vmem_shared>>
      tpu.enqueue_dma source(%dma_start3A_474 : memref<6272xf32, #tpu.memory_space<vmem_shared>>) target(%dma_start3A_473 : memref<6272xf32, #tpu.memory_space<hbm>>) target_semaphore(%run_scoped3A : memref<!tpu.dma_semaphore, #tpu.memory_space<semaphore_mem>>)
      %dma_wait3A_475 = tpu.memref_slice %arg5[%arg0, %mul3A_471] : memref<2x100352xf32, #tpu.memory_space<hbm>> -> memref<1x6272xf32, #tpu.memory_space<hbm>>
      %dma_wait3A_476 = tpu.memref_squeeze %dma_wait3A_475 : memref<1x6272xf32, #tpu.memory_space<hbm>> -> memref<6272xf32, #tpu.memory_space<hbm>>
      %dma_wait3A_477 = tpu.memref_slice %arg12[%mul3A_469] : memref<100352xf32, #tpu.memory_space<vmem_shared>> -> memref<6272xf32, #tpu.memory_space<vmem_shared>>
      tpu.wait_dma2 semaphore(%run_scoped3A : memref<!tpu.dma_semaphore, #tpu.memory_space<semaphore_mem>>) src(%dma_wait3A_477 : memref<6272xf32, #tpu.memory_space<vmem_shared>>) dst(%dma_wait3A_476 : memref<6272xf32, #tpu.memory_space<hbm>>)
      tpu.yield
    }) : () -> ()
    return
  }
}

#map = affine_map<(d0, d1) -> (0)>
#map1 = affine_map<(d0, d1) -> (0, 0)>
module attributes {stable_mosaic.version = 14 : i64} {
  func.func @_pair_pass(%arg0: i32, %arg1: i32, %arg2: memref<6400000xi32, #tpu.memory_space<hbm>>, %arg3: memref<200704xf32, #tpu.memory_space<hbm>>, %arg4: memref<100352xf32, #tpu.memory_space<hbm>>, %arg5: memref<2x100352xf32, #tpu.memory_space<hbm>>, %arg6: memref<2x100352xf32, #tpu.memory_space<hbm>>, %arg7: memref<10000xi32, #tpu.memory_space<vmem>>, %arg8: memref<10000xi32, #tpu.memory_space<vmem>>, %arg9: memref<10000xi32, #tpu.memory_space<vmem>>, %arg10: memref<10000xi32, #tpu.memory_space<vmem>>, %arg11: memref<10000xf32, #tpu.memory_space<vmem>>, %arg12: memref<10000xf32, #tpu.memory_space<vmem>>, %arg13: memref<10000xf32, #tpu.memory_space<vmem>>, %arg14: memref<10000xf32, #tpu.memory_space<vmem>>, %arg15: memref<100352xf32, #tpu.memory_space<vmem_shared>>, %arg16: memref<100352xf32, #tpu.memory_space<vmem_shared>>, %arg17: memref<100352xf32, #tpu.memory_space<vmem_shared>>, %arg18: memref<100352xf32, #tpu.memory_space<vmem_shared>>, %arg19: memref<2x!tpu.dma_semaphore, #tpu.memory_space<semaphore_mem>>, %arg20: memref<2x!tpu.dma_semaphore, #tpu.memory_space<semaphore_mem>>, %arg21: memref<2x!tpu.dma_semaphore, #tpu.memory_space<semaphore_mem>>, %arg22: memref<2x!tpu.dma_semaphore, #tpu.memory_space<semaphore_mem>>, %arg23: memref<2x!tpu.dma_semaphore, #tpu.memory_space<semaphore_mem>>, %arg24: memref<2x!tpu.dma_semaphore, #tpu.memory_space<semaphore_mem>>) attributes {dimension_semantics = [#tpu.dimension_semantics<core_parallel>, #tpu.dimension_semantics<subcore_parallel>], iteration_bounds = array<i64: 2, 16>, scalar_prefetch = 0 : i64, scratch_operands = 18 : i64, tpu.core_type = #tpu.core_type<sc_vector_subcore>, window_params = [{transform_indices = #map}, {transform_indices = #map}, {transform_indices = #map}, {transform_indices = #map1}, {transform_indices = #map1}]} {
    %mul3A = arith.constant 2 : i32
    %mul3A_0 = arith.muli %arg1, %mul3A : i32
    %add3A = arith.addi %mul3A_0, %arg0 : i32
    %mul3A_1 = arith.constant 100000 : i32
    %mul3A_2 = arith.muli %add3A, %mul3A_1 : i32
    %add3A_3 = arith.constant 0 : i32
    %add3A_4 = arith.addi %mul3A_2, %add3A_3 : i32
    %dma_start3A = arith.constant 0 : i32
    %dma_start3A_5 = tpu.memref_slice %arg2[%add3A_4] : memref<6400000xi32, #tpu.memory_space<hbm>> -> memref<10000xi32, #tpu.memory_space<hbm>>
    %dma_start3A_6 = tpu.memref_slice %arg19[%dma_start3A] : memref<2x!tpu.dma_semaphore, #tpu.memory_space<semaphore_mem>> -> memref<1x!tpu.dma_semaphore, #tpu.memory_space<semaphore_mem>>
    %dma_start3A_7 = tpu.memref_squeeze %dma_start3A_6 : memref<1x!tpu.dma_semaphore, #tpu.memory_space<semaphore_mem>> -> memref<!tpu.dma_semaphore, #tpu.memory_space<semaphore_mem>>
    %dma_start3A_8 = tpu.memref_slice %arg2[%add3A_4] : memref<6400000xi32, #tpu.memory_space<hbm>> -> memref<10000xi32, #tpu.memory_space<hbm>>
    tpu.enqueue_dma source(%dma_start3A_8 : memref<10000xi32, #tpu.memory_space<hbm>>) target(%arg7 : memref<10000xi32, #tpu.memory_space<vmem>>) target_semaphore(%dma_start3A_7 : memref<!tpu.dma_semaphore, #tpu.memory_space<semaphore_mem>>)
    %add3A_9 = arith.constant 3200000 : i32
    %add3A_10 = arith.addi %add3A_9, %add3A_4 : i32
    %dma_start3A_11 = arith.constant 0 : i32
    %dma_start3A_12 = tpu.memref_slice %arg2[%add3A_10] : memref<6400000xi32, #tpu.memory_space<hbm>> -> memref<10000xi32, #tpu.memory_space<hbm>>
    %dma_start3A_13 = tpu.memref_slice %arg20[%dma_start3A_11] : memref<2x!tpu.dma_semaphore, #tpu.memory_space<semaphore_mem>> -> memref<1x!tpu.dma_semaphore, #tpu.memory_space<semaphore_mem>>
    %dma_start3A_14 = tpu.memref_squeeze %dma_start3A_13 : memref<1x!tpu.dma_semaphore, #tpu.memory_space<semaphore_mem>> -> memref<!tpu.dma_semaphore, #tpu.memory_space<semaphore_mem>>
    %dma_start3A_15 = tpu.memref_slice %arg2[%add3A_10] : memref<6400000xi32, #tpu.memory_space<hbm>> -> memref<10000xi32, #tpu.memory_space<hbm>>
    tpu.enqueue_dma source(%dma_start3A_15 : memref<10000xi32, #tpu.memory_space<hbm>>) target(%arg9 : memref<10000xi32, #tpu.memory_space<vmem>>) target_semaphore(%dma_start3A_14 : memref<!tpu.dma_semaphore, #tpu.memory_space<semaphore_mem>>)
    %mul3A_16 = arith.constant 6272 : i32
    %mul3A_17 = arith.muli %arg1, %mul3A_16 : i32
    %mul3A_18 = arith.constant 6272 : i32
    %mul3A_19 = arith.muli %arg1, %mul3A_18 : i32
    "tpu.region"() ({
      %run_scoped3A = tpu.sem_alloc : memref<!tpu.dma_semaphore, #tpu.memory_space<semaphore_mem>>
      %dma_start3A_686 = tpu.memref_slice %arg15[%mul3A_19] : memref<100352xf32, #tpu.memory_space<vmem_shared>> -> memref<6272xf32, #tpu.memory_space<vmem_shared>>
      %dma_start3A_687 = tpu.memref_slice %arg4[%mul3A_17] : memref<100352xf32, #tpu.memory_space<hbm>> -> memref<6272xf32, #tpu.memory_space<hbm>>
      tpu.enqueue_dma source(%dma_start3A_687 : memref<6272xf32, #tpu.memory_space<hbm>>) target(%dma_start3A_686 : memref<6272xf32, #tpu.memory_space<vmem_shared>>) target_semaphore(%run_scoped3A : memref<!tpu.dma_semaphore, #tpu.memory_space<semaphore_mem>>)
      %dma_wait3A_688 = tpu.memref_slice %arg15[%mul3A_19] : memref<100352xf32, #tpu.memory_space<vmem_shared>> -> memref<6272xf32, #tpu.memory_space<vmem_shared>>
      %dma_wait3A_689 = tpu.memref_slice %arg4[%mul3A_17] : memref<100352xf32, #tpu.memory_space<hbm>> -> memref<6272xf32, #tpu.memory_space<hbm>>
      tpu.wait_dma2 semaphore(%run_scoped3A : memref<!tpu.dma_semaphore, #tpu.memory_space<semaphore_mem>>) src(%dma_wait3A_689 : memref<6272xf32, #tpu.memory_space<hbm>>) dst(%dma_wait3A_688 : memref<6272xf32, #tpu.memory_space<vmem_shared>>)
      tpu.yield
    }) : () -> ()
    %mul3A_20 = arith.constant 6272 : i32
    %mul3A_21 = arith.muli %arg1, %mul3A_20 : i32
    %mul3A_22 = arith.constant 6272 : i32
    %mul3A_23 = arith.muli %arg1, %mul3A_22 : i32
    "tpu.region"() ({
      %run_scoped3A = tpu.sem_alloc : memref<!tpu.dma_semaphore, #tpu.memory_space<semaphore_mem>>
      %dma_start3A_686 = tpu.memref_slice %arg16[%mul3A_23] : memref<100352xf32, #tpu.memory_space<vmem_shared>> -> memref<6272xf32, #tpu.memory_space<vmem_shared>>
      %dma_start3A_687 = tpu.memref_slice %arg4[%mul3A_21] : memref<100352xf32, #tpu.memory_space<hbm>> -> memref<6272xf32, #tpu.memory_space<hbm>>
      tpu.enqueue_dma source(%dma_start3A_687 : memref<6272xf32, #tpu.memory_space<hbm>>) target(%dma_start3A_686 : memref<6272xf32, #tpu.memory_space<vmem_shared>>) target_semaphore(%run_scoped3A : memref<!tpu.dma_semaphore, #tpu.memory_space<semaphore_mem>>)
      %dma_wait3A_688 = tpu.memref_slice %arg16[%mul3A_23] : memref<100352xf32, #tpu.memory_space<vmem_shared>> -> memref<6272xf32, #tpu.memory_space<vmem_shared>>
      %dma_wait3A_689 = tpu.memref_slice %arg4[%mul3A_21] : memref<100352xf32, #tpu.memory_space<hbm>> -> memref<6272xf32, #tpu.memory_space<hbm>>
      tpu.wait_dma2 semaphore(%run_scoped3A : memref<!tpu.dma_semaphore, #tpu.memory_space<semaphore_mem>>) src(%dma_wait3A_689 : memref<6272xf32, #tpu.memory_space<hbm>>) dst(%dma_wait3A_688 : memref<6272xf32, #tpu.memory_space<vmem_shared>>)
      tpu.yield
    }) : () -> ()
    %mul3A_24 = arith.constant 6272 : i32
    %mul3A_25 = arith.muli %arg1, %mul3A_24 : i32
    %mul3A_26 = arith.constant 6272 : i32
    %mul3A_27 = arith.muli %arg1, %mul3A_26 : i32
    "tpu.region"() ({
      %run_scoped3A = tpu.sem_alloc : memref<!tpu.dma_semaphore, #tpu.memory_space<semaphore_mem>>
      %dma_start3A_686 = tpu.memref_slice %arg17[%mul3A_27] : memref<100352xf32, #tpu.memory_space<vmem_shared>> -> memref<6272xf32, #tpu.memory_space<vmem_shared>>
      %dma_start3A_687 = tpu.memref_slice %arg3[%mul3A_25] : memref<200704xf32, #tpu.memory_space<hbm>> -> memref<6272xf32, #tpu.memory_space<hbm>>
      tpu.enqueue_dma source(%dma_start3A_687 : memref<6272xf32, #tpu.memory_space<hbm>>) target(%dma_start3A_686 : memref<6272xf32, #tpu.memory_space<vmem_shared>>) target_semaphore(%run_scoped3A : memref<!tpu.dma_semaphore, #tpu.memory_space<semaphore_mem>>)
      %dma_wait3A_688 = tpu.memref_slice %arg17[%mul3A_27] : memref<100352xf32, #tpu.memory_space<vmem_shared>> -> memref<6272xf32, #tpu.memory_space<vmem_shared>>
      %dma_wait3A_689 = tpu.memref_slice %arg3[%mul3A_25] : memref<200704xf32, #tpu.memory_space<hbm>> -> memref<6272xf32, #tpu.memory_space<hbm>>
      tpu.wait_dma2 semaphore(%run_scoped3A : memref<!tpu.dma_semaphore, #tpu.memory_space<semaphore_mem>>) src(%dma_wait3A_689 : memref<6272xf32, #tpu.memory_space<hbm>>) dst(%dma_wait3A_688 : memref<6272xf32, #tpu.memory_space<vmem_shared>>)
      tpu.yield
    }) : () -> ()
    %mul3A_28 = arith.constant 6272 : i32
    %mul3A_29 = arith.muli %arg1, %mul3A_28 : i32
    %add3A_30 = arith.constant 100352 : i32
    %add3A_31 = arith.addi %add3A_30, %mul3A_29 : i32
    %mul3A_32 = arith.constant 6272 : i32
    %mul3A_33 = arith.muli %arg1, %mul3A_32 : i32
    "tpu.region"() ({
      %run_scoped3A = tpu.sem_alloc : memref<!tpu.dma_semaphore, #tpu.memory_space<semaphore_mem>>
      %dma_start3A_686 = tpu.memref_slice %arg18[%mul3A_33] : memref<100352xf32, #tpu.memory_space<vmem_shared>> -> memref<6272xf32, #tpu.memory_space<vmem_shared>>
      %dma_start3A_687 = tpu.memref_slice %arg3[%add3A_31] : memref<200704xf32, #tpu.memory_space<hbm>> -> memref<6272xf32, #tpu.memory_space<hbm>>
      tpu.enqueue_dma source(%dma_start3A_687 : memref<6272xf32, #tpu.memory_space<hbm>>) target(%dma_start3A_686 : memref<6272xf32, #tpu.memory_space<vmem_shared>>) target_semaphore(%run_scoped3A : memref<!tpu.dma_semaphore, #tpu.memory_space<semaphore_mem>>)
      %dma_wait3A_688 = tpu.memref_slice %arg18[%mul3A_33] : memref<100352xf32, #tpu.memory_space<vmem_shared>> -> memref<6272xf32, #tpu.memory_space<vmem_shared>>
      %dma_wait3A_689 = tpu.memref_slice %arg3[%add3A_31] : memref<200704xf32, #tpu.memory_space<hbm>> -> memref<6272xf32, #tpu.memory_space<hbm>>
      tpu.wait_dma2 semaphore(%run_scoped3A : memref<!tpu.dma_semaphore, #tpu.memory_space<semaphore_mem>>) src(%dma_wait3A_689 : memref<6272xf32, #tpu.memory_space<hbm>>) dst(%dma_wait3A_688 : memref<6272xf32, #tpu.memory_space<vmem_shared>>)
      tpu.yield
    }) : () -> ()
    %barrier3A = arith.constant 0 : index
    tpu.barrier barrier_id(%barrier3A)
    %dma_wait3A = arith.constant 0 : i32
    %dma_wait3A_34 = tpu.memref_slice %arg2[%add3A_4] : memref<6400000xi32, #tpu.memory_space<hbm>> -> memref<10000xi32, #tpu.memory_space<hbm>>
    %dma_wait3A_35 = tpu.memref_slice %arg19[%dma_wait3A] : memref<2x!tpu.dma_semaphore, #tpu.memory_space<semaphore_mem>> -> memref<1x!tpu.dma_semaphore, #tpu.memory_space<semaphore_mem>>
    %dma_wait3A_36 = tpu.memref_squeeze %dma_wait3A_35 : memref<1x!tpu.dma_semaphore, #tpu.memory_space<semaphore_mem>> -> memref<!tpu.dma_semaphore, #tpu.memory_space<semaphore_mem>>
    %dma_wait3A_37 = tpu.memref_slice %arg2[%add3A_4] : memref<6400000xi32, #tpu.memory_space<hbm>> -> memref<10000xi32, #tpu.memory_space<hbm>>
    tpu.wait_dma2 semaphore(%dma_wait3A_36 : memref<!tpu.dma_semaphore, #tpu.memory_space<semaphore_mem>>) src(%dma_wait3A_37 : memref<10000xi32, #tpu.memory_space<hbm>>) dst(%arg7 : memref<10000xi32, #tpu.memory_space<vmem>>)
    %dma_wait3A_38 = arith.constant 0 : i32
    %dma_wait3A_39 = tpu.memref_slice %arg2[%add3A_10] : memref<6400000xi32, #tpu.memory_space<hbm>> -> memref<10000xi32, #tpu.memory_space<hbm>>
    %dma_wait3A_40 = tpu.memref_slice %arg20[%dma_wait3A_38] : memref<2x!tpu.dma_semaphore, #tpu.memory_space<semaphore_mem>> -> memref<1x!tpu.dma_semaphore, #tpu.memory_space<semaphore_mem>>
    %dma_wait3A_41 = tpu.memref_squeeze %dma_wait3A_40 : memref<1x!tpu.dma_semaphore, #tpu.memory_space<semaphore_mem>> -> memref<!tpu.dma_semaphore, #tpu.memory_space<semaphore_mem>>
    %dma_wait3A_42 = tpu.memref_slice %arg2[%add3A_10] : memref<6400000xi32, #tpu.memory_space<hbm>> -> memref<10000xi32, #tpu.memory_space<hbm>>
    tpu.wait_dma2 semaphore(%dma_wait3A_41 : memref<!tpu.dma_semaphore, #tpu.memory_space<semaphore_mem>>) src(%dma_wait3A_42 : memref<10000xi32, #tpu.memory_space<hbm>>) dst(%arg9 : memref<10000xi32, #tpu.memory_space<vmem>>)
    %dma_start3A_43 = arith.constant 0 : i32
    %dma_start3A_44 = arith.constant 0 : i32
    %dma_start3A_45 = tpu.memref_slice %arg17[%dma_start3A_44] : memref<100352xf32, #tpu.memory_space<vmem_shared>> -> memref<100352xf32, #tpu.memory_space<vmem_shared>>
    %dma_start3A_46 = tpu.memref_slice %arg21[%dma_start3A_43] : memref<2x!tpu.dma_semaphore, #tpu.memory_space<semaphore_mem>> -> memref<1x!tpu.dma_semaphore, #tpu.memory_space<semaphore_mem>>
    %dma_start3A_47 = tpu.memref_squeeze %dma_start3A_46 : memref<1x!tpu.dma_semaphore, #tpu.memory_space<semaphore_mem>> -> memref<!tpu.dma_semaphore, #tpu.memory_space<semaphore_mem>>
    tpu.enqueue_indirect_dma source(%dma_start3A_45 : memref<100352xf32, #tpu.memory_space<vmem_shared>>) target(%arg11 : memref<10000xf32, #tpu.memory_space<vmem>>) offsets(%arg7 : memref<10000xi32, #tpu.memory_space<vmem>>) semaphore(%dma_start3A_47 : memref<!tpu.dma_semaphore, #tpu.memory_space<semaphore_mem>>)
    %dma_start3A_48 = arith.constant 0 : i32
    %dma_start3A_49 = arith.constant 0 : i32
    %dma_start3A_50 = tpu.memref_slice %arg18[%dma_start3A_49] : memref<100352xf32, #tpu.memory_space<vmem_shared>> -> memref<100352xf32, #tpu.memory_space<vmem_shared>>
    %dma_start3A_51 = tpu.memref_slice %arg22[%dma_start3A_48] : memref<2x!tpu.dma_semaphore, #tpu.memory_space<semaphore_mem>> -> memref<1x!tpu.dma_semaphore, #tpu.memory_space<semaphore_mem>>
    %dma_start3A_52 = tpu.memref_squeeze %dma_start3A_51 : memref<1x!tpu.dma_semaphore, #tpu.memory_space<semaphore_mem>> -> memref<!tpu.dma_semaphore, #tpu.memory_space<semaphore_mem>>
    tpu.enqueue_indirect_dma source(%dma_start3A_50 : memref<100352xf32, #tpu.memory_space<vmem_shared>>) target(%arg13 : memref<10000xf32, #tpu.memory_space<vmem>>) offsets(%arg7 : memref<10000xi32, #tpu.memory_space<vmem>>) semaphore(%dma_start3A_52 : memref<!tpu.dma_semaphore, #tpu.memory_space<semaphore_mem>>)
    %dma_wait3A_53 = arith.constant 0 : i32
    %dma_wait3A_54 = arith.constant 0 : i32
    %dma_wait3A_55 = tpu.memref_slice %arg17[%dma_wait3A_54] : memref<100352xf32, #tpu.memory_space<vmem_shared>> -> memref<100352xf32, #tpu.memory_space<vmem_shared>>
    %dma_wait3A_56 = tpu.memref_slice %arg21[%dma_wait3A_53] : memref<2x!tpu.dma_semaphore, #tpu.memory_space<semaphore_mem>> -> memref<1x!tpu.dma_semaphore, #tpu.memory_space<semaphore_mem>>
    %dma_wait3A_57 = tpu.memref_squeeze %dma_wait3A_56 : memref<1x!tpu.dma_semaphore, #tpu.memory_space<semaphore_mem>> -> memref<!tpu.dma_semaphore, #tpu.memory_space<semaphore_mem>>
    tpu.wait_indirect_dma semaphore(%dma_wait3A_57 : memref<!tpu.dma_semaphore, #tpu.memory_space<semaphore_mem>>) src(%dma_wait3A_55 : memref<100352xf32, #tpu.memory_space<vmem_shared>>) dst(%arg11 : memref<10000xf32, #tpu.memory_space<vmem>>)
    %dma_wait3A_58 = arith.constant 0 : i32
    %dma_wait3A_59 = arith.constant 0 : i32
    %dma_wait3A_60 = tpu.memref_slice %arg18[%dma_wait3A_59] : memref<100352xf32, #tpu.memory_space<vmem_shared>> -> memref<100352xf32, #tpu.memory_space<vmem_shared>>
    %dma_wait3A_61 = tpu.memref_slice %arg22[%dma_wait3A_58] : memref<2x!tpu.dma_semaphore, #tpu.memory_space<semaphore_mem>> -> memref<1x!tpu.dma_semaphore, #tpu.memory_space<semaphore_mem>>
    %dma_wait3A_62 = tpu.memref_squeeze %dma_wait3A_61 : memref<1x!tpu.dma_semaphore, #tpu.memory_space<semaphore_mem>> -> memref<!tpu.dma_semaphore, #tpu.memory_space<semaphore_mem>>
    tpu.wait_indirect_dma semaphore(%dma_wait3A_62 : memref<!tpu.dma_semaphore, #tpu.memory_space<semaphore_mem>>) src(%dma_wait3A_60 : memref<100352xf32, #tpu.memory_space<vmem_shared>>) dst(%arg13 : memref<10000xf32, #tpu.memory_space<vmem>>)
    %dma_start3A_63 = arith.constant 0 : i32
    %dma_start3A_64 = arith.constant 0 : i32
    %dma_start3A_65 = tpu.memref_slice %arg15[%dma_start3A_64] : memref<100352xf32, #tpu.memory_space<vmem_shared>> -> memref<100352xf32, #tpu.memory_space<vmem_shared>>
    %dma_start3A_66 = tpu.memref_slice %arg23[%dma_start3A_63] : memref<2x!tpu.dma_semaphore, #tpu.memory_space<semaphore_mem>> -> memref<1x!tpu.dma_semaphore, #tpu.memory_space<semaphore_mem>>
    %dma_start3A_67 = tpu.memref_squeeze %dma_start3A_66 : memref<1x!tpu.dma_semaphore, #tpu.memory_space<semaphore_mem>> -> memref<!tpu.dma_semaphore, #tpu.memory_space<semaphore_mem>>
    tpu.enqueue_indirect_dma source(%arg11 : memref<10000xf32, #tpu.memory_space<vmem>>) target(%dma_start3A_65 : memref<100352xf32, #tpu.memory_space<vmem_shared>>) offsets(%arg9 : memref<10000xi32, #tpu.memory_space<vmem>>) semaphore(%dma_start3A_67 : memref<!tpu.dma_semaphore, #tpu.memory_space<semaphore_mem>>) {add = true}
    %dma_start3A_68 = arith.constant 0 : i32
    %dma_start3A_69 = arith.constant 0 : i32
    %dma_start3A_70 = tpu.memref_slice %arg16[%dma_start3A_69] : memref<100352xf32, #tpu.memory_space<vmem_shared>> -> memref<100352xf32, #tpu.memory_space<vmem_shared>>
    %dma_start3A_71 = tpu.memref_slice %arg24[%dma_start3A_68] : memref<2x!tpu.dma_semaphore, #tpu.memory_space<semaphore_mem>> -> memref<1x!tpu.dma_semaphore, #tpu.memory_space<semaphore_mem>>
    %dma_start3A_72 = tpu.memref_squeeze %dma_start3A_71 : memref<1x!tpu.dma_semaphore, #tpu.memory_space<semaphore_mem>> -> memref<!tpu.dma_semaphore, #tpu.memory_space<semaphore_mem>>
    tpu.enqueue_indirect_dma source(%arg13 : memref<10000xf32, #tpu.memory_space<vmem>>) target(%dma_start3A_70 : memref<100352xf32, #tpu.memory_space<vmem_shared>>) offsets(%arg9 : memref<10000xi32, #tpu.memory_space<vmem>>) semaphore(%dma_start3A_72 : memref<!tpu.dma_semaphore, #tpu.memory_space<semaphore_mem>>) {add = true}
    %mul3A_73 = arith.constant 100000 : i32
    %mul3A_74 = arith.muli %add3A, %mul3A_73 : i32
    %add3A_75 = arith.constant 10000 : i32
    %add3A_76 = arith.addi %mul3A_74, %add3A_75 : i32
    %dma_start3A_77 = arith.constant 1 : i32
    %dma_start3A_78 = tpu.memref_slice %arg2[%add3A_76] : memref<6400000xi32, #tpu.memory_space<hbm>> -> memref<10000xi32, #tpu.memory_space<hbm>>
    %dma_start3A_79 = tpu.memref_slice %arg19[%dma_start3A_77] : memref<2x!tpu.dma_semaphore, #tpu.memory_space<semaphore_mem>> -> memref<1x!tpu.dma_semaphore, #tpu.memory_space<semaphore_mem>>
    %dma_start3A_80 = tpu.memref_squeeze %dma_start3A_79 : memref<1x!tpu.dma_semaphore, #tpu.memory_space<semaphore_mem>> -> memref<!tpu.dma_semaphore, #tpu.memory_space<semaphore_mem>>
    %dma_start3A_81 = tpu.memref_slice %arg2[%add3A_76] : memref<6400000xi32, #tpu.memory_space<hbm>> -> memref<10000xi32, #tpu.memory_space<hbm>>
    tpu.enqueue_dma source(%dma_start3A_81 : memref<10000xi32, #tpu.memory_space<hbm>>) target(%arg8 : memref<10000xi32, #tpu.memory_space<vmem>>) target_semaphore(%dma_start3A_80 : memref<!tpu.dma_semaphore, #tpu.memory_space<semaphore_mem>>)
    %add3A_82 = arith.constant 3200000 : i32
    %add3A_83 = arith.addi %add3A_82, %add3A_76 : i32
    %dma_start3A_84 = arith.constant 1 : i32
    %dma_start3A_85 = tpu.memref_slice %arg2[%add3A_83] : memref<6400000xi32, #tpu.memory_space<hbm>> -> memref<10000xi32, #tpu.memory_space<hbm>>
    %dma_start3A_86 = tpu.memref_slice %arg20[%dma_start3A_84] : memref<2x!tpu.dma_semaphore, #tpu.memory_space<semaphore_mem>> -> memref<1x!tpu.dma_semaphore, #tpu.memory_space<semaphore_mem>>
    %dma_start3A_87 = tpu.memref_squeeze %dma_start3A_86 : memref<1x!tpu.dma_semaphore, #tpu.memory_space<semaphore_mem>> -> memref<!tpu.dma_semaphore, #tpu.memory_space<semaphore_mem>>
    %dma_start3A_88 = tpu.memref_slice %arg2[%add3A_83] : memref<6400000xi32, #tpu.memory_space<hbm>> -> memref<10000xi32, #tpu.memory_space<hbm>>
    tpu.enqueue_dma source(%dma_start3A_88 : memref<10000xi32, #tpu.memory_space<hbm>>) target(%arg10 : memref<10000xi32, #tpu.memory_space<vmem>>) target_semaphore(%dma_start3A_87 : memref<!tpu.dma_semaphore, #tpu.memory_space<semaphore_mem>>)
    %dma_wait3A_89 = arith.constant 1 : i32
    %dma_wait3A_90 = tpu.memref_slice %arg2[%add3A_76] : memref<6400000xi32, #tpu.memory_space<hbm>> -> memref<10000xi32, #tpu.memory_space<hbm>>
    %dma_wait3A_91 = tpu.memref_slice %arg19[%dma_wait3A_89] : memref<2x!tpu.dma_semaphore, #tpu.memory_space<semaphore_mem>> -> memref<1x!tpu.dma_semaphore, #tpu.memory_space<semaphore_mem>>
    %dma_wait3A_92 = tpu.memref_squeeze %dma_wait3A_91 : memref<1x!tpu.dma_semaphore, #tpu.memory_space<semaphore_mem>> -> memref<!tpu.dma_semaphore, #tpu.memory_space<semaphore_mem>>
    %dma_wait3A_93 = tpu.memref_slice %arg2[%add3A_76] : memref<6400000xi32, #tpu.memory_space<hbm>> -> memref<10000xi32, #tpu.memory_space<hbm>>
    tpu.wait_dma2 semaphore(%dma_wait3A_92 : memref<!tpu.dma_semaphore, #tpu.memory_space<semaphore_mem>>) src(%dma_wait3A_93 : memref<10000xi32, #tpu.memory_space<hbm>>) dst(%arg8 : memref<10000xi32, #tpu.memory_space<vmem>>)
    %dma_wait3A_94 = arith.constant 1 : i32
    %dma_wait3A_95 = tpu.memref_slice %arg2[%add3A_83] : memref<6400000xi32, #tpu.memory_space<hbm>> -> memref<10000xi32, #tpu.memory_space<hbm>>
    %dma_wait3A_96 = tpu.memref_slice %arg20[%dma_wait3A_94] : memref<2x!tpu.dma_semaphore, #tpu.memory_space<semaphore_mem>> -> memref<1x!tpu.dma_semaphore, #tpu.memory_space<semaphore_mem>>
    %dma_wait3A_97 = tpu.memref_squeeze %dma_wait3A_96 : memref<1x!tpu.dma_semaphore, #tpu.memory_space<semaphore_mem>> -> memref<!tpu.dma_semaphore, #tpu.memory_space<semaphore_mem>>
    %dma_wait3A_98 = tpu.memref_slice %arg2[%add3A_83] : memref<6400000xi32, #tpu.memory_space<hbm>> -> memref<10000xi32, #tpu.memory_space<hbm>>
    tpu.wait_dma2 semaphore(%dma_wait3A_97 : memref<!tpu.dma_semaphore, #tpu.memory_space<semaphore_mem>>) src(%dma_wait3A_98 : memref<10000xi32, #tpu.memory_space<hbm>>) dst(%arg10 : memref<10000xi32, #tpu.memory_space<vmem>>)
    %dma_start3A_99 = arith.constant 1 : i32
    %dma_start3A_100 = arith.constant 0 : i32
    %dma_start3A_101 = tpu.memref_slice %arg17[%dma_start3A_100] : memref<100352xf32, #tpu.memory_space<vmem_shared>> -> memref<100352xf32, #tpu.memory_space<vmem_shared>>
    %dma_start3A_102 = tpu.memref_slice %arg21[%dma_start3A_99] : memref<2x!tpu.dma_semaphore, #tpu.memory_space<semaphore_mem>> -> memref<1x!tpu.dma_semaphore, #tpu.memory_space<semaphore_mem>>
    %dma_start3A_103 = tpu.memref_squeeze %dma_start3A_102 : memref<1x!tpu.dma_semaphore, #tpu.memory_space<semaphore_mem>> -> memref<!tpu.dma_semaphore, #tpu.memory_space<semaphore_mem>>
    tpu.enqueue_indirect_dma source(%dma_start3A_101 : memref<100352xf32, #tpu.memory_space<vmem_shared>>) target(%arg12 : memref<10000xf32, #tpu.memory_space<vmem>>) offsets(%arg8 : memref<10000xi32, #tpu.memory_space<vmem>>) semaphore(%dma_start3A_103 : memref<!tpu.dma_semaphore, #tpu.memory_space<semaphore_mem>>)
    %dma_start3A_104 = arith.constant 1 : i32
    %dma_start3A_105 = arith.constant 0 : i32
    %dma_start3A_106 = tpu.memref_slice %arg18[%dma_start3A_105] : memref<100352xf32, #tpu.memory_space<vmem_shared>> -> memref<100352xf32, #tpu.memory_space<vmem_shared>>
    %dma_start3A_107 = tpu.memref_slice %arg22[%dma_start3A_104] : memref<2x!tpu.dma_semaphore, #tpu.memory_space<semaphore_mem>> -> memref<1x!tpu.dma_semaphore, #tpu.memory_space<semaphore_mem>>
    %dma_start3A_108 = tpu.memref_squeeze %dma_start3A_107 : memref<1x!tpu.dma_semaphore, #tpu.memory_space<semaphore_mem>> -> memref<!tpu.dma_semaphore, #tpu.memory_space<semaphore_mem>>
    tpu.enqueue_indirect_dma source(%dma_start3A_106 : memref<100352xf32, #tpu.memory_space<vmem_shared>>) target(%arg14 : memref<10000xf32, #tpu.memory_space<vmem>>) offsets(%arg8 : memref<10000xi32, #tpu.memory_space<vmem>>) semaphore(%dma_start3A_108 : memref<!tpu.dma_semaphore, #tpu.memory_space<semaphore_mem>>)
    %dma_wait3A_109 = arith.constant 1 : i32
    %dma_wait3A_110 = arith.constant 0 : i32
    %dma_wait3A_111 = tpu.memref_slice %arg17[%dma_wait3A_110] : memref<100352xf32, #tpu.memory_space<vmem_shared>> -> memref<100352xf32, #tpu.memory_space<vmem_shared>>
    %dma_wait3A_112 = tpu.memref_slice %arg21[%dma_wait3A_109] : memref<2x!tpu.dma_semaphore, #tpu.memory_space<semaphore_mem>> -> memref<1x!tpu.dma_semaphore, #tpu.memory_space<semaphore_mem>>
    %dma_wait3A_113 = tpu.memref_squeeze %dma_wait3A_112 : memref<1x!tpu.dma_semaphore, #tpu.memory_space<semaphore_mem>> -> memref<!tpu.dma_semaphore, #tpu.memory_space<semaphore_mem>>
    tpu.wait_indirect_dma semaphore(%dma_wait3A_113 : memref<!tpu.dma_semaphore, #tpu.memory_space<semaphore_mem>>) src(%dma_wait3A_111 : memref<100352xf32, #tpu.memory_space<vmem_shared>>) dst(%arg12 : memref<10000xf32, #tpu.memory_space<vmem>>)
    %dma_wait3A_114 = arith.constant 1 : i32
    %dma_wait3A_115 = arith.constant 0 : i32
    %dma_wait3A_116 = tpu.memref_slice %arg18[%dma_wait3A_115] : memref<100352xf32, #tpu.memory_space<vmem_shared>> -> memref<100352xf32, #tpu.memory_space<vmem_shared>>
    %dma_wait3A_117 = tpu.memref_slice %arg22[%dma_wait3A_114] : memref<2x!tpu.dma_semaphore, #tpu.memory_space<semaphore_mem>> -> memref<1x!tpu.dma_semaphore, #tpu.memory_space<semaphore_mem>>
    %dma_wait3A_118 = tpu.memref_squeeze %dma_wait3A_117 : memref<1x!tpu.dma_semaphore, #tpu.memory_space<semaphore_mem>> -> memref<!tpu.dma_semaphore, #tpu.memory_space<semaphore_mem>>
    tpu.wait_indirect_dma semaphore(%dma_wait3A_118 : memref<!tpu.dma_semaphore, #tpu.memory_space<semaphore_mem>>) src(%dma_wait3A_116 : memref<100352xf32, #tpu.memory_space<vmem_shared>>) dst(%arg14 : memref<10000xf32, #tpu.memory_space<vmem>>)
    %dma_start3A_119 = arith.constant 1 : i32
    %dma_start3A_120 = arith.constant 0 : i32
    %dma_start3A_121 = tpu.memref_slice %arg15[%dma_start3A_120] : memref<100352xf32, #tpu.memory_space<vmem_shared>> -> memref<100352xf32, #tpu.memory_space<vmem_shared>>
    %dma_start3A_122 = tpu.memref_slice %arg23[%dma_start3A_119] : memref<2x!tpu.dma_semaphore, #tpu.memory_space<semaphore_mem>> -> memref<1x!tpu.dma_semaphore, #tpu.memory_space<semaphore_mem>>
    %dma_start3A_123 = tpu.memref_squeeze %dma_start3A_122 : memref<1x!tpu.dma_semaphore, #tpu.memory_space<semaphore_mem>> -> memref<!tpu.dma_semaphore, #tpu.memory_space<semaphore_mem>>
    tpu.enqueue_indirect_dma source(%arg12 : memref<10000xf32, #tpu.memory_space<vmem>>) target(%dma_start3A_121 : memref<100352xf32, #tpu.memory_space<vmem_shared>>) offsets(%arg10 : memref<10000xi32, #tpu.memory_space<vmem>>) semaphore(%dma_start3A_123 : memref<!tpu.dma_semaphore, #tpu.memory_space<semaphore_mem>>) {add = true}
    %dma_start3A_124 = arith.constant 1 : i32
    %dma_start3A_125 = arith.constant 0 : i32
    %dma_start3A_126 = tpu.memref_slice %arg16[%dma_start3A_125] : memref<100352xf32, #tpu.memory_space<vmem_shared>> -> memref<100352xf32, #tpu.memory_space<vmem_shared>>
    %dma_start3A_127 = tpu.memref_slice %arg24[%dma_start3A_124] : memref<2x!tpu.dma_semaphore, #tpu.memory_space<semaphore_mem>> -> memref<1x!tpu.dma_semaphore, #tpu.memory_space<semaphore_mem>>
    %dma_start3A_128 = tpu.memref_squeeze %dma_start3A_127 : memref<1x!tpu.dma_semaphore, #tpu.memory_space<semaphore_mem>> -> memref<!tpu.dma_semaphore, #tpu.memory_space<semaphore_mem>>
    tpu.enqueue_indirect_dma source(%arg14 : memref<10000xf32, #tpu.memory_space<vmem>>) target(%dma_start3A_126 : memref<100352xf32, #tpu.memory_space<vmem_shared>>) offsets(%arg10 : memref<10000xi32, #tpu.memory_space<vmem>>) semaphore(%dma_start3A_128 : memref<!tpu.dma_semaphore, #tpu.memory_space<semaphore_mem>>) {add = true}
    %dma_wait3A_129 = arith.constant 0 : i32
    %dma_wait3A_130 = arith.constant 0 : i32
    %dma_wait3A_131 = tpu.memref_slice %arg15[%dma_wait3A_130] : memref<100352xf32, #tpu.memory_space<vmem_shared>> -> memref<100352xf32, #tpu.memory_space<vmem_shared>>
    %dma_wait3A_132 = tpu.memref_slice %arg23[%dma_wait3A_129] : memref<2x!tpu.dma_semaphore, #tpu.memory_space<semaphore_mem>> -> memref<1x!tpu.dma_semaphore, #tpu.memory_space<semaphore_mem>>
    %dma_wait3A_133 = tpu.memref_squeeze %dma_wait3A_132 : memref<1x!tpu.dma_semaphore, #tpu.memory_space<semaphore_mem>> -> memref<!tpu.dma_semaphore, #tpu.memory_space<semaphore_mem>>
    tpu.wait_indirect_dma semaphore(%dma_wait3A_133 : memref<!tpu.dma_semaphore, #tpu.memory_space<semaphore_mem>>) src(%arg11 : memref<10000xf32, #tpu.memory_space<vmem>>) dst(%dma_wait3A_131 : memref<100352xf32, #tpu.memory_space<vmem_shared>>)
    %dma_wait3A_134 = arith.constant 0 : i32
    %dma_wait3A_135 = arith.constant 0 : i32
    %dma_wait3A_136 = tpu.memref_slice %arg16[%dma_wait3A_135] : memref<100352xf32, #tpu.memory_space<vmem_shared>> -> memref<100352xf32, #tpu.memory_space<vmem_shared>>
    %dma_wait3A_137 = tpu.memref_slice %arg24[%dma_wait3A_134] : memref<2x!tpu.dma_semaphore, #tpu.memory_space<semaphore_mem>> -> memref<1x!tpu.dma_semaphore, #tpu.memory_space<semaphore_mem>>
    %dma_wait3A_138 = tpu.memref_squeeze %dma_wait3A_137 : memref<1x!tpu.dma_semaphore, #tpu.memory_space<semaphore_mem>> -> memref<!tpu.dma_semaphore, #tpu.memory_space<semaphore_mem>>
    tpu.wait_indirect_dma semaphore(%dma_wait3A_138 : memref<!tpu.dma_semaphore, #tpu.memory_space<semaphore_mem>>) src(%arg13 : memref<10000xf32, #tpu.memory_space<vmem>>) dst(%dma_wait3A_136 : memref<100352xf32, #tpu.memory_space<vmem_shared>>)
    %mul3A_139 = arith.constant 100000 : i32
    %mul3A_140 = arith.muli %add3A, %mul3A_139 : i32
    %add3A_141 = arith.constant 20000 : i32
    %add3A_142 = arith.addi %mul3A_140, %add3A_141 : i32
    %dma_start3A_143 = arith.constant 0 : i32
    %dma_start3A_144 = tpu.memref_slice %arg2[%add3A_142] : memref<6400000xi32, #tpu.memory_space<hbm>> -> memref<10000xi32, #tpu.memory_space<hbm>>
    %dma_start3A_145 = tpu.memref_slice %arg19[%dma_start3A_143] : memref<2x!tpu.dma_semaphore, #tpu.memory_space<semaphore_mem>> -> memref<1x!tpu.dma_semaphore, #tpu.memory_space<semaphore_mem>>
    %dma_start3A_146 = tpu.memref_squeeze %dma_start3A_145 : memref<1x!tpu.dma_semaphore, #tpu.memory_space<semaphore_mem>> -> memref<!tpu.dma_semaphore, #tpu.memory_space<semaphore_mem>>
    %dma_start3A_147 = tpu.memref_slice %arg2[%add3A_142] : memref<6400000xi32, #tpu.memory_space<hbm>> -> memref<10000xi32, #tpu.memory_space<hbm>>
    tpu.enqueue_dma source(%dma_start3A_147 : memref<10000xi32, #tpu.memory_space<hbm>>) target(%arg7 : memref<10000xi32, #tpu.memory_space<vmem>>) target_semaphore(%dma_start3A_146 : memref<!tpu.dma_semaphore, #tpu.memory_space<semaphore_mem>>)
    %add3A_148 = arith.constant 3200000 : i32
    %add3A_149 = arith.addi %add3A_148, %add3A_142 : i32
    %dma_start3A_150 = arith.constant 0 : i32
    %dma_start3A_151 = tpu.memref_slice %arg2[%add3A_149] : memref<6400000xi32, #tpu.memory_space<hbm>> -> memref<10000xi32, #tpu.memory_space<hbm>>
    %dma_start3A_152 = tpu.memref_slice %arg20[%dma_start3A_150] : memref<2x!tpu.dma_semaphore, #tpu.memory_space<semaphore_mem>> -> memref<1x!tpu.dma_semaphore, #tpu.memory_space<semaphore_mem>>
    %dma_start3A_153 = tpu.memref_squeeze %dma_start3A_152 : memref<1x!tpu.dma_semaphore, #tpu.memory_space<semaphore_mem>> -> memref<!tpu.dma_semaphore, #tpu.memory_space<semaphore_mem>>
    %dma_start3A_154 = tpu.memref_slice %arg2[%add3A_149] : memref<6400000xi32, #tpu.memory_space<hbm>> -> memref<10000xi32, #tpu.memory_space<hbm>>
    tpu.enqueue_dma source(%dma_start3A_154 : memref<10000xi32, #tpu.memory_space<hbm>>) target(%arg9 : memref<10000xi32, #tpu.memory_space<vmem>>) target_semaphore(%dma_start3A_153 : memref<!tpu.dma_semaphore, #tpu.memory_space<semaphore_mem>>)
    %dma_wait3A_155 = arith.constant 0 : i32
    %dma_wait3A_156 = tpu.memref_slice %arg2[%add3A_142] : memref<6400000xi32, #tpu.memory_space<hbm>> -> memref<10000xi32, #tpu.memory_space<hbm>>
    %dma_wait3A_157 = tpu.memref_slice %arg19[%dma_wait3A_155] : memref<2x!tpu.dma_semaphore, #tpu.memory_space<semaphore_mem>> -> memref<1x!tpu.dma_semaphore, #tpu.memory_space<semaphore_mem>>
    %dma_wait3A_158 = tpu.memref_squeeze %dma_wait3A_157 : memref<1x!tpu.dma_semaphore, #tpu.memory_space<semaphore_mem>> -> memref<!tpu.dma_semaphore, #tpu.memory_space<semaphore_mem>>
    %dma_wait3A_159 = tpu.memref_slice %arg2[%add3A_142] : memref<6400000xi32, #tpu.memory_space<hbm>> -> memref<10000xi32, #tpu.memory_space<hbm>>
    tpu.wait_dma2 semaphore(%dma_wait3A_158 : memref<!tpu.dma_semaphore, #tpu.memory_space<semaphore_mem>>) src(%dma_wait3A_159 : memref<10000xi32, #tpu.memory_space<hbm>>) dst(%arg7 : memref<10000xi32, #tpu.memory_space<vmem>>)
    %dma_wait3A_160 = arith.constant 0 : i32
    %dma_wait3A_161 = tpu.memref_slice %arg2[%add3A_149] : memref<6400000xi32, #tpu.memory_space<hbm>> -> memref<10000xi32, #tpu.memory_space<hbm>>
    %dma_wait3A_162 = tpu.memref_slice %arg20[%dma_wait3A_160] : memref<2x!tpu.dma_semaphore, #tpu.memory_space<semaphore_mem>> -> memref<1x!tpu.dma_semaphore, #tpu.memory_space<semaphore_mem>>
    %dma_wait3A_163 = tpu.memref_squeeze %dma_wait3A_162 : memref<1x!tpu.dma_semaphore, #tpu.memory_space<semaphore_mem>> -> memref<!tpu.dma_semaphore, #tpu.memory_space<semaphore_mem>>
    %dma_wait3A_164 = tpu.memref_slice %arg2[%add3A_149] : memref<6400000xi32, #tpu.memory_space<hbm>> -> memref<10000xi32, #tpu.memory_space<hbm>>
    tpu.wait_dma2 semaphore(%dma_wait3A_163 : memref<!tpu.dma_semaphore, #tpu.memory_space<semaphore_mem>>) src(%dma_wait3A_164 : memref<10000xi32, #tpu.memory_space<hbm>>) dst(%arg9 : memref<10000xi32, #tpu.memory_space<vmem>>)
    %dma_start3A_165 = arith.constant 0 : i32
    %dma_start3A_166 = arith.constant 0 : i32
    %dma_start3A_167 = tpu.memref_slice %arg17[%dma_start3A_166] : memref<100352xf32, #tpu.memory_space<vmem_shared>> -> memref<100352xf32, #tpu.memory_space<vmem_shared>>
    %dma_start3A_168 = tpu.memref_slice %arg21[%dma_start3A_165] : memref<2x!tpu.dma_semaphore, #tpu.memory_space<semaphore_mem>> -> memref<1x!tpu.dma_semaphore, #tpu.memory_space<semaphore_mem>>
    %dma_start3A_169 = tpu.memref_squeeze %dma_start3A_168 : memref<1x!tpu.dma_semaphore, #tpu.memory_space<semaphore_mem>> -> memref<!tpu.dma_semaphore, #tpu.memory_space<semaphore_mem>>
    tpu.enqueue_indirect_dma source(%dma_start3A_167 : memref<100352xf32, #tpu.memory_space<vmem_shared>>) target(%arg11 : memref<10000xf32, #tpu.memory_space<vmem>>) offsets(%arg7 : memref<10000xi32, #tpu.memory_space<vmem>>) semaphore(%dma_start3A_169 : memref<!tpu.dma_semaphore, #tpu.memory_space<semaphore_mem>>)
    %dma_start3A_170 = arith.constant 0 : i32
    %dma_start3A_171 = arith.constant 0 : i32
    %dma_start3A_172 = tpu.memref_slice %arg18[%dma_start3A_171] : memref<100352xf32, #tpu.memory_space<vmem_shared>> -> memref<100352xf32, #tpu.memory_space<vmem_shared>>
    %dma_start3A_173 = tpu.memref_slice %arg22[%dma_start3A_170] : memref<2x!tpu.dma_semaphore, #tpu.memory_space<semaphore_mem>> -> memref<1x!tpu.dma_semaphore, #tpu.memory_space<semaphore_mem>>
    %dma_start3A_174 = tpu.memref_squeeze %dma_start3A_173 : memref<1x!tpu.dma_semaphore, #tpu.memory_space<semaphore_mem>> -> memref<!tpu.dma_semaphore, #tpu.memory_space<semaphore_mem>>
    tpu.enqueue_indirect_dma source(%dma_start3A_172 : memref<100352xf32, #tpu.memory_space<vmem_shared>>) target(%arg13 : memref<10000xf32, #tpu.memory_space<vmem>>) offsets(%arg7 : memref<10000xi32, #tpu.memory_space<vmem>>) semaphore(%dma_start3A_174 : memref<!tpu.dma_semaphore, #tpu.memory_space<semaphore_mem>>)
    %dma_wait3A_175 = arith.constant 0 : i32
    %dma_wait3A_176 = arith.constant 0 : i32
    %dma_wait3A_177 = tpu.memref_slice %arg17[%dma_wait3A_176] : memref<100352xf32, #tpu.memory_space<vmem_shared>> -> memref<100352xf32, #tpu.memory_space<vmem_shared>>
    %dma_wait3A_178 = tpu.memref_slice %arg21[%dma_wait3A_175] : memref<2x!tpu.dma_semaphore, #tpu.memory_space<semaphore_mem>> -> memref<1x!tpu.dma_semaphore, #tpu.memory_space<semaphore_mem>>
    %dma_wait3A_179 = tpu.memref_squeeze %dma_wait3A_178 : memref<1x!tpu.dma_semaphore, #tpu.memory_space<semaphore_mem>> -> memref<!tpu.dma_semaphore, #tpu.memory_space<semaphore_mem>>
    tpu.wait_indirect_dma semaphore(%dma_wait3A_179 : memref<!tpu.dma_semaphore, #tpu.memory_space<semaphore_mem>>) src(%dma_wait3A_177 : memref<100352xf32, #tpu.memory_space<vmem_shared>>) dst(%arg11 : memref<10000xf32, #tpu.memory_space<vmem>>)
    %dma_wait3A_180 = arith.constant 0 : i32
    %dma_wait3A_181 = arith.constant 0 : i32
    %dma_wait3A_182 = tpu.memref_slice %arg18[%dma_wait3A_181] : memref<100352xf32, #tpu.memory_space<vmem_shared>> -> memref<100352xf32, #tpu.memory_space<vmem_shared>>
    %dma_wait3A_183 = tpu.memref_slice %arg22[%dma_wait3A_180] : memref<2x!tpu.dma_semaphore, #tpu.memory_space<semaphore_mem>> -> memref<1x!tpu.dma_semaphore, #tpu.memory_space<semaphore_mem>>
    %dma_wait3A_184 = tpu.memref_squeeze %dma_wait3A_183 : memref<1x!tpu.dma_semaphore, #tpu.memory_space<semaphore_mem>> -> memref<!tpu.dma_semaphore, #tpu.memory_space<semaphore_mem>>
    tpu.wait_indirect_dma semaphore(%dma_wait3A_184 : memref<!tpu.dma_semaphore, #tpu.memory_space<semaphore_mem>>) src(%dma_wait3A_182 : memref<100352xf32, #tpu.memory_space<vmem_shared>>) dst(%arg13 : memref<10000xf32, #tpu.memory_space<vmem>>)
    %dma_start3A_185 = arith.constant 0 : i32
    %dma_start3A_186 = arith.constant 0 : i32
    %dma_start3A_187 = tpu.memref_slice %arg15[%dma_start3A_186] : memref<100352xf32, #tpu.memory_space<vmem_shared>> -> memref<100352xf32, #tpu.memory_space<vmem_shared>>
    %dma_start3A_188 = tpu.memref_slice %arg23[%dma_start3A_185] : memref<2x!tpu.dma_semaphore, #tpu.memory_space<semaphore_mem>> -> memref<1x!tpu.dma_semaphore, #tpu.memory_space<semaphore_mem>>
    %dma_start3A_189 = tpu.memref_squeeze %dma_start3A_188 : memref<1x!tpu.dma_semaphore, #tpu.memory_space<semaphore_mem>> -> memref<!tpu.dma_semaphore, #tpu.memory_space<semaphore_mem>>
    tpu.enqueue_indirect_dma source(%arg11 : memref<10000xf32, #tpu.memory_space<vmem>>) target(%dma_start3A_187 : memref<100352xf32, #tpu.memory_space<vmem_shared>>) offsets(%arg9 : memref<10000xi32, #tpu.memory_space<vmem>>) semaphore(%dma_start3A_189 : memref<!tpu.dma_semaphore, #tpu.memory_space<semaphore_mem>>) {add = true}
    %dma_start3A_190 = arith.constant 0 : i32
    %dma_start3A_191 = arith.constant 0 : i32
    %dma_start3A_192 = tpu.memref_slice %arg16[%dma_start3A_191] : memref<100352xf32, #tpu.memory_space<vmem_shared>> -> memref<100352xf32, #tpu.memory_space<vmem_shared>>
    %dma_start3A_193 = tpu.memref_slice %arg24[%dma_start3A_190] : memref<2x!tpu.dma_semaphore, #tpu.memory_space<semaphore_mem>> -> memref<1x!tpu.dma_semaphore, #tpu.memory_space<semaphore_mem>>
    %dma_start3A_194 = tpu.memref_squeeze %dma_start3A_193 : memref<1x!tpu.dma_semaphore, #tpu.memory_space<semaphore_mem>> -> memref<!tpu.dma_semaphore, #tpu.memory_space<semaphore_mem>>
    tpu.enqueue_indirect_dma source(%arg13 : memref<10000xf32, #tpu.memory_space<vmem>>) target(%dma_start3A_192 : memref<100352xf32, #tpu.memory_space<vmem_shared>>) offsets(%arg9 : memref<10000xi32, #tpu.memory_space<vmem>>) semaphore(%dma_start3A_194 : memref<!tpu.dma_semaphore, #tpu.memory_space<semaphore_mem>>) {add = true}
    %dma_wait3A_195 = arith.constant 1 : i32
    %dma_wait3A_196 = arith.constant 0 : i32
    %dma_wait3A_197 = tpu.memref_slice %arg15[%dma_wait3A_196] : memref<100352xf32, #tpu.memory_space<vmem_shared>> -> memref<100352xf32, #tpu.memory_space<vmem_shared>>
    %dma_wait3A_198 = tpu.memref_slice %arg23[%dma_wait3A_195] : memref<2x!tpu.dma_semaphore, #tpu.memory_space<semaphore_mem>> -> memref<1x!tpu.dma_semaphore, #tpu.memory_space<semaphore_mem>>
    %dma_wait3A_199 = tpu.memref_squeeze %dma_wait3A_198 : memref<1x!tpu.dma_semaphore, #tpu.memory_space<semaphore_mem>> -> memref<!tpu.dma_semaphore, #tpu.memory_space<semaphore_mem>>
    tpu.wait_indirect_dma semaphore(%dma_wait3A_199 : memref<!tpu.dma_semaphore, #tpu.memory_space<semaphore_mem>>) src(%arg12 : memref<10000xf32, #tpu.memory_space<vmem>>) dst(%dma_wait3A_197 : memref<100352xf32, #tpu.memory_space<vmem_shared>>)
    %dma_wait3A_200 = arith.constant 1 : i32
    %dma_wait3A_201 = arith.constant 0 : i32
    %dma_wait3A_202 = tpu.memref_slice %arg16[%dma_wait3A_201] : memref<100352xf32, #tpu.memory_space<vmem_shared>> -> memref<100352xf32, #tpu.memory_space<vmem_shared>>
    %dma_wait3A_203 = tpu.memref_slice %arg24[%dma_wait3A_200] : memref<2x!tpu.dma_semaphore, #tpu.memory_space<semaphore_mem>> -> memref<1x!tpu.dma_semaphore, #tpu.memory_space<semaphore_mem>>
    %dma_wait3A_204 = tpu.memref_squeeze %dma_wait3A_203 : memref<1x!tpu.dma_semaphore, #tpu.memory_space<semaphore_mem>> -> memref<!tpu.dma_semaphore, #tpu.memory_space<semaphore_mem>>
    tpu.wait_indirect_dma semaphore(%dma_wait3A_204 : memref<!tpu.dma_semaphore, #tpu.memory_space<semaphore_mem>>) src(%arg14 : memref<10000xf32, #tpu.memory_space<vmem>>) dst(%dma_wait3A_202 : memref<100352xf32, #tpu.memory_space<vmem_shared>>)
    %mul3A_205 = arith.constant 100000 : i32
    %mul3A_206 = arith.muli %add3A, %mul3A_205 : i32
    %add3A_207 = arith.constant 30000 : i32
    %add3A_208 = arith.addi %mul3A_206, %add3A_207 : i32
    %dma_start3A_209 = arith.constant 1 : i32
    %dma_start3A_210 = tpu.memref_slice %arg2[%add3A_208] : memref<6400000xi32, #tpu.memory_space<hbm>> -> memref<10000xi32, #tpu.memory_space<hbm>>
    %dma_start3A_211 = tpu.memref_slice %arg19[%dma_start3A_209] : memref<2x!tpu.dma_semaphore, #tpu.memory_space<semaphore_mem>> -> memref<1x!tpu.dma_semaphore, #tpu.memory_space<semaphore_mem>>
    %dma_start3A_212 = tpu.memref_squeeze %dma_start3A_211 : memref<1x!tpu.dma_semaphore, #tpu.memory_space<semaphore_mem>> -> memref<!tpu.dma_semaphore, #tpu.memory_space<semaphore_mem>>
    %dma_start3A_213 = tpu.memref_slice %arg2[%add3A_208] : memref<6400000xi32, #tpu.memory_space<hbm>> -> memref<10000xi32, #tpu.memory_space<hbm>>
    tpu.enqueue_dma source(%dma_start3A_213 : memref<10000xi32, #tpu.memory_space<hbm>>) target(%arg8 : memref<10000xi32, #tpu.memory_space<vmem>>) target_semaphore(%dma_start3A_212 : memref<!tpu.dma_semaphore, #tpu.memory_space<semaphore_mem>>)
    %add3A_214 = arith.constant 3200000 : i32
    %add3A_215 = arith.addi %add3A_214, %add3A_208 : i32
    %dma_start3A_216 = arith.constant 1 : i32
    %dma_start3A_217 = tpu.memref_slice %arg2[%add3A_215] : memref<6400000xi32, #tpu.memory_space<hbm>> -> memref<10000xi32, #tpu.memory_space<hbm>>
    %dma_start3A_218 = tpu.memref_slice %arg20[%dma_start3A_216] : memref<2x!tpu.dma_semaphore, #tpu.memory_space<semaphore_mem>> -> memref<1x!tpu.dma_semaphore, #tpu.memory_space<semaphore_mem>>
    %dma_start3A_219 = tpu.memref_squeeze %dma_start3A_218 : memref<1x!tpu.dma_semaphore, #tpu.memory_space<semaphore_mem>> -> memref<!tpu.dma_semaphore, #tpu.memory_space<semaphore_mem>>
    %dma_start3A_220 = tpu.memref_slice %arg2[%add3A_215] : memref<6400000xi32, #tpu.memory_space<hbm>> -> memref<10000xi32, #tpu.memory_space<hbm>>
    tpu.enqueue_dma source(%dma_start3A_220 : memref<10000xi32, #tpu.memory_space<hbm>>) target(%arg10 : memref<10000xi32, #tpu.memory_space<vmem>>) target_semaphore(%dma_start3A_219 : memref<!tpu.dma_semaphore, #tpu.memory_space<semaphore_mem>>)
    %dma_wait3A_221 = arith.constant 1 : i32
    %dma_wait3A_222 = tpu.memref_slice %arg2[%add3A_208] : memref<6400000xi32, #tpu.memory_space<hbm>> -> memref<10000xi32, #tpu.memory_space<hbm>>
    %dma_wait3A_223 = tpu.memref_slice %arg19[%dma_wait3A_221] : memref<2x!tpu.dma_semaphore, #tpu.memory_space<semaphore_mem>> -> memref<1x!tpu.dma_semaphore, #tpu.memory_space<semaphore_mem>>
    %dma_wait3A_224 = tpu.memref_squeeze %dma_wait3A_223 : memref<1x!tpu.dma_semaphore, #tpu.memory_space<semaphore_mem>> -> memref<!tpu.dma_semaphore, #tpu.memory_space<semaphore_mem>>
    %dma_wait3A_225 = tpu.memref_slice %arg2[%add3A_208] : memref<6400000xi32, #tpu.memory_space<hbm>> -> memref<10000xi32, #tpu.memory_space<hbm>>
    tpu.wait_dma2 semaphore(%dma_wait3A_224 : memref<!tpu.dma_semaphore, #tpu.memory_space<semaphore_mem>>) src(%dma_wait3A_225 : memref<10000xi32, #tpu.memory_space<hbm>>) dst(%arg8 : memref<10000xi32, #tpu.memory_space<vmem>>)
    %dma_wait3A_226 = arith.constant 1 : i32
    %dma_wait3A_227 = tpu.memref_slice %arg2[%add3A_215] : memref<6400000xi32, #tpu.memory_space<hbm>> -> memref<10000xi32, #tpu.memory_space<hbm>>
    %dma_wait3A_228 = tpu.memref_slice %arg20[%dma_wait3A_226] : memref<2x!tpu.dma_semaphore, #tpu.memory_space<semaphore_mem>> -> memref<1x!tpu.dma_semaphore, #tpu.memory_space<semaphore_mem>>
    %dma_wait3A_229 = tpu.memref_squeeze %dma_wait3A_228 : memref<1x!tpu.dma_semaphore, #tpu.memory_space<semaphore_mem>> -> memref<!tpu.dma_semaphore, #tpu.memory_space<semaphore_mem>>
    %dma_wait3A_230 = tpu.memref_slice %arg2[%add3A_215] : memref<6400000xi32, #tpu.memory_space<hbm>> -> memref<10000xi32, #tpu.memory_space<hbm>>
    tpu.wait_dma2 semaphore(%dma_wait3A_229 : memref<!tpu.dma_semaphore, #tpu.memory_space<semaphore_mem>>) src(%dma_wait3A_230 : memref<10000xi32, #tpu.memory_space<hbm>>) dst(%arg10 : memref<10000xi32, #tpu.memory_space<vmem>>)
    %dma_start3A_231 = arith.constant 1 : i32
    %dma_start3A_232 = arith.constant 0 : i32
    %dma_start3A_233 = tpu.memref_slice %arg17[%dma_start3A_232] : memref<100352xf32, #tpu.memory_space<vmem_shared>> -> memref<100352xf32, #tpu.memory_space<vmem_shared>>
    %dma_start3A_234 = tpu.memref_slice %arg21[%dma_start3A_231] : memref<2x!tpu.dma_semaphore, #tpu.memory_space<semaphore_mem>> -> memref<1x!tpu.dma_semaphore, #tpu.memory_space<semaphore_mem>>
    %dma_start3A_235 = tpu.memref_squeeze %dma_start3A_234 : memref<1x!tpu.dma_semaphore, #tpu.memory_space<semaphore_mem>> -> memref<!tpu.dma_semaphore, #tpu.memory_space<semaphore_mem>>
    tpu.enqueue_indirect_dma source(%dma_start3A_233 : memref<100352xf32, #tpu.memory_space<vmem_shared>>) target(%arg12 : memref<10000xf32, #tpu.memory_space<vmem>>) offsets(%arg8 : memref<10000xi32, #tpu.memory_space<vmem>>) semaphore(%dma_start3A_235 : memref<!tpu.dma_semaphore, #tpu.memory_space<semaphore_mem>>)
    %dma_start3A_236 = arith.constant 1 : i32
    %dma_start3A_237 = arith.constant 0 : i32
    %dma_start3A_238 = tpu.memref_slice %arg18[%dma_start3A_237] : memref<100352xf32, #tpu.memory_space<vmem_shared>> -> memref<100352xf32, #tpu.memory_space<vmem_shared>>
    %dma_start3A_239 = tpu.memref_slice %arg22[%dma_start3A_236] : memref<2x!tpu.dma_semaphore, #tpu.memory_space<semaphore_mem>> -> memref<1x!tpu.dma_semaphore, #tpu.memory_space<semaphore_mem>>
    %dma_start3A_240 = tpu.memref_squeeze %dma_start3A_239 : memref<1x!tpu.dma_semaphore, #tpu.memory_space<semaphore_mem>> -> memref<!tpu.dma_semaphore, #tpu.memory_space<semaphore_mem>>
    tpu.enqueue_indirect_dma source(%dma_start3A_238 : memref<100352xf32, #tpu.memory_space<vmem_shared>>) target(%arg14 : memref<10000xf32, #tpu.memory_space<vmem>>) offsets(%arg8 : memref<10000xi32, #tpu.memory_space<vmem>>) semaphore(%dma_start3A_240 : memref<!tpu.dma_semaphore, #tpu.memory_space<semaphore_mem>>)
    %dma_wait3A_241 = arith.constant 1 : i32
    %dma_wait3A_242 = arith.constant 0 : i32
    %dma_wait3A_243 = tpu.memref_slice %arg17[%dma_wait3A_242] : memref<100352xf32, #tpu.memory_space<vmem_shared>> -> memref<100352xf32, #tpu.memory_space<vmem_shared>>
    %dma_wait3A_244 = tpu.memref_slice %arg21[%dma_wait3A_241] : memref<2x!tpu.dma_semaphore, #tpu.memory_space<semaphore_mem>> -> memref<1x!tpu.dma_semaphore, #tpu.memory_space<semaphore_mem>>
    %dma_wait3A_245 = tpu.memref_squeeze %dma_wait3A_244 : memref<1x!tpu.dma_semaphore, #tpu.memory_space<semaphore_mem>> -> memref<!tpu.dma_semaphore, #tpu.memory_space<semaphore_mem>>
    tpu.wait_indirect_dma semaphore(%dma_wait3A_245 : memref<!tpu.dma_semaphore, #tpu.memory_space<semaphore_mem>>) src(%dma_wait3A_243 : memref<100352xf32, #tpu.memory_space<vmem_shared>>) dst(%arg12 : memref<10000xf32, #tpu.memory_space<vmem>>)
    %dma_wait3A_246 = arith.constant 1 : i32
    %dma_wait3A_247 = arith.constant 0 : i32
    %dma_wait3A_248 = tpu.memref_slice %arg18[%dma_wait3A_247] : memref<100352xf32, #tpu.memory_space<vmem_shared>> -> memref<100352xf32, #tpu.memory_space<vmem_shared>>
    %dma_wait3A_249 = tpu.memref_slice %arg22[%dma_wait3A_246] : memref<2x!tpu.dma_semaphore, #tpu.memory_space<semaphore_mem>> -> memref<1x!tpu.dma_semaphore, #tpu.memory_space<semaphore_mem>>
    %dma_wait3A_250 = tpu.memref_squeeze %dma_wait3A_249 : memref<1x!tpu.dma_semaphore, #tpu.memory_space<semaphore_mem>> -> memref<!tpu.dma_semaphore, #tpu.memory_space<semaphore_mem>>
    tpu.wait_indirect_dma semaphore(%dma_wait3A_250 : memref<!tpu.dma_semaphore, #tpu.memory_space<semaphore_mem>>) src(%dma_wait3A_248 : memref<100352xf32, #tpu.memory_space<vmem_shared>>) dst(%arg14 : memref<10000xf32, #tpu.memory_space<vmem>>)
    %dma_start3A_251 = arith.constant 1 : i32
    %dma_start3A_252 = arith.constant 0 : i32
    %dma_start3A_253 = tpu.memref_slice %arg15[%dma_start3A_252] : memref<100352xf32, #tpu.memory_space<vmem_shared>> -> memref<100352xf32, #tpu.memory_space<vmem_shared>>
    %dma_start3A_254 = tpu.memref_slice %arg23[%dma_start3A_251] : memref<2x!tpu.dma_semaphore, #tpu.memory_space<semaphore_mem>> -> memref<1x!tpu.dma_semaphore, #tpu.memory_space<semaphore_mem>>
    %dma_start3A_255 = tpu.memref_squeeze %dma_start3A_254 : memref<1x!tpu.dma_semaphore, #tpu.memory_space<semaphore_mem>> -> memref<!tpu.dma_semaphore, #tpu.memory_space<semaphore_mem>>
    tpu.enqueue_indirect_dma source(%arg12 : memref<10000xf32, #tpu.memory_space<vmem>>) target(%dma_start3A_253 : memref<100352xf32, #tpu.memory_space<vmem_shared>>) offsets(%arg10 : memref<10000xi32, #tpu.memory_space<vmem>>) semaphore(%dma_start3A_255 : memref<!tpu.dma_semaphore, #tpu.memory_space<semaphore_mem>>) {add = true}
    %dma_start3A_256 = arith.constant 1 : i32
    %dma_start3A_257 = arith.constant 0 : i32
    %dma_start3A_258 = tpu.memref_slice %arg16[%dma_start3A_257] : memref<100352xf32, #tpu.memory_space<vmem_shared>> -> memref<100352xf32, #tpu.memory_space<vmem_shared>>
    %dma_start3A_259 = tpu.memref_slice %arg24[%dma_start3A_256] : memref<2x!tpu.dma_semaphore, #tpu.memory_space<semaphore_mem>> -> memref<1x!tpu.dma_semaphore, #tpu.memory_space<semaphore_mem>>
    %dma_start3A_260 = tpu.memref_squeeze %dma_start3A_259 : memref<1x!tpu.dma_semaphore, #tpu.memory_space<semaphore_mem>> -> memref<!tpu.dma_semaphore, #tpu.memory_space<semaphore_mem>>
    tpu.enqueue_indirect_dma source(%arg14 : memref<10000xf32, #tpu.memory_space<vmem>>) target(%dma_start3A_258 : memref<100352xf32, #tpu.memory_space<vmem_shared>>) offsets(%arg10 : memref<10000xi32, #tpu.memory_space<vmem>>) semaphore(%dma_start3A_260 : memref<!tpu.dma_semaphore, #tpu.memory_space<semaphore_mem>>) {add = true}
    %dma_wait3A_261 = arith.constant 0 : i32
    %dma_wait3A_262 = arith.constant 0 : i32
    %dma_wait3A_263 = tpu.memref_slice %arg15[%dma_wait3A_262] : memref<100352xf32, #tpu.memory_space<vmem_shared>> -> memref<100352xf32, #tpu.memory_space<vmem_shared>>
    %dma_wait3A_264 = tpu.memref_slice %arg23[%dma_wait3A_261] : memref<2x!tpu.dma_semaphore, #tpu.memory_space<semaphore_mem>> -> memref<1x!tpu.dma_semaphore, #tpu.memory_space<semaphore_mem>>
    %dma_wait3A_265 = tpu.memref_squeeze %dma_wait3A_264 : memref<1x!tpu.dma_semaphore, #tpu.memory_space<semaphore_mem>> -> memref<!tpu.dma_semaphore, #tpu.memory_space<semaphore_mem>>
    tpu.wait_indirect_dma semaphore(%dma_wait3A_265 : memref<!tpu.dma_semaphore, #tpu.memory_space<semaphore_mem>>) src(%arg11 : memref<10000xf32, #tpu.memory_space<vmem>>) dst(%dma_wait3A_263 : memref<100352xf32, #tpu.memory_space<vmem_shared>>)
    %dma_wait3A_266 = arith.constant 0 : i32
    %dma_wait3A_267 = arith.constant 0 : i32
    %dma_wait3A_268 = tpu.memref_slice %arg16[%dma_wait3A_267] : memref<100352xf32, #tpu.memory_space<vmem_shared>> -> memref<100352xf32, #tpu.memory_space<vmem_shared>>
    %dma_wait3A_269 = tpu.memref_slice %arg24[%dma_wait3A_266] : memref<2x!tpu.dma_semaphore, #tpu.memory_space<semaphore_mem>> -> memref<1x!tpu.dma_semaphore, #tpu.memory_space<semaphore_mem>>
    %dma_wait3A_270 = tpu.memref_squeeze %dma_wait3A_269 : memref<1x!tpu.dma_semaphore, #tpu.memory_space<semaphore_mem>> -> memref<!tpu.dma_semaphore, #tpu.memory_space<semaphore_mem>>
    tpu.wait_indirect_dma semaphore(%dma_wait3A_270 : memref<!tpu.dma_semaphore, #tpu.memory_space<semaphore_mem>>) src(%arg13 : memref<10000xf32, #tpu.memory_space<vmem>>) dst(%dma_wait3A_268 : memref<100352xf32, #tpu.memory_space<vmem_shared>>)
    %mul3A_271 = arith.constant 100000 : i32
    %mul3A_272 = arith.muli %add3A, %mul3A_271 : i32
    %add3A_273 = arith.constant 40000 : i32
    %add3A_274 = arith.addi %mul3A_272, %add3A_273 : i32
    %dma_start3A_275 = arith.constant 0 : i32
    %dma_start3A_276 = tpu.memref_slice %arg2[%add3A_274] : memref<6400000xi32, #tpu.memory_space<hbm>> -> memref<10000xi32, #tpu.memory_space<hbm>>
    %dma_start3A_277 = tpu.memref_slice %arg19[%dma_start3A_275] : memref<2x!tpu.dma_semaphore, #tpu.memory_space<semaphore_mem>> -> memref<1x!tpu.dma_semaphore, #tpu.memory_space<semaphore_mem>>
    %dma_start3A_278 = tpu.memref_squeeze %dma_start3A_277 : memref<1x!tpu.dma_semaphore, #tpu.memory_space<semaphore_mem>> -> memref<!tpu.dma_semaphore, #tpu.memory_space<semaphore_mem>>
    %dma_start3A_279 = tpu.memref_slice %arg2[%add3A_274] : memref<6400000xi32, #tpu.memory_space<hbm>> -> memref<10000xi32, #tpu.memory_space<hbm>>
    tpu.enqueue_dma source(%dma_start3A_279 : memref<10000xi32, #tpu.memory_space<hbm>>) target(%arg7 : memref<10000xi32, #tpu.memory_space<vmem>>) target_semaphore(%dma_start3A_278 : memref<!tpu.dma_semaphore, #tpu.memory_space<semaphore_mem>>)
    %add3A_280 = arith.constant 3200000 : i32
    %add3A_281 = arith.addi %add3A_280, %add3A_274 : i32
    %dma_start3A_282 = arith.constant 0 : i32
    %dma_start3A_283 = tpu.memref_slice %arg2[%add3A_281] : memref<6400000xi32, #tpu.memory_space<hbm>> -> memref<10000xi32, #tpu.memory_space<hbm>>
    %dma_start3A_284 = tpu.memref_slice %arg20[%dma_start3A_282] : memref<2x!tpu.dma_semaphore, #tpu.memory_space<semaphore_mem>> -> memref<1x!tpu.dma_semaphore, #tpu.memory_space<semaphore_mem>>
    %dma_start3A_285 = tpu.memref_squeeze %dma_start3A_284 : memref<1x!tpu.dma_semaphore, #tpu.memory_space<semaphore_mem>> -> memref<!tpu.dma_semaphore, #tpu.memory_space<semaphore_mem>>
    %dma_start3A_286 = tpu.memref_slice %arg2[%add3A_281] : memref<6400000xi32, #tpu.memory_space<hbm>> -> memref<10000xi32, #tpu.memory_space<hbm>>
    tpu.enqueue_dma source(%dma_start3A_286 : memref<10000xi32, #tpu.memory_space<hbm>>) target(%arg9 : memref<10000xi32, #tpu.memory_space<vmem>>) target_semaphore(%dma_start3A_285 : memref<!tpu.dma_semaphore, #tpu.memory_space<semaphore_mem>>)
    %dma_wait3A_287 = arith.constant 0 : i32
    %dma_wait3A_288 = tpu.memref_slice %arg2[%add3A_274] : memref<6400000xi32, #tpu.memory_space<hbm>> -> memref<10000xi32, #tpu.memory_space<hbm>>
    %dma_wait3A_289 = tpu.memref_slice %arg19[%dma_wait3A_287] : memref<2x!tpu.dma_semaphore, #tpu.memory_space<semaphore_mem>> -> memref<1x!tpu.dma_semaphore, #tpu.memory_space<semaphore_mem>>
    %dma_wait3A_290 = tpu.memref_squeeze %dma_wait3A_289 : memref<1x!tpu.dma_semaphore, #tpu.memory_space<semaphore_mem>> -> memref<!tpu.dma_semaphore, #tpu.memory_space<semaphore_mem>>
    %dma_wait3A_291 = tpu.memref_slice %arg2[%add3A_274] : memref<6400000xi32, #tpu.memory_space<hbm>> -> memref<10000xi32, #tpu.memory_space<hbm>>
    tpu.wait_dma2 semaphore(%dma_wait3A_290 : memref<!tpu.dma_semaphore, #tpu.memory_space<semaphore_mem>>) src(%dma_wait3A_291 : memref<10000xi32, #tpu.memory_space<hbm>>) dst(%arg7 : memref<10000xi32, #tpu.memory_space<vmem>>)
    %dma_wait3A_292 = arith.constant 0 : i32
    %dma_wait3A_293 = tpu.memref_slice %arg2[%add3A_281] : memref<6400000xi32, #tpu.memory_space<hbm>> -> memref<10000xi32, #tpu.memory_space<hbm>>
    %dma_wait3A_294 = tpu.memref_slice %arg20[%dma_wait3A_292] : memref<2x!tpu.dma_semaphore, #tpu.memory_space<semaphore_mem>> -> memref<1x!tpu.dma_semaphore, #tpu.memory_space<semaphore_mem>>
    %dma_wait3A_295 = tpu.memref_squeeze %dma_wait3A_294 : memref<1x!tpu.dma_semaphore, #tpu.memory_space<semaphore_mem>> -> memref<!tpu.dma_semaphore, #tpu.memory_space<semaphore_mem>>
    %dma_wait3A_296 = tpu.memref_slice %arg2[%add3A_281] : memref<6400000xi32, #tpu.memory_space<hbm>> -> memref<10000xi32, #tpu.memory_space<hbm>>
    tpu.wait_dma2 semaphore(%dma_wait3A_295 : memref<!tpu.dma_semaphore, #tpu.memory_space<semaphore_mem>>) src(%dma_wait3A_296 : memref<10000xi32, #tpu.memory_space<hbm>>) dst(%arg9 : memref<10000xi32, #tpu.memory_space<vmem>>)
    %dma_start3A_297 = arith.constant 0 : i32
    %dma_start3A_298 = arith.constant 0 : i32
    %dma_start3A_299 = tpu.memref_slice %arg17[%dma_start3A_298] : memref<100352xf32, #tpu.memory_space<vmem_shared>> -> memref<100352xf32, #tpu.memory_space<vmem_shared>>
    %dma_start3A_300 = tpu.memref_slice %arg21[%dma_start3A_297] : memref<2x!tpu.dma_semaphore, #tpu.memory_space<semaphore_mem>> -> memref<1x!tpu.dma_semaphore, #tpu.memory_space<semaphore_mem>>
    %dma_start3A_301 = tpu.memref_squeeze %dma_start3A_300 : memref<1x!tpu.dma_semaphore, #tpu.memory_space<semaphore_mem>> -> memref<!tpu.dma_semaphore, #tpu.memory_space<semaphore_mem>>
    tpu.enqueue_indirect_dma source(%dma_start3A_299 : memref<100352xf32, #tpu.memory_space<vmem_shared>>) target(%arg11 : memref<10000xf32, #tpu.memory_space<vmem>>) offsets(%arg7 : memref<10000xi32, #tpu.memory_space<vmem>>) semaphore(%dma_start3A_301 : memref<!tpu.dma_semaphore, #tpu.memory_space<semaphore_mem>>)
    %dma_start3A_302 = arith.constant 0 : i32
    %dma_start3A_303 = arith.constant 0 : i32
    %dma_start3A_304 = tpu.memref_slice %arg18[%dma_start3A_303] : memref<100352xf32, #tpu.memory_space<vmem_shared>> -> memref<100352xf32, #tpu.memory_space<vmem_shared>>
    %dma_start3A_305 = tpu.memref_slice %arg22[%dma_start3A_302] : memref<2x!tpu.dma_semaphore, #tpu.memory_space<semaphore_mem>> -> memref<1x!tpu.dma_semaphore, #tpu.memory_space<semaphore_mem>>
    %dma_start3A_306 = tpu.memref_squeeze %dma_start3A_305 : memref<1x!tpu.dma_semaphore, #tpu.memory_space<semaphore_mem>> -> memref<!tpu.dma_semaphore, #tpu.memory_space<semaphore_mem>>
    tpu.enqueue_indirect_dma source(%dma_start3A_304 : memref<100352xf32, #tpu.memory_space<vmem_shared>>) target(%arg13 : memref<10000xf32, #tpu.memory_space<vmem>>) offsets(%arg7 : memref<10000xi32, #tpu.memory_space<vmem>>) semaphore(%dma_start3A_306 : memref<!tpu.dma_semaphore, #tpu.memory_space<semaphore_mem>>)
    %dma_wait3A_307 = arith.constant 0 : i32
    %dma_wait3A_308 = arith.constant 0 : i32
    %dma_wait3A_309 = tpu.memref_slice %arg17[%dma_wait3A_308] : memref<100352xf32, #tpu.memory_space<vmem_shared>> -> memref<100352xf32, #tpu.memory_space<vmem_shared>>
    %dma_wait3A_310 = tpu.memref_slice %arg21[%dma_wait3A_307] : memref<2x!tpu.dma_semaphore, #tpu.memory_space<semaphore_mem>> -> memref<1x!tpu.dma_semaphore, #tpu.memory_space<semaphore_mem>>
    %dma_wait3A_311 = tpu.memref_squeeze %dma_wait3A_310 : memref<1x!tpu.dma_semaphore, #tpu.memory_space<semaphore_mem>> -> memref<!tpu.dma_semaphore, #tpu.memory_space<semaphore_mem>>
    tpu.wait_indirect_dma semaphore(%dma_wait3A_311 : memref<!tpu.dma_semaphore, #tpu.memory_space<semaphore_mem>>) src(%dma_wait3A_309 : memref<100352xf32, #tpu.memory_space<vmem_shared>>) dst(%arg11 : memref<10000xf32, #tpu.memory_space<vmem>>)
    %dma_wait3A_312 = arith.constant 0 : i32
    %dma_wait3A_313 = arith.constant 0 : i32
    %dma_wait3A_314 = tpu.memref_slice %arg18[%dma_wait3A_313] : memref<100352xf32, #tpu.memory_space<vmem_shared>> -> memref<100352xf32, #tpu.memory_space<vmem_shared>>
    %dma_wait3A_315 = tpu.memref_slice %arg22[%dma_wait3A_312] : memref<2x!tpu.dma_semaphore, #tpu.memory_space<semaphore_mem>> -> memref<1x!tpu.dma_semaphore, #tpu.memory_space<semaphore_mem>>
    %dma_wait3A_316 = tpu.memref_squeeze %dma_wait3A_315 : memref<1x!tpu.dma_semaphore, #tpu.memory_space<semaphore_mem>> -> memref<!tpu.dma_semaphore, #tpu.memory_space<semaphore_mem>>
    tpu.wait_indirect_dma semaphore(%dma_wait3A_316 : memref<!tpu.dma_semaphore, #tpu.memory_space<semaphore_mem>>) src(%dma_wait3A_314 : memref<100352xf32, #tpu.memory_space<vmem_shared>>) dst(%arg13 : memref<10000xf32, #tpu.memory_space<vmem>>)
    %dma_start3A_317 = arith.constant 0 : i32
    %dma_start3A_318 = arith.constant 0 : i32
    %dma_start3A_319 = tpu.memref_slice %arg15[%dma_start3A_318] : memref<100352xf32, #tpu.memory_space<vmem_shared>> -> memref<100352xf32, #tpu.memory_space<vmem_shared>>
    %dma_start3A_320 = tpu.memref_slice %arg23[%dma_start3A_317] : memref<2x!tpu.dma_semaphore, #tpu.memory_space<semaphore_mem>> -> memref<1x!tpu.dma_semaphore, #tpu.memory_space<semaphore_mem>>
    %dma_start3A_321 = tpu.memref_squeeze %dma_start3A_320 : memref<1x!tpu.dma_semaphore, #tpu.memory_space<semaphore_mem>> -> memref<!tpu.dma_semaphore, #tpu.memory_space<semaphore_mem>>
    tpu.enqueue_indirect_dma source(%arg11 : memref<10000xf32, #tpu.memory_space<vmem>>) target(%dma_start3A_319 : memref<100352xf32, #tpu.memory_space<vmem_shared>>) offsets(%arg9 : memref<10000xi32, #tpu.memory_space<vmem>>) semaphore(%dma_start3A_321 : memref<!tpu.dma_semaphore, #tpu.memory_space<semaphore_mem>>) {add = true}
    %dma_start3A_322 = arith.constant 0 : i32
    %dma_start3A_323 = arith.constant 0 : i32
    %dma_start3A_324 = tpu.memref_slice %arg16[%dma_start3A_323] : memref<100352xf32, #tpu.memory_space<vmem_shared>> -> memref<100352xf32, #tpu.memory_space<vmem_shared>>
    %dma_start3A_325 = tpu.memref_slice %arg24[%dma_start3A_322] : memref<2x!tpu.dma_semaphore, #tpu.memory_space<semaphore_mem>> -> memref<1x!tpu.dma_semaphore, #tpu.memory_space<semaphore_mem>>
    %dma_start3A_326 = tpu.memref_squeeze %dma_start3A_325 : memref<1x!tpu.dma_semaphore, #tpu.memory_space<semaphore_mem>> -> memref<!tpu.dma_semaphore, #tpu.memory_space<semaphore_mem>>
    tpu.enqueue_indirect_dma source(%arg13 : memref<10000xf32, #tpu.memory_space<vmem>>) target(%dma_start3A_324 : memref<100352xf32, #tpu.memory_space<vmem_shared>>) offsets(%arg9 : memref<10000xi32, #tpu.memory_space<vmem>>) semaphore(%dma_start3A_326 : memref<!tpu.dma_semaphore, #tpu.memory_space<semaphore_mem>>) {add = true}
    %dma_wait3A_327 = arith.constant 1 : i32
    %dma_wait3A_328 = arith.constant 0 : i32
    %dma_wait3A_329 = tpu.memref_slice %arg15[%dma_wait3A_328] : memref<100352xf32, #tpu.memory_space<vmem_shared>> -> memref<100352xf32, #tpu.memory_space<vmem_shared>>
    %dma_wait3A_330 = tpu.memref_slice %arg23[%dma_wait3A_327] : memref<2x!tpu.dma_semaphore, #tpu.memory_space<semaphore_mem>> -> memref<1x!tpu.dma_semaphore, #tpu.memory_space<semaphore_mem>>
    %dma_wait3A_331 = tpu.memref_squeeze %dma_wait3A_330 : memref<1x!tpu.dma_semaphore, #tpu.memory_space<semaphore_mem>> -> memref<!tpu.dma_semaphore, #tpu.memory_space<semaphore_mem>>
    tpu.wait_indirect_dma semaphore(%dma_wait3A_331 : memref<!tpu.dma_semaphore, #tpu.memory_space<semaphore_mem>>) src(%arg12 : memref<10000xf32, #tpu.memory_space<vmem>>) dst(%dma_wait3A_329 : memref<100352xf32, #tpu.memory_space<vmem_shared>>)
    %dma_wait3A_332 = arith.constant 1 : i32
    %dma_wait3A_333 = arith.constant 0 : i32
    %dma_wait3A_334 = tpu.memref_slice %arg16[%dma_wait3A_333] : memref<100352xf32, #tpu.memory_space<vmem_shared>> -> memref<100352xf32, #tpu.memory_space<vmem_shared>>
    %dma_wait3A_335 = tpu.memref_slice %arg24[%dma_wait3A_332] : memref<2x!tpu.dma_semaphore, #tpu.memory_space<semaphore_mem>> -> memref<1x!tpu.dma_semaphore, #tpu.memory_space<semaphore_mem>>
    %dma_wait3A_336 = tpu.memref_squeeze %dma_wait3A_335 : memref<1x!tpu.dma_semaphore, #tpu.memory_space<semaphore_mem>> -> memref<!tpu.dma_semaphore, #tpu.memory_space<semaphore_mem>>
    tpu.wait_indirect_dma semaphore(%dma_wait3A_336 : memref<!tpu.dma_semaphore, #tpu.memory_space<semaphore_mem>>) src(%arg14 : memref<10000xf32, #tpu.memory_space<vmem>>) dst(%dma_wait3A_334 : memref<100352xf32, #tpu.memory_space<vmem_shared>>)
    %mul3A_337 = arith.constant 100000 : i32
    %mul3A_338 = arith.muli %add3A, %mul3A_337 : i32
    %add3A_339 = arith.constant 50000 : i32
    %add3A_340 = arith.addi %mul3A_338, %add3A_339 : i32
    %dma_start3A_341 = arith.constant 1 : i32
    %dma_start3A_342 = tpu.memref_slice %arg2[%add3A_340] : memref<6400000xi32, #tpu.memory_space<hbm>> -> memref<10000xi32, #tpu.memory_space<hbm>>
    %dma_start3A_343 = tpu.memref_slice %arg19[%dma_start3A_341] : memref<2x!tpu.dma_semaphore, #tpu.memory_space<semaphore_mem>> -> memref<1x!tpu.dma_semaphore, #tpu.memory_space<semaphore_mem>>
    %dma_start3A_344 = tpu.memref_squeeze %dma_start3A_343 : memref<1x!tpu.dma_semaphore, #tpu.memory_space<semaphore_mem>> -> memref<!tpu.dma_semaphore, #tpu.memory_space<semaphore_mem>>
    %dma_start3A_345 = tpu.memref_slice %arg2[%add3A_340] : memref<6400000xi32, #tpu.memory_space<hbm>> -> memref<10000xi32, #tpu.memory_space<hbm>>
    tpu.enqueue_dma source(%dma_start3A_345 : memref<10000xi32, #tpu.memory_space<hbm>>) target(%arg8 : memref<10000xi32, #tpu.memory_space<vmem>>) target_semaphore(%dma_start3A_344 : memref<!tpu.dma_semaphore, #tpu.memory_space<semaphore_mem>>)
    %add3A_346 = arith.constant 3200000 : i32
    %add3A_347 = arith.addi %add3A_346, %add3A_340 : i32
    %dma_start3A_348 = arith.constant 1 : i32
    %dma_start3A_349 = tpu.memref_slice %arg2[%add3A_347] : memref<6400000xi32, #tpu.memory_space<hbm>> -> memref<10000xi32, #tpu.memory_space<hbm>>
    %dma_start3A_350 = tpu.memref_slice %arg20[%dma_start3A_348] : memref<2x!tpu.dma_semaphore, #tpu.memory_space<semaphore_mem>> -> memref<1x!tpu.dma_semaphore, #tpu.memory_space<semaphore_mem>>
    %dma_start3A_351 = tpu.memref_squeeze %dma_start3A_350 : memref<1x!tpu.dma_semaphore, #tpu.memory_space<semaphore_mem>> -> memref<!tpu.dma_semaphore, #tpu.memory_space<semaphore_mem>>
    %dma_start3A_352 = tpu.memref_slice %arg2[%add3A_347] : memref<6400000xi32, #tpu.memory_space<hbm>> -> memref<10000xi32, #tpu.memory_space<hbm>>
    tpu.enqueue_dma source(%dma_start3A_352 : memref<10000xi32, #tpu.memory_space<hbm>>) target(%arg10 : memref<10000xi32, #tpu.memory_space<vmem>>) target_semaphore(%dma_start3A_351 : memref<!tpu.dma_semaphore, #tpu.memory_space<semaphore_mem>>)
    %dma_wait3A_353 = arith.constant 1 : i32
    %dma_wait3A_354 = tpu.memref_slice %arg2[%add3A_340] : memref<6400000xi32, #tpu.memory_space<hbm>> -> memref<10000xi32, #tpu.memory_space<hbm>>
    %dma_wait3A_355 = tpu.memref_slice %arg19[%dma_wait3A_353] : memref<2x!tpu.dma_semaphore, #tpu.memory_space<semaphore_mem>> -> memref<1x!tpu.dma_semaphore, #tpu.memory_space<semaphore_mem>>
    %dma_wait3A_356 = tpu.memref_squeeze %dma_wait3A_355 : memref<1x!tpu.dma_semaphore, #tpu.memory_space<semaphore_mem>> -> memref<!tpu.dma_semaphore, #tpu.memory_space<semaphore_mem>>
    %dma_wait3A_357 = tpu.memref_slice %arg2[%add3A_340] : memref<6400000xi32, #tpu.memory_space<hbm>> -> memref<10000xi32, #tpu.memory_space<hbm>>
    tpu.wait_dma2 semaphore(%dma_wait3A_356 : memref<!tpu.dma_semaphore, #tpu.memory_space<semaphore_mem>>) src(%dma_wait3A_357 : memref<10000xi32, #tpu.memory_space<hbm>>) dst(%arg8 : memref<10000xi32, #tpu.memory_space<vmem>>)
    %dma_wait3A_358 = arith.constant 1 : i32
    %dma_wait3A_359 = tpu.memref_slice %arg2[%add3A_347] : memref<6400000xi32, #tpu.memory_space<hbm>> -> memref<10000xi32, #tpu.memory_space<hbm>>
    %dma_wait3A_360 = tpu.memref_slice %arg20[%dma_wait3A_358] : memref<2x!tpu.dma_semaphore, #tpu.memory_space<semaphore_mem>> -> memref<1x!tpu.dma_semaphore, #tpu.memory_space<semaphore_mem>>
    %dma_wait3A_361 = tpu.memref_squeeze %dma_wait3A_360 : memref<1x!tpu.dma_semaphore, #tpu.memory_space<semaphore_mem>> -> memref<!tpu.dma_semaphore, #tpu.memory_space<semaphore_mem>>
    %dma_wait3A_362 = tpu.memref_slice %arg2[%add3A_347] : memref<6400000xi32, #tpu.memory_space<hbm>> -> memref<10000xi32, #tpu.memory_space<hbm>>
    tpu.wait_dma2 semaphore(%dma_wait3A_361 : memref<!tpu.dma_semaphore, #tpu.memory_space<semaphore_mem>>) src(%dma_wait3A_362 : memref<10000xi32, #tpu.memory_space<hbm>>) dst(%arg10 : memref<10000xi32, #tpu.memory_space<vmem>>)
    %dma_start3A_363 = arith.constant 1 : i32
    %dma_start3A_364 = arith.constant 0 : i32
    %dma_start3A_365 = tpu.memref_slice %arg17[%dma_start3A_364] : memref<100352xf32, #tpu.memory_space<vmem_shared>> -> memref<100352xf32, #tpu.memory_space<vmem_shared>>
    %dma_start3A_366 = tpu.memref_slice %arg21[%dma_start3A_363] : memref<2x!tpu.dma_semaphore, #tpu.memory_space<semaphore_mem>> -> memref<1x!tpu.dma_semaphore, #tpu.memory_space<semaphore_mem>>
    %dma_start3A_367 = tpu.memref_squeeze %dma_start3A_366 : memref<1x!tpu.dma_semaphore, #tpu.memory_space<semaphore_mem>> -> memref<!tpu.dma_semaphore, #tpu.memory_space<semaphore_mem>>
    tpu.enqueue_indirect_dma source(%dma_start3A_365 : memref<100352xf32, #tpu.memory_space<vmem_shared>>) target(%arg12 : memref<10000xf32, #tpu.memory_space<vmem>>) offsets(%arg8 : memref<10000xi32, #tpu.memory_space<vmem>>) semaphore(%dma_start3A_367 : memref<!tpu.dma_semaphore, #tpu.memory_space<semaphore_mem>>)
    %dma_start3A_368 = arith.constant 1 : i32
    %dma_start3A_369 = arith.constant 0 : i32
    %dma_start3A_370 = tpu.memref_slice %arg18[%dma_start3A_369] : memref<100352xf32, #tpu.memory_space<vmem_shared>> -> memref<100352xf32, #tpu.memory_space<vmem_shared>>
    %dma_start3A_371 = tpu.memref_slice %arg22[%dma_start3A_368] : memref<2x!tpu.dma_semaphore, #tpu.memory_space<semaphore_mem>> -> memref<1x!tpu.dma_semaphore, #tpu.memory_space<semaphore_mem>>
    %dma_start3A_372 = tpu.memref_squeeze %dma_start3A_371 : memref<1x!tpu.dma_semaphore, #tpu.memory_space<semaphore_mem>> -> memref<!tpu.dma_semaphore, #tpu.memory_space<semaphore_mem>>
    tpu.enqueue_indirect_dma source(%dma_start3A_370 : memref<100352xf32, #tpu.memory_space<vmem_shared>>) target(%arg14 : memref<10000xf32, #tpu.memory_space<vmem>>) offsets(%arg8 : memref<10000xi32, #tpu.memory_space<vmem>>) semaphore(%dma_start3A_372 : memref<!tpu.dma_semaphore, #tpu.memory_space<semaphore_mem>>)
    %dma_wait3A_373 = arith.constant 1 : i32
    %dma_wait3A_374 = arith.constant 0 : i32
    %dma_wait3A_375 = tpu.memref_slice %arg17[%dma_wait3A_374] : memref<100352xf32, #tpu.memory_space<vmem_shared>> -> memref<100352xf32, #tpu.memory_space<vmem_shared>>
    %dma_wait3A_376 = tpu.memref_slice %arg21[%dma_wait3A_373] : memref<2x!tpu.dma_semaphore, #tpu.memory_space<semaphore_mem>> -> memref<1x!tpu.dma_semaphore, #tpu.memory_space<semaphore_mem>>
    %dma_wait3A_377 = tpu.memref_squeeze %dma_wait3A_376 : memref<1x!tpu.dma_semaphore, #tpu.memory_space<semaphore_mem>> -> memref<!tpu.dma_semaphore, #tpu.memory_space<semaphore_mem>>
    tpu.wait_indirect_dma semaphore(%dma_wait3A_377 : memref<!tpu.dma_semaphore, #tpu.memory_space<semaphore_mem>>) src(%dma_wait3A_375 : memref<100352xf32, #tpu.memory_space<vmem_shared>>) dst(%arg12 : memref<10000xf32, #tpu.memory_space<vmem>>)
    %dma_wait3A_378 = arith.constant 1 : i32
    %dma_wait3A_379 = arith.constant 0 : i32
    %dma_wait3A_380 = tpu.memref_slice %arg18[%dma_wait3A_379] : memref<100352xf32, #tpu.memory_space<vmem_shared>> -> memref<100352xf32, #tpu.memory_space<vmem_shared>>
    %dma_wait3A_381 = tpu.memref_slice %arg22[%dma_wait3A_378] : memref<2x!tpu.dma_semaphore, #tpu.memory_space<semaphore_mem>> -> memref<1x!tpu.dma_semaphore, #tpu.memory_space<semaphore_mem>>
    %dma_wait3A_382 = tpu.memref_squeeze %dma_wait3A_381 : memref<1x!tpu.dma_semaphore, #tpu.memory_space<semaphore_mem>> -> memref<!tpu.dma_semaphore, #tpu.memory_space<semaphore_mem>>
    tpu.wait_indirect_dma semaphore(%dma_wait3A_382 : memref<!tpu.dma_semaphore, #tpu.memory_space<semaphore_mem>>) src(%dma_wait3A_380 : memref<100352xf32, #tpu.memory_space<vmem_shared>>) dst(%arg14 : memref<10000xf32, #tpu.memory_space<vmem>>)
    %dma_start3A_383 = arith.constant 1 : i32
    %dma_start3A_384 = arith.constant 0 : i32
    %dma_start3A_385 = tpu.memref_slice %arg15[%dma_start3A_384] : memref<100352xf32, #tpu.memory_space<vmem_shared>> -> memref<100352xf32, #tpu.memory_space<vmem_shared>>
    %dma_start3A_386 = tpu.memref_slice %arg23[%dma_start3A_383] : memref<2x!tpu.dma_semaphore, #tpu.memory_space<semaphore_mem>> -> memref<1x!tpu.dma_semaphore, #tpu.memory_space<semaphore_mem>>
    %dma_start3A_387 = tpu.memref_squeeze %dma_start3A_386 : memref<1x!tpu.dma_semaphore, #tpu.memory_space<semaphore_mem>> -> memref<!tpu.dma_semaphore, #tpu.memory_space<semaphore_mem>>
    tpu.enqueue_indirect_dma source(%arg12 : memref<10000xf32, #tpu.memory_space<vmem>>) target(%dma_start3A_385 : memref<100352xf32, #tpu.memory_space<vmem_shared>>) offsets(%arg10 : memref<10000xi32, #tpu.memory_space<vmem>>) semaphore(%dma_start3A_387 : memref<!tpu.dma_semaphore, #tpu.memory_space<semaphore_mem>>) {add = true}
    %dma_start3A_388 = arith.constant 1 : i32
    %dma_start3A_389 = arith.constant 0 : i32
    %dma_start3A_390 = tpu.memref_slice %arg16[%dma_start3A_389] : memref<100352xf32, #tpu.memory_space<vmem_shared>> -> memref<100352xf32, #tpu.memory_space<vmem_shared>>
    %dma_start3A_391 = tpu.memref_slice %arg24[%dma_start3A_388] : memref<2x!tpu.dma_semaphore, #tpu.memory_space<semaphore_mem>> -> memref<1x!tpu.dma_semaphore, #tpu.memory_space<semaphore_mem>>
    %dma_start3A_392 = tpu.memref_squeeze %dma_start3A_391 : memref<1x!tpu.dma_semaphore, #tpu.memory_space<semaphore_mem>> -> memref<!tpu.dma_semaphore, #tpu.memory_space<semaphore_mem>>
    tpu.enqueue_indirect_dma source(%arg14 : memref<10000xf32, #tpu.memory_space<vmem>>) target(%dma_start3A_390 : memref<100352xf32, #tpu.memory_space<vmem_shared>>) offsets(%arg10 : memref<10000xi32, #tpu.memory_space<vmem>>) semaphore(%dma_start3A_392 : memref<!tpu.dma_semaphore, #tpu.memory_space<semaphore_mem>>) {add = true}
    %dma_wait3A_393 = arith.constant 0 : i32
    %dma_wait3A_394 = arith.constant 0 : i32
    %dma_wait3A_395 = tpu.memref_slice %arg15[%dma_wait3A_394] : memref<100352xf32, #tpu.memory_space<vmem_shared>> -> memref<100352xf32, #tpu.memory_space<vmem_shared>>
    %dma_wait3A_396 = tpu.memref_slice %arg23[%dma_wait3A_393] : memref<2x!tpu.dma_semaphore, #tpu.memory_space<semaphore_mem>> -> memref<1x!tpu.dma_semaphore, #tpu.memory_space<semaphore_mem>>
    %dma_wait3A_397 = tpu.memref_squeeze %dma_wait3A_396 : memref<1x!tpu.dma_semaphore, #tpu.memory_space<semaphore_mem>> -> memref<!tpu.dma_semaphore, #tpu.memory_space<semaphore_mem>>
    tpu.wait_indirect_dma semaphore(%dma_wait3A_397 : memref<!tpu.dma_semaphore, #tpu.memory_space<semaphore_mem>>) src(%arg11 : memref<10000xf32, #tpu.memory_space<vmem>>) dst(%dma_wait3A_395 : memref<100352xf32, #tpu.memory_space<vmem_shared>>)
    %dma_wait3A_398 = arith.constant 0 : i32
    %dma_wait3A_399 = arith.constant 0 : i32
    %dma_wait3A_400 = tpu.memref_slice %arg16[%dma_wait3A_399] : memref<100352xf32, #tpu.memory_space<vmem_shared>> -> memref<100352xf32, #tpu.memory_space<vmem_shared>>
    %dma_wait3A_401 = tpu.memref_slice %arg24[%dma_wait3A_398] : memref<2x!tpu.dma_semaphore, #tpu.memory_space<semaphore_mem>> -> memref<1x!tpu.dma_semaphore, #tpu.memory_space<semaphore_mem>>
    %dma_wait3A_402 = tpu.memref_squeeze %dma_wait3A_401 : memref<1x!tpu.dma_semaphore, #tpu.memory_space<semaphore_mem>> -> memref<!tpu.dma_semaphore, #tpu.memory_space<semaphore_mem>>
    tpu.wait_indirect_dma semaphore(%dma_wait3A_402 : memref<!tpu.dma_semaphore, #tpu.memory_space<semaphore_mem>>) src(%arg13 : memref<10000xf32, #tpu.memory_space<vmem>>) dst(%dma_wait3A_400 : memref<100352xf32, #tpu.memory_space<vmem_shared>>)
    %mul3A_403 = arith.constant 100000 : i32
    %mul3A_404 = arith.muli %add3A, %mul3A_403 : i32
    %add3A_405 = arith.constant 60000 : i32
    %add3A_406 = arith.addi %mul3A_404, %add3A_405 : i32
    %dma_start3A_407 = arith.constant 0 : i32
    %dma_start3A_408 = tpu.memref_slice %arg2[%add3A_406] : memref<6400000xi32, #tpu.memory_space<hbm>> -> memref<10000xi32, #tpu.memory_space<hbm>>
    %dma_start3A_409 = tpu.memref_slice %arg19[%dma_start3A_407] : memref<2x!tpu.dma_semaphore, #tpu.memory_space<semaphore_mem>> -> memref<1x!tpu.dma_semaphore, #tpu.memory_space<semaphore_mem>>
    %dma_start3A_410 = tpu.memref_squeeze %dma_start3A_409 : memref<1x!tpu.dma_semaphore, #tpu.memory_space<semaphore_mem>> -> memref<!tpu.dma_semaphore, #tpu.memory_space<semaphore_mem>>
    %dma_start3A_411 = tpu.memref_slice %arg2[%add3A_406] : memref<6400000xi32, #tpu.memory_space<hbm>> -> memref<10000xi32, #tpu.memory_space<hbm>>
    tpu.enqueue_dma source(%dma_start3A_411 : memref<10000xi32, #tpu.memory_space<hbm>>) target(%arg7 : memref<10000xi32, #tpu.memory_space<vmem>>) target_semaphore(%dma_start3A_410 : memref<!tpu.dma_semaphore, #tpu.memory_space<semaphore_mem>>)
    %add3A_412 = arith.constant 3200000 : i32
    %add3A_413 = arith.addi %add3A_412, %add3A_406 : i32
    %dma_start3A_414 = arith.constant 0 : i32
    %dma_start3A_415 = tpu.memref_slice %arg2[%add3A_413] : memref<6400000xi32, #tpu.memory_space<hbm>> -> memref<10000xi32, #tpu.memory_space<hbm>>
    %dma_start3A_416 = tpu.memref_slice %arg20[%dma_start3A_414] : memref<2x!tpu.dma_semaphore, #tpu.memory_space<semaphore_mem>> -> memref<1x!tpu.dma_semaphore, #tpu.memory_space<semaphore_mem>>
    %dma_start3A_417 = tpu.memref_squeeze %dma_start3A_416 : memref<1x!tpu.dma_semaphore, #tpu.memory_space<semaphore_mem>> -> memref<!tpu.dma_semaphore, #tpu.memory_space<semaphore_mem>>
    %dma_start3A_418 = tpu.memref_slice %arg2[%add3A_413] : memref<6400000xi32, #tpu.memory_space<hbm>> -> memref<10000xi32, #tpu.memory_space<hbm>>
    tpu.enqueue_dma source(%dma_start3A_418 : memref<10000xi32, #tpu.memory_space<hbm>>) target(%arg9 : memref<10000xi32, #tpu.memory_space<vmem>>) target_semaphore(%dma_start3A_417 : memref<!tpu.dma_semaphore, #tpu.memory_space<semaphore_mem>>)
    %dma_wait3A_419 = arith.constant 0 : i32
    %dma_wait3A_420 = tpu.memref_slice %arg2[%add3A_406] : memref<6400000xi32, #tpu.memory_space<hbm>> -> memref<10000xi32, #tpu.memory_space<hbm>>
    %dma_wait3A_421 = tpu.memref_slice %arg19[%dma_wait3A_419] : memref<2x!tpu.dma_semaphore, #tpu.memory_space<semaphore_mem>> -> memref<1x!tpu.dma_semaphore, #tpu.memory_space<semaphore_mem>>
    %dma_wait3A_422 = tpu.memref_squeeze %dma_wait3A_421 : memref<1x!tpu.dma_semaphore, #tpu.memory_space<semaphore_mem>> -> memref<!tpu.dma_semaphore, #tpu.memory_space<semaphore_mem>>
    %dma_wait3A_423 = tpu.memref_slice %arg2[%add3A_406] : memref<6400000xi32, #tpu.memory_space<hbm>> -> memref<10000xi32, #tpu.memory_space<hbm>>
    tpu.wait_dma2 semaphore(%dma_wait3A_422 : memref<!tpu.dma_semaphore, #tpu.memory_space<semaphore_mem>>) src(%dma_wait3A_423 : memref<10000xi32, #tpu.memory_space<hbm>>) dst(%arg7 : memref<10000xi32, #tpu.memory_space<vmem>>)
    %dma_wait3A_424 = arith.constant 0 : i32
    %dma_wait3A_425 = tpu.memref_slice %arg2[%add3A_413] : memref<6400000xi32, #tpu.memory_space<hbm>> -> memref<10000xi32, #tpu.memory_space<hbm>>
    %dma_wait3A_426 = tpu.memref_slice %arg20[%dma_wait3A_424] : memref<2x!tpu.dma_semaphore, #tpu.memory_space<semaphore_mem>> -> memref<1x!tpu.dma_semaphore, #tpu.memory_space<semaphore_mem>>
    %dma_wait3A_427 = tpu.memref_squeeze %dma_wait3A_426 : memref<1x!tpu.dma_semaphore, #tpu.memory_space<semaphore_mem>> -> memref<!tpu.dma_semaphore, #tpu.memory_space<semaphore_mem>>
    %dma_wait3A_428 = tpu.memref_slice %arg2[%add3A_413] : memref<6400000xi32, #tpu.memory_space<hbm>> -> memref<10000xi32, #tpu.memory_space<hbm>>
    tpu.wait_dma2 semaphore(%dma_wait3A_427 : memref<!tpu.dma_semaphore, #tpu.memory_space<semaphore_mem>>) src(%dma_wait3A_428 : memref<10000xi32, #tpu.memory_space<hbm>>) dst(%arg9 : memref<10000xi32, #tpu.memory_space<vmem>>)
    %dma_start3A_429 = arith.constant 0 : i32
    %dma_start3A_430 = arith.constant 0 : i32
    %dma_start3A_431 = tpu.memref_slice %arg17[%dma_start3A_430] : memref<100352xf32, #tpu.memory_space<vmem_shared>> -> memref<100352xf32, #tpu.memory_space<vmem_shared>>
    %dma_start3A_432 = tpu.memref_slice %arg21[%dma_start3A_429] : memref<2x!tpu.dma_semaphore, #tpu.memory_space<semaphore_mem>> -> memref<1x!tpu.dma_semaphore, #tpu.memory_space<semaphore_mem>>
    %dma_start3A_433 = tpu.memref_squeeze %dma_start3A_432 : memref<1x!tpu.dma_semaphore, #tpu.memory_space<semaphore_mem>> -> memref<!tpu.dma_semaphore, #tpu.memory_space<semaphore_mem>>
    tpu.enqueue_indirect_dma source(%dma_start3A_431 : memref<100352xf32, #tpu.memory_space<vmem_shared>>) target(%arg11 : memref<10000xf32, #tpu.memory_space<vmem>>) offsets(%arg7 : memref<10000xi32, #tpu.memory_space<vmem>>) semaphore(%dma_start3A_433 : memref<!tpu.dma_semaphore, #tpu.memory_space<semaphore_mem>>)
    %dma_start3A_434 = arith.constant 0 : i32
    %dma_start3A_435 = arith.constant 0 : i32
    %dma_start3A_436 = tpu.memref_slice %arg18[%dma_start3A_435] : memref<100352xf32, #tpu.memory_space<vmem_shared>> -> memref<100352xf32, #tpu.memory_space<vmem_shared>>
    %dma_start3A_437 = tpu.memref_slice %arg22[%dma_start3A_434] : memref<2x!tpu.dma_semaphore, #tpu.memory_space<semaphore_mem>> -> memref<1x!tpu.dma_semaphore, #tpu.memory_space<semaphore_mem>>
    %dma_start3A_438 = tpu.memref_squeeze %dma_start3A_437 : memref<1x!tpu.dma_semaphore, #tpu.memory_space<semaphore_mem>> -> memref<!tpu.dma_semaphore, #tpu.memory_space<semaphore_mem>>
    tpu.enqueue_indirect_dma source(%dma_start3A_436 : memref<100352xf32, #tpu.memory_space<vmem_shared>>) target(%arg13 : memref<10000xf32, #tpu.memory_space<vmem>>) offsets(%arg7 : memref<10000xi32, #tpu.memory_space<vmem>>) semaphore(%dma_start3A_438 : memref<!tpu.dma_semaphore, #tpu.memory_space<semaphore_mem>>)
    %dma_wait3A_439 = arith.constant 0 : i32
    %dma_wait3A_440 = arith.constant 0 : i32
    %dma_wait3A_441 = tpu.memref_slice %arg17[%dma_wait3A_440] : memref<100352xf32, #tpu.memory_space<vmem_shared>> -> memref<100352xf32, #tpu.memory_space<vmem_shared>>
    %dma_wait3A_442 = tpu.memref_slice %arg21[%dma_wait3A_439] : memref<2x!tpu.dma_semaphore, #tpu.memory_space<semaphore_mem>> -> memref<1x!tpu.dma_semaphore, #tpu.memory_space<semaphore_mem>>
    %dma_wait3A_443 = tpu.memref_squeeze %dma_wait3A_442 : memref<1x!tpu.dma_semaphore, #tpu.memory_space<semaphore_mem>> -> memref<!tpu.dma_semaphore, #tpu.memory_space<semaphore_mem>>
    tpu.wait_indirect_dma semaphore(%dma_wait3A_443 : memref<!tpu.dma_semaphore, #tpu.memory_space<semaphore_mem>>) src(%dma_wait3A_441 : memref<100352xf32, #tpu.memory_space<vmem_shared>>) dst(%arg11 : memref<10000xf32, #tpu.memory_space<vmem>>)
    %dma_wait3A_444 = arith.constant 0 : i32
    %dma_wait3A_445 = arith.constant 0 : i32
    %dma_wait3A_446 = tpu.memref_slice %arg18[%dma_wait3A_445] : memref<100352xf32, #tpu.memory_space<vmem_shared>> -> memref<100352xf32, #tpu.memory_space<vmem_shared>>
    %dma_wait3A_447 = tpu.memref_slice %arg22[%dma_wait3A_444] : memref<2x!tpu.dma_semaphore, #tpu.memory_space<semaphore_mem>> -> memref<1x!tpu.dma_semaphore, #tpu.memory_space<semaphore_mem>>
    %dma_wait3A_448 = tpu.memref_squeeze %dma_wait3A_447 : memref<1x!tpu.dma_semaphore, #tpu.memory_space<semaphore_mem>> -> memref<!tpu.dma_semaphore, #tpu.memory_space<semaphore_mem>>
    tpu.wait_indirect_dma semaphore(%dma_wait3A_448 : memref<!tpu.dma_semaphore, #tpu.memory_space<semaphore_mem>>) src(%dma_wait3A_446 : memref<100352xf32, #tpu.memory_space<vmem_shared>>) dst(%arg13 : memref<10000xf32, #tpu.memory_space<vmem>>)
    %dma_start3A_449 = arith.constant 0 : i32
    %dma_start3A_450 = arith.constant 0 : i32
    %dma_start3A_451 = tpu.memref_slice %arg15[%dma_start3A_450] : memref<100352xf32, #tpu.memory_space<vmem_shared>> -> memref<100352xf32, #tpu.memory_space<vmem_shared>>
    %dma_start3A_452 = tpu.memref_slice %arg23[%dma_start3A_449] : memref<2x!tpu.dma_semaphore, #tpu.memory_space<semaphore_mem>> -> memref<1x!tpu.dma_semaphore, #tpu.memory_space<semaphore_mem>>
    %dma_start3A_453 = tpu.memref_squeeze %dma_start3A_452 : memref<1x!tpu.dma_semaphore, #tpu.memory_space<semaphore_mem>> -> memref<!tpu.dma_semaphore, #tpu.memory_space<semaphore_mem>>
    tpu.enqueue_indirect_dma source(%arg11 : memref<10000xf32, #tpu.memory_space<vmem>>) target(%dma_start3A_451 : memref<100352xf32, #tpu.memory_space<vmem_shared>>) offsets(%arg9 : memref<10000xi32, #tpu.memory_space<vmem>>) semaphore(%dma_start3A_453 : memref<!tpu.dma_semaphore, #tpu.memory_space<semaphore_mem>>) {add = true}
    %dma_start3A_454 = arith.constant 0 : i32
    %dma_start3A_455 = arith.constant 0 : i32
    %dma_start3A_456 = tpu.memref_slice %arg16[%dma_start3A_455] : memref<100352xf32, #tpu.memory_space<vmem_shared>> -> memref<100352xf32, #tpu.memory_space<vmem_shared>>
    %dma_start3A_457 = tpu.memref_slice %arg24[%dma_start3A_454] : memref<2x!tpu.dma_semaphore, #tpu.memory_space<semaphore_mem>> -> memref<1x!tpu.dma_semaphore, #tpu.memory_space<semaphore_mem>>
    %dma_start3A_458 = tpu.memref_squeeze %dma_start3A_457 : memref<1x!tpu.dma_semaphore, #tpu.memory_space<semaphore_mem>> -> memref<!tpu.dma_semaphore, #tpu.memory_space<semaphore_mem>>
    tpu.enqueue_indirect_dma source(%arg13 : memref<10000xf32, #tpu.memory_space<vmem>>) target(%dma_start3A_456 : memref<100352xf32, #tpu.memory_space<vmem_shared>>) offsets(%arg9 : memref<10000xi32, #tpu.memory_space<vmem>>) semaphore(%dma_start3A_458 : memref<!tpu.dma_semaphore, #tpu.memory_space<semaphore_mem>>) {add = true}
    %dma_wait3A_459 = arith.constant 1 : i32
    %dma_wait3A_460 = arith.constant 0 : i32
    %dma_wait3A_461 = tpu.memref_slice %arg15[%dma_wait3A_460] : memref<100352xf32, #tpu.memory_space<vmem_shared>> -> memref<100352xf32, #tpu.memory_space<vmem_shared>>
    %dma_wait3A_462 = tpu.memref_slice %arg23[%dma_wait3A_459] : memref<2x!tpu.dma_semaphore, #tpu.memory_space<semaphore_mem>> -> memref<1x!tpu.dma_semaphore, #tpu.memory_space<semaphore_mem>>
    %dma_wait3A_463 = tpu.memref_squeeze %dma_wait3A_462 : memref<1x!tpu.dma_semaphore, #tpu.memory_space<semaphore_mem>> -> memref<!tpu.dma_semaphore, #tpu.memory_space<semaphore_mem>>
    tpu.wait_indirect_dma semaphore(%dma_wait3A_463 : memref<!tpu.dma_semaphore, #tpu.memory_space<semaphore_mem>>) src(%arg12 : memref<10000xf32, #tpu.memory_space<vmem>>) dst(%dma_wait3A_461 : memref<100352xf32, #tpu.memory_space<vmem_shared>>)
    %dma_wait3A_464 = arith.constant 1 : i32
    %dma_wait3A_465 = arith.constant 0 : i32
    %dma_wait3A_466 = tpu.memref_slice %arg16[%dma_wait3A_465] : memref<100352xf32, #tpu.memory_space<vmem_shared>> -> memref<100352xf32, #tpu.memory_space<vmem_shared>>
    %dma_wait3A_467 = tpu.memref_slice %arg24[%dma_wait3A_464] : memref<2x!tpu.dma_semaphore, #tpu.memory_space<semaphore_mem>> -> memref<1x!tpu.dma_semaphore, #tpu.memory_space<semaphore_mem>>
    %dma_wait3A_468 = tpu.memref_squeeze %dma_wait3A_467 : memref<1x!tpu.dma_semaphore, #tpu.memory_space<semaphore_mem>> -> memref<!tpu.dma_semaphore, #tpu.memory_space<semaphore_mem>>
    tpu.wait_indirect_dma semaphore(%dma_wait3A_468 : memref<!tpu.dma_semaphore, #tpu.memory_space<semaphore_mem>>) src(%arg14 : memref<10000xf32, #tpu.memory_space<vmem>>) dst(%dma_wait3A_466 : memref<100352xf32, #tpu.memory_space<vmem_shared>>)
    %mul3A_469 = arith.constant 100000 : i32
    %mul3A_470 = arith.muli %add3A, %mul3A_469 : i32
    %add3A_471 = arith.constant 70000 : i32
    %add3A_472 = arith.addi %mul3A_470, %add3A_471 : i32
    %dma_start3A_473 = arith.constant 1 : i32
    %dma_start3A_474 = tpu.memref_slice %arg2[%add3A_472] : memref<6400000xi32, #tpu.memory_space<hbm>> -> memref<10000xi32, #tpu.memory_space<hbm>>
    %dma_start3A_475 = tpu.memref_slice %arg19[%dma_start3A_473] : memref<2x!tpu.dma_semaphore, #tpu.memory_space<semaphore_mem>> -> memref<1x!tpu.dma_semaphore, #tpu.memory_space<semaphore_mem>>
    %dma_start3A_476 = tpu.memref_squeeze %dma_start3A_475 : memref<1x!tpu.dma_semaphore, #tpu.memory_space<semaphore_mem>> -> memref<!tpu.dma_semaphore, #tpu.memory_space<semaphore_mem>>
    %dma_start3A_477 = tpu.memref_slice %arg2[%add3A_472] : memref<6400000xi32, #tpu.memory_space<hbm>> -> memref<10000xi32, #tpu.memory_space<hbm>>
    tpu.enqueue_dma source(%dma_start3A_477 : memref<10000xi32, #tpu.memory_space<hbm>>) target(%arg8 : memref<10000xi32, #tpu.memory_space<vmem>>) target_semaphore(%dma_start3A_476 : memref<!tpu.dma_semaphore, #tpu.memory_space<semaphore_mem>>)
    %add3A_478 = arith.constant 3200000 : i32
    %add3A_479 = arith.addi %add3A_478, %add3A_472 : i32
    %dma_start3A_480 = arith.constant 1 : i32
    %dma_start3A_481 = tpu.memref_slice %arg2[%add3A_479] : memref<6400000xi32, #tpu.memory_space<hbm>> -> memref<10000xi32, #tpu.memory_space<hbm>>
    %dma_start3A_482 = tpu.memref_slice %arg20[%dma_start3A_480] : memref<2x!tpu.dma_semaphore, #tpu.memory_space<semaphore_mem>> -> memref<1x!tpu.dma_semaphore, #tpu.memory_space<semaphore_mem>>
    %dma_start3A_483 = tpu.memref_squeeze %dma_start3A_482 : memref<1x!tpu.dma_semaphore, #tpu.memory_space<semaphore_mem>> -> memref<!tpu.dma_semaphore, #tpu.memory_space<semaphore_mem>>
    %dma_start3A_484 = tpu.memref_slice %arg2[%add3A_479] : memref<6400000xi32, #tpu.memory_space<hbm>> -> memref<10000xi32, #tpu.memory_space<hbm>>
    tpu.enqueue_dma source(%dma_start3A_484 : memref<10000xi32, #tpu.memory_space<hbm>>) target(%arg10 : memref<10000xi32, #tpu.memory_space<vmem>>) target_semaphore(%dma_start3A_483 : memref<!tpu.dma_semaphore, #tpu.memory_space<semaphore_mem>>)
    %dma_wait3A_485 = arith.constant 1 : i32
    %dma_wait3A_486 = tpu.memref_slice %arg2[%add3A_472] : memref<6400000xi32, #tpu.memory_space<hbm>> -> memref<10000xi32, #tpu.memory_space<hbm>>
    %dma_wait3A_487 = tpu.memref_slice %arg19[%dma_wait3A_485] : memref<2x!tpu.dma_semaphore, #tpu.memory_space<semaphore_mem>> -> memref<1x!tpu.dma_semaphore, #tpu.memory_space<semaphore_mem>>
    %dma_wait3A_488 = tpu.memref_squeeze %dma_wait3A_487 : memref<1x!tpu.dma_semaphore, #tpu.memory_space<semaphore_mem>> -> memref<!tpu.dma_semaphore, #tpu.memory_space<semaphore_mem>>
    %dma_wait3A_489 = tpu.memref_slice %arg2[%add3A_472] : memref<6400000xi32, #tpu.memory_space<hbm>> -> memref<10000xi32, #tpu.memory_space<hbm>>
    tpu.wait_dma2 semaphore(%dma_wait3A_488 : memref<!tpu.dma_semaphore, #tpu.memory_space<semaphore_mem>>) src(%dma_wait3A_489 : memref<10000xi32, #tpu.memory_space<hbm>>) dst(%arg8 : memref<10000xi32, #tpu.memory_space<vmem>>)
    %dma_wait3A_490 = arith.constant 1 : i32
    %dma_wait3A_491 = tpu.memref_slice %arg2[%add3A_479] : memref<6400000xi32, #tpu.memory_space<hbm>> -> memref<10000xi32, #tpu.memory_space<hbm>>
    %dma_wait3A_492 = tpu.memref_slice %arg20[%dma_wait3A_490] : memref<2x!tpu.dma_semaphore, #tpu.memory_space<semaphore_mem>> -> memref<1x!tpu.dma_semaphore, #tpu.memory_space<semaphore_mem>>
    %dma_wait3A_493 = tpu.memref_squeeze %dma_wait3A_492 : memref<1x!tpu.dma_semaphore, #tpu.memory_space<semaphore_mem>> -> memref<!tpu.dma_semaphore, #tpu.memory_space<semaphore_mem>>
    %dma_wait3A_494 = tpu.memref_slice %arg2[%add3A_479] : memref<6400000xi32, #tpu.memory_space<hbm>> -> memref<10000xi32, #tpu.memory_space<hbm>>
    tpu.wait_dma2 semaphore(%dma_wait3A_493 : memref<!tpu.dma_semaphore, #tpu.memory_space<semaphore_mem>>) src(%dma_wait3A_494 : memref<10000xi32, #tpu.memory_space<hbm>>) dst(%arg10 : memref<10000xi32, #tpu.memory_space<vmem>>)
    %dma_start3A_495 = arith.constant 1 : i32
    %dma_start3A_496 = arith.constant 0 : i32
    %dma_start3A_497 = tpu.memref_slice %arg17[%dma_start3A_496] : memref<100352xf32, #tpu.memory_space<vmem_shared>> -> memref<100352xf32, #tpu.memory_space<vmem_shared>>
    %dma_start3A_498 = tpu.memref_slice %arg21[%dma_start3A_495] : memref<2x!tpu.dma_semaphore, #tpu.memory_space<semaphore_mem>> -> memref<1x!tpu.dma_semaphore, #tpu.memory_space<semaphore_mem>>
    %dma_start3A_499 = tpu.memref_squeeze %dma_start3A_498 : memref<1x!tpu.dma_semaphore, #tpu.memory_space<semaphore_mem>> -> memref<!tpu.dma_semaphore, #tpu.memory_space<semaphore_mem>>
    tpu.enqueue_indirect_dma source(%dma_start3A_497 : memref<100352xf32, #tpu.memory_space<vmem_shared>>) target(%arg12 : memref<10000xf32, #tpu.memory_space<vmem>>) offsets(%arg8 : memref<10000xi32, #tpu.memory_space<vmem>>) semaphore(%dma_start3A_499 : memref<!tpu.dma_semaphore, #tpu.memory_space<semaphore_mem>>)
    %dma_start3A_500 = arith.constant 1 : i32
    %dma_start3A_501 = arith.constant 0 : i32
    %dma_start3A_502 = tpu.memref_slice %arg18[%dma_start3A_501] : memref<100352xf32, #tpu.memory_space<vmem_shared>> -> memref<100352xf32, #tpu.memory_space<vmem_shared>>
    %dma_start3A_503 = tpu.memref_slice %arg22[%dma_start3A_500] : memref<2x!tpu.dma_semaphore, #tpu.memory_space<semaphore_mem>> -> memref<1x!tpu.dma_semaphore, #tpu.memory_space<semaphore_mem>>
    %dma_start3A_504 = tpu.memref_squeeze %dma_start3A_503 : memref<1x!tpu.dma_semaphore, #tpu.memory_space<semaphore_mem>> -> memref<!tpu.dma_semaphore, #tpu.memory_space<semaphore_mem>>
    tpu.enqueue_indirect_dma source(%dma_start3A_502 : memref<100352xf32, #tpu.memory_space<vmem_shared>>) target(%arg14 : memref<10000xf32, #tpu.memory_space<vmem>>) offsets(%arg8 : memref<10000xi32, #tpu.memory_space<vmem>>) semaphore(%dma_start3A_504 : memref<!tpu.dma_semaphore, #tpu.memory_space<semaphore_mem>>)
    %dma_wait3A_505 = arith.constant 1 : i32
    %dma_wait3A_506 = arith.constant 0 : i32
    %dma_wait3A_507 = tpu.memref_slice %arg17[%dma_wait3A_506] : memref<100352xf32, #tpu.memory_space<vmem_shared>> -> memref<100352xf32, #tpu.memory_space<vmem_shared>>
    %dma_wait3A_508 = tpu.memref_slice %arg21[%dma_wait3A_505] : memref<2x!tpu.dma_semaphore, #tpu.memory_space<semaphore_mem>> -> memref<1x!tpu.dma_semaphore, #tpu.memory_space<semaphore_mem>>
    %dma_wait3A_509 = tpu.memref_squeeze %dma_wait3A_508 : memref<1x!tpu.dma_semaphore, #tpu.memory_space<semaphore_mem>> -> memref<!tpu.dma_semaphore, #tpu.memory_space<semaphore_mem>>
    tpu.wait_indirect_dma semaphore(%dma_wait3A_509 : memref<!tpu.dma_semaphore, #tpu.memory_space<semaphore_mem>>) src(%dma_wait3A_507 : memref<100352xf32, #tpu.memory_space<vmem_shared>>) dst(%arg12 : memref<10000xf32, #tpu.memory_space<vmem>>)
    %dma_wait3A_510 = arith.constant 1 : i32
    %dma_wait3A_511 = arith.constant 0 : i32
    %dma_wait3A_512 = tpu.memref_slice %arg18[%dma_wait3A_511] : memref<100352xf32, #tpu.memory_space<vmem_shared>> -> memref<100352xf32, #tpu.memory_space<vmem_shared>>
    %dma_wait3A_513 = tpu.memref_slice %arg22[%dma_wait3A_510] : memref<2x!tpu.dma_semaphore, #tpu.memory_space<semaphore_mem>> -> memref<1x!tpu.dma_semaphore, #tpu.memory_space<semaphore_mem>>
    %dma_wait3A_514 = tpu.memref_squeeze %dma_wait3A_513 : memref<1x!tpu.dma_semaphore, #tpu.memory_space<semaphore_mem>> -> memref<!tpu.dma_semaphore, #tpu.memory_space<semaphore_mem>>
    tpu.wait_indirect_dma semaphore(%dma_wait3A_514 : memref<!tpu.dma_semaphore, #tpu.memory_space<semaphore_mem>>) src(%dma_wait3A_512 : memref<100352xf32, #tpu.memory_space<vmem_shared>>) dst(%arg14 : memref<10000xf32, #tpu.memory_space<vmem>>)
    %dma_start3A_515 = arith.constant 1 : i32
    %dma_start3A_516 = arith.constant 0 : i32
    %dma_start3A_517 = tpu.memref_slice %arg15[%dma_start3A_516] : memref<100352xf32, #tpu.memory_space<vmem_shared>> -> memref<100352xf32, #tpu.memory_space<vmem_shared>>
    %dma_start3A_518 = tpu.memref_slice %arg23[%dma_start3A_515] : memref<2x!tpu.dma_semaphore, #tpu.memory_space<semaphore_mem>> -> memref<1x!tpu.dma_semaphore, #tpu.memory_space<semaphore_mem>>
    %dma_start3A_519 = tpu.memref_squeeze %dma_start3A_518 : memref<1x!tpu.dma_semaphore, #tpu.memory_space<semaphore_mem>> -> memref<!tpu.dma_semaphore, #tpu.memory_space<semaphore_mem>>
    tpu.enqueue_indirect_dma source(%arg12 : memref<10000xf32, #tpu.memory_space<vmem>>) target(%dma_start3A_517 : memref<100352xf32, #tpu.memory_space<vmem_shared>>) offsets(%arg10 : memref<10000xi32, #tpu.memory_space<vmem>>) semaphore(%dma_start3A_519 : memref<!tpu.dma_semaphore, #tpu.memory_space<semaphore_mem>>) {add = true}
    %dma_start3A_520 = arith.constant 1 : i32
    %dma_start3A_521 = arith.constant 0 : i32
    %dma_start3A_522 = tpu.memref_slice %arg16[%dma_start3A_521] : memref<100352xf32, #tpu.memory_space<vmem_shared>> -> memref<100352xf32, #tpu.memory_space<vmem_shared>>
    %dma_start3A_523 = tpu.memref_slice %arg24[%dma_start3A_520] : memref<2x!tpu.dma_semaphore, #tpu.memory_space<semaphore_mem>> -> memref<1x!tpu.dma_semaphore, #tpu.memory_space<semaphore_mem>>
    %dma_start3A_524 = tpu.memref_squeeze %dma_start3A_523 : memref<1x!tpu.dma_semaphore, #tpu.memory_space<semaphore_mem>> -> memref<!tpu.dma_semaphore, #tpu.memory_space<semaphore_mem>>
    tpu.enqueue_indirect_dma source(%arg14 : memref<10000xf32, #tpu.memory_space<vmem>>) target(%dma_start3A_522 : memref<100352xf32, #tpu.memory_space<vmem_shared>>) offsets(%arg10 : memref<10000xi32, #tpu.memory_space<vmem>>) semaphore(%dma_start3A_524 : memref<!tpu.dma_semaphore, #tpu.memory_space<semaphore_mem>>) {add = true}
    %dma_wait3A_525 = arith.constant 0 : i32
    %dma_wait3A_526 = arith.constant 0 : i32
    %dma_wait3A_527 = tpu.memref_slice %arg15[%dma_wait3A_526] : memref<100352xf32, #tpu.memory_space<vmem_shared>> -> memref<100352xf32, #tpu.memory_space<vmem_shared>>
    %dma_wait3A_528 = tpu.memref_slice %arg23[%dma_wait3A_525] : memref<2x!tpu.dma_semaphore, #tpu.memory_space<semaphore_mem>> -> memref<1x!tpu.dma_semaphore, #tpu.memory_space<semaphore_mem>>
    %dma_wait3A_529 = tpu.memref_squeeze %dma_wait3A_528 : memref<1x!tpu.dma_semaphore, #tpu.memory_space<semaphore_mem>> -> memref<!tpu.dma_semaphore, #tpu.memory_space<semaphore_mem>>
    tpu.wait_indirect_dma semaphore(%dma_wait3A_529 : memref<!tpu.dma_semaphore, #tpu.memory_space<semaphore_mem>>) src(%arg11 : memref<10000xf32, #tpu.memory_space<vmem>>) dst(%dma_wait3A_527 : memref<100352xf32, #tpu.memory_space<vmem_shared>>)
    %dma_wait3A_530 = arith.constant 0 : i32
    %dma_wait3A_531 = arith.constant 0 : i32
    %dma_wait3A_532 = tpu.memref_slice %arg16[%dma_wait3A_531] : memref<100352xf32, #tpu.memory_space<vmem_shared>> -> memref<100352xf32, #tpu.memory_space<vmem_shared>>
    %dma_wait3A_533 = tpu.memref_slice %arg24[%dma_wait3A_530] : memref<2x!tpu.dma_semaphore, #tpu.memory_space<semaphore_mem>> -> memref<1x!tpu.dma_semaphore, #tpu.memory_space<semaphore_mem>>
    %dma_wait3A_534 = tpu.memref_squeeze %dma_wait3A_533 : memref<1x!tpu.dma_semaphore, #tpu.memory_space<semaphore_mem>> -> memref<!tpu.dma_semaphore, #tpu.memory_space<semaphore_mem>>
    tpu.wait_indirect_dma semaphore(%dma_wait3A_534 : memref<!tpu.dma_semaphore, #tpu.memory_space<semaphore_mem>>) src(%arg13 : memref<10000xf32, #tpu.memory_space<vmem>>) dst(%dma_wait3A_532 : memref<100352xf32, #tpu.memory_space<vmem_shared>>)
    %mul3A_535 = arith.constant 100000 : i32
    %mul3A_536 = arith.muli %add3A, %mul3A_535 : i32
    %add3A_537 = arith.constant 80000 : i32
    %add3A_538 = arith.addi %mul3A_536, %add3A_537 : i32
    %dma_start3A_539 = arith.constant 0 : i32
    %dma_start3A_540 = tpu.memref_slice %arg2[%add3A_538] : memref<6400000xi32, #tpu.memory_space<hbm>> -> memref<10000xi32, #tpu.memory_space<hbm>>
    %dma_start3A_541 = tpu.memref_slice %arg19[%dma_start3A_539] : memref<2x!tpu.dma_semaphore, #tpu.memory_space<semaphore_mem>> -> memref<1x!tpu.dma_semaphore, #tpu.memory_space<semaphore_mem>>
    %dma_start3A_542 = tpu.memref_squeeze %dma_start3A_541 : memref<1x!tpu.dma_semaphore, #tpu.memory_space<semaphore_mem>> -> memref<!tpu.dma_semaphore, #tpu.memory_space<semaphore_mem>>
    %dma_start3A_543 = tpu.memref_slice %arg2[%add3A_538] : memref<6400000xi32, #tpu.memory_space<hbm>> -> memref<10000xi32, #tpu.memory_space<hbm>>
    tpu.enqueue_dma source(%dma_start3A_543 : memref<10000xi32, #tpu.memory_space<hbm>>) target(%arg7 : memref<10000xi32, #tpu.memory_space<vmem>>) target_semaphore(%dma_start3A_542 : memref<!tpu.dma_semaphore, #tpu.memory_space<semaphore_mem>>)
    %add3A_544 = arith.constant 3200000 : i32
    %add3A_545 = arith.addi %add3A_544, %add3A_538 : i32
    %dma_start3A_546 = arith.constant 0 : i32
    %dma_start3A_547 = tpu.memref_slice %arg2[%add3A_545] : memref<6400000xi32, #tpu.memory_space<hbm>> -> memref<10000xi32, #tpu.memory_space<hbm>>
    %dma_start3A_548 = tpu.memref_slice %arg20[%dma_start3A_546] : memref<2x!tpu.dma_semaphore, #tpu.memory_space<semaphore_mem>> -> memref<1x!tpu.dma_semaphore, #tpu.memory_space<semaphore_mem>>
    %dma_start3A_549 = tpu.memref_squeeze %dma_start3A_548 : memref<1x!tpu.dma_semaphore, #tpu.memory_space<semaphore_mem>> -> memref<!tpu.dma_semaphore, #tpu.memory_space<semaphore_mem>>
    %dma_start3A_550 = tpu.memref_slice %arg2[%add3A_545] : memref<6400000xi32, #tpu.memory_space<hbm>> -> memref<10000xi32, #tpu.memory_space<hbm>>
    tpu.enqueue_dma source(%dma_start3A_550 : memref<10000xi32, #tpu.memory_space<hbm>>) target(%arg9 : memref<10000xi32, #tpu.memory_space<vmem>>) target_semaphore(%dma_start3A_549 : memref<!tpu.dma_semaphore, #tpu.memory_space<semaphore_mem>>)
    %dma_wait3A_551 = arith.constant 0 : i32
    %dma_wait3A_552 = tpu.memref_slice %arg2[%add3A_538] : memref<6400000xi32, #tpu.memory_space<hbm>> -> memref<10000xi32, #tpu.memory_space<hbm>>
    %dma_wait3A_553 = tpu.memref_slice %arg19[%dma_wait3A_551] : memref<2x!tpu.dma_semaphore, #tpu.memory_space<semaphore_mem>> -> memref<1x!tpu.dma_semaphore, #tpu.memory_space<semaphore_mem>>
    %dma_wait3A_554 = tpu.memref_squeeze %dma_wait3A_553 : memref<1x!tpu.dma_semaphore, #tpu.memory_space<semaphore_mem>> -> memref<!tpu.dma_semaphore, #tpu.memory_space<semaphore_mem>>
    %dma_wait3A_555 = tpu.memref_slice %arg2[%add3A_538] : memref<6400000xi32, #tpu.memory_space<hbm>> -> memref<10000xi32, #tpu.memory_space<hbm>>
    tpu.wait_dma2 semaphore(%dma_wait3A_554 : memref<!tpu.dma_semaphore, #tpu.memory_space<semaphore_mem>>) src(%dma_wait3A_555 : memref<10000xi32, #tpu.memory_space<hbm>>) dst(%arg7 : memref<10000xi32, #tpu.memory_space<vmem>>)
    %dma_wait3A_556 = arith.constant 0 : i32
    %dma_wait3A_557 = tpu.memref_slice %arg2[%add3A_545] : memref<6400000xi32, #tpu.memory_space<hbm>> -> memref<10000xi32, #tpu.memory_space<hbm>>
    %dma_wait3A_558 = tpu.memref_slice %arg20[%dma_wait3A_556] : memref<2x!tpu.dma_semaphore, #tpu.memory_space<semaphore_mem>> -> memref<1x!tpu.dma_semaphore, #tpu.memory_space<semaphore_mem>>
    %dma_wait3A_559 = tpu.memref_squeeze %dma_wait3A_558 : memref<1x!tpu.dma_semaphore, #tpu.memory_space<semaphore_mem>> -> memref<!tpu.dma_semaphore, #tpu.memory_space<semaphore_mem>>
    %dma_wait3A_560 = tpu.memref_slice %arg2[%add3A_545] : memref<6400000xi32, #tpu.memory_space<hbm>> -> memref<10000xi32, #tpu.memory_space<hbm>>
    tpu.wait_dma2 semaphore(%dma_wait3A_559 : memref<!tpu.dma_semaphore, #tpu.memory_space<semaphore_mem>>) src(%dma_wait3A_560 : memref<10000xi32, #tpu.memory_space<hbm>>) dst(%arg9 : memref<10000xi32, #tpu.memory_space<vmem>>)
    %dma_start3A_561 = arith.constant 0 : i32
    %dma_start3A_562 = arith.constant 0 : i32
    %dma_start3A_563 = tpu.memref_slice %arg17[%dma_start3A_562] : memref<100352xf32, #tpu.memory_space<vmem_shared>> -> memref<100352xf32, #tpu.memory_space<vmem_shared>>
    %dma_start3A_564 = tpu.memref_slice %arg21[%dma_start3A_561] : memref<2x!tpu.dma_semaphore, #tpu.memory_space<semaphore_mem>> -> memref<1x!tpu.dma_semaphore, #tpu.memory_space<semaphore_mem>>
    %dma_start3A_565 = tpu.memref_squeeze %dma_start3A_564 : memref<1x!tpu.dma_semaphore, #tpu.memory_space<semaphore_mem>> -> memref<!tpu.dma_semaphore, #tpu.memory_space<semaphore_mem>>
    tpu.enqueue_indirect_dma source(%dma_start3A_563 : memref<100352xf32, #tpu.memory_space<vmem_shared>>) target(%arg11 : memref<10000xf32, #tpu.memory_space<vmem>>) offsets(%arg7 : memref<10000xi32, #tpu.memory_space<vmem>>) semaphore(%dma_start3A_565 : memref<!tpu.dma_semaphore, #tpu.memory_space<semaphore_mem>>)
    %dma_start3A_566 = arith.constant 0 : i32
    %dma_start3A_567 = arith.constant 0 : i32
    %dma_start3A_568 = tpu.memref_slice %arg18[%dma_start3A_567] : memref<100352xf32, #tpu.memory_space<vmem_shared>> -> memref<100352xf32, #tpu.memory_space<vmem_shared>>
    %dma_start3A_569 = tpu.memref_slice %arg22[%dma_start3A_566] : memref<2x!tpu.dma_semaphore, #tpu.memory_space<semaphore_mem>> -> memref<1x!tpu.dma_semaphore, #tpu.memory_space<semaphore_mem>>
    %dma_start3A_570 = tpu.memref_squeeze %dma_start3A_569 : memref<1x!tpu.dma_semaphore, #tpu.memory_space<semaphore_mem>> -> memref<!tpu.dma_semaphore, #tpu.memory_space<semaphore_mem>>
    tpu.enqueue_indirect_dma source(%dma_start3A_568 : memref<100352xf32, #tpu.memory_space<vmem_shared>>) target(%arg13 : memref<10000xf32, #tpu.memory_space<vmem>>) offsets(%arg7 : memref<10000xi32, #tpu.memory_space<vmem>>) semaphore(%dma_start3A_570 : memref<!tpu.dma_semaphore, #tpu.memory_space<semaphore_mem>>)
    %dma_wait3A_571 = arith.constant 0 : i32
    %dma_wait3A_572 = arith.constant 0 : i32
    %dma_wait3A_573 = tpu.memref_slice %arg17[%dma_wait3A_572] : memref<100352xf32, #tpu.memory_space<vmem_shared>> -> memref<100352xf32, #tpu.memory_space<vmem_shared>>
    %dma_wait3A_574 = tpu.memref_slice %arg21[%dma_wait3A_571] : memref<2x!tpu.dma_semaphore, #tpu.memory_space<semaphore_mem>> -> memref<1x!tpu.dma_semaphore, #tpu.memory_space<semaphore_mem>>
    %dma_wait3A_575 = tpu.memref_squeeze %dma_wait3A_574 : memref<1x!tpu.dma_semaphore, #tpu.memory_space<semaphore_mem>> -> memref<!tpu.dma_semaphore, #tpu.memory_space<semaphore_mem>>
    tpu.wait_indirect_dma semaphore(%dma_wait3A_575 : memref<!tpu.dma_semaphore, #tpu.memory_space<semaphore_mem>>) src(%dma_wait3A_573 : memref<100352xf32, #tpu.memory_space<vmem_shared>>) dst(%arg11 : memref<10000xf32, #tpu.memory_space<vmem>>)
    %dma_wait3A_576 = arith.constant 0 : i32
    %dma_wait3A_577 = arith.constant 0 : i32
    %dma_wait3A_578 = tpu.memref_slice %arg18[%dma_wait3A_577] : memref<100352xf32, #tpu.memory_space<vmem_shared>> -> memref<100352xf32, #tpu.memory_space<vmem_shared>>
    %dma_wait3A_579 = tpu.memref_slice %arg22[%dma_wait3A_576] : memref<2x!tpu.dma_semaphore, #tpu.memory_space<semaphore_mem>> -> memref<1x!tpu.dma_semaphore, #tpu.memory_space<semaphore_mem>>
    %dma_wait3A_580 = tpu.memref_squeeze %dma_wait3A_579 : memref<1x!tpu.dma_semaphore, #tpu.memory_space<semaphore_mem>> -> memref<!tpu.dma_semaphore, #tpu.memory_space<semaphore_mem>>
    tpu.wait_indirect_dma semaphore(%dma_wait3A_580 : memref<!tpu.dma_semaphore, #tpu.memory_space<semaphore_mem>>) src(%dma_wait3A_578 : memref<100352xf32, #tpu.memory_space<vmem_shared>>) dst(%arg13 : memref<10000xf32, #tpu.memory_space<vmem>>)
    %dma_start3A_581 = arith.constant 0 : i32
    %dma_start3A_582 = arith.constant 0 : i32
    %dma_start3A_583 = tpu.memref_slice %arg15[%dma_start3A_582] : memref<100352xf32, #tpu.memory_space<vmem_shared>> -> memref<100352xf32, #tpu.memory_space<vmem_shared>>
    %dma_start3A_584 = tpu.memref_slice %arg23[%dma_start3A_581] : memref<2x!tpu.dma_semaphore, #tpu.memory_space<semaphore_mem>> -> memref<1x!tpu.dma_semaphore, #tpu.memory_space<semaphore_mem>>
    %dma_start3A_585 = tpu.memref_squeeze %dma_start3A_584 : memref<1x!tpu.dma_semaphore, #tpu.memory_space<semaphore_mem>> -> memref<!tpu.dma_semaphore, #tpu.memory_space<semaphore_mem>>
    tpu.enqueue_indirect_dma source(%arg11 : memref<10000xf32, #tpu.memory_space<vmem>>) target(%dma_start3A_583 : memref<100352xf32, #tpu.memory_space<vmem_shared>>) offsets(%arg9 : memref<10000xi32, #tpu.memory_space<vmem>>) semaphore(%dma_start3A_585 : memref<!tpu.dma_semaphore, #tpu.memory_space<semaphore_mem>>) {add = true}
    %dma_start3A_586 = arith.constant 0 : i32
    %dma_start3A_587 = arith.constant 0 : i32
    %dma_start3A_588 = tpu.memref_slice %arg16[%dma_start3A_587] : memref<100352xf32, #tpu.memory_space<vmem_shared>> -> memref<100352xf32, #tpu.memory_space<vmem_shared>>
    %dma_start3A_589 = tpu.memref_slice %arg24[%dma_start3A_586] : memref<2x!tpu.dma_semaphore, #tpu.memory_space<semaphore_mem>> -> memref<1x!tpu.dma_semaphore, #tpu.memory_space<semaphore_mem>>
    %dma_start3A_590 = tpu.memref_squeeze %dma_start3A_589 : memref<1x!tpu.dma_semaphore, #tpu.memory_space<semaphore_mem>> -> memref<!tpu.dma_semaphore, #tpu.memory_space<semaphore_mem>>
    tpu.enqueue_indirect_dma source(%arg13 : memref<10000xf32, #tpu.memory_space<vmem>>) target(%dma_start3A_588 : memref<100352xf32, #tpu.memory_space<vmem_shared>>) offsets(%arg9 : memref<10000xi32, #tpu.memory_space<vmem>>) semaphore(%dma_start3A_590 : memref<!tpu.dma_semaphore, #tpu.memory_space<semaphore_mem>>) {add = true}
    %dma_wait3A_591 = arith.constant 1 : i32
    %dma_wait3A_592 = arith.constant 0 : i32
    %dma_wait3A_593 = tpu.memref_slice %arg15[%dma_wait3A_592] : memref<100352xf32, #tpu.memory_space<vmem_shared>> -> memref<100352xf32, #tpu.memory_space<vmem_shared>>
    %dma_wait3A_594 = tpu.memref_slice %arg23[%dma_wait3A_591] : memref<2x!tpu.dma_semaphore, #tpu.memory_space<semaphore_mem>> -> memref<1x!tpu.dma_semaphore, #tpu.memory_space<semaphore_mem>>
    %dma_wait3A_595 = tpu.memref_squeeze %dma_wait3A_594 : memref<1x!tpu.dma_semaphore, #tpu.memory_space<semaphore_mem>> -> memref<!tpu.dma_semaphore, #tpu.memory_space<semaphore_mem>>
    tpu.wait_indirect_dma semaphore(%dma_wait3A_595 : memref<!tpu.dma_semaphore, #tpu.memory_space<semaphore_mem>>) src(%arg12 : memref<10000xf32, #tpu.memory_space<vmem>>) dst(%dma_wait3A_593 : memref<100352xf32, #tpu.memory_space<vmem_shared>>)
    %dma_wait3A_596 = arith.constant 1 : i32
    %dma_wait3A_597 = arith.constant 0 : i32
    %dma_wait3A_598 = tpu.memref_slice %arg16[%dma_wait3A_597] : memref<100352xf32, #tpu.memory_space<vmem_shared>> -> memref<100352xf32, #tpu.memory_space<vmem_shared>>
    %dma_wait3A_599 = tpu.memref_slice %arg24[%dma_wait3A_596] : memref<2x!tpu.dma_semaphore, #tpu.memory_space<semaphore_mem>> -> memref<1x!tpu.dma_semaphore, #tpu.memory_space<semaphore_mem>>
    %dma_wait3A_600 = tpu.memref_squeeze %dma_wait3A_599 : memref<1x!tpu.dma_semaphore, #tpu.memory_space<semaphore_mem>> -> memref<!tpu.dma_semaphore, #tpu.memory_space<semaphore_mem>>
    tpu.wait_indirect_dma semaphore(%dma_wait3A_600 : memref<!tpu.dma_semaphore, #tpu.memory_space<semaphore_mem>>) src(%arg14 : memref<10000xf32, #tpu.memory_space<vmem>>) dst(%dma_wait3A_598 : memref<100352xf32, #tpu.memory_space<vmem_shared>>)
    %mul3A_601 = arith.constant 100000 : i32
    %mul3A_602 = arith.muli %add3A, %mul3A_601 : i32
    %add3A_603 = arith.constant 90000 : i32
    %add3A_604 = arith.addi %mul3A_602, %add3A_603 : i32
    %dma_start3A_605 = arith.constant 1 : i32
    %dma_start3A_606 = tpu.memref_slice %arg2[%add3A_604] : memref<6400000xi32, #tpu.memory_space<hbm>> -> memref<10000xi32, #tpu.memory_space<hbm>>
    %dma_start3A_607 = tpu.memref_slice %arg19[%dma_start3A_605] : memref<2x!tpu.dma_semaphore, #tpu.memory_space<semaphore_mem>> -> memref<1x!tpu.dma_semaphore, #tpu.memory_space<semaphore_mem>>
    %dma_start3A_608 = tpu.memref_squeeze %dma_start3A_607 : memref<1x!tpu.dma_semaphore, #tpu.memory_space<semaphore_mem>> -> memref<!tpu.dma_semaphore, #tpu.memory_space<semaphore_mem>>
    %dma_start3A_609 = tpu.memref_slice %arg2[%add3A_604] : memref<6400000xi32, #tpu.memory_space<hbm>> -> memref<10000xi32, #tpu.memory_space<hbm>>
    tpu.enqueue_dma source(%dma_start3A_609 : memref<10000xi32, #tpu.memory_space<hbm>>) target(%arg8 : memref<10000xi32, #tpu.memory_space<vmem>>) target_semaphore(%dma_start3A_608 : memref<!tpu.dma_semaphore, #tpu.memory_space<semaphore_mem>>)
    %add3A_610 = arith.constant 3200000 : i32
    %add3A_611 = arith.addi %add3A_610, %add3A_604 : i32
    %dma_start3A_612 = arith.constant 1 : i32
    %dma_start3A_613 = tpu.memref_slice %arg2[%add3A_611] : memref<6400000xi32, #tpu.memory_space<hbm>> -> memref<10000xi32, #tpu.memory_space<hbm>>
    %dma_start3A_614 = tpu.memref_slice %arg20[%dma_start3A_612] : memref<2x!tpu.dma_semaphore, #tpu.memory_space<semaphore_mem>> -> memref<1x!tpu.dma_semaphore, #tpu.memory_space<semaphore_mem>>
    %dma_start3A_615 = tpu.memref_squeeze %dma_start3A_614 : memref<1x!tpu.dma_semaphore, #tpu.memory_space<semaphore_mem>> -> memref<!tpu.dma_semaphore, #tpu.memory_space<semaphore_mem>>
    %dma_start3A_616 = tpu.memref_slice %arg2[%add3A_611] : memref<6400000xi32, #tpu.memory_space<hbm>> -> memref<10000xi32, #tpu.memory_space<hbm>>
    tpu.enqueue_dma source(%dma_start3A_616 : memref<10000xi32, #tpu.memory_space<hbm>>) target(%arg10 : memref<10000xi32, #tpu.memory_space<vmem>>) target_semaphore(%dma_start3A_615 : memref<!tpu.dma_semaphore, #tpu.memory_space<semaphore_mem>>)
    %dma_wait3A_617 = arith.constant 1 : i32
    %dma_wait3A_618 = tpu.memref_slice %arg2[%add3A_604] : memref<6400000xi32, #tpu.memory_space<hbm>> -> memref<10000xi32, #tpu.memory_space<hbm>>
    %dma_wait3A_619 = tpu.memref_slice %arg19[%dma_wait3A_617] : memref<2x!tpu.dma_semaphore, #tpu.memory_space<semaphore_mem>> -> memref<1x!tpu.dma_semaphore, #tpu.memory_space<semaphore_mem>>
    %dma_wait3A_620 = tpu.memref_squeeze %dma_wait3A_619 : memref<1x!tpu.dma_semaphore, #tpu.memory_space<semaphore_mem>> -> memref<!tpu.dma_semaphore, #tpu.memory_space<semaphore_mem>>
    %dma_wait3A_621 = tpu.memref_slice %arg2[%add3A_604] : memref<6400000xi32, #tpu.memory_space<hbm>> -> memref<10000xi32, #tpu.memory_space<hbm>>
    tpu.wait_dma2 semaphore(%dma_wait3A_620 : memref<!tpu.dma_semaphore, #tpu.memory_space<semaphore_mem>>) src(%dma_wait3A_621 : memref<10000xi32, #tpu.memory_space<hbm>>) dst(%arg8 : memref<10000xi32, #tpu.memory_space<vmem>>)
    %dma_wait3A_622 = arith.constant 1 : i32
    %dma_wait3A_623 = tpu.memref_slice %arg2[%add3A_611] : memref<6400000xi32, #tpu.memory_space<hbm>> -> memref<10000xi32, #tpu.memory_space<hbm>>
    %dma_wait3A_624 = tpu.memref_slice %arg20[%dma_wait3A_622] : memref<2x!tpu.dma_semaphore, #tpu.memory_space<semaphore_mem>> -> memref<1x!tpu.dma_semaphore, #tpu.memory_space<semaphore_mem>>
    %dma_wait3A_625 = tpu.memref_squeeze %dma_wait3A_624 : memref<1x!tpu.dma_semaphore, #tpu.memory_space<semaphore_mem>> -> memref<!tpu.dma_semaphore, #tpu.memory_space<semaphore_mem>>
    %dma_wait3A_626 = tpu.memref_slice %arg2[%add3A_611] : memref<6400000xi32, #tpu.memory_space<hbm>> -> memref<10000xi32, #tpu.memory_space<hbm>>
    tpu.wait_dma2 semaphore(%dma_wait3A_625 : memref<!tpu.dma_semaphore, #tpu.memory_space<semaphore_mem>>) src(%dma_wait3A_626 : memref<10000xi32, #tpu.memory_space<hbm>>) dst(%arg10 : memref<10000xi32, #tpu.memory_space<vmem>>)
    %dma_start3A_627 = arith.constant 1 : i32
    %dma_start3A_628 = arith.constant 0 : i32
    %dma_start3A_629 = tpu.memref_slice %arg17[%dma_start3A_628] : memref<100352xf32, #tpu.memory_space<vmem_shared>> -> memref<100352xf32, #tpu.memory_space<vmem_shared>>
    %dma_start3A_630 = tpu.memref_slice %arg21[%dma_start3A_627] : memref<2x!tpu.dma_semaphore, #tpu.memory_space<semaphore_mem>> -> memref<1x!tpu.dma_semaphore, #tpu.memory_space<semaphore_mem>>
    %dma_start3A_631 = tpu.memref_squeeze %dma_start3A_630 : memref<1x!tpu.dma_semaphore, #tpu.memory_space<semaphore_mem>> -> memref<!tpu.dma_semaphore, #tpu.memory_space<semaphore_mem>>
    tpu.enqueue_indirect_dma source(%dma_start3A_629 : memref<100352xf32, #tpu.memory_space<vmem_shared>>) target(%arg12 : memref<10000xf32, #tpu.memory_space<vmem>>) offsets(%arg8 : memref<10000xi32, #tpu.memory_space<vmem>>) semaphore(%dma_start3A_631 : memref<!tpu.dma_semaphore, #tpu.memory_space<semaphore_mem>>)
    %dma_start3A_632 = arith.constant 1 : i32
    %dma_start3A_633 = arith.constant 0 : i32
    %dma_start3A_634 = tpu.memref_slice %arg18[%dma_start3A_633] : memref<100352xf32, #tpu.memory_space<vmem_shared>> -> memref<100352xf32, #tpu.memory_space<vmem_shared>>
    %dma_start3A_635 = tpu.memref_slice %arg22[%dma_start3A_632] : memref<2x!tpu.dma_semaphore, #tpu.memory_space<semaphore_mem>> -> memref<1x!tpu.dma_semaphore, #tpu.memory_space<semaphore_mem>>
    %dma_start3A_636 = tpu.memref_squeeze %dma_start3A_635 : memref<1x!tpu.dma_semaphore, #tpu.memory_space<semaphore_mem>> -> memref<!tpu.dma_semaphore, #tpu.memory_space<semaphore_mem>>
    tpu.enqueue_indirect_dma source(%dma_start3A_634 : memref<100352xf32, #tpu.memory_space<vmem_shared>>) target(%arg14 : memref<10000xf32, #tpu.memory_space<vmem>>) offsets(%arg8 : memref<10000xi32, #tpu.memory_space<vmem>>) semaphore(%dma_start3A_636 : memref<!tpu.dma_semaphore, #tpu.memory_space<semaphore_mem>>)
    %dma_wait3A_637 = arith.constant 1 : i32
    %dma_wait3A_638 = arith.constant 0 : i32
    %dma_wait3A_639 = tpu.memref_slice %arg17[%dma_wait3A_638] : memref<100352xf32, #tpu.memory_space<vmem_shared>> -> memref<100352xf32, #tpu.memory_space<vmem_shared>>
    %dma_wait3A_640 = tpu.memref_slice %arg21[%dma_wait3A_637] : memref<2x!tpu.dma_semaphore, #tpu.memory_space<semaphore_mem>> -> memref<1x!tpu.dma_semaphore, #tpu.memory_space<semaphore_mem>>
    %dma_wait3A_641 = tpu.memref_squeeze %dma_wait3A_640 : memref<1x!tpu.dma_semaphore, #tpu.memory_space<semaphore_mem>> -> memref<!tpu.dma_semaphore, #tpu.memory_space<semaphore_mem>>
    tpu.wait_indirect_dma semaphore(%dma_wait3A_641 : memref<!tpu.dma_semaphore, #tpu.memory_space<semaphore_mem>>) src(%dma_wait3A_639 : memref<100352xf32, #tpu.memory_space<vmem_shared>>) dst(%arg12 : memref<10000xf32, #tpu.memory_space<vmem>>)
    %dma_wait3A_642 = arith.constant 1 : i32
    %dma_wait3A_643 = arith.constant 0 : i32
    %dma_wait3A_644 = tpu.memref_slice %arg18[%dma_wait3A_643] : memref<100352xf32, #tpu.memory_space<vmem_shared>> -> memref<100352xf32, #tpu.memory_space<vmem_shared>>
    %dma_wait3A_645 = tpu.memref_slice %arg22[%dma_wait3A_642] : memref<2x!tpu.dma_semaphore, #tpu.memory_space<semaphore_mem>> -> memref<1x!tpu.dma_semaphore, #tpu.memory_space<semaphore_mem>>
    %dma_wait3A_646 = tpu.memref_squeeze %dma_wait3A_645 : memref<1x!tpu.dma_semaphore, #tpu.memory_space<semaphore_mem>> -> memref<!tpu.dma_semaphore, #tpu.memory_space<semaphore_mem>>
    tpu.wait_indirect_dma semaphore(%dma_wait3A_646 : memref<!tpu.dma_semaphore, #tpu.memory_space<semaphore_mem>>) src(%dma_wait3A_644 : memref<100352xf32, #tpu.memory_space<vmem_shared>>) dst(%arg14 : memref<10000xf32, #tpu.memory_space<vmem>>)
    %dma_start3A_647 = arith.constant 1 : i32
    %dma_start3A_648 = arith.constant 0 : i32
    %dma_start3A_649 = tpu.memref_slice %arg15[%dma_start3A_648] : memref<100352xf32, #tpu.memory_space<vmem_shared>> -> memref<100352xf32, #tpu.memory_space<vmem_shared>>
    %dma_start3A_650 = tpu.memref_slice %arg23[%dma_start3A_647] : memref<2x!tpu.dma_semaphore, #tpu.memory_space<semaphore_mem>> -> memref<1x!tpu.dma_semaphore, #tpu.memory_space<semaphore_mem>>
    %dma_start3A_651 = tpu.memref_squeeze %dma_start3A_650 : memref<1x!tpu.dma_semaphore, #tpu.memory_space<semaphore_mem>> -> memref<!tpu.dma_semaphore, #tpu.memory_space<semaphore_mem>>
    tpu.enqueue_indirect_dma source(%arg12 : memref<10000xf32, #tpu.memory_space<vmem>>) target(%dma_start3A_649 : memref<100352xf32, #tpu.memory_space<vmem_shared>>) offsets(%arg10 : memref<10000xi32, #tpu.memory_space<vmem>>) semaphore(%dma_start3A_651 : memref<!tpu.dma_semaphore, #tpu.memory_space<semaphore_mem>>) {add = true}
    %dma_start3A_652 = arith.constant 1 : i32
    %dma_start3A_653 = arith.constant 0 : i32
    %dma_start3A_654 = tpu.memref_slice %arg16[%dma_start3A_653] : memref<100352xf32, #tpu.memory_space<vmem_shared>> -> memref<100352xf32, #tpu.memory_space<vmem_shared>>
    %dma_start3A_655 = tpu.memref_slice %arg24[%dma_start3A_652] : memref<2x!tpu.dma_semaphore, #tpu.memory_space<semaphore_mem>> -> memref<1x!tpu.dma_semaphore, #tpu.memory_space<semaphore_mem>>
    %dma_start3A_656 = tpu.memref_squeeze %dma_start3A_655 : memref<1x!tpu.dma_semaphore, #tpu.memory_space<semaphore_mem>> -> memref<!tpu.dma_semaphore, #tpu.memory_space<semaphore_mem>>
    tpu.enqueue_indirect_dma source(%arg14 : memref<10000xf32, #tpu.memory_space<vmem>>) target(%dma_start3A_654 : memref<100352xf32, #tpu.memory_space<vmem_shared>>) offsets(%arg10 : memref<10000xi32, #tpu.memory_space<vmem>>) semaphore(%dma_start3A_656 : memref<!tpu.dma_semaphore, #tpu.memory_space<semaphore_mem>>) {add = true}
    %dma_wait3A_657 = arith.constant 0 : i32
    %dma_wait3A_658 = arith.constant 0 : i32
    %dma_wait3A_659 = tpu.memref_slice %arg15[%dma_wait3A_658] : memref<100352xf32, #tpu.memory_space<vmem_shared>> -> memref<100352xf32, #tpu.memory_space<vmem_shared>>
    %dma_wait3A_660 = tpu.memref_slice %arg23[%dma_wait3A_657] : memref<2x!tpu.dma_semaphore, #tpu.memory_space<semaphore_mem>> -> memref<1x!tpu.dma_semaphore, #tpu.memory_space<semaphore_mem>>
    %dma_wait3A_661 = tpu.memref_squeeze %dma_wait3A_660 : memref<1x!tpu.dma_semaphore, #tpu.memory_space<semaphore_mem>> -> memref<!tpu.dma_semaphore, #tpu.memory_space<semaphore_mem>>
    tpu.wait_indirect_dma semaphore(%dma_wait3A_661 : memref<!tpu.dma_semaphore, #tpu.memory_space<semaphore_mem>>) src(%arg11 : memref<10000xf32, #tpu.memory_space<vmem>>) dst(%dma_wait3A_659 : memref<100352xf32, #tpu.memory_space<vmem_shared>>)
    %dma_wait3A_662 = arith.constant 1 : i32
    %dma_wait3A_663 = arith.constant 0 : i32
    %dma_wait3A_664 = tpu.memref_slice %arg15[%dma_wait3A_663] : memref<100352xf32, #tpu.memory_space<vmem_shared>> -> memref<100352xf32, #tpu.memory_space<vmem_shared>>
    %dma_wait3A_665 = tpu.memref_slice %arg23[%dma_wait3A_662] : memref<2x!tpu.dma_semaphore, #tpu.memory_space<semaphore_mem>> -> memref<1x!tpu.dma_semaphore, #tpu.memory_space<semaphore_mem>>
    %dma_wait3A_666 = tpu.memref_squeeze %dma_wait3A_665 : memref<1x!tpu.dma_semaphore, #tpu.memory_space<semaphore_mem>> -> memref<!tpu.dma_semaphore, #tpu.memory_space<semaphore_mem>>
    tpu.wait_indirect_dma semaphore(%dma_wait3A_666 : memref<!tpu.dma_semaphore, #tpu.memory_space<semaphore_mem>>) src(%arg12 : memref<10000xf32, #tpu.memory_space<vmem>>) dst(%dma_wait3A_664 : memref<100352xf32, #tpu.memory_space<vmem_shared>>)
    %dma_wait3A_667 = arith.constant 0 : i32
    %dma_wait3A_668 = arith.constant 0 : i32
    %dma_wait3A_669 = tpu.memref_slice %arg16[%dma_wait3A_668] : memref<100352xf32, #tpu.memory_space<vmem_shared>> -> memref<100352xf32, #tpu.memory_space<vmem_shared>>
    %dma_wait3A_670 = tpu.memref_slice %arg24[%dma_wait3A_667] : memref<2x!tpu.dma_semaphore, #tpu.memory_space<semaphore_mem>> -> memref<1x!tpu.dma_semaphore, #tpu.memory_space<semaphore_mem>>
    %dma_wait3A_671 = tpu.memref_squeeze %dma_wait3A_670 : memref<1x!tpu.dma_semaphore, #tpu.memory_space<semaphore_mem>> -> memref<!tpu.dma_semaphore, #tpu.memory_space<semaphore_mem>>
    tpu.wait_indirect_dma semaphore(%dma_wait3A_671 : memref<!tpu.dma_semaphore, #tpu.memory_space<semaphore_mem>>) src(%arg13 : memref<10000xf32, #tpu.memory_space<vmem>>) dst(%dma_wait3A_669 : memref<100352xf32, #tpu.memory_space<vmem_shared>>)
    %dma_wait3A_672 = arith.constant 1 : i32
    %dma_wait3A_673 = arith.constant 0 : i32
    %dma_wait3A_674 = tpu.memref_slice %arg16[%dma_wait3A_673] : memref<100352xf32, #tpu.memory_space<vmem_shared>> -> memref<100352xf32, #tpu.memory_space<vmem_shared>>
    %dma_wait3A_675 = tpu.memref_slice %arg24[%dma_wait3A_672] : memref<2x!tpu.dma_semaphore, #tpu.memory_space<semaphore_mem>> -> memref<1x!tpu.dma_semaphore, #tpu.memory_space<semaphore_mem>>
    %dma_wait3A_676 = tpu.memref_squeeze %dma_wait3A_675 : memref<1x!tpu.dma_semaphore, #tpu.memory_space<semaphore_mem>> -> memref<!tpu.dma_semaphore, #tpu.memory_space<semaphore_mem>>
    tpu.wait_indirect_dma semaphore(%dma_wait3A_676 : memref<!tpu.dma_semaphore, #tpu.memory_space<semaphore_mem>>) src(%arg14 : memref<10000xf32, #tpu.memory_space<vmem>>) dst(%dma_wait3A_674 : memref<100352xf32, #tpu.memory_space<vmem_shared>>)
    %barrier3A_677 = arith.constant 0 : index
    tpu.barrier barrier_id(%barrier3A_677)
    %mul3A_678 = arith.constant 6272 : i32
    %mul3A_679 = arith.muli %arg1, %mul3A_678 : i32
    %mul3A_680 = arith.constant 6272 : i32
    %mul3A_681 = arith.muli %arg1, %mul3A_680 : i32
    "tpu.region"() ({
      %run_scoped3A = tpu.sem_alloc : memref<!tpu.dma_semaphore, #tpu.memory_space<semaphore_mem>>
      %dma_start3A_686 = tpu.memref_slice %arg5[%arg0, %mul3A_681] : memref<2x100352xf32, #tpu.memory_space<hbm>> -> memref<1x6272xf32, #tpu.memory_space<hbm>>
      %dma_start3A_687 = tpu.memref_squeeze %dma_start3A_686 : memref<1x6272xf32, #tpu.memory_space<hbm>> -> memref<6272xf32, #tpu.memory_space<hbm>>
      %dma_start3A_688 = tpu.memref_slice %arg15[%mul3A_679] : memref<100352xf32, #tpu.memory_space<vmem_shared>> -> memref<6272xf32, #tpu.memory_space<vmem_shared>>
      tpu.enqueue_dma source(%dma_start3A_688 : memref<6272xf32, #tpu.memory_space<vmem_shared>>) target(%dma_start3A_687 : memref<6272xf32, #tpu.memory_space<hbm>>) target_semaphore(%run_scoped3A : memref<!tpu.dma_semaphore, #tpu.memory_space<semaphore_mem>>)
      %dma_wait3A_689 = tpu.memref_slice %arg5[%arg0, %mul3A_681] : memref<2x100352xf32, #tpu.memory_space<hbm>> -> memref<1x6272xf32, #tpu.memory_space<hbm>>
      %dma_wait3A_690 = tpu.memref_squeeze %dma_wait3A_689 : memref<1x6272xf32, #tpu.memory_space<hbm>> -> memref<6272xf32, #tpu.memory_space<hbm>>
      %dma_wait3A_691 = tpu.memref_slice %arg15[%mul3A_679] : memref<100352xf32, #tpu.memory_space<vmem_shared>> -> memref<6272xf32, #tpu.memory_space<vmem_shared>>
      tpu.wait_dma2 semaphore(%run_scoped3A : memref<!tpu.dma_semaphore, #tpu.memory_space<semaphore_mem>>) src(%dma_wait3A_691 : memref<6272xf32, #tpu.memory_space<vmem_shared>>) dst(%dma_wait3A_690 : memref<6272xf32, #tpu.memory_space<hbm>>)
      tpu.yield
    }) : () -> ()
    %mul3A_682 = arith.constant 6272 : i32
    %mul3A_683 = arith.muli %arg1, %mul3A_682 : i32
    %mul3A_684 = arith.constant 6272 : i32
    %mul3A_685 = arith.muli %arg1, %mul3A_684 : i32
    "tpu.region"() ({
      %run_scoped3A = tpu.sem_alloc : memref<!tpu.dma_semaphore, #tpu.memory_space<semaphore_mem>>
      %dma_start3A_686 = tpu.memref_slice %arg6[%arg0, %mul3A_685] : memref<2x100352xf32, #tpu.memory_space<hbm>> -> memref<1x6272xf32, #tpu.memory_space<hbm>>
      %dma_start3A_687 = tpu.memref_squeeze %dma_start3A_686 : memref<1x6272xf32, #tpu.memory_space<hbm>> -> memref<6272xf32, #tpu.memory_space<hbm>>
      %dma_start3A_688 = tpu.memref_slice %arg16[%mul3A_683] : memref<100352xf32, #tpu.memory_space<vmem_shared>> -> memref<6272xf32, #tpu.memory_space<vmem_shared>>
      tpu.enqueue_dma source(%dma_start3A_688 : memref<6272xf32, #tpu.memory_space<vmem_shared>>) target(%dma_start3A_687 : memref<6272xf32, #tpu.memory_space<hbm>>) target_semaphore(%run_scoped3A : memref<!tpu.dma_semaphore, #tpu.memory_space<semaphore_mem>>)
      %dma_wait3A_689 = tpu.memref_slice %arg6[%arg0, %mul3A_685] : memref<2x100352xf32, #tpu.memory_space<hbm>> -> memref<1x6272xf32, #tpu.memory_space<hbm>>
      %dma_wait3A_690 = tpu.memref_squeeze %dma_wait3A_689 : memref<1x6272xf32, #tpu.memory_space<hbm>> -> memref<6272xf32, #tpu.memory_space<hbm>>
      %dma_wait3A_691 = tpu.memref_slice %arg16[%mul3A_683] : memref<100352xf32, #tpu.memory_space<vmem_shared>> -> memref<6272xf32, #tpu.memory_space<vmem_shared>>
      tpu.wait_dma2 semaphore(%run_scoped3A : memref<!tpu.dma_semaphore, #tpu.memory_space<semaphore_mem>>) src(%dma_wait3A_691 : memref<6272xf32, #tpu.memory_space<vmem_shared>>) dst(%dma_wait3A_690 : memref<6272xf32, #tpu.memory_space<hbm>>)
      tpu.yield
    }) : () -> ()
    return
  }
}

module attributes {stable_mosaic.version = 14 : i64} {
  func.func @_tc1_body(%arg0: memref<2x784x128xf32, #tpu.memory_space<vmem>>, %arg1: memref<784x128xf32, #tpu.memory_space<vmem>>, %arg2: memref<784x128xf32, #tpu.memory_space<vmem>>, %arg3: memref<784x128xf32, #tpu.memory_space<vmem>>) attributes {dimension_semantics = [], scalar_prefetch = 0 : i64, scratch_operands = 0 : i64, tpu.core_type = #tpu.core_type<tc>} {
    %get3A = arith.constant 0 : index
    %get3A_0 = arith.constant 0 : index
    %get3A_1 = arith.constant 0 : index
    %get3A_2 = vector.load %arg0[%get3A, %get3A_0, %get3A_1] : memref<2x784x128xf32, #tpu.memory_space<vmem>>, vector<1x784x128xf32>
    %get3A_3 = vector.shape_cast %get3A_2 : vector<1x784x128xf32> to vector<784x128xf32>
    %get3A_4 = arith.constant 1 : index
    %get3A_5 = arith.constant 0 : index
    %get3A_6 = arith.constant 0 : index
    %get3A_7 = vector.load %arg0[%get3A_4, %get3A_5, %get3A_6] : memref<2x784x128xf32, #tpu.memory_space<vmem>>, vector<1x784x128xf32>
    %get3A_8 = vector.shape_cast %get3A_7 : vector<1x784x128xf32> to vector<784x128xf32>
    %add3A = arith.addf %get3A_3, %get3A_8 : vector<784x128xf32>
    %add3A_9 = arith.constant 1.000000e+00 : f32
    %add3A_10 = vector.broadcast %add3A_9 : f32 to vector<784x128xf32>
    %add3A_11 = arith.addf %add3A, %add3A_10 : vector<784x128xf32>
    %rsqrt3A = math.rsqrt %add3A_11 : vector<784x128xf32>
    %swap3A = arith.constant 0 : index
    %swap3A_12 = arith.constant 0 : index
    %swap3A_13 = vector.load %arg2[%swap3A, %swap3A_12] : memref<784x128xf32, #tpu.memory_space<vmem>>, vector<784x128xf32>
    tpu.vector_store %arg2[%swap3A, %swap3A_12], %rsqrt3A {strides = array<i32>} : memref<784x128xf32, #tpu.memory_space<vmem>>, vector<784x128xf32>,
    %get3A_14 = arith.constant 0 : index
    %get3A_15 = arith.constant 0 : index
    %get3A_16 = vector.load %arg1[%get3A_14, %get3A_15] : memref<784x128xf32, #tpu.memory_space<vmem>>, vector<784x128xf32>
    %mul3A = arith.mulf %rsqrt3A, %get3A_16 : vector<784x128xf32>
    %swap3A_17 = arith.constant 0 : index
    %swap3A_18 = arith.constant 0 : index
    %swap3A_19 = vector.load %arg3[%swap3A_17, %swap3A_18] : memref<784x128xf32, #tpu.memory_space<vmem>>, vector<784x128xf32>
    tpu.vector_store %arg3[%swap3A_17, %swap3A_18], %mul3A {strides = array<i32>} : memref<784x128xf32, #tpu.memory_space<vmem>>, vector<784x128xf32>,
    return
  }
}

module attributes {stable_mosaic.version = 14 : i64} {
  func.func @_tc2_body(%arg0: memref<2x784x128xf32, #tpu.memory_space<vmem>>, %arg1: memref<784x128xf32, #tpu.memory_space<vmem>>, %arg2: memref<784x128xf32, #tpu.memory_space<vmem>>, %arg3: memref<1x16xf32, #tpu.memory_space<smem>>, %arg4: memref<1x16xf32, #tpu.memory_space<smem>>, %arg5: memref<2x16xf32, #tpu.memory_space<smem>>, %arg6: memref<2x784x128xf32, #tpu.memory_space<vmem>>) attributes {dimension_semantics = [], scalar_prefetch = 0 : i64, scratch_operands = 0 : i64, tpu.core_type = #tpu.core_type<tc>} {
    %get3A = arith.constant 0 : index
    %get3A_0 = arith.constant 0 : index
    %get3A_1 = vector.load %arg2[%get3A, %get3A_0] : memref<784x128xf32, #tpu.memory_space<vmem>>, vector<784x128xf32>
    %get3A_2 = arith.constant 0 : index
    %get3A_3 = arith.constant 0 : index
    %get3A_4 = arith.constant 0 : index
    %get3A_5 = vector.load %arg0[%get3A_2, %get3A_3, %get3A_4] : memref<2x784x128xf32, #tpu.memory_space<vmem>>, vector<1x784x128xf32>
    %get3A_6 = vector.shape_cast %get3A_5 : vector<1x784x128xf32> to vector<784x128xf32>
    %get3A_7 = arith.constant 1 : index
    %get3A_8 = arith.constant 0 : index
    %get3A_9 = arith.constant 0 : index
    %get3A_10 = vector.load %arg0[%get3A_7, %get3A_8, %get3A_9] : memref<2x784x128xf32, #tpu.memory_space<vmem>>, vector<1x784x128xf32>
    %get3A_11 = vector.shape_cast %get3A_10 : vector<1x784x128xf32> to vector<784x128xf32>
    %add3A = arith.addf %get3A_6, %get3A_11 : vector<784x128xf32>
    %get3A_12 = arith.constant 0 : index
    %get3A_13 = arith.constant 0 : index
    %get3A_14 = vector.load %arg1[%get3A_12, %get3A_13] : memref<784x128xf32, #tpu.memory_space<vmem>>, vector<784x128xf32>
    %add3A_15 = arith.addf %add3A, %get3A_14 : vector<784x128xf32>
    %mul3A = arith.mulf %get3A_1, %add3A_15 : vector<784x128xf32>
    %broadcast_in_dim3A = arith.constant 0.000000e+00 : f32
    %broadcast_in_dim3A_16 = vector.broadcast %broadcast_in_dim3A : f32 to vector<784x128xf32>
    %broadcast_in_dim3A_17 = arith.constant 0.000000e+00 : f32
    %broadcast_in_dim3A_18 = vector.broadcast %broadcast_in_dim3A_17 : f32 to vector<784x128xf32>
    %get3A_19 = arith.constant 0 : index
    %get3A_20 = arith.constant 0 : index
    %get3A_21 = memref.load %arg3[%get3A_19, %get3A_20] : memref<1x16xf32, #tpu.memory_space<smem>>
    %mul3A_22 = vector.broadcast %get3A_21 : f32 to vector<784x128xf32>
    %mul3A_23 = arith.mulf %mul3A, %mul3A_22 : vector<784x128xf32>
    %get3A_24 = arith.constant 0 : index
    %get3A_25 = arith.constant 0 : index
    %get3A_26 = memref.load %arg4[%get3A_24, %get3A_25] : memref<1x16xf32, #tpu.memory_space<smem>>
    %add3A_27 = vector.broadcast %get3A_26 : f32 to vector<784x128xf32>
    %add3A_28 = arith.addf %mul3A_23, %add3A_27 : vector<784x128xf32>
    %max3A = arith.constant 0.000000e+00 : f32
    %max3A_29 = vector.broadcast %max3A : f32 to vector<784x128xf32>
    %max3A_30 = arith.maximumf %add3A_28, %max3A_29 : vector<784x128xf32>
    %get3A_31 = arith.constant 0 : index
    %get3A_32 = arith.constant 0 : index
    %get3A_33 = memref.load %arg5[%get3A_31, %get3A_32] : memref<2x16xf32, #tpu.memory_space<smem>>
    %mul3A_34 = vector.broadcast %get3A_33 : f32 to vector<784x128xf32>
    %mul3A_35 = arith.mulf %max3A_30, %mul3A_34 : vector<784x128xf32>
    %add3A_36 = arith.addf %broadcast_in_dim3A_16, %mul3A_35 : vector<784x128xf32>
    %get3A_37 = arith.constant 1 : index
    %get3A_38 = arith.constant 0 : index
    %get3A_39 = memref.load %arg5[%get3A_37, %get3A_38] : memref<2x16xf32, #tpu.memory_space<smem>>
    %mul3A_40 = vector.broadcast %get3A_39 : f32 to vector<784x128xf32>
    %mul3A_41 = arith.mulf %max3A_30, %mul3A_40 : vector<784x128xf32>
    %add3A_42 = arith.addf %broadcast_in_dim3A_18, %mul3A_41 : vector<784x128xf32>
    %get3A_43 = arith.constant 0 : index
    %get3A_44 = arith.constant 1 : index
    %get3A_45 = memref.load %arg3[%get3A_43, %get3A_44] : memref<1x16xf32, #tpu.memory_space<smem>>
    %mul3A_46 = vector.broadcast %get3A_45 : f32 to vector<784x128xf32>
    %mul3A_47 = arith.mulf %mul3A, %mul3A_46 : vector<784x128xf32>
    %get3A_48 = arith.constant 0 : index
    %get3A_49 = arith.constant 1 : index
    %get3A_50 = memref.load %arg4[%get3A_48, %get3A_49] : memref<1x16xf32, #tpu.memory_space<smem>>
    %add3A_51 = vector.broadcast %get3A_50 : f32 to vector<784x128xf32>
    %add3A_52 = arith.addf %mul3A_47, %add3A_51 : vector<784x128xf32>
    %max3A_53 = arith.constant 0.000000e+00 : f32
    %max3A_54 = vector.broadcast %max3A_53 : f32 to vector<784x128xf32>
    %max3A_55 = arith.maximumf %add3A_52, %max3A_54 : vector<784x128xf32>
    %get3A_56 = arith.constant 0 : index
    %get3A_57 = arith.constant 1 : index
    %get3A_58 = memref.load %arg5[%get3A_56, %get3A_57] : memref<2x16xf32, #tpu.memory_space<smem>>
    %mul3A_59 = vector.broadcast %get3A_58 : f32 to vector<784x128xf32>
    %mul3A_60 = arith.mulf %max3A_55, %mul3A_59 : vector<784x128xf32>
    %add3A_61 = arith.addf %add3A_36, %mul3A_60 : vector<784x128xf32>
    %get3A_62 = arith.constant 1 : index
    %get3A_63 = arith.constant 1 : index
    %get3A_64 = memref.load %arg5[%get3A_62, %get3A_63] : memref<2x16xf32, #tpu.memory_space<smem>>
    %mul3A_65 = vector.broadcast %get3A_64 : f32 to vector<784x128xf32>
    %mul3A_66 = arith.mulf %max3A_55, %mul3A_65 : vector<784x128xf32>
    %add3A_67 = arith.addf %add3A_42, %mul3A_66 : vector<784x128xf32>
    %get3A_68 = arith.constant 0 : index
    %get3A_69 = arith.constant 2 : index
    %get3A_70 = memref.load %arg3[%get3A_68, %get3A_69] : memref<1x16xf32, #tpu.memory_space<smem>>
    %mul3A_71 = vector.broadcast %get3A_70 : f32 to vector<784x128xf32>
    %mul3A_72 = arith.mulf %mul3A, %mul3A_71 : vector<784x128xf32>
    %get3A_73 = arith.constant 0 : index
    %get3A_74 = arith.constant 2 : index
    %get3A_75 = memref.load %arg4[%get3A_73, %get3A_74] : memref<1x16xf32, #tpu.memory_space<smem>>
    %add3A_76 = vector.broadcast %get3A_75 : f32 to vector<784x128xf32>
    %add3A_77 = arith.addf %mul3A_72, %add3A_76 : vector<784x128xf32>
    %max3A_78 = arith.constant 0.000000e+00 : f32
    %max3A_79 = vector.broadcast %max3A_78 : f32 to vector<784x128xf32>
    %max3A_80 = arith.maximumf %add3A_77, %max3A_79 : vector<784x128xf32>
    %get3A_81 = arith.constant 0 : index
    %get3A_82 = arith.constant 2 : index
    %get3A_83 = memref.load %arg5[%get3A_81, %get3A_82] : memref<2x16xf32, #tpu.memory_space<smem>>
    %mul3A_84 = vector.broadcast %get3A_83 : f32 to vector<784x128xf32>
    %mul3A_85 = arith.mulf %max3A_80, %mul3A_84 : vector<784x128xf32>
    %add3A_86 = arith.addf %add3A_61, %mul3A_85 : vector<784x128xf32>
    %get3A_87 = arith.constant 1 : index
    %get3A_88 = arith.constant 2 : index
    %get3A_89 = memref.load %arg5[%get3A_87, %get3A_88] : memref<2x16xf32, #tpu.memory_space<smem>>
    %mul3A_90 = vector.broadcast %get3A_89 : f32 to vector<784x128xf32>
    %mul3A_91 = arith.mulf %max3A_80, %mul3A_90 : vector<784x128xf32>
    %add3A_92 = arith.addf %add3A_67, %mul3A_91 : vector<784x128xf32>
    %get3A_93 = arith.constant 0 : index
    %get3A_94 = arith.constant 3 : index
    %get3A_95 = memref.load %arg3[%get3A_93, %get3A_94] : memref<1x16xf32, #tpu.memory_space<smem>>
    %mul3A_96 = vector.broadcast %get3A_95 : f32 to vector<784x128xf32>
    %mul3A_97 = arith.mulf %mul3A, %mul3A_96 : vector<784x128xf32>
    %get3A_98 = arith.constant 0 : index
    %get3A_99 = arith.constant 3 : index
    %get3A_100 = memref.load %arg4[%get3A_98, %get3A_99] : memref<1x16xf32, #tpu.memory_space<smem>>
    %add3A_101 = vector.broadcast %get3A_100 : f32 to vector<784x128xf32>
    %add3A_102 = arith.addf %mul3A_97, %add3A_101 : vector<784x128xf32>
    %max3A_103 = arith.constant 0.000000e+00 : f32
    %max3A_104 = vector.broadcast %max3A_103 : f32 to vector<784x128xf32>
    %max3A_105 = arith.maximumf %add3A_102, %max3A_104 : vector<784x128xf32>
    %get3A_106 = arith.constant 0 : index
    %get3A_107 = arith.constant 3 : index
    %get3A_108 = memref.load %arg5[%get3A_106, %get3A_107] : memref<2x16xf32, #tpu.memory_space<smem>>
    %mul3A_109 = vector.broadcast %get3A_108 : f32 to vector<784x128xf32>
    %mul3A_110 = arith.mulf %max3A_105, %mul3A_109 : vector<784x128xf32>
    %add3A_111 = arith.addf %add3A_86, %mul3A_110 : vector<784x128xf32>
    %get3A_112 = arith.constant 1 : index
    %get3A_113 = arith.constant 3 : index
    %get3A_114 = memref.load %arg5[%get3A_112, %get3A_113] : memref<2x16xf32, #tpu.memory_space<smem>>
    %mul3A_115 = vector.broadcast %get3A_114 : f32 to vector<784x128xf32>
    %mul3A_116 = arith.mulf %max3A_105, %mul3A_115 : vector<784x128xf32>
    %add3A_117 = arith.addf %add3A_92, %mul3A_116 : vector<784x128xf32>
    %get3A_118 = arith.constant 0 : index
    %get3A_119 = arith.constant 4 : index
    %get3A_120 = memref.load %arg3[%get3A_118, %get3A_119] : memref<1x16xf32, #tpu.memory_space<smem>>
    %mul3A_121 = vector.broadcast %get3A_120 : f32 to vector<784x128xf32>
    %mul3A_122 = arith.mulf %mul3A, %mul3A_121 : vector<784x128xf32>
    %get3A_123 = arith.constant 0 : index
    %get3A_124 = arith.constant 4 : index
    %get3A_125 = memref.load %arg4[%get3A_123, %get3A_124] : memref<1x16xf32, #tpu.memory_space<smem>>
    %add3A_126 = vector.broadcast %get3A_125 : f32 to vector<784x128xf32>
    %add3A_127 = arith.addf %mul3A_122, %add3A_126 : vector<784x128xf32>
    %max3A_128 = arith.constant 0.000000e+00 : f32
    %max3A_129 = vector.broadcast %max3A_128 : f32 to vector<784x128xf32>
    %max3A_130 = arith.maximumf %add3A_127, %max3A_129 : vector<784x128xf32>
    %get3A_131 = arith.constant 0 : index
    %get3A_132 = arith.constant 4 : index
    %get3A_133 = memref.load %arg5[%get3A_131, %get3A_132] : memref<2x16xf32, #tpu.memory_space<smem>>
    %mul3A_134 = vector.broadcast %get3A_133 : f32 to vector<784x128xf32>
    %mul3A_135 = arith.mulf %max3A_130, %mul3A_134 : vector<784x128xf32>
    %add3A_136 = arith.addf %add3A_111, %mul3A_135 : vector<784x128xf32>
    %get3A_137 = arith.constant 1 : index
    %get3A_138 = arith.constant 4 : index
    %get3A_139 = memref.load %arg5[%get3A_137, %get3A_138] : memref<2x16xf32, #tpu.memory_space<smem>>
    %mul3A_140 = vector.broadcast %get3A_139 : f32 to vector<784x128xf32>
    %mul3A_141 = arith.mulf %max3A_130, %mul3A_140 : vector<784x128xf32>
    %add3A_142 = arith.addf %add3A_117, %mul3A_141 : vector<784x128xf32>
    %get3A_143 = arith.constant 0 : index
    %get3A_144 = arith.constant 5 : index
    %get3A_145 = memref.load %arg3[%get3A_143, %get3A_144] : memref<1x16xf32, #tpu.memory_space<smem>>
    %mul3A_146 = vector.broadcast %get3A_145 : f32 to vector<784x128xf32>
    %mul3A_147 = arith.mulf %mul3A, %mul3A_146 : vector<784x128xf32>
    %get3A_148 = arith.constant 0 : index
    %get3A_149 = arith.constant 5 : index
    %get3A_150 = memref.load %arg4[%get3A_148, %get3A_149] : memref<1x16xf32, #tpu.memory_space<smem>>
    %add3A_151 = vector.broadcast %get3A_150 : f32 to vector<784x128xf32>
    %add3A_152 = arith.addf %mul3A_147, %add3A_151 : vector<784x128xf32>
    %max3A_153 = arith.constant 0.000000e+00 : f32
    %max3A_154 = vector.broadcast %max3A_153 : f32 to vector<784x128xf32>
    %max3A_155 = arith.maximumf %add3A_152, %max3A_154 : vector<784x128xf32>
    %get3A_156 = arith.constant 0 : index
    %get3A_157 = arith.constant 5 : index
    %get3A_158 = memref.load %arg5[%get3A_156, %get3A_157] : memref<2x16xf32, #tpu.memory_space<smem>>
    %mul3A_159 = vector.broadcast %get3A_158 : f32 to vector<784x128xf32>
    %mul3A_160 = arith.mulf %max3A_155, %mul3A_159 : vector<784x128xf32>
    %add3A_161 = arith.addf %add3A_136, %mul3A_160 : vector<784x128xf32>
    %get3A_162 = arith.constant 1 : index
    %get3A_163 = arith.constant 5 : index
    %get3A_164 = memref.load %arg5[%get3A_162, %get3A_163] : memref<2x16xf32, #tpu.memory_space<smem>>
    %mul3A_165 = vector.broadcast %get3A_164 : f32 to vector<784x128xf32>
    %mul3A_166 = arith.mulf %max3A_155, %mul3A_165 : vector<784x128xf32>
    %add3A_167 = arith.addf %add3A_142, %mul3A_166 : vector<784x128xf32>
    %get3A_168 = arith.constant 0 : index
    %get3A_169 = arith.constant 6 : index
    %get3A_170 = memref.load %arg3[%get3A_168, %get3A_169] : memref<1x16xf32, #tpu.memory_space<smem>>
    %mul3A_171 = vector.broadcast %get3A_170 : f32 to vector<784x128xf32>
    %mul3A_172 = arith.mulf %mul3A, %mul3A_171 : vector<784x128xf32>
    %get3A_173 = arith.constant 0 : index
    %get3A_174 = arith.constant 6 : index
    %get3A_175 = memref.load %arg4[%get3A_173, %get3A_174] : memref<1x16xf32, #tpu.memory_space<smem>>
    %add3A_176 = vector.broadcast %get3A_175 : f32 to vector<784x128xf32>
    %add3A_177 = arith.addf %mul3A_172, %add3A_176 : vector<784x128xf32>
    %max3A_178 = arith.constant 0.000000e+00 : f32
    %max3A_179 = vector.broadcast %max3A_178 : f32 to vector<784x128xf32>
    %max3A_180 = arith.maximumf %add3A_177, %max3A_179 : vector<784x128xf32>
    %get3A_181 = arith.constant 0 : index
    %get3A_182 = arith.constant 6 : index
    %get3A_183 = memref.load %arg5[%get3A_181, %get3A_182] : memref<2x16xf32, #tpu.memory_space<smem>>
    %mul3A_184 = vector.broadcast %get3A_183 : f32 to vector<784x128xf32>
    %mul3A_185 = arith.mulf %max3A_180, %mul3A_184 : vector<784x128xf32>
    %add3A_186 = arith.addf %add3A_161, %mul3A_185 : vector<784x128xf32>
    %get3A_187 = arith.constant 1 : index
    %get3A_188 = arith.constant 6 : index
    %get3A_189 = memref.load %arg5[%get3A_187, %get3A_188] : memref<2x16xf32, #tpu.memory_space<smem>>
    %mul3A_190 = vector.broadcast %get3A_189 : f32 to vector<784x128xf32>
    %mul3A_191 = arith.mulf %max3A_180, %mul3A_190 : vector<784x128xf32>
    %add3A_192 = arith.addf %add3A_167, %mul3A_191 : vector<784x128xf32>
    %get3A_193 = arith.constant 0 : index
    %get3A_194 = arith.constant 7 : index
    %get3A_195 = memref.load %arg3[%get3A_193, %get3A_194] : memref<1x16xf32, #tpu.memory_space<smem>>
    %mul3A_196 = vector.broadcast %get3A_195 : f32 to vector<784x128xf32>
    %mul3A_197 = arith.mulf %mul3A, %mul3A_196 : vector<784x128xf32>
    %get3A_198 = arith.constant 0 : index
    %get3A_199 = arith.constant 7 : index
    %get3A_200 = memref.load %arg4[%get3A_198, %get3A_199] : memref<1x16xf32, #tpu.memory_space<smem>>
    %add3A_201 = vector.broadcast %get3A_200 : f32 to vector<784x128xf32>
    %add3A_202 = arith.addf %mul3A_197, %add3A_201 : vector<784x128xf32>
    %max3A_203 = arith.constant 0.000000e+00 : f32
    %max3A_204 = vector.broadcast %max3A_203 : f32 to vector<784x128xf32>
    %max3A_205 = arith.maximumf %add3A_202, %max3A_204 : vector<784x128xf32>
    %get3A_206 = arith.constant 0 : index
    %get3A_207 = arith.constant 7 : index
    %get3A_208 = memref.load %arg5[%get3A_206, %get3A_207] : memref<2x16xf32, #tpu.memory_space<smem>>
    %mul3A_209 = vector.broadcast %get3A_208 : f32 to vector<784x128xf32>
    %mul3A_210 = arith.mulf %max3A_205, %mul3A_209 : vector<784x128xf32>
    %add3A_211 = arith.addf %add3A_186, %mul3A_210 : vector<784x128xf32>
    %get3A_212 = arith.constant 1 : index
    %get3A_213 = arith.constant 7 : index
    %get3A_214 = memref.load %arg5[%get3A_212, %get3A_213] : memref<2x16xf32, #tpu.memory_space<smem>>
    %mul3A_215 = vector.broadcast %get3A_214 : f32 to vector<784x128xf32>
    %mul3A_216 = arith.mulf %max3A_205, %mul3A_215 : vector<784x128xf32>
    %add3A_217 = arith.addf %add3A_192, %mul3A_216 : vector<784x128xf32>
    %get3A_218 = arith.constant 0 : index
    %get3A_219 = arith.constant 8 : index
    %get3A_220 = memref.load %arg3[%get3A_218, %get3A_219] : memref<1x16xf32, #tpu.memory_space<smem>>
    %mul3A_221 = vector.broadcast %get3A_220 : f32 to vector<784x128xf32>
    %mul3A_222 = arith.mulf %mul3A, %mul3A_221 : vector<784x128xf32>
    %get3A_223 = arith.constant 0 : index
    %get3A_224 = arith.constant 8 : index
    %get3A_225 = memref.load %arg4[%get3A_223, %get3A_224] : memref<1x16xf32, #tpu.memory_space<smem>>
    %add3A_226 = vector.broadcast %get3A_225 : f32 to vector<784x128xf32>
    %add3A_227 = arith.addf %mul3A_222, %add3A_226 : vector<784x128xf32>
    %max3A_228 = arith.constant 0.000000e+00 : f32
    %max3A_229 = vector.broadcast %max3A_228 : f32 to vector<784x128xf32>
    %max3A_230 = arith.maximumf %add3A_227, %max3A_229 : vector<784x128xf32>
    %get3A_231 = arith.constant 0 : index
    %get3A_232 = arith.constant 8 : index
    %get3A_233 = memref.load %arg5[%get3A_231, %get3A_232] : memref<2x16xf32, #tpu.memory_space<smem>>
    %mul3A_234 = vector.broadcast %get3A_233 : f32 to vector<784x128xf32>
    %mul3A_235 = arith.mulf %max3A_230, %mul3A_234 : vector<784x128xf32>
    %add3A_236 = arith.addf %add3A_211, %mul3A_235 : vector<784x128xf32>
    %get3A_237 = arith.constant 1 : index
    %get3A_238 = arith.constant 8 : index
    %get3A_239 = memref.load %arg5[%get3A_237, %get3A_238] : memref<2x16xf32, #tpu.memory_space<smem>>
    %mul3A_240 = vector.broadcast %get3A_239 : f32 to vector<784x128xf32>
    %mul3A_241 = arith.mulf %max3A_230, %mul3A_240 : vector<784x128xf32>
    %add3A_242 = arith.addf %add3A_217, %mul3A_241 : vector<784x128xf32>
    %get3A_243 = arith.constant 0 : index
    %get3A_244 = arith.constant 9 : index
    %get3A_245 = memref.load %arg3[%get3A_243, %get3A_244] : memref<1x16xf32, #tpu.memory_space<smem>>
    %mul3A_246 = vector.broadcast %get3A_245 : f32 to vector<784x128xf32>
    %mul3A_247 = arith.mulf %mul3A, %mul3A_246 : vector<784x128xf32>
    %get3A_248 = arith.constant 0 : index
    %get3A_249 = arith.constant 9 : index
    %get3A_250 = memref.load %arg4[%get3A_248, %get3A_249] : memref<1x16xf32, #tpu.memory_space<smem>>
    %add3A_251 = vector.broadcast %get3A_250 : f32 to vector<784x128xf32>
    %add3A_252 = arith.addf %mul3A_247, %add3A_251 : vector<784x128xf32>
    %max3A_253 = arith.constant 0.000000e+00 : f32
    %max3A_254 = vector.broadcast %max3A_253 : f32 to vector<784x128xf32>
    %max3A_255 = arith.maximumf %add3A_252, %max3A_254 : vector<784x128xf32>
    %get3A_256 = arith.constant 0 : index
    %get3A_257 = arith.constant 9 : index
    %get3A_258 = memref.load %arg5[%get3A_256, %get3A_257] : memref<2x16xf32, #tpu.memory_space<smem>>
    %mul3A_259 = vector.broadcast %get3A_258 : f32 to vector<784x128xf32>
    %mul3A_260 = arith.mulf %max3A_255, %mul3A_259 : vector<784x128xf32>
    %add3A_261 = arith.addf %add3A_236, %mul3A_260 : vector<784x128xf32>
    %get3A_262 = arith.constant 1 : index
    %get3A_263 = arith.constant 9 : index
    %get3A_264 = memref.load %arg5[%get3A_262, %get3A_263] : memref<2x16xf32, #tpu.memory_space<smem>>
    %mul3A_265 = vector.broadcast %get3A_264 : f32 to vector<784x128xf32>
    %mul3A_266 = arith.mulf %max3A_255, %mul3A_265 : vector<784x128xf32>
    %add3A_267 = arith.addf %add3A_242, %mul3A_266 : vector<784x128xf32>
    %get3A_268 = arith.constant 0 : index
    %get3A_269 = arith.constant 10 : index
    %get3A_270 = memref.load %arg3[%get3A_268, %get3A_269] : memref<1x16xf32, #tpu.memory_space<smem>>
    %mul3A_271 = vector.broadcast %get3A_270 : f32 to vector<784x128xf32>
    %mul3A_272 = arith.mulf %mul3A, %mul3A_271 : vector<784x128xf32>
    %get3A_273 = arith.constant 0 : index
    %get3A_274 = arith.constant 10 : index
    %get3A_275 = memref.load %arg4[%get3A_273, %get3A_274] : memref<1x16xf32, #tpu.memory_space<smem>>
    %add3A_276 = vector.broadcast %get3A_275 : f32 to vector<784x128xf32>
    %add3A_277 = arith.addf %mul3A_272, %add3A_276 : vector<784x128xf32>
    %max3A_278 = arith.constant 0.000000e+00 : f32
    %max3A_279 = vector.broadcast %max3A_278 : f32 to vector<784x128xf32>
    %max3A_280 = arith.maximumf %add3A_277, %max3A_279 : vector<784x128xf32>
    %get3A_281 = arith.constant 0 : index
    %get3A_282 = arith.constant 10 : index
    %get3A_283 = memref.load %arg5[%get3A_281, %get3A_282] : memref<2x16xf32, #tpu.memory_space<smem>>
    %mul3A_284 = vector.broadcast %get3A_283 : f32 to vector<784x128xf32>
    %mul3A_285 = arith.mulf %max3A_280, %mul3A_284 : vector<784x128xf32>
    %add3A_286 = arith.addf %add3A_261, %mul3A_285 : vector<784x128xf32>
    %get3A_287 = arith.constant 1 : index
    %get3A_288 = arith.constant 10 : index
    %get3A_289 = memref.load %arg5[%get3A_287, %get3A_288] : memref<2x16xf32, #tpu.memory_space<smem>>
    %mul3A_290 = vector.broadcast %get3A_289 : f32 to vector<784x128xf32>
    %mul3A_291 = arith.mulf %max3A_280, %mul3A_290 : vector<784x128xf32>
    %add3A_292 = arith.addf %add3A_267, %mul3A_291 : vector<784x128xf32>
    %get3A_293 = arith.constant 0 : index
    %get3A_294 = arith.constant 11 : index
    %get3A_295 = memref.load %arg3[%get3A_293, %get3A_294] : memref<1x16xf32, #tpu.memory_space<smem>>
    %mul3A_296 = vector.broadcast %get3A_295 : f32 to vector<784x128xf32>
    %mul3A_297 = arith.mulf %mul3A, %mul3A_296 : vector<784x128xf32>
    %get3A_298 = arith.constant 0 : index
    %get3A_299 = arith.constant 11 : index
    %get3A_300 = memref.load %arg4[%get3A_298, %get3A_299] : memref<1x16xf32, #tpu.memory_space<smem>>
    %add3A_301 = vector.broadcast %get3A_300 : f32 to vector<784x128xf32>
    %add3A_302 = arith.addf %mul3A_297, %add3A_301 : vector<784x128xf32>
    %max3A_303 = arith.constant 0.000000e+00 : f32
    %max3A_304 = vector.broadcast %max3A_303 : f32 to vector<784x128xf32>
    %max3A_305 = arith.maximumf %add3A_302, %max3A_304 : vector<784x128xf32>
    %get3A_306 = arith.constant 0 : index
    %get3A_307 = arith.constant 11 : index
    %get3A_308 = memref.load %arg5[%get3A_306, %get3A_307] : memref<2x16xf32, #tpu.memory_space<smem>>
    %mul3A_309 = vector.broadcast %get3A_308 : f32 to vector<784x128xf32>
    %mul3A_310 = arith.mulf %max3A_305, %mul3A_309 : vector<784x128xf32>
    %add3A_311 = arith.addf %add3A_286, %mul3A_310 : vector<784x128xf32>
    %get3A_312 = arith.constant 1 : index
    %get3A_313 = arith.constant 11 : index
    %get3A_314 = memref.load %arg5[%get3A_312, %get3A_313] : memref<2x16xf32, #tpu.memory_space<smem>>
    %mul3A_315 = vector.broadcast %get3A_314 : f32 to vector<784x128xf32>
    %mul3A_316 = arith.mulf %max3A_305, %mul3A_315 : vector<784x128xf32>
    %add3A_317 = arith.addf %add3A_292, %mul3A_316 : vector<784x128xf32>
    %get3A_318 = arith.constant 0 : index
    %get3A_319 = arith.constant 12 : index
    %get3A_320 = memref.load %arg3[%get3A_318, %get3A_319] : memref<1x16xf32, #tpu.memory_space<smem>>
    %mul3A_321 = vector.broadcast %get3A_320 : f32 to vector<784x128xf32>
    %mul3A_322 = arith.mulf %mul3A, %mul3A_321 : vector<784x128xf32>
    %get3A_323 = arith.constant 0 : index
    %get3A_324 = arith.constant 12 : index
    %get3A_325 = memref.load %arg4[%get3A_323, %get3A_324] : memref<1x16xf32, #tpu.memory_space<smem>>
    %add3A_326 = vector.broadcast %get3A_325 : f32 to vector<784x128xf32>
    %add3A_327 = arith.addf %mul3A_322, %add3A_326 : vector<784x128xf32>
    %max3A_328 = arith.constant 0.000000e+00 : f32
    %max3A_329 = vector.broadcast %max3A_328 : f32 to vector<784x128xf32>
    %max3A_330 = arith.maximumf %add3A_327, %max3A_329 : vector<784x128xf32>
    %get3A_331 = arith.constant 0 : index
    %get3A_332 = arith.constant 12 : index
    %get3A_333 = memref.load %arg5[%get3A_331, %get3A_332] : memref<2x16xf32, #tpu.memory_space<smem>>
    %mul3A_334 = vector.broadcast %get3A_333 : f32 to vector<784x128xf32>
    %mul3A_335 = arith.mulf %max3A_330, %mul3A_334 : vector<784x128xf32>
    %add3A_336 = arith.addf %add3A_311, %mul3A_335 : vector<784x128xf32>
    %get3A_337 = arith.constant 1 : index
    %get3A_338 = arith.constant 12 : index
    %get3A_339 = memref.load %arg5[%get3A_337, %get3A_338] : memref<2x16xf32, #tpu.memory_space<smem>>
    %mul3A_340 = vector.broadcast %get3A_339 : f32 to vector<784x128xf32>
    %mul3A_341 = arith.mulf %max3A_330, %mul3A_340 : vector<784x128xf32>
    %add3A_342 = arith.addf %add3A_317, %mul3A_341 : vector<784x128xf32>
    %get3A_343 = arith.constant 0 : index
    %get3A_344 = arith.constant 13 : index
    %get3A_345 = memref.load %arg3[%get3A_343, %get3A_344] : memref<1x16xf32, #tpu.memory_space<smem>>
    %mul3A_346 = vector.broadcast %get3A_345 : f32 to vector<784x128xf32>
    %mul3A_347 = arith.mulf %mul3A, %mul3A_346 : vector<784x128xf32>
    %get3A_348 = arith.constant 0 : index
    %get3A_349 = arith.constant 13 : index
    %get3A_350 = memref.load %arg4[%get3A_348, %get3A_349] : memref<1x16xf32, #tpu.memory_space<smem>>
    %add3A_351 = vector.broadcast %get3A_350 : f32 to vector<784x128xf32>
    %add3A_352 = arith.addf %mul3A_347, %add3A_351 : vector<784x128xf32>
    %max3A_353 = arith.constant 0.000000e+00 : f32
    %max3A_354 = vector.broadcast %max3A_353 : f32 to vector<784x128xf32>
    %max3A_355 = arith.maximumf %add3A_352, %max3A_354 : vector<784x128xf32>
    %get3A_356 = arith.constant 0 : index
    %get3A_357 = arith.constant 13 : index
    %get3A_358 = memref.load %arg5[%get3A_356, %get3A_357] : memref<2x16xf32, #tpu.memory_space<smem>>
    %mul3A_359 = vector.broadcast %get3A_358 : f32 to vector<784x128xf32>
    %mul3A_360 = arith.mulf %max3A_355, %mul3A_359 : vector<784x128xf32>
    %add3A_361 = arith.addf %add3A_336, %mul3A_360 : vector<784x128xf32>
    %get3A_362 = arith.constant 1 : index
    %get3A_363 = arith.constant 13 : index
    %get3A_364 = memref.load %arg5[%get3A_362, %get3A_363] : memref<2x16xf32, #tpu.memory_space<smem>>
    %mul3A_365 = vector.broadcast %get3A_364 : f32 to vector<784x128xf32>
    %mul3A_366 = arith.mulf %max3A_355, %mul3A_365 : vector<784x128xf32>
    %add3A_367 = arith.addf %add3A_342, %mul3A_366 : vector<784x128xf32>
    %get3A_368 = arith.constant 0 : index
    %get3A_369 = arith.constant 14 : index
    %get3A_370 = memref.load %arg3[%get3A_368, %get3A_369] : memref<1x16xf32, #tpu.memory_space<smem>>
    %mul3A_371 = vector.broadcast %get3A_370 : f32 to vector<784x128xf32>
    %mul3A_372 = arith.mulf %mul3A, %mul3A_371 : vector<784x128xf32>
    %get3A_373 = arith.constant 0 : index
    %get3A_374 = arith.constant 14 : index
    %get3A_375 = memref.load %arg4[%get3A_373, %get3A_374] : memref<1x16xf32, #tpu.memory_space<smem>>
    %add3A_376 = vector.broadcast %get3A_375 : f32 to vector<784x128xf32>
    %add3A_377 = arith.addf %mul3A_372, %add3A_376 : vector<784x128xf32>
    %max3A_378 = arith.constant 0.000000e+00 : f32
    %max3A_379 = vector.broadcast %max3A_378 : f32 to vector<784x128xf32>
    %max3A_380 = arith.maximumf %add3A_377, %max3A_379 : vector<784x128xf32>
    %get3A_381 = arith.constant 0 : index
    %get3A_382 = arith.constant 14 : index
    %get3A_383 = memref.load %arg5[%get3A_381, %get3A_382] : memref<2x16xf32, #tpu.memory_space<smem>>
    %mul3A_384 = vector.broadcast %get3A_383 : f32 to vector<784x128xf32>
    %mul3A_385 = arith.mulf %max3A_380, %mul3A_384 : vector<784x128xf32>
    %add3A_386 = arith.addf %add3A_361, %mul3A_385 : vector<784x128xf32>
    %get3A_387 = arith.constant 1 : index
    %get3A_388 = arith.constant 14 : index
    %get3A_389 = memref.load %arg5[%get3A_387, %get3A_388] : memref<2x16xf32, #tpu.memory_space<smem>>
    %mul3A_390 = vector.broadcast %get3A_389 : f32 to vector<784x128xf32>
    %mul3A_391 = arith.mulf %max3A_380, %mul3A_390 : vector<784x128xf32>
    %add3A_392 = arith.addf %add3A_367, %mul3A_391 : vector<784x128xf32>
    %get3A_393 = arith.constant 0 : index
    %get3A_394 = arith.constant 15 : index
    %get3A_395 = memref.load %arg3[%get3A_393, %get3A_394] : memref<1x16xf32, #tpu.memory_space<smem>>
    %mul3A_396 = vector.broadcast %get3A_395 : f32 to vector<784x128xf32>
    %mul3A_397 = arith.mulf %mul3A, %mul3A_396 : vector<784x128xf32>
    %get3A_398 = arith.constant 0 : index
    %get3A_399 = arith.constant 15 : index
    %get3A_400 = memref.load %arg4[%get3A_398, %get3A_399] : memref<1x16xf32, #tpu.memory_space<smem>>
    %add3A_401 = vector.broadcast %get3A_400 : f32 to vector<784x128xf32>
    %add3A_402 = arith.addf %mul3A_397, %add3A_401 : vector<784x128xf32>
    %max3A_403 = arith.constant 0.000000e+00 : f32
    %max3A_404 = vector.broadcast %max3A_403 : f32 to vector<784x128xf32>
    %max3A_405 = arith.maximumf %add3A_402, %max3A_404 : vector<784x128xf32>
    %get3A_406 = arith.constant 0 : index
    %get3A_407 = arith.constant 15 : index
    %get3A_408 = memref.load %arg5[%get3A_406, %get3A_407] : memref<2x16xf32, #tpu.memory_space<smem>>
    %mul3A_409 = vector.broadcast %get3A_408 : f32 to vector<784x128xf32>
    %mul3A_410 = arith.mulf %max3A_405, %mul3A_409 : vector<784x128xf32>
    %add3A_411 = arith.addf %add3A_386, %mul3A_410 : vector<784x128xf32>
    %get3A_412 = arith.constant 1 : index
    %get3A_413 = arith.constant 15 : index
    %get3A_414 = memref.load %arg5[%get3A_412, %get3A_413] : memref<2x16xf32, #tpu.memory_space<smem>>
    %mul3A_415 = vector.broadcast %get3A_414 : f32 to vector<784x128xf32>
    %mul3A_416 = arith.mulf %max3A_405, %mul3A_415 : vector<784x128xf32>
    %add3A_417 = arith.addf %add3A_392, %mul3A_416 : vector<784x128xf32>
    %mul3A_418 = arith.mulf %get3A_1, %add3A_411 : vector<784x128xf32>
    %swap3A = arith.constant 0 : index
    %swap3A_419 = arith.constant 0 : index
    %swap3A_420 = arith.constant 0 : index
    %swap3A_421 = vector.load %arg6[%swap3A, %swap3A_419, %swap3A_420] : memref<2x784x128xf32, #tpu.memory_space<vmem>>, vector<1x784x128xf32>
    %swap3A_422 = vector.shape_cast %swap3A_421 : vector<1x784x128xf32> to vector<784x128xf32>
    %swap3A_423 = vector.shape_cast %mul3A_418 : vector<784x128xf32> to vector<1x784x128xf32>
    tpu.vector_store %arg6[%swap3A, %swap3A_419, %swap3A_420], %swap3A_423 {strides = array<i32>} : memref<2x784x128xf32, #tpu.memory_space<vmem>>, vector<1x784x128xf32>,
    %mul3A_424 = arith.mulf %get3A_1, %add3A_417 : vector<784x128xf32>
    %swap3A_425 = arith.constant 1 : index
    %swap3A_426 = arith.constant 0 : index
    %swap3A_427 = arith.constant 0 : index
    %swap3A_428 = vector.load %arg6[%swap3A_425, %swap3A_426, %swap3A_427] : memref<2x784x128xf32, #tpu.memory_space<vmem>>, vector<1x784x128xf32>
    %swap3A_429 = vector.shape_cast %swap3A_428 : vector<1x784x128xf32> to vector<784x128xf32>
    %swap3A_430 = vector.shape_cast %mul3A_424 : vector<784x128xf32> to vector<1x784x128xf32>
    tpu.vector_store %arg6[%swap3A_425, %swap3A_426, %swap3A_427], %swap3A_430 {strides = array<i32>} : memref<2x784x128xf32, #tpu.memory_space<vmem>>, vector<1x784x128xf32>,
    return
  }
}

module attributes {stable_mosaic.version = 14 : i64} {
  func.func @_tc3_body(%arg0: memref<2x784x128xf32, #tpu.memory_space<vmem>>, %arg1: memref<2x784x128xf32, #tpu.memory_space<vmem>>, %arg2: memref<2x784x128xf32, #tpu.memory_space<vmem>>, %arg3: memref<784x128xf32, #tpu.memory_space<vmem>>, %arg4: memref<1x2xf32, #tpu.memory_space<smem>>, %arg5: memref<784x128xf32, #tpu.memory_space<vmem>>, %arg6: memref<784x128xf32, #tpu.memory_space<vmem>>) attributes {dimension_semantics = [], scalar_prefetch = 0 : i64, scratch_operands = 0 : i64, tpu.core_type = #tpu.core_type<tc>} {
    %get3A = arith.constant 0 : index
    %get3A_0 = arith.constant 0 : index
    %get3A_1 = vector.load %arg3[%get3A, %get3A_0] : memref<784x128xf32, #tpu.memory_space<vmem>>, vector<784x128xf32>
    %get3A_2 = arith.constant 0 : index
    %get3A_3 = arith.constant 0 : index
    %get3A_4 = arith.constant 0 : index
    %get3A_5 = vector.load %arg0[%get3A_2, %get3A_3, %get3A_4] : memref<2x784x128xf32, #tpu.memory_space<vmem>>, vector<1x784x128xf32>
    %get3A_6 = vector.shape_cast %get3A_5 : vector<1x784x128xf32> to vector<784x128xf32>
    %get3A_7 = arith.constant 1 : index
    %get3A_8 = arith.constant 0 : index
    %get3A_9 = arith.constant 0 : index
    %get3A_10 = vector.load %arg0[%get3A_7, %get3A_8, %get3A_9] : memref<2x784x128xf32, #tpu.memory_space<vmem>>, vector<1x784x128xf32>
    %get3A_11 = vector.shape_cast %get3A_10 : vector<1x784x128xf32> to vector<784x128xf32>
    %add3A = arith.addf %get3A_6, %get3A_11 : vector<784x128xf32>
    %get3A_12 = arith.constant 0 : index
    %get3A_13 = arith.constant 0 : index
    %get3A_14 = arith.constant 0 : index
    %get3A_15 = vector.load %arg2[%get3A_12, %get3A_13, %get3A_14] : memref<2x784x128xf32, #tpu.memory_space<vmem>>, vector<1x784x128xf32>
    %get3A_16 = vector.shape_cast %get3A_15 : vector<1x784x128xf32> to vector<784x128xf32>
    %add3A_17 = arith.addf %add3A, %get3A_16 : vector<784x128xf32>
    %mul3A = arith.mulf %get3A_1, %add3A_17 : vector<784x128xf32>
    %get3A_18 = arith.constant 0 : index
    %get3A_19 = arith.constant 0 : index
    %get3A_20 = memref.load %arg4[%get3A_18, %get3A_19] : memref<1x2xf32, #tpu.memory_space<smem>>
    %add3A_21 = vector.broadcast %get3A_20 : f32 to vector<784x128xf32>
    %add3A_22 = arith.addf %mul3A, %add3A_21 : vector<784x128xf32>
    %get3A_23 = arith.constant 0 : index
    %get3A_24 = arith.constant 0 : index
    %get3A_25 = arith.constant 0 : index
    %get3A_26 = vector.load %arg1[%get3A_23, %get3A_24, %get3A_25] : memref<2x784x128xf32, #tpu.memory_space<vmem>>, vector<1x784x128xf32>
    %get3A_27 = vector.shape_cast %get3A_26 : vector<1x784x128xf32> to vector<784x128xf32>
    %get3A_28 = arith.constant 1 : index
    %get3A_29 = arith.constant 0 : index
    %get3A_30 = arith.constant 0 : index
    %get3A_31 = vector.load %arg1[%get3A_28, %get3A_29, %get3A_30] : memref<2x784x128xf32, #tpu.memory_space<vmem>>, vector<1x784x128xf32>
    %get3A_32 = vector.shape_cast %get3A_31 : vector<1x784x128xf32> to vector<784x128xf32>
    %add3A_33 = arith.addf %get3A_27, %get3A_32 : vector<784x128xf32>
    %get3A_34 = arith.constant 1 : index
    %get3A_35 = arith.constant 0 : index
    %get3A_36 = arith.constant 0 : index
    %get3A_37 = vector.load %arg2[%get3A_34, %get3A_35, %get3A_36] : memref<2x784x128xf32, #tpu.memory_space<vmem>>, vector<1x784x128xf32>
    %get3A_38 = vector.shape_cast %get3A_37 : vector<1x784x128xf32> to vector<784x128xf32>
    %add3A_39 = arith.addf %add3A_33, %get3A_38 : vector<784x128xf32>
    %mul3A_40 = arith.mulf %get3A_1, %add3A_39 : vector<784x128xf32>
    %get3A_41 = arith.constant 0 : index
    %get3A_42 = arith.constant 1 : index
    %get3A_43 = memref.load %arg4[%get3A_41, %get3A_42] : memref<1x2xf32, #tpu.memory_space<smem>>
    %add3A_44 = vector.broadcast %get3A_43 : f32 to vector<784x128xf32>
    %add3A_45 = arith.addf %mul3A_40, %add3A_44 : vector<784x128xf32>
    %max3A = arith.maximumf %add3A_22, %add3A_45 : vector<784x128xf32>
    %sub3A = arith.subf %add3A_22, %max3A : vector<784x128xf32>
    %exp3A = math.exp %sub3A : vector<784x128xf32>
    %sub3A_46 = arith.subf %add3A_45, %max3A : vector<784x128xf32>
    %exp3A_47 = math.exp %sub3A_46 : vector<784x128xf32>
    %add3A_48 = arith.addf %exp3A, %exp3A_47 : vector<784x128xf32>
    %log3A = math.log %add3A_48 : vector<784x128xf32>
    %add3A_49 = arith.addf %max3A, %log3A : vector<784x128xf32>
    %sub3A_50 = arith.subf %add3A_22, %add3A_49 : vector<784x128xf32>
    %swap3A = arith.constant 0 : index
    %swap3A_51 = arith.constant 0 : index
    %swap3A_52 = vector.load %arg5[%swap3A, %swap3A_51] : memref<784x128xf32, #tpu.memory_space<vmem>>, vector<784x128xf32>
    tpu.vector_store %arg5[%swap3A, %swap3A_51], %sub3A_50 {strides = array<i32>} : memref<784x128xf32, #tpu.memory_space<vmem>>, vector<784x128xf32>,
    %sub3A_53 = arith.subf %add3A_45, %add3A_49 : vector<784x128xf32>
    %swap3A_54 = arith.constant 0 : index
    %swap3A_55 = arith.constant 0 : index
    %swap3A_56 = vector.load %arg6[%swap3A_54, %swap3A_55] : memref<784x128xf32, #tpu.memory_space<vmem>>, vector<784x128xf32>
    tpu.vector_store %arg6[%swap3A_54, %swap3A_55], %sub3A_53 {strides = array<i32>} : memref<784x128xf32, #tpu.memory_space<vmem>>, vector<784x128xf32>,
    return
  }
}

</mosaic_0001>

<sc_bundles>
// kernel: kernel.11.cloned.1.call-start
scs
__scs_entry_jumppad:
0x0: {  	(pc) =	sbr.rel $0x88, $3  }
0x1: {  	(tag) =	ssettag $0x0;
	lr =	simm.s32 $0x1  }
0x2: {  	[smem:$0x3F9B] =	sst lr;
	_ =	strace $0xD0000000  }
0x3: {  	_ = 	snop  }
0x4: {  	_ = 	snop  }
0x5: {  	_ = 	snop  }
0x6: {  	_ = 	snop  }
0x7: {  	_ = 	snop  }
__scs_overlays_trampoline_lowered:
0x8: {  	[smem:$0x3FAA] =	sst s0  }
0x9: {  	[smem:$0x3FAB] =	sst s1  }
0xa: {  	[smem:$0x3FAC] =	sst s2  }
0xb: {  	[smem:$0x3FAD] =	sst s3  }
0xc: {  	[smem:$0x3FAE] =	sst s4  }
0xd: {  	[smem:$0x3FAF] =	sst s5  }
0xe: {  	[smem:$0x3FB0] =	sst s6  }
0xf: {  	[smem:$0x3FB1] =	sst s7  }
0x10: {  	[smem:$0x3FB2] =	sst s8  }
0x11: {  	[smem:$0x3FB3] =	sst s9;
	s0 =	simm.s32 @!p0 $0x0  }
0x12: {  	s1 =	sld [smem:$0x3F99];
	s0 =	simm.s32 @p0 $0x1  }
0x13: {  	[smem:$0x3FB4] =	sst s0;
	s0 =	simm.s32 @!p1 $0x0  }
0x14: {  	s2 =	sld [smem:$0x3F98];
	s0 =	simm.s32 @p1 $0x1  }
0x15: {  	[smem:$0x3FB5] =	sst s0;
	s0 =	simm.s32 @!p2 $0x0  }
0x16: {  	s3 =	sld [smem:$0x3FDB];
	s0 =	simm.s32 @p2 $0x1  }
0x17: {  	s4 =	simm.s32 $0x1BF5;
	[smem:$0x3FB7] =	sst s0  }
0x18: {  	s0 =	sld [smem:$0x3F9A];
	_ =	swait.ge [sflag:s4], $0x0  }
0x19: {  	s7 =	sld [smem:$0x3F9B]  }
0x1a: {  	s8 =	sadd.s32 $0xFFFFE003, lr  }
0x1b: {  	s9 =	sadd.s32 $0xFFFFFEF7, lr;
	s5 =	simm.s32 $0xFFFFFFFF;
	p2 =	slt.u32 s8, $0xFFFFF086  }
0x1c: {  	p1 =	slt.u32 s9, $0xF7A;
	s5 =	simm.s32 @!p2 $0x0  }
0x1d: {  	s5 =	simm.s32 @p1 $0x1;
	p0 =	seq.s32 s7, s2  }
0x1e: {  	s7 =	smul.u32 @!p0 $0xF7A, s2;
	p2 =	seq.s32 @!p0 s5, $0x0  }
0x1f: {  	s9 =	smul.u32 $0xF7A, s1;
	s8 =	simm.s32 @!p0 $0x1BF5;
	p2 =	por !p2, p0  }
0x20: {  	[sflag:s8] =	ssyncset.s32 @!p0 $0xFFFFF086;
	s6 =	sadd.s32 @!p0 s3, s7;
	s7 =	simm.s32 @!p0 $0x108  }
0x21: {  	s3 =	sadd.s32 s3, s9;
	s6 =	sadd.s32 @!p0 $0x88, s6;
	s7 =	simm.s32 @p2 $0x1082  }
0x22: {  	[simem:s7], [sflag:s8] =	dma.local @!p0 [hbm:s6], $0xF7A  }
0x23: {  	s9 =	sor.u32 $0xD0000000, s2;
	s6 =	simm.s32 $0x108;
	_ =	swait.ge @!p0 [sflag:s8], $0x0  }
0x24: {  	s3 =	sadd.s32 $0x88, s3;
	s6 =	simm.s32 @!p1 $0x1082;
	[sflag:s4] =	ssyncset.s32 $0xFFFFF086  }
0x25: {  	[simem:s6], [sflag:s4] =	dma.local [hbm:s3], $0xF7A  }
0x26: {  	[smem:$0x3F9B] =	sst s1;
	(tag) =	ssettag s2;
	_ =	strace s9  }
0x27: {  	s1 =	sld [smem:$0x3FAB]  }
0x28: {  	s2 =	sld [smem:$0x3FAC]  }
0x29: {  	s4 =	sld [smem:$0x3FAE]  }
0x2a: {  	p0 =	seq.s32 s5, $0x0;
	s5 =	sld [smem:$0x3FAF]  }
0x2b: {  	s6 =	sld [smem:$0x3FB0]  }
0x2c: {  	s7 =	sld [smem:$0x3FB1]  }
0x2d: {  	s3 =	simm.s32 $0x108;
	s8 =	sld [smem:$0x3FB2]  }
0x2e: {  	s3 =	simm.s32 @!p0 $0x1082;
	s9 =	sld [smem:$0x3FB3]  }
0x2f: {  	lr =	sadd.s32 s0, s3;
	s0 =	sld [smem:$0x3FAA]  }
0x30: {  	s3 =	sld [smem:$0x3FAD]  }
0x31: {  	[smem:$0x3FB6] =	sst s10  }
0x32: {  	s10 =	sld [smem:$0x3FB4];
	_ =	sdelay $0x3  }
0x33: {  	p0 =	seq.s32 s10, $0x1;
	s10 =	sld [smem:$0x3FB6];
	_ =	sdelay $0x3  }
0x34: {  	[smem:$0x3FB6] =	sst s10  }
0x35: {  	s10 =	sld [smem:$0x3FB5];
	_ =	sdelay $0x3  }
0x36: {  	p1 =	seq.s32 s10, $0x1;
	s10 =	sld [smem:$0x3FB6];
	_ =	sdelay $0x3  }
0x37: {  	[smem:$0x3FB6] =	sst s10  }
0x38: {  	s10 =	sld [smem:$0x3FB7]  }
0x39: {  	_ = 	snop;
	(pc) =	sbr.ind lr, $3  }
0x3a: {  	_ = 	snop  }
0x3b: {  	_ = 	snop  }
0x3c: {  	p2 =	seq.s32 s10, $0x1;
	s10 =	sld [smem:$0x3FB6]  }
0x3d: {  	_ =	shalt  }
0x3e: {  	_ =	shalt  }
0x3f: {  	_ =	shalt  }
0x40: {  	_ =	shalt  }
0x41: {  	_ =	shalt  }
0x42: {  	_ =	shalt  }
0x43: {  	_ =	shalt  }
0x44: {  	_ =	shalt  }
0x45: {  	_ =	shalt  }
0x46: {  	_ =	shalt  }
0x47: {  	_ =	shalt  }
0x48: {  	_ =	shalt  }
0x49: {  	_ =	shalt  }
0x4a: {  	_ =	shalt  }
0x4b: {  	_ =	shalt  }
0x4c: {  	_ =	shalt  }
0x4d: {  	_ =	shalt  }
0x4e: {  	_ =	shalt  }
0x4f: {  	_ =	shalt  }
0x50: {  	_ =	shalt  }
0x51: {  	_ =	shalt  }
0x52: {  	_ =	shalt  }
0x53: {  	_ =	shalt  }
0x54: {  	_ =	shalt  }
0x55: {  	_ =	shalt  }
0x56: {  	_ =	shalt  }
0x57: {  	_ =	shalt  }
0x58: {  	_ =	shalt  }
0x59: {  	_ =	shalt  }
0x5a: {  	_ =	shalt  }
0x5b: {  	_ =	shalt  }
0x5c: {  	_ =	shalt  }
0x5d: {  	_ =	shalt  }
0x5e: {  	_ =	shalt  }
0x5f: {  	_ =	shalt  }
0x60: {  	_ =	shalt  }
0x61: {  	_ =	shalt  }
0x62: {  	_ =	shalt  }
0x63: {  	_ =	shalt  }
0x64: {  	_ =	shalt  }
0x65: {  	_ =	shalt  }
0x66: {  	_ =	shalt  }
0x67: {  	_ =	shalt  }
0x68: {  	_ =	shalt  }
0x69: {  	_ =	shalt  }
0x6a: {  	_ =	shalt  }
0x6b: {  	_ =	shalt  }
0x6c: {  	_ =	shalt  }
0x6d: {  	_ =	shalt  }
0x6e: {  	_ =	shalt  }
0x6f: {  	_ =	shalt  }
0x70: {  	_ =	shalt  }
0x71: {  	_ =	shalt  }
0x72: {  	_ =	shalt  }
0x73: {  	_ =	shalt  }
0x74: {  	_ =	shalt  }
0x75: {  	_ =	shalt  }
0x76: {  	_ =	shalt  }
0x77: {  	_ =	shalt  }
0x78: {  	_ =	shalt  }
0x79: {  	_ =	shalt  }
0x7a: {  	_ =	shalt  }
0x7b: {  	_ =	shalt  }
0x7c: {  	_ =	shalt  }
0x7d: {  	_ =	shalt  }
0x7e: {  	_ =	shalt  }
0x7f: {  	_ =	shalt  }
0x80: {  	_ =	shalt  }
0x81: {  	_ =	shalt  }
0x82: {  	_ =	shalt  }
0x83: {  	_ =	shalt  }
0x84: {  	_ =	shalt  }
0x85: {  	_ =	shalt  }
0x86: {  	_ =	shalt  }
0x87: {  	_ =	shalt  }
.Lfunc_end0:
.L_simem_size_0:
called_computation.1_lowered:
.L_overlay_start_0:
0x88: {  	s2 =	sld [smem:$0x3FD9]  }
0x89: {  	s3 =	sld [smem:$0x3FFE];
	_ =	sdelay $0x1  }
0x8a: {  	s1 =	srdreg.scid  }
0x8b: {  	s0 =	sand.u32 $0x1, s1  }
0x8c: {  	s17 =	sshll.u32 s0, $0xA;
	s2 =	sadd.s32 s3, s2  }
0x8d: {  	s2 =	sadd.s32 s2, s17  }
0x8e: {  	[smem:$0x3FC2] =	sst s2  }
0x8f: {  	_ = 	snop  }
0x90: {  	s2 =	sld [smem:$0x3FD0];
	(tm) =	ssettm $0x1  }
0x91: {  	s18 =	sld [smem:$0x3FFB];
	_ =	sdelay $0x3  }
0x92: {  	_ =	strace s18  }
0x93: {  	s3 =	sld [smem:$0x3FFC];
	_ =	sdelay $0x3  }
0x94: {  	_ =	strace s3  }
0x95: {  	s3 =	sld [smem:$0x3FFD];
	_ =	sdelay $0x3  }
0x96: {  	_ =	strace s3  }
0x97: {  	_ =	strace $0x8FFFFFFF  }
0x98: {  	s19 =	sld [smem:$0x3FDB];
	_ =	sdelay $0x1  }
0x99: {  	s4 =	simm.s32 $_scs_section_size  }
0x9a: {  	s5 =	simm.s32 $_size__tile_overlayer_lowered;
	s6 =	simm.s32 $_tile_overlayer_lowered  }
0x9b: {  	s22 =	simm.s32 $0x1BFF;
	s21 =	sshll.u32 s6, $0x1;
	s3 =	sadd.s32 s4, s19  }
0x9c: {  	s7 =	simm.s32 $0x0;
	s20 =	sshll.u32 s5, $0x1;
	s5 =	sadd.s32 s21, s3  }
0x9d: {  	[timem:s7], [sflag:s22] =	dma.local [hbm:s5], s20  }
0x9e: {  	_ =	swait.ge [sflag:s22], s20  }
0x9f: {  	s4 =	ssub.s32 $0x0, s20;
	[sflag:s22] =	ssyncset.done $0x0  }
0xa0: {  	[sflag:s22] =	ssyncadd.s32 s4;
	_ =	sdelay $0x1  }
0xa1: {  	s23 =	simm.s32 $0x1B8B  }
0xa2: {  	_ =	swait.ge [sflag:s23], $0x1  }
0xa3: {  	[sflag:s23] =	ssyncset.done $0x0  }
0xa4: {  	s25 =	simm.s32 $0x1B8E;
	s24 =	sld [smem:$0x3FFE];
	[sflag:s23] =	ssyncadd.s32 $0xFFFFFFFF  }
0xa5: {  	s26 =	simm.s32 $execute0_lowered;
	[smem:$0x3FD2] =	sst s25  }
0xa6: {  	s5 =	sshll.u32 s26, $0x1;
	_ =	strace $0x80000049;
	[dreg:$0x1] =	wrdreg $0xFFFFFFFF  }
0xa7: {  	s28 =	simm.s32 $_size_execute0_lowered;
	s3 =	sadd.s32 s3, s5;
	[dreg:$0x0] =	wrdreg $0x0  }
0xa8: {  	s5 =	sshll.u32 s28, $0x1;
	[dreg:$0x2] =	wrdreg s3  }
0xa9: {  	[dreg:$0x3] =	wrdreg s5  }
0xaa: {  	[dreg:$0x4] =	wrdreg $0xC0  }
0xab: {  	_ =	task [dreg:s7], $0x5FFFF  }
0xac: {  	[dreg:$0x1] =	wrdreg $0xFFFFFFFF  }
0xad: {  	[dreg:$0x0] =	wrdreg $0x60  }
0xae: {  	[dreg:$0x2] =	wrdreg s24  }
0xaf: {  	[dreg:$0x3] =	wrdreg s2  }
0xb0: {  	[dreg:$0x4] =	wrdreg $0xED000  }
0xb1: {  	[dreg:$0x5] =	wrdreg $0x105800  }
0xb2: {  	[dreg:$0x6] =	wrdreg $0x9  }
0xb3: {  	_ =	task.clear_ibuf [dreg:s7], $0x7FFFF;
	_ =	strace $0x90000049  }
0xb4: {  	s29 =	simm.s32 $0x9;
	_ =	strace $0x8000004B  }
0xb5: {  	_ =	swait.ge [sflag:s29], $0x1  }
0xb6: {  	[sflag:s29] =	ssyncadd.s32 $0xFFFFFFFF  }
0xb7: {  	_ =	strace $0x9000004B  }
0xb8: {  	_ =	sfence  }
0xb9: {  	s30 =	sld [smem:$0x0];
	_ =	sdelay $0x2  }
0xba: {  	s31 =	sshll.u32 s1, $0xD;
	s1 =	sshrl.u32 s1, $0x2  }
0xbb: {  	s3 =	sand.u32 $0x4000, s31;
	s1 =	sadd.s32 s1, s30  }
0xbc: {  	s0 =	sor.u32 s3, s0;
	s1 =	sshll.u32 s1, $0x11  }
0xbd: {  	s0 =	sor.u32 s1, s0  }
0xbe: {  	s0 =	sadd.s32 $0x8F2B, s0  }
0xbf: {  	[sflag:s0] =	ssyncadd.remote.s32 $0x1  }
0xc0: {  	_ =	sfence.sel $0xFFFF  }
0xc1: {  	[dreg:$0x0] =	wrdreg $0xFFFFFFFF;
	(pc) =	sbr.abs _section_cstart, $3  }
0xc2: {  	[dreg:$0x1] =	wrdreg $0xFFFFFFFF  }
0xc3: {  	_ =	task.clear_ibuf [dreg:s7], $0x2FFFF;
	_ =	strace $0x9FFFFFFF  }
0xc4: {  	(tm) =	ssettm $0x7FFFFFFF  }
0xc5: {  	_ =	shalt  }
tec
execute0_lowered:
.L_overlay_start_1:
0x0: {  	(tag) =	ssettag $0x1  }
0x1: {  	s2 =	srdreg.scid;
	s1 =	rddreg [dreg:$0x0]  }
0x2: {  	s0 =	stileid.u32;
	s5 =	rddreg [dreg:$0x1]  }
0x3: {  	s4 =	simm.s32 $0x0;
	s29 =	sand.u32 $0x1, s2;
	s30 =	sshll.u32 s0, $0x1  }
0x4: {  	s2 =	rddreg [dreg:$0x2];
	s9 =	smul.u32 $0x1880, s0;
	s3 =	sor.u32 s29, s30  }
0x5: {  	[smem:$0x7FF] =	sst s4;
	s6 =	smul.u32 $0x186A0, s3  }
0x6: {  	s3 =	rddreg [dreg:$0x3];
	_ =	strace $0x8000004A;
	s7 =	sshrl.u32 s9, $0x3  }
0x7: {  	s8 =	sadd.s32 s7, s1;
	s5 =	sadd.s32 s5, s7;
	s6 =	sshrl.u32 s6, $0x3  }
0x8: {  	[dreg:$0x7] =	wrdreg s5;
	s7 =	sadd.s32 $0xC5A00, s8;
	s28 =	sadd.s32 s6, s1  }
0x9: {  	[dreg:$0x8] =	wrdreg s7;
	s6 =	sadd.s32 $0x2400, s28  }
0xa: {  	s31 =	sadd.s32 $0x63E80, s28;
	[dreg:$0x5] =	wrdreg s6  }
0xb: {  	s8 =	sadd.s32 $0x28E2, s28;
	[dreg:$0x6] =	wrdreg s31  }
0xc: {  	s10 =	sadd.s32 $0x64362, s28;
	[dreg:$0x9] =	wrdreg s8  }
0xd: {  	s11 =	sadd.s32 $0x2DC4, s28;
	[dreg:$0xa] =	wrdreg s10  }
0xe: {  	s12 =	sadd.s32 $0x64844, s28;
	[dreg:$0xb] =	wrdreg s11  }
0xf: {  	s13 =	sadd.s32 $0x32A6, s28;
	[dreg:$0xc] =	wrdreg s12  }
0x10: {  	s14 =	sadd.s32 $0x64D26, s28;
	[dreg:$0xd] =	wrdreg s13  }
0x11: {  	s15 =	sadd.s32 $0x3788, s28;
	[dreg:$0xe] =	wrdreg s14  }
0x12: {  	s16 =	sadd.s32 $0x65208, s28;
	[dreg:$0xf] =	wrdreg s15  }
0x13: {  	s17 =	sadd.s32 $0x3C6A, s28;
	[dreg:$0x10] =	wrdreg s16  }
0x14: {  	s18 =	sadd.s32 $0x656EA, s28;
	[dreg:$0x11] =	wrdreg s17  }
0x15: {  	s19 =	sadd.s32 $0x414C, s28;
	[dreg:$0x12] =	wrdreg s18  }
0x16: {  	s20 =	sadd.s32 $0x65BCC, s28;
	[dreg:$0x13] =	wrdreg s19  }
0x17: {  	s21 =	sadd.s32 $0x462E, s28;
	[dreg:$0x14] =	wrdreg s20  }
0x18: {  	[dreg:$0x15] =	wrdreg s21  }
0x19: {  	s23 =	sshll.u32 s0, $0x6;
	s24 =	sadd.s32 s9, s2;
	s10 =	rddreg [dreg:$0x7]  }
0x1a: {  	s5 =	sor.u32 $0x1C09, s23;
	s7 =	simm.s32 $0x4F00;
	s22 =	rddreg [dreg:$0x5]  }
0x1b: {  	[tilespmem:s4], [sflag:$0x1] =	stream.linear.gather [hbm4b:s22+s4], $0x2710, $0x38;
	[tilespmem:$0x11E00] =	vst v63  }
0x1c: {  	s8 =	sshrl.u32 s24, $0x3;
	s6 =	simm.s32 $0x9;
	s11 =	rddreg [dreg:$0x6]  }
0x1d: {  	[tilespmem:s7], [sflag:$0x3] =	stream.linear.gather [hbm4b:s11+s4], $0x2710, $0x38;
	[tilespmem:$0x11E00] =	vst v63  }
0x1e: {  	[spmem:s8], [sflag:s5] =	dma.local [hbm:s10], $0x310  }
0x1f: {  	_ =	swait.ge [sflag:s6], $0x310  }
0x20: {  	s9 =	sadd.s32 s9, s3;
	[sflag:s6] =	ssyncset.done $0x0  }
0x21: {  	s9 =	sshrl.u32 s9, $0x3;
	s25 =	rddreg [dreg:$0x8];
	[sflag:s6] =	ssyncadd.s32 $0xFFFFFCF0  }
0x22: {  	[spmem:s9], [sflag:s5] =	dma.local [hbm:s25], $0x310  }
0x23: {  	_ =	swait.ge [sflag:s6], $0x310  }
0x24: {  	[sflag:s6] =	ssyncset.done $0x0  }
0x25: {  	[sflag:s6] =	ssyncadd.s32 $0xFFFFFCF0  }
0x26: {  	s10 =	simm.s32 $0x1;
	[bflag:$0x0] =	sbarrier.arrive $0xFFFF  }
0x27: {  	_ =	swait.ge [sflag:s10], $0x2710  }
0x28: {  	[sflag:s10] =	ssyncset.done $0x0  }
0x29: {  	s11 =	simm.s32 $0x3;
	[sflag:s10] =	ssyncadd.s32 $0xFFFFD8F0  }
0x2a: {  	_ =	swait.ge [sflag:s11], $0x2710  }
0x2b: {  	s12 =	simm.s32 $0x2710;
	[sflag:s11] =	ssyncset.done $0x0  }
0x2c: {  	s13 =	simm.s32 $0x9E00;
	s14 =	simm.s32 $0x5;
	[sflag:s11] =	ssyncadd.s32 $0xFFFFD8F0  }
0x2d: {  	[tilespmem:s13], [sflag:$0x5] =	stream.indirect.gather [spmem:s3], $0x1, s4, s12, $0xb8;
	[tilespmem:$0x11E00] =	vst v63  }
0x2e: {  	_ =	swait.ge [sflag:s14], $0x2710  }
0x2f: {  	[sflag:s14] =	ssyncset.done $0x0  }
0x30: {  	[sflag:s14] =	ssyncadd.s32 $0xFFFFD8F0  }
0x31: {  	[spmem:s2] =	stream.indirect.scatter.add.f32 [tilespmem:s13], [sflag:$0x7], $0x1, s7, s12, $0xb8;
	[tilespmem:$0x11E00] =	vst v63  }
0x32: {  	s15 =	simm.s32 $0x2780;
	s16 =	rddreg [dreg:$0x9]  }
0x33: {  	[tilespmem:s15], [sflag:$0x2] =	stream.linear.gather [hbm4b:s16+s4], $0x2710, $0x38;
	[tilespmem:$0x11E00] =	vst v63  }
0x34: {  	s17 =	simm.s32 $0x2;
	s18 =	rddreg [dreg:$0xa];
	s16 =	simm.s32 $0x7680  }
0x35: {  	[tilespmem:s16], [sflag:$0x4] =	stream.linear.gather [hbm4b:s18+s4], $0x2710, $0x38;
	[tilespmem:$0x11E00] =	vst v63  }
0x36: {  	_ =	swait.ge [sflag:s17], $0x2710  }
0x37: {  	[sflag:s17] =	ssyncset.done $0x0  }
0x38: {  	s18 =	simm.s32 $0x4;
	[sflag:s17] =	ssyncadd.s32 $0xFFFFD8F0  }
0x39: {  	_ =	swait.ge [sflag:s18], $0x2710  }
0x3a: {  	[sflag:s18] =	ssyncset.done $0x0  }
0x3b: {  	s19 =	simm.s32 $0xC580;
	s20 =	simm.s32 $0x6;
	[sflag:s18] =	ssyncadd.s32 $0xFFFFD8F0  }
0x3c: {  	[tilespmem:s19], [sflag:$0x6] =	stream.indirect.gather [spmem:s3], $0x1, s15, s12, $0xb8;
	[tilespmem:$0x11E00] =	vst v63  }
0x3d: {  	_ =	swait.ge [sflag:s20], $0x2710  }
0x3e: {  	[sflag:s20] =	ssyncset.done $0x0  }
0x3f: {  	s21 =	simm.s32 $0x7;
	[sflag:s20] =	ssyncadd.s32 $0xFFFFD8F0  }
0x40: {  	[spmem:s2] =	stream.indirect.scatter.add.f32 [tilespmem:s19], [sflag:$0x8], $0x1, s16, s12, $0xb8;
	[tilespmem:$0x11E00] =	vst v63  }
0x41: {  	_ =	swait.ge [sflag:s21], $0x2710  }
0x42: {  	[sflag:s21] =	ssyncset.done $0x0  }
0x43: {  	s22 =	rddreg [dreg:$0xb];
	[sflag:s21] =	ssyncadd.s32 $0xFFFFD8F0  }
0x44: {  	[tilespmem:s4], [sflag:$0x1] =	stream.linear.gather [hbm4b:s22+s4], $0x2710, $0x38;
	[tilespmem:$0x11E00] =	vst v63  }
0x45: {  	s23 =	rddreg [dreg:$0xc]  }
0x46: {  	[tilespmem:s7], [sflag:$0x3] =	stream.linear.gather [hbm4b:s23+s4], $0x2710, $0x38;
	[tilespmem:$0x11E00] =	vst v63  }
0x47: {  	_ =	swait.ge [sflag:s10], $0x2710  }
0x48: {  	[sflag:s10] =	ssyncset.done $0x0  }
0x49: {  	[sflag:s10] =	ssyncadd.s32 $0xFFFFD8F0  }
0x4a: {  	_ =	swait.ge [sflag:s11], $0x2710  }
0x4b: {  	[sflag:s11] =	ssyncset.done $0x0  }
0x4c: {  	[sflag:s11] =	ssyncadd.s32 $0xFFFFD8F0  }
0x4d: {  	[tilespmem:s13], [sflag:$0x5] =	stream.indirect.gather [spmem:s3], $0x1, s4, s12, $0xb8;
	[tilespmem:$0x11E00] =	vst v63  }
0x4e: {  	_ =	swait.ge [sflag:s14], $0x2710  }
0x4f: {  	[sflag:s14] =	ssyncset.done $0x0  }
0x50: {  	s22 =	simm.s32 $0x8;
	[sflag:s14] =	ssyncadd.s32 $0xFFFFD8F0  }
0x51: {  	[spmem:s2] =	stream.indirect.scatter.add.f32 [tilespmem:s13], [sflag:$0x7], $0x1, s7, s12, $0xb8;
	[tilespmem:$0x11E00] =	vst v63  }
0x52: {  	_ =	swait.ge [sflag:s22], $0x2710  }
0x53: {  	[sflag:s22] =	ssyncset.done $0x0  }
0x54: {  	s26 =	rddreg [dreg:$0xd];
	[sflag:s22] =	ssyncadd.s32 $0xFFFFD8F0  }
0x55: {  	[tilespmem:s15], [sflag:$0x2] =	stream.linear.gather [hbm4b:s26+s4], $0x2710, $0x38;
	[tilespmem:$0x11E00] =	vst v63  }
0x56: {  	s24 =	rddreg [dreg:$0xe]  }
0x57: {  	[tilespmem:s16], [sflag:$0x4] =	stream.linear.gather [hbm4b:s24+s4], $0x2710, $0x38;
	[tilespmem:$0x11E00] =	vst v63  }
0x58: {  	_ =	swait.ge [sflag:s17], $0x2710  }
0x59: {  	[sflag:s17] =	ssyncset.done $0x0  }
0x5a: {  	[sflag:s17] =	ssyncadd.s32 $0xFFFFD8F0  }
0x5b: {  	_ =	swait.ge [sflag:s18], $0x2710  }
0x5c: {  	[sflag:s18] =	ssyncset.done $0x0  }
0x5d: {  	[sflag:s18] =	ssyncadd.s32 $0xFFFFD8F0  }
0x5e: {  	[tilespmem:s19], [sflag:$0x6] =	stream.indirect.gather [spmem:s3], $0x1, s15, s12, $0xb8;
	[tilespmem:$0x11E00] =	vst v63  }
0x5f: {  	_ =	swait.ge [sflag:s20], $0x2710  }
0x60: {  	[sflag:s20] =	ssyncset.done $0x0  }
0x61: {  	[sflag:s20] =	ssyncadd.s32 $0xFFFFD8F0  }
0x62: {  	[spmem:s2] =	stream.indirect.scatter.add.f32 [tilespmem:s19], [sflag:$0x8], $0x1, s16, s12, $0xb8;
	[tilespmem:$0x11E00] =	vst v63  }
0x63: {  	_ =	swait.ge [sflag:s21], $0x2710  }
0x64: {  	[sflag:s21] =	ssyncset.done $0x0  }
0x65: {  	s30 =	rddreg [dreg:$0xf];
	[sflag:s21] =	ssyncadd.s32 $0xFFFFD8F0  }
0x66: {  	[tilespmem:s4], [sflag:$0x1] =	stream.linear.gather [hbm4b:s30+s4], $0x2710, $0x38;
	[tilespmem:$0x11E00] =	vst v63  }
0x67: {  	s31 =	rddreg [dreg:$0x10]  }
0x68: {  	[tilespmem:s7], [sflag:$0x3] =	stream.linear.gather [hbm4b:s31+s4], $0x2710, $0x38;
	[tilespmem:$0x11E00] =	vst v63  }
0x69: {  	_ =	swait.ge [sflag:s10], $0x2710  }
0x6a: {  	[sflag:s10] =	ssyncset.done $0x0  }
0x6b: {  	[sflag:s10] =	ssyncadd.s32 $0xFFFFD8F0  }
0x6c: {  	_ =	swait.ge [sflag:s11], $0x2710  }
0x6d: {  	[sflag:s11] =	ssyncset.done $0x0  }
0x6e: {  	[sflag:s11] =	ssyncadd.s32 $0xFFFFD8F0  }
0x6f: {  	[tilespmem:s13], [sflag:$0x5] =	stream.indirect.gather [spmem:s3], $0x1, s4, s12, $0xb8;
	[tilespmem:$0x11E00] =	vst v63  }
0x70: {  	_ =	swait.ge [sflag:s14], $0x2710  }
0x71: {  	[sflag:s14] =	ssyncset.done $0x0  }
0x72: {  	[sflag:s14] =	ssyncadd.s32 $0xFFFFD8F0  }
0x73: {  	[spmem:s2] =	stream.indirect.scatter.add.f32 [tilespmem:s13], [sflag:$0x7], $0x1, s7, s12, $0xb8;
	[tilespmem:$0x11E00] =	vst v63  }
0x74: {  	_ =	swait.ge [sflag:s22], $0x2710  }
0x75: {  	[sflag:s22] =	ssyncset.done $0x0  }
0x76: {  	s24 =	rddreg [dreg:$0x11];
	[sflag:s22] =	ssyncadd.s32 $0xFFFFD8F0  }
0x77: {  	[tilespmem:s15], [sflag:$0x2] =	stream.linear.gather [hbm4b:s24+s4], $0x2710, $0x38;
	[tilespmem:$0x11E00] =	vst v63  }
0x78: {  	s25 =	rddreg [dreg:$0x12]  }
0x79: {  	[tilespmem:s16], [sflag:$0x4] =	stream.linear.gather [hbm4b:s25+s4], $0x2710, $0x38;
	[tilespmem:$0x11E00] =	vst v63  }
0x7a: {  	_ =	swait.ge [sflag:s17], $0x2710  }
0x7b: {  	[sflag:s17] =	ssyncset.done $0x0  }
0x7c: {  	[sflag:s17] =	ssyncadd.s32 $0xFFFFD8F0  }
0x7d: {  	_ =	swait.ge [sflag:s18], $0x2710  }
0x7e: {  	[sflag:s18] =	ssyncset.done $0x0  }
0x7f: {  	[sflag:s18] =	ssyncadd.s32 $0xFFFFD8F0  }
0x80: {  	[tilespmem:s19], [sflag:$0x6] =	stream.indirect.gather [spmem:s3], $0x1, s15, s12, $0xb8;
	[tilespmem:$0x11E00] =	vst v63  }
0x81: {  	_ =	swait.ge [sflag:s20], $0x2710  }
0x82: {  	[sflag:s20] =	ssyncset.done $0x0  }
0x83: {  	[sflag:s20] =	ssyncadd.s32 $0xFFFFD8F0  }
0x84: {  	[spmem:s2] =	stream.indirect.scatter.add.f32 [tilespmem:s19], [sflag:$0x8], $0x1, s16, s12, $0xb8;
	[tilespmem:$0x11E00] =	vst v63  }
0x85: {  	_ =	swait.ge [sflag:s21], $0x2710  }
0x86: {  	[sflag:s21] =	ssyncset.done $0x0  }
0x87: {  	s26 =	rddreg [dreg:$0x13];
	[sflag:s21] =	ssyncadd.s32 $0xFFFFD8F0  }
0x88: {  	[tilespmem:s4], [sflag:$0x1] =	stream.linear.gather [hbm4b:s26+s4], $0x2710, $0x38;
	[tilespmem:$0x11E00] =	vst v63  }
0x89: {  	s30 =	rddreg [dreg:$0x14]  }
0x8a: {  	[tilespmem:s7], [sflag:$0x3] =	stream.linear.gather [hbm4b:s30+s4], $0x2710, $0x38;
	[tilespmem:$0x11E00] =	vst v63  }
0x8b: {  	_ =	swait.ge [sflag:s10], $0x2710  }
0x8c: {  	[sflag:s10] =	ssyncset.done $0x0  }
0x8d: {  	[sflag:s10] =	ssyncadd.s32 $0xFFFFD8F0  }
0x8e: {  	_ =	swait.ge [sflag:s11], $0x2710  }
0x8f: {  	[sflag:s11] =	ssyncset.done $0x0  }
0x90: {  	[sflag:s11] =	ssyncadd.s32 $0xFFFFD8F0  }
0x91: {  	[tilespmem:s13], [sflag:$0x5] =	stream.indirect.gather [spmem:s3], $0x1, s4, s12, $0xb8;
	[tilespmem:$0x11E00] =	vst v63  }
0x92: {  	_ =	swait.ge [sflag:s14], $0x2710  }
0x93: {  	[sflag:s14] =	ssyncset.done $0x0  }
0x94: {  	[sflag:s14] =	ssyncadd.s32 $0xFFFFD8F0  }
0x95: {  	[spmem:s2] =	stream.indirect.scatter.add.f32 [tilespmem:s13], [sflag:$0x7], $0x1, s7, s12, $0xb8;
	[tilespmem:$0x11E00] =	vst v63  }
0x96: {  	_ =	swait.ge [sflag:s22], $0x2710  }
0x97: {  	[sflag:s22] =	ssyncset.done $0x0  }
0x98: {  	s31 =	rddreg [dreg:$0x15];
	[sflag:s22] =	ssyncadd.s32 $0xFFFFD8F0  }
0x99: {  	[tilespmem:s15], [sflag:$0x2] =	stream.linear.gather [hbm4b:s31+s4], $0x2710, $0x38;
	[tilespmem:$0x11E00] =	vst v63  }
0x9a: {  	s23 =	sadd.s32 $0x660AE, s28  }
0x9b: {  	[tilespmem:s16], [sflag:$0x4] =	stream.linear.gather [hbm4b:s23+s4], $0x2710, $0x38;
	[tilespmem:$0x11E00] =	vst v63  }
0x9c: {  	_ =	swait.ge [sflag:s17], $0x2710  }
0x9d: {  	[sflag:s17] =	ssyncset.done $0x0  }
0x9e: {  	[sflag:s17] =	ssyncadd.s32 $0xFFFFD8F0  }
0x9f: {  	_ =	swait.ge [sflag:s18], $0x2710  }
0xa0: {  	[sflag:s18] =	ssyncset.done $0x0  }
0xa1: {  	[sflag:s18] =	ssyncadd.s32 $0xFFFFD8F0  }
0xa2: {  	[tilespmem:s19], [sflag:$0x6] =	stream.indirect.gather [spmem:s3], $0x1, s15, s12, $0xb8;
	[tilespmem:$0x11E00] =	vst v63  }
0xa3: {  	_ =	swait.ge [sflag:s20], $0x2710  }
0xa4: {  	[sflag:s20] =	ssyncset.done $0x0  }
0xa5: {  	[sflag:s20] =	ssyncadd.s32 $0xFFFFD8F0  }
0xa6: {  	[spmem:s2] =	stream.indirect.scatter.add.f32 [tilespmem:s19], [sflag:$0x8], $0x1, s16, s12, $0xb8;
	[tilespmem:$0x11E00] =	vst v63  }
0xa7: {  	_ =	swait.ge [sflag:s21], $0x2710  }
0xa8: {  	[sflag:s21] =	ssyncset.done $0x0  }
0xa9: {  	s24 =	sadd.s32 $0x4B10, s28;
	[sflag:s21] =	ssyncadd.s32 $0xFFFFD8F0  }
0xaa: {  	[tilespmem:s4], [sflag:$0x1] =	stream.linear.gather [hbm4b:s24+s4], $0x2710, $0x38;
	[tilespmem:$0x11E00] =	vst v63  }
0xab: {  	s25 =	sadd.s32 $0x66590, s28  }
0xac: {  	[tilespmem:s7], [sflag:$0x3] =	stream.linear.gather [hbm4b:s25+s4], $0x2710, $0x38;
	[tilespmem:$0x11E00] =	vst v63  }
0xad: {  	_ =	swait.ge [sflag:s10], $0x2710  }
0xae: {  	[sflag:s10] =	ssyncset.done $0x0  }
0xaf: {  	[sflag:s10] =	ssyncadd.s32 $0xFFFFD8F0  }
0xb0: {  	_ =	swait.ge [sflag:s11], $0x2710  }
0xb1: {  	[sflag:s11] =	ssyncset.done $0x0  }
0xb2: {  	[sflag:s11] =	ssyncadd.s32 $0xFFFFD8F0  }
0xb3: {  	[tilespmem:s13], [sflag:$0x5] =	stream.indirect.gather [spmem:s3], $0x1, s4, s12, $0xb8;
	[tilespmem:$0x11E00] =	vst v63  }
0xb4: {  	_ =	swait.ge [sflag:s14], $0x2710  }
0xb5: {  	[sflag:s14] =	ssyncset.done $0x0  }
0xb6: {  	[sflag:s14] =	ssyncadd.s32 $0xFFFFD8F0  }
0xb7: {  	[spmem:s2] =	stream.indirect.scatter.add.f32 [tilespmem:s13], [sflag:$0x7], $0x1, s7, s12, $0xb8;
	[tilespmem:$0x11E00] =	vst v63  }
0xb8: {  	_ =	swait.ge [sflag:s22], $0x2710  }
0xb9: {  	[sflag:s22] =	ssyncset.done $0x0  }
0xba: {  	s26 =	sadd.s32 $0x4FF2, s28;
	[sflag:s22] =	ssyncadd.s32 $0xFFFFD8F0  }
0xbb: {  	[tilespmem:s15], [sflag:$0x2] =	stream.linear.gather [hbm4b:s26+s4], $0x2710, $0x38;
	[tilespmem:$0x11E00] =	vst v63  }
0xbc: {  	s28 =	sadd.s32 $0x66A72, s28  }
0xbd: {  	[tilespmem:s16], [sflag:$0x4] =	stream.linear.gather [hbm4b:s28+s4], $0x2710, $0x38;
	[tilespmem:$0x11E00] =	vst v63  }
0xbe: {  	_ =	swait.ge [sflag:s17], $0x2710  }
0xbf: {  	[sflag:s17] =	ssyncset.done $0x0  }
0xc0: {  	[sflag:s17] =	ssyncadd.s32 $0xFFFFD8F0  }
0xc1: {  	_ =	swait.ge [sflag:s18], $0x2710  }
0xc2: {  	[sflag:s18] =	ssyncset.done $0x0  }
0xc3: {  	[sflag:s18] =	ssyncadd.s32 $0xFFFFD8F0  }
0xc4: {  	[tilespmem:s19], [sflag:$0x6] =	stream.indirect.gather [spmem:s3], $0x1, s15, s12, $0xb8;
	[tilespmem:$0x11E00] =	vst v63  }
0xc5: {  	s30 =	smul.u32 $0x3100, s0;
	_ =	swait.ge [sflag:s20], $0x2710  }
0xc6: {  	s31 =	sshll.u32 s29, $0x7;
	[sflag:s20] =	ssyncset.done $0x0  }
0xc7: {  	s29 =	ssub.s32 $0x2, s29;
	s30 =	sor.u32 s31, s30;
	[sflag:s20] =	ssyncadd.s32 $0xFFFFD8F0  }
0xc8: {  	[spmem:s2] =	stream.indirect.scatter.add.f32 [tilespmem:s19], [sflag:$0x8], $0x1, s16, s12, $0xb8;
	[tilespmem:$0x11E00] =	vst v63  }
0xc9: {  	s0 =	sshrl.u32 s29, $0x1;
	s30 =	sshrl.u32 s30, $0x3;
	_ =	swait.ge [sflag:s21], $0x2710  }
0xca: {  	s0 =	ssub.s32 s29, s0;
	s1 =	sadd.s32 s30, s1;
	[sflag:s21] =	ssyncset.done $0x0  }
0xcb: {  	s29 =	sadd.s32 $0xC8C00, s1;
	s1 =	smax.u32 s0, $0x1;
	[sflag:s21] =	ssyncadd.s32 $0xFFFFD8F0  }
0xcc: {  	p0 =	sne.s32 s1, $0x1;
	_ =	swait.ge [sflag:s22], $0x2710  }
.Ltmp0:
0xcd: {  	[sflag:s22] =	ssyncset.done $0x0;
	(pc) =	sbr.rel @!p0 .LBB2_2-.Ltmp0, $4  }
0xce: {  	[sflag:s22] =	ssyncadd.s32 $0xFFFFD8F0  }
0xcf: {  	s31 =	simm.s32 $0x10;
	s0 =	simm.s32 $0x20;
	[bflag:$0x0] =	sbarrier.arrive $0xFFFF  }
0xd0: {  	[hbm:s29@s0], [sflag:s5] =	dma.strided [spmem:s8@s31], $0x310, s10, $0x10   }
0xd1: {  	s1 =	sadd.s32 $0xFFFFFFFF, s1;
	_ =	swait.ge [sflag:s6], $0x310  }
.LBB2_1:
0xd2: {  	s0 =	rddreg [dreg:$0x5];
	[sflag:s6] =	ssyncset.done $0x0  }
0xd3: {  	s30 =	rddreg [dreg:$0x7];
	[sflag:s6] =	ssyncadd.s32 $0xFFFFFCF0  }
0xd4: {  	[tilespmem:s4], [sflag:$0x1] =	stream.linear.gather [hbm4b:s0+s4], $0x2710, $0x38;
	[tilespmem:$0x11E00] =	vst v63  }
0xd5: {  	s31 =	rddreg [dreg:$0x6]  }
0xd6: {  	[tilespmem:s7], [sflag:$0x3] =	stream.linear.gather [hbm4b:s31+s4], $0x2710, $0x38;
	[tilespmem:$0x11E00] =	vst v63  }
0xd7: {  	[spmem:s8], [sflag:s5] =	dma.local [hbm:s30], $0x310  }
0xd8: {  	_ =	swait.ge [sflag:s6], $0x310  }
0xd9: {  	[sflag:s6] =	ssyncset.done $0x0  }
0xda: {  	s30 =	rddreg [dreg:$0x8];
	[sflag:s6] =	ssyncadd.s32 $0xFFFFFCF0  }
0xdb: {  	[spmem:s9], [sflag:s5] =	dma.local [hbm:s30], $0x310  }
0xdc: {  	_ =	swait.ge [sflag:s6], $0x310  }
0xdd: {  	[sflag:s6] =	ssyncset.done $0x0  }
0xde: {  	[sflag:s6] =	ssyncadd.s32 $0xFFFFFCF0  }
0xdf: {  	[bflag:$0x0] =	sbarrier.arrive $0xFFFF  }
0xe0: {  	_ =	swait.ge [sflag:s10], $0x2710  }
0xe1: {  	[sflag:s10] =	ssyncset.done $0x0  }
0xe2: {  	[sflag:s10] =	ssyncadd.s32 $0xFFFFD8F0  }
0xe3: {  	_ =	swait.ge [sflag:s11], $0x2710  }
0xe4: {  	[sflag:s11] =	ssyncset.done $0x0  }
0xe5: {  	[sflag:s11] =	ssyncadd.s32 $0xFFFFD8F0  }
0xe6: {  	[tilespmem:s13], [sflag:$0x5] =	stream.indirect.gather [spmem:s3], $0x1, s4, s12, $0xb8;
	[tilespmem:$0x11E00] =	vst v63  }
0xe7: {  	_ =	swait.ge [sflag:s14], $0x2710  }
0xe8: {  	[sflag:s14] =	ssyncset.done $0x0  }
0xe9: {  	[sflag:s14] =	ssyncadd.s32 $0xFFFFD8F0  }
0xea: {  	[spmem:s2] =	stream.indirect.scatter.add.f32 [tilespmem:s13], [sflag:$0x7], $0x1, s7, s12, $0xb8;
	[tilespmem:$0x11E00] =	vst v63  }
0xeb: {  	s0 =	rddreg [dreg:$0x9]  }
0xec: {  	[tilespmem:s15], [sflag:$0x2] =	stream.linear.gather [hbm4b:s0+s4], $0x2710, $0x38;
	[tilespmem:$0x11E00] =	vst v63  }
0xed: {  	s31 =	rddreg [dreg:$0xa]  }
0xee: {  	[tilespmem:s16], [sflag:$0x4] =	stream.linear.gather [hbm4b:s31+s4], $0x2710, $0x38;
	[tilespmem:$0x11E00] =	vst v63  }
0xef: {  	_ =	swait.ge [sflag:s17], $0x2710  }
0xf0: {  	[sflag:s17] =	ssyncset.done $0x0  }
0xf1: {  	[sflag:s17] =	ssyncadd.s32 $0xFFFFD8F0  }
0xf2: {  	_ =	swait.ge [sflag:s18], $0x2710  }
0xf3: {  	[sflag:s18] =	ssyncset.done $0x0  }
0xf4: {  	[sflag:s18] =	ssyncadd.s32 $0xFFFFD8F0  }
0xf5: {  	[tilespmem:s19], [sflag:$0x6] =	stream.indirect.gather [spmem:s3], $0x1, s15, s12, $0xb8;
	[tilespmem:$0x11E00] =	vst v63  }
0xf6: {  	_ =	swait.ge [sflag:s20], $0x2710  }
0xf7: {  	[sflag:s20] =	ssyncset.done $0x0  }
0xf8: {  	[sflag:s20] =	ssyncadd.s32 $0xFFFFD8F0  }
0xf9: {  	[spmem:s2] =	stream.indirect.scatter.add.f32 [tilespmem:s19], [sflag:$0x8], $0x1, s16, s12, $0xb8;
	[tilespmem:$0x11E00] =	vst v63  }
0xfa: {  	_ =	swait.ge [sflag:s21], $0x2710  }
0xfb: {  	[sflag:s21] =	ssyncset.done $0x0  }
0xfc: {  	s0 =	rddreg [dreg:$0xb];
	[sflag:s21] =	ssyncadd.s32 $0xFFFFD8F0  }
0xfd: {  	[tilespmem:s4], [sflag:$0x1] =	stream.linear.gather [hbm4b:s0+s4], $0x2710, $0x38;
	[tilespmem:$0x11E00] =	vst v63  }
0xfe: {  	s31 =	rddreg [dreg:$0xc]  }
0xff: {  	[tilespmem:s7], [sflag:$0x3] =	stream.linear.gather [hbm4b:s31+s4], $0x2710, $0x38;
	[tilespmem:$0x11E00] =	vst v63  }
0x100: {  	_ =	swait.ge [sflag:s10], $0x2710  }
0x101: {  	[sflag:s10] =	ssyncset.done $0x0  }
0x102: {  	[sflag:s10] =	ssyncadd.s32 $0xFFFFD8F0  }
0x103: {  	_ =	swait.ge [sflag:s11], $0x2710  }
0x104: {  	[sflag:s11] =	ssyncset.done $0x0  }
0x105: {  	[sflag:s11] =	ssyncadd.s32 $0xFFFFD8F0  }
0x106: {  	[tilespmem:s13], [sflag:$0x5] =	stream.indirect.gather [spmem:s3], $0x1, s4, s12, $0xb8;
	[tilespmem:$0x11E00] =	vst v63  }
0x107: {  	_ =	swait.ge [sflag:s14], $0x2710  }
0x108: {  	[sflag:s14] =	ssyncset.done $0x0  }
0x109: {  	[sflag:s14] =	ssyncadd.s32 $0xFFFFD8F0  }
0x10a: {  	[spmem:s2] =	stream.indirect.scatter.add.f32 [tilespmem:s13], [sflag:$0x7], $0x1, s7, s12, $0xb8;
	[tilespmem:$0x11E00] =	vst v63  }
0x10b: {  	_ =	swait.ge [sflag:s22], $0x2710  }
0x10c: {  	[sflag:s22] =	ssyncset.done $0x0  }
0x10d: {  	s0 =	rddreg [dreg:$0xd];
	[sflag:s22] =	ssyncadd.s32 $0xFFFFD8F0  }
0x10e: {  	[tilespmem:s15], [sflag:$0x2] =	stream.linear.gather [hbm4b:s0+s4], $0x2710, $0x38;
	[tilespmem:$0x11E00] =	vst v63  }
0x10f: {  	s31 =	rddreg [dreg:$0xe]  }
0x110: {  	[tilespmem:s16], [sflag:$0x4] =	stream.linear.gather [hbm4b:s31+s4], $0x2710, $0x38;
	[tilespmem:$0x11E00] =	vst v63  }
0x111: {  	_ =	swait.ge [sflag:s17], $0x2710  }
0x112: {  	[sflag:s17] =	ssyncset.done $0x0  }
0x113: {  	[sflag:s17] =	ssyncadd.s32 $0xFFFFD8F0  }
0x114: {  	_ =	swait.ge [sflag:s18], $0x2710  }
0x115: {  	[sflag:s18] =	ssyncset.done $0x0  }
0x116: {  	[sflag:s18] =	ssyncadd.s32 $0xFFFFD8F0  }
0x117: {  	[tilespmem:s19], [sflag:$0x6] =	stream.indirect.gather [spmem:s3], $0x1, s15, s12, $0xb8;
	[tilespmem:$0x11E00] =	vst v63  }
0x118: {  	_ =	swait.ge [sflag:s20], $0x2710  }
0x119: {  	[sflag:s20] =	ssyncset.done $0x0  }
0x11a: {  	[sflag:s20] =	ssyncadd.s32 $0xFFFFD8F0  }
0x11b: {  	[spmem:s2] =	stream.indirect.scatter.add.f32 [tilespmem:s19], [sflag:$0x8], $0x1, s16, s12, $0xb8;
	[tilespmem:$0x11E00] =	vst v63  }
0x11c: {  	_ =	swait.ge [sflag:s21], $0x2710  }
0x11d: {  	[sflag:s21] =	ssyncset.done $0x0  }
0x11e: {  	s0 =	rddreg [dreg:$0xf];
	[sflag:s21] =	ssyncadd.s32 $0xFFFFD8F0  }
0x11f: {  	[tilespmem:s4], [sflag:$0x1] =	stream.linear.gather [hbm4b:s0+s4], $0x2710, $0x38;
	[tilespmem:$0x11E00] =	vst v63  }
0x120: {  	s31 =	rddreg [dreg:$0x10]  }
0x121: {  	[tilespmem:s7], [sflag:$0x3] =	stream.linear.gather [hbm4b:s31+s4], $0x2710, $0x38;
	[tilespmem:$0x11E00] =	vst v63  }
0x122: {  	_ =	swait.ge [sflag:s10], $0x2710  }
0x123: {  	[sflag:s10] =	ssyncset.done $0x0  }
0x124: {  	[sflag:s10] =	ssyncadd.s32 $0xFFFFD8F0  }
0x125: {  	_ =	swait.ge [sflag:s11], $0x2710  }
0x126: {  	[sflag:s11] =	ssyncset.done $0x0  }
0x127: {  	[sflag:s11] =	ssyncadd.s32 $0xFFFFD8F0  }
0x128: {  	[tilespmem:s13], [sflag:$0x5] =	stream.indirect.gather [spmem:s3], $0x1, s4, s12, $0xb8;
	[tilespmem:$0x11E00] =	vst v63  }
0x129: {  	_ =	swait.ge [sflag:s14], $0x2710  }
0x12a: {  	[sflag:s14] =	ssyncset.done $0x0  }
0x12b: {  	[sflag:s14] =	ssyncadd.s32 $0xFFFFD8F0  }
0x12c: {  	[spmem:s2] =	stream.indirect.scatter.add.f32 [tilespmem:s13], [sflag:$0x7], $0x1, s7, s12, $0xb8;
	[tilespmem:$0x11E00] =	vst v63  }
0x12d: {  	_ =	swait.ge [sflag:s22], $0x2710  }
0x12e: {  	[sflag:s22] =	ssyncset.done $0x0  }
0x12f: {  	s0 =	rddreg [dreg:$0x11];
	[sflag:s22] =	ssyncadd.s32 $0xFFFFD8F0  }
0x130: {  	[tilespmem:s15], [sflag:$0x2] =	stream.linear.gather [hbm4b:s0+s4], $0x2710, $0x38;
	[tilespmem:$0x11E00] =	vst v63  }
0x131: {  	s31 =	rddreg [dreg:$0x12]  }
0x132: {  	[tilespmem:s16], [sflag:$0x4] =	stream.linear.gather [hbm4b:s31+s4], $0x2710, $0x38;
	[tilespmem:$0x11E00] =	vst v63  }
0x133: {  	_ =	swait.ge [sflag:s17], $0x2710  }
0x134: {  	[sflag:s17] =	ssyncset.done $0x0  }
0x135: {  	[sflag:s17] =	ssyncadd.s32 $0xFFFFD8F0  }
0x136: {  	_ =	swait.ge [sflag:s18], $0x2710  }
0x137: {  	[sflag:s18] =	ssyncset.done $0x0  }
0x138: {  	[sflag:s18] =	ssyncadd.s32 $0xFFFFD8F0  }
0x139: {  	[tilespmem:s19], [sflag:$0x6] =	stream.indirect.gather [spmem:s3], $0x1, s15, s12, $0xb8;
	[tilespmem:$0x11E00] =	vst v63  }
0x13a: {  	_ =	swait.ge [sflag:s20], $0x2710  }
0x13b: {  	[sflag:s20] =	ssyncset.done $0x0  }
0x13c: {  	[sflag:s20] =	ssyncadd.s32 $0xFFFFD8F0  }
0x13d: {  	[spmem:s2] =	stream.indirect.scatter.add.f32 [tilespmem:s19], [sflag:$0x8], $0x1, s16, s12, $0xb8;
	[tilespmem:$0x11E00] =	vst v63  }
0x13e: {  	_ =	swait.ge [sflag:s21], $0x2710  }
0x13f: {  	[sflag:s21] =	ssyncset.done $0x0  }
0x140: {  	s0 =	rddreg [dreg:$0x13];
	[sflag:s21] =	ssyncadd.s32 $0xFFFFD8F0  }
0x141: {  	[tilespmem:s4], [sflag:$0x1] =	stream.linear.gather [hbm4b:s0+s4], $0x2710, $0x38;
	[tilespmem:$0x11E00] =	vst v63  }
0x142: {  	s31 =	rddreg [dreg:$0x14]  }
0x143: {  	[tilespmem:s7], [sflag:$0x3] =	stream.linear.gather [hbm4b:s31+s4], $0x2710, $0x38;
	[tilespmem:$0x11E00] =	vst v63  }
0x144: {  	_ =	swait.ge [sflag:s10], $0x2710  }
0x145: {  	[sflag:s10] =	ssyncset.done $0x0  }
0x146: {  	[sflag:s10] =	ssyncadd.s32 $0xFFFFD8F0  }
0x147: {  	_ =	swait.ge [sflag:s11], $0x2710  }
0x148: {  	[sflag:s11] =	ssyncset.done $0x0  }
0x149: {  	[sflag:s11] =	ssyncadd.s32 $0xFFFFD8F0  }
0x14a: {  	[tilespmem:s13], [sflag:$0x5] =	stream.indirect.gather [spmem:s3], $0x1, s4, s12, $0xb8;
	[tilespmem:$0x11E00] =	vst v63  }
0x14b: {  	_ =	swait.ge [sflag:s14], $0x2710  }
0x14c: {  	[sflag:s14] =	ssyncset.done $0x0  }
0x14d: {  	[sflag:s14] =	ssyncadd.s32 $0xFFFFD8F0  }
0x14e: {  	[spmem:s2] =	stream.indirect.scatter.add.f32 [tilespmem:s13], [sflag:$0x7], $0x1, s7, s12, $0xb8;
	[tilespmem:$0x11E00] =	vst v63  }
0x14f: {  	_ =	swait.ge [sflag:s22], $0x2710  }
0x150: {  	[sflag:s22] =	ssyncset.done $0x0  }
0x151: {  	s30 =	rddreg [dreg:$0x15];
	[sflag:s22] =	ssyncadd.s32 $0xFFFFD8F0  }
0x152: {  	[tilespmem:s15], [sflag:$0x2] =	stream.linear.gather [hbm4b:s30+s4], $0x2710, $0x38;
	[tilespmem:$0x11E00] =	vst v63  }
0x153: {  	_ = 	snop  }
0x154: {  	[tilespmem:s16], [sflag:$0x4] =	stream.linear.gather [hbm4b:s23+s4], $0x2710, $0x38;
	[tilespmem:$0x11E00] =	vst v63  }
0x155: {  	_ =	swait.ge [sflag:s17], $0x2710  }
0x156: {  	[sflag:s17] =	ssyncset.done $0x0  }
0x157: {  	[sflag:s17] =	ssyncadd.s32 $0xFFFFD8F0  }
0x158: {  	_ =	swait.ge [sflag:s18], $0x2710  }
0x159: {  	[sflag:s18] =	ssyncset.done $0x0  }
0x15a: {  	[sflag:s18] =	ssyncadd.s32 $0xFFFFD8F0  }
0x15b: {  	[tilespmem:s19], [sflag:$0x6] =	stream.indirect.gather [spmem:s3], $0x1, s15, s12, $0xb8;
	[tilespmem:$0x11E00] =	vst v63  }
0x15c: {  	_ =	swait.ge [sflag:s20], $0x2710  }
0x15d: {  	[sflag:s20] =	ssyncset.done $0x0  }
0x15e: {  	[sflag:s20] =	ssyncadd.s32 $0xFFFFD8F0  }
0x15f: {  	[spmem:s2] =	stream.indirect.scatter.add.f32 [tilespmem:s19], [sflag:$0x8], $0x1, s16, s12, $0xb8;
	[tilespmem:$0x11E00] =	vst v63  }
0x160: {  	_ =	swait.ge [sflag:s21], $0x2710  }
0x161: {  	[sflag:s21] =	ssyncset.done $0x0  }
0x162: {  	[sflag:s21] =	ssyncadd.s32 $0xFFFFD8F0  }
0x163: {  	[tilespmem:s4], [sflag:$0x1] =	stream.linear.gather [hbm4b:s24+s4], $0x2710, $0x38;
	[tilespmem:$0x11E00] =	vst v63  }
0x164: {  	_ = 	snop  }
0x165: {  	[tilespmem:s7], [sflag:$0x3] =	stream.linear.gather [hbm4b:s25+s4], $0x2710, $0x38;
	[tilespmem:$0x11E00] =	vst v63  }
0x166: {  	_ =	swait.ge [sflag:s10], $0x2710  }
0x167: {  	[sflag:s10] =	ssyncset.done $0x0  }
0x168: {  	[sflag:s10] =	ssyncadd.s32 $0xFFFFD8F0  }
0x169: {  	_ =	swait.ge [sflag:s11], $0x2710  }
0x16a: {  	[sflag:s11] =	ssyncset.done $0x0  }
0x16b: {  	[sflag:s11] =	ssyncadd.s32 $0xFFFFD8F0  }
0x16c: {  	[tilespmem:s13], [sflag:$0x5] =	stream.indirect.gather [spmem:s3], $0x1, s4, s12, $0xb8;
	[tilespmem:$0x11E00] =	vst v63  }
0x16d: {  	_ =	swait.ge [sflag:s14], $0x2710  }
0x16e: {  	[sflag:s14] =	ssyncset.done $0x0  }
0x16f: {  	[sflag:s14] =	ssyncadd.s32 $0xFFFFD8F0  }
0x170: {  	[spmem:s2] =	stream.indirect.scatter.add.f32 [tilespmem:s13], [sflag:$0x7], $0x1, s7, s12, $0xb8;
	[tilespmem:$0x11E00] =	vst v63  }
0x171: {  	_ =	swait.ge [sflag:s22], $0x2710  }
0x172: {  	[sflag:s22] =	ssyncset.done $0x0  }
0x173: {  	[sflag:s22] =	ssyncadd.s32 $0xFFFFD8F0  }
0x174: {  	[tilespmem:s15], [sflag:$0x2] =	stream.linear.gather [hbm4b:s26+s4], $0x2710, $0x38;
	[tilespmem:$0x11E00] =	vst v63  }
0x175: {  	_ = 	snop  }
0x176: {  	[tilespmem:s16], [sflag:$0x4] =	stream.linear.gather [hbm4b:s28+s4], $0x2710, $0x38;
	[tilespmem:$0x11E00] =	vst v63  }
0x177: {  	_ =	swait.ge [sflag:s17], $0x2710  }
0x178: {  	[sflag:s17] =	ssyncset.done $0x0  }
0x179: {  	[sflag:s17] =	ssyncadd.s32 $0xFFFFD8F0  }
0x17a: {  	_ =	swait.ge [sflag:s18], $0x2710  }
0x17b: {  	[sflag:s18] =	ssyncset.done $0x0  }
0x17c: {  	[sflag:s18] =	ssyncadd.s32 $0xFFFFD8F0  }
0x17d: {  	[tilespmem:s19], [sflag:$0x6] =	stream.indirect.gather [spmem:s3], $0x1, s15, s12, $0xb8;
	[tilespmem:$0x11E00] =	vst v63  }
0x17e: {  	_ =	swait.ge [sflag:s20], $0x2710  }
0x17f: {  	[sflag:s20] =	ssyncset.done $0x0  }
0x180: {  	[sflag:s20] =	ssyncadd.s32 $0xFFFFD8F0  }
0x181: {  	[spmem:s2] =	stream.indirect.scatter.add.f32 [tilespmem:s19], [sflag:$0x8], $0x1, s16, s12, $0xb8;
	[tilespmem:$0x11E00] =	vst v63  }
0x182: {  	_ =	swait.ge [sflag:s21], $0x2710  }
0x183: {  	[sflag:s21] =	ssyncset.done $0x0  }
0x184: {  	[sflag:s21] =	ssyncadd.s32 $0xFFFFD8F0  }
0x185: {  	p0 =	sne.s32 s1, $0x1;
	_ =	swait.ge [sflag:s22], $0x2710  }
.Ltmp1:
0x186: {  	[sflag:s22] =	ssyncset.done $0x0;
	(pc) =	sbr.rel @p0 .LBB2_1-.Ltmp1, $4  }
0x187: {  	[sflag:s22] =	ssyncadd.s32 $0xFFFFD8F0  }
0x188: {  	s0 =	simm.s32 $0x20;
	s31 =	simm.s32 $0x10;
	[bflag:$0x0] =	sbarrier.arrive $0xFFFF  }
0x189: {  	[hbm:s29@s0], [sflag:s5] =	dma.strided [spmem:s8@s31], $0x310, s10, $0x10   }
0x18a: {  	s1 =	sadd.s32 $0xFFFFFFFF, s1;
	_ =	swait.ge [sflag:s6], $0x310  }
.LBB2_2:
0x18b: {  	[sflag:s6] =	ssyncset.done $0x0  }
0x18c: {  	[sflag:s6] =	ssyncadd.s32 $0xFFFFFCF0  }
0x18d: {  	_ =	sfence.sel $0x180000  }
0x18e: {  	[bflag:$0x0] =	sbarrier.arrive $0xFFFF  }
0x18f: {  	_ =	strace $0x9000004A  }
0x190: {  	s0 =	stileid.u32;
	[bflag:$0x2] =	sbarrier.arrive $0xFFFF  }
0x191: {  	p0 =	sne.s32 s0, $0x0;
	s0 =	rddreg [dreg:$0x4]  }
0x192: {  	s0 =	sadd.s32 @!p0 $0x100000, s0  }
0x193: {  	[sflag:s0] =	ssyncadd.tile.s32 @!p0 $0x1;
	_ =	shalt  }
.Lfunc_end2:
_tile_overlayer_lowered:
.L_overlay_start_2:
0x194: {  	(tag) =	ssettag $0x2  }
0x195: {  	s0 =	rddreg [dreg:$0x0];
	s2 =	stileid.u32  }
0x196: {  	s1 =	rddreg [dreg:$0x1];
	p0 =	sne.s32 s2, $0x0  }
0x197: {  	s3 =	rddreg [dreg:$0x2];
	[bflag:$0x3] =	sbarrier.arrive $0xFFFF;
	s2 =	simm.s32 @!p0 $0x1C09  }
0x198: {  	[timem:s3], [sflag:s2] =	dma.local @!p0 [hbm:s0], s1  }
0x199: {  	s0 =	simm.s32 @!p0 $0x9  }
0x19a: {  	_ =	swait.ge @!p0 [sflag:s0], s1  }
0x19b: {  	s1 =	ssub.s32 @!p0 $0x0, s1;
	[sflag:s0] =	ssyncset.done @!p0 $0x0  }
0x19c: {  	[sflag:s0] =	ssyncadd.s32 @!p0 s1  }
0x19d: {  	[bflag:$0x3] =	sbarrier.arrive $0xFFFF  }
0x19e: {  	_ =	shalt  }

// kernel: kernel.14.cloned.1.call-start
scs
__scs_entry_jumppad:
0x0: {  	(pc) =	sbr.rel $0x88, $3  }
0x1: {  	(tag) =	ssettag $0x0;
	lr =	simm.s32 $0x1  }
0x2: {  	[smem:$0x3F9B] =	sst lr;
	_ =	strace $0xD0000000  }
0x3: {  	_ = 	snop  }
0x4: {  	_ = 	snop  }
0x5: {  	_ = 	snop  }
0x6: {  	_ = 	snop  }
0x7: {  	_ = 	snop  }
__scs_overlays_trampoline_lowered:
0x8: {  	[smem:$0x3FAA] =	sst s0  }
0x9: {  	[smem:$0x3FAB] =	sst s1  }
0xa: {  	[smem:$0x3FAC] =	sst s2  }
0xb: {  	[smem:$0x3FAD] =	sst s3  }
0xc: {  	[smem:$0x3FAE] =	sst s4  }
0xd: {  	[smem:$0x3FAF] =	sst s5  }
0xe: {  	[smem:$0x3FB0] =	sst s6  }
0xf: {  	[smem:$0x3FB1] =	sst s7  }
0x10: {  	[smem:$0x3FB2] =	sst s8  }
0x11: {  	[smem:$0x3FB3] =	sst s9;
	s0 =	simm.s32 @!p0 $0x0  }
0x12: {  	s1 =	sld [smem:$0x3F99];
	s0 =	simm.s32 @p0 $0x1  }
0x13: {  	[smem:$0x3FB4] =	sst s0;
	s0 =	simm.s32 @!p1 $0x0  }
0x14: {  	s2 =	sld [smem:$0x3F98];
	s0 =	simm.s32 @p1 $0x1  }
0x15: {  	[smem:$0x3FB5] =	sst s0;
	s0 =	simm.s32 @!p2 $0x0  }
0x16: {  	s3 =	sld [smem:$0x3FDB];
	s0 =	simm.s32 @p2 $0x1  }
0x17: {  	s4 =	simm.s32 $0x1BF5;
	[smem:$0x3FB7] =	sst s0  }
0x18: {  	s0 =	sld [smem:$0x3F9A];
	_ =	swait.ge [sflag:s4], $0x0  }
0x19: {  	s7 =	sld [smem:$0x3F9B]  }
0x1a: {  	s8 =	sadd.s32 $0xFFFFE003, lr  }
0x1b: {  	s9 =	sadd.s32 $0xFFFFFEF7, lr;
	s5 =	simm.s32 $0xFFFFFFFF;
	p2 =	slt.u32 s8, $0xFFFFF086  }
0x1c: {  	p1 =	slt.u32 s9, $0xF7A;
	s5 =	simm.s32 @!p2 $0x0  }
0x1d: {  	s5 =	simm.s32 @p1 $0x1;
	p0 =	seq.s32 s7, s2  }
0x1e: {  	s7 =	smul.u32 @!p0 $0xF7A, s2;
	p2 =	seq.s32 @!p0 s5, $0x0  }
0x1f: {  	s9 =	smul.u32 $0xF7A, s1;
	s8 =	simm.s32 @!p0 $0x1BF5;
	p2 =	por !p2, p0  }
0x20: {  	[sflag:s8] =	ssyncset.s32 @!p0 $0xFFFFF086;
	s6 =	sadd.s32 @!p0 s3, s7;
	s7 =	simm.s32 @!p0 $0x108  }
0x21: {  	s3 =	sadd.s32 s3, s9;
	s6 =	sadd.s32 @!p0 $0x88, s6;
	s7 =	simm.s32 @p2 $0x1082  }
0x22: {  	[simem:s7], [sflag:s8] =	dma.local @!p0 [hbm:s6], $0xF7A  }
0x23: {  	s9 =	sor.u32 $0xD0000000, s2;
	s6 =	simm.s32 $0x108;
	_ =	swait.ge @!p0 [sflag:s8], $0x0  }
0x24: {  	s3 =	sadd.s32 $0x88, s3;
	s6 =	simm.s32 @!p1 $0x1082;
	[sflag:s4] =	ssyncset.s32 $0xFFFFF086  }
0x25: {  	[simem:s6], [sflag:s4] =	dma.local [hbm:s3], $0xF7A  }
0x26: {  	[smem:$0x3F9B] =	sst s1;
	(tag) =	ssettag s2;
	_ =	strace s9  }
0x27: {  	s1 =	sld [smem:$0x3FAB]  }
0x28: {  	s2 =	sld [smem:$0x3FAC]  }
0x29: {  	s4 =	sld [smem:$0x3FAE]  }
0x2a: {  	p0 =	seq.s32 s5, $0x0;
	s5 =	sld [smem:$0x3FAF]  }
0x2b: {  	s6 =	sld [smem:$0x3FB0]  }
0x2c: {  	s7 =	sld [smem:$0x3FB1]  }
0x2d: {  	s3 =	simm.s32 $0x108;
	s8 =	sld [smem:$0x3FB2]  }
0x2e: {  	s3 =	simm.s32 @!p0 $0x1082;
	s9 =	sld [smem:$0x3FB3]  }
0x2f: {  	lr =	sadd.s32 s0, s3;
	s0 =	sld [smem:$0x3FAA]  }
0x30: {  	s3 =	sld [smem:$0x3FAD]  }
0x31: {  	[smem:$0x3FB6] =	sst s10  }
0x32: {  	s10 =	sld [smem:$0x3FB4];
	_ =	sdelay $0x3  }
0x33: {  	p0 =	seq.s32 s10, $0x1;
	s10 =	sld [smem:$0x3FB6];
	_ =	sdelay $0x3  }
0x34: {  	[smem:$0x3FB6] =	sst s10  }
0x35: {  	s10 =	sld [smem:$0x3FB5];
	_ =	sdelay $0x3  }
0x36: {  	p1 =	seq.s32 s10, $0x1;
	s10 =	sld [smem:$0x3FB6];
	_ =	sdelay $0x3  }
0x37: {  	[smem:$0x3FB6] =	sst s10  }
0x38: {  	s10 =	sld [smem:$0x3FB7]  }
0x39: {  	_ = 	snop;
	(pc) =	sbr.ind lr, $3  }
0x3a: {  	_ = 	snop  }
0x3b: {  	_ = 	snop  }
0x3c: {  	p2 =	seq.s32 s10, $0x1;
	s10 =	sld [smem:$0x3FB6]  }
0x3d: {  	_ =	shalt  }
0x3e: {  	_ =	shalt  }
0x3f: {  	_ =	shalt  }
0x40: {  	_ =	shalt  }
0x41: {  	_ =	shalt  }
0x42: {  	_ =	shalt  }
0x43: {  	_ =	shalt  }
0x44: {  	_ =	shalt  }
0x45: {  	_ =	shalt  }
0x46: {  	_ =	shalt  }
0x47: {  	_ =	shalt  }
0x48: {  	_ =	shalt  }
0x49: {  	_ =	shalt  }
0x4a: {  	_ =	shalt  }
0x4b: {  	_ =	shalt  }
0x4c: {  	_ =	shalt  }
0x4d: {  	_ =	shalt  }
0x4e: {  	_ =	shalt  }
0x4f: {  	_ =	shalt  }
0x50: {  	_ =	shalt  }
0x51: {  	_ =	shalt  }
0x52: {  	_ =	shalt  }
0x53: {  	_ =	shalt  }
0x54: {  	_ =	shalt  }
0x55: {  	_ =	shalt  }
0x56: {  	_ =	shalt  }
0x57: {  	_ =	shalt  }
0x58: {  	_ =	shalt  }
0x59: {  	_ =	shalt  }
0x5a: {  	_ =	shalt  }
0x5b: {  	_ =	shalt  }
0x5c: {  	_ =	shalt  }
0x5d: {  	_ =	shalt  }
0x5e: {  	_ =	shalt  }
0x5f: {  	_ =	shalt  }
0x60: {  	_ =	shalt  }
0x61: {  	_ =	shalt  }
0x62: {  	_ =	shalt  }
0x63: {  	_ =	shalt  }
0x64: {  	_ =	shalt  }
0x65: {  	_ =	shalt  }
0x66: {  	_ =	shalt  }
0x67: {  	_ =	shalt  }
0x68: {  	_ =	shalt  }
0x69: {  	_ =	shalt  }
0x6a: {  	_ =	shalt  }
0x6b: {  	_ =	shalt  }
0x6c: {  	_ =	shalt  }
0x6d: {  	_ =	shalt  }
0x6e: {  	_ =	shalt  }
0x6f: {  	_ =	shalt  }
0x70: {  	_ =	shalt  }
0x71: {  	_ =	shalt  }
0x72: {  	_ =	shalt  }
0x73: {  	_ =	shalt  }
0x74: {  	_ =	shalt  }
0x75: {  	_ =	shalt  }
0x76: {  	_ =	shalt  }
0x77: {  	_ =	shalt  }
0x78: {  	_ =	shalt  }
0x79: {  	_ =	shalt  }
0x7a: {  	_ =	shalt  }
0x7b: {  	_ =	shalt  }
0x7c: {  	_ =	shalt  }
0x7d: {  	_ =	shalt  }
0x7e: {  	_ =	shalt  }
0x7f: {  	_ =	shalt  }
0x80: {  	_ =	shalt  }
0x81: {  	_ =	shalt  }
0x82: {  	_ =	shalt  }
0x83: {  	_ =	shalt  }
0x84: {  	_ =	shalt  }
0x85: {  	_ =	shalt  }
0x86: {  	_ =	shalt  }
0x87: {  	_ =	shalt  }
.Lfunc_end0:
.L_simem_size_0:
called_computation.2_lowered:
.L_overlay_start_0:
0x88: {  	s2 =	sld [smem:$0x3FD9]  }
0x89: {  	s3 =	sld [smem:$0x3FFE];
	_ =	sdelay $0x1  }
0x8a: {  	s1 =	srdreg.scid  }
0x8b: {  	s0 =	sand.u32 $0x1, s1  }
0x8c: {  	s17 =	sshll.u32 s0, $0xA;
	s2 =	sadd.s32 s3, s2  }
0x8d: {  	s2 =	sadd.s32 s2, s17  }
0x8e: {  	[smem:$0x3FC2] =	sst s2  }
0x8f: {  	_ = 	snop  }
0x90: {  	s2 =	sld [smem:$0x3FD0];
	(tm) =	ssettm $0x1  }
0x91: {  	s18 =	sld [smem:$0x3FFB];
	_ =	sdelay $0x3  }
0x92: {  	_ =	strace s18  }
0x93: {  	s3 =	sld [smem:$0x3FFC];
	_ =	sdelay $0x3  }
0x94: {  	_ =	strace s3  }
0x95: {  	s3 =	sld [smem:$0x3FFD];
	_ =	sdelay $0x3  }
0x96: {  	_ =	strace s3  }
0x97: {  	_ =	strace $0x8FFFFFFF  }
0x98: {  	s19 =	sld [smem:$0x3FDB];
	_ =	sdelay $0x1  }
0x99: {  	s4 =	simm.s32 $_scs_section_size  }
0x9a: {  	s5 =	simm.s32 $_size__tile_overlayer_lowered;
	s6 =	simm.s32 $_tile_overlayer_lowered  }
0x9b: {  	s22 =	simm.s32 $0x1BFF;
	s21 =	sshll.u32 s6, $0x1;
	s3 =	sadd.s32 s4, s19  }
0x9c: {  	s7 =	simm.s32 $0x0;
	s20 =	sshll.u32 s5, $0x1;
	s5 =	sadd.s32 s21, s3  }
0x9d: {  	[timem:s7], [sflag:s22] =	dma.local [hbm:s5], s20  }
0x9e: {  	_ =	swait.ge [sflag:s22], s20  }
0x9f: {  	s4 =	ssub.s32 $0x0, s20;
	[sflag:s22] =	ssyncset.done $0x0  }
0xa0: {  	[sflag:s22] =	ssyncadd.s32 s4;
	_ =	sdelay $0x1  }
0xa1: {  	s23 =	simm.s32 $0x1B8B  }
0xa2: {  	_ =	swait.ge [sflag:s23], $0x1  }
0xa3: {  	[sflag:s23] =	ssyncset.done $0x0  }
0xa4: {  	s25 =	simm.s32 $0x1B8E;
	s24 =	sld [smem:$0x3FFE];
	[sflag:s23] =	ssyncadd.s32 $0xFFFFFFFF  }
0xa5: {  	s26 =	simm.s32 $execute0_lowered;
	[smem:$0x3FD2] =	sst s25  }
0xa6: {  	s5 =	sshll.u32 s26, $0x1;
	_ =	strace $0x8000004C;
	[dreg:$0x1] =	wrdreg $0xFFFFFFFF  }
0xa7: {  	s28 =	simm.s32 $_size_execute0_lowered;
	s3 =	sadd.s32 s3, s5;
	[dreg:$0x0] =	wrdreg $0x0  }
0xa8: {  	s5 =	sshll.u32 s28, $0x1;
	[dreg:$0x2] =	wrdreg s3  }
0xa9: {  	[dreg:$0x3] =	wrdreg s5  }
0xaa: {  	[dreg:$0x4] =	wrdreg $0xC0  }
0xab: {  	_ =	task [dreg:s7], $0x5FFFF  }
0xac: {  	[dreg:$0x1] =	wrdreg $0xFFFFFFFF  }
0xad: {  	[dreg:$0x0] =	wrdreg $0x60  }
0xae: {  	[dreg:$0x2] =	wrdreg s24  }
0xaf: {  	[dreg:$0x3] =	wrdreg s2  }
0xb0: {  	[dreg:$0x4] =	wrdreg $0x13C000  }
0xb1: {  	[dreg:$0x5] =	wrdreg $0x154800  }
0xb2: {  	[dreg:$0x6] =	wrdreg $0x16D000  }
0xb3: {  	[dreg:$0x7] =	wrdreg $0x185800  }
0xb4: {  	[dreg:$0x8] =	wrdreg $0x9  }
0xb5: {  	_ =	task.clear_ibuf [dreg:s7], $0x9FFFF;
	_ =	strace $0x9000004C  }
0xb6: {  	s29 =	simm.s32 $0x9;
	_ =	strace $0x8000004E  }
0xb7: {  	_ =	swait.ge [sflag:s29], $0x1  }
0xb8: {  	[sflag:s29] =	ssyncadd.s32 $0xFFFFFFFF  }
0xb9: {  	_ =	strace $0x9000004E  }
0xba: {  	_ =	sfence  }
0xbb: {  	s30 =	sld [smem:$0x0];
	_ =	sdelay $0x2  }
0xbc: {  	s31 =	sshll.u32 s1, $0xD;
	s1 =	sshrl.u32 s1, $0x2  }
0xbd: {  	s3 =	sand.u32 $0x4000, s31;
	s1 =	sadd.s32 s1, s30  }
0xbe: {  	s0 =	sor.u32 s3, s0;
	s1 =	sshll.u32 s1, $0x11  }
0xbf: {  	s0 =	sor.u32 s1, s0  }
0xc0: {  	s0 =	sadd.s32 $0x8F2B, s0  }
0xc1: {  	[sflag:s0] =	ssyncadd.remote.s32 $0x1  }
0xc2: {  	_ =	sfence.sel $0xFFFF  }
0xc3: {  	[dreg:$0x0] =	wrdreg $0xFFFFFFFF;
	(pc) =	sbr.abs _section_cstart, $3  }
0xc4: {  	[dreg:$0x1] =	wrdreg $0xFFFFFFFF  }
0xc5: {  	_ =	task.clear_ibuf [dreg:s7], $0x2FFFF;
	_ =	strace $0x9FFFFFFF  }
0xc6: {  	(tm) =	ssettm $0x7FFFFFFF  }
0xc7: {  	_ =	shalt  }
tec
execute0_lowered:
.L_overlay_start_1:
0x0: {  	(tag) =	ssettag $0x1  }
0x1: {  	s8 =	rddreg [dreg:$0x0]  }
0x2: {  	s0 =	srdreg.scid;
	s14 =	stileid.u32  }
0x3: {  	s7 =	rddreg [dreg:$0x1];
	s0 =	sand.u32 $0x1, s0;
	s2 =	sshll.u32 s14, $0x1  }
0x4: {  	s3 =	rddreg [dreg:$0x2];
	s2 =	sor.u32 s0, s2  }
0x5: {  	s4 =	rddreg [dreg:$0x3];
	s2 =	smul.u32 $0x186A0, s2  }
0x6: {  	s5 =	rddreg [dreg:$0x4]  }
0x7: {  	s16 =	rddreg [dreg:$0x5];
	s6 =	simm.s32 $0x0;
	s9 =	sshrl.u32 s2, $0x3  }
0x8: {  	[smem:$0x7FF] =	sst s6;
	s9 =	sadd.s32 s9, s8  }
0x9: {  	[smem:$0x7FC] =	sst s0;
	s11 =	sadd.s32 $0x2400, s9  }
0xa: {  	_ =	strace $0x8000004D;
	s22 =	sadd.s32 $0x63E80, s9;
	[dreg:$0x7] =	wrdreg s11  }
0xb: {  	s25 =	sadd.s32 $0x28E2, s9;
	[dreg:$0x8] =	wrdreg s22  }
0xc: {  	s26 =	sadd.s32 $0x64362, s9;
	[dreg:$0xb] =	wrdreg s25  }
0xd: {  	s1 =	sadd.s32 $0x2DC4, s9;
	[dreg:$0xc] =	wrdreg s26  }
0xe: {  	s13 =	sadd.s32 $0x32A6, s9;
	[dreg:$0xd] =	wrdreg s1  }
0xf: {  	s15 =	sadd.s32 $0x64D26, s9;
	[dreg:$0xf] =	wrdreg s13  }
0x10: {  	s17 =	sadd.s32 $0x3788, s9;
	[dreg:$0x10] =	wrdreg s15  }
0x11: {  	s18 =	sadd.s32 $0x65208, s9;
	[dreg:$0x11] =	wrdreg s17  }
0x12: {  	s19 =	sadd.s32 $0x3C6A, s9;
	[dreg:$0x12] =	wrdreg s18  }
0x13: {  	s20 =	sadd.s32 $0x656EA, s9;
	[dreg:$0x13] =	wrdreg s19  }
0x14: {  	s21 =	sadd.s32 $0x414C, s9;
	[dreg:$0x14] =	wrdreg s20  }
0x15: {  	[dreg:$0x15] =	wrdreg s21;
	s22 =	sadd.s32 $0x65BCC, s9  }
0x16: {  	s25 =	sadd.s32 $0x660AE, s9;
	[dreg:$0x16] =	wrdreg s22  }
0x17: {  	s2 =	smul.u32 $0x1880, s14;
	s26 =	sadd.s32 $0x4B10, s9;
	[dreg:$0x18] =	wrdreg s25  }
0x18: {  	s13 =	sshll.u32 s0, $0x7;
	s0 =	sadd.s32 $0x66590, s9;
	[dreg:$0x19] =	wrdreg s26  }
0x19: {  	s10 =	sshrl.u32 s2, $0x3;
	[dreg:$0x1a] =	wrdreg s0  }
0x1a: {  	s12 =	sadd.s32 s10, s8;
	s19 =	rddreg [dreg:$0x7]  }
0x1b: {  	s23 =	sadd.s32 $0xC5A00, s12;
	s21 =	rddreg [dreg:$0x8]  }
0x1c: {  	s24 =	sadd.s32 $0xC8B00, s12;
	[dreg:$0x9] =	wrdreg s23  }
0x1d: {  	s1 =	sadd.s32 $0x4FF2, s9;
	s12 =	sadd.s32 $0x64844, s9;
	[dreg:$0xa] =	wrdreg s24  }
0x1e: {  	s15 =	sadd.s32 s7, s10;
	s17 =	sadd.s32 s2, s5;
	[dreg:$0xe] =	wrdreg s12  }
0x1f: {  	s23 =	sadd.s32 $0x462E, s9;
	s24 =	smul.u32 $0x3100, s14;
	s9 =	sadd.s32 $0x66A72, s9  }
0x20: {  	[tilespmem:s6], [sflag:$0x1] =	stream.linear.gather [hbm4b:s19+s6], $0x2710, $0x38;
	[tilespmem:$0x19E00] =	vst v63  }
0x21: {  	[dreg:$0x1c] =	wrdreg s9;
	s9 =	sshrl.u32 s17, $0x3;
	s12 =	sor.u32 s13, s24  }
0x22: {  	[dreg:$0x1f] =	wrdreg s9;
	s9 =	simm.s32 $0x4F00;
	s12 =	sshrl.u32 s12, $0x3  }
0x23: {  	[tilespmem:s9], [sflag:$0x3] =	stream.linear.gather [hbm4b:s21+s6], $0x2710, $0x38;
	[tilespmem:$0x19E00] =	vst v63  }
0x24: {  	s18 =	sshll.u32 s14, $0x6;
	[dreg:$0x1b] =	wrdreg s1;
	s8 =	sadd.s32 s12, s8  }
0x25: {  	s20 =	sadd.s32 s2, s16;
	[dreg:$0x17] =	wrdreg s23;
	s12 =	sadd.s32 $0xCBC00, s8  }
0x26: {  	s10 =	simm.s32 $0xD;
	s8 =	sadd.s32 $0xD1E00, s8;
	[dreg:$0x1d] =	wrdreg s12  }
0x27: {  	s13 =	sadd.s32 s2, s3;
	[dreg:$0x1e] =	wrdreg s8;
	s12 =	sshrl.u32 s20, $0x3  }
0x28: {  	s7 =	sshrl.u32 s13, $0x3;
	s8 =	sor.u32 $0x1C0D, s18;
	[smem:$0x7FA] =	sst s12  }
0x29: {  	[spmem:s7], [sflag:s8] =	dma.local [hbm:s15], $0x310  }
0x2a: {  	_ =	swait.ge [sflag:s10], $0x310  }
0x2b: {  	s2 =	sadd.s32 s2, s4;
	[sflag:s10] =	ssyncset.done $0x0  }
0x2c: {  	s11 =	sshrl.u32 s2, $0x3;
	[smem:$0x7F9] =	sst s15;
	[sflag:s10] =	ssyncadd.s32 $0xFFFFFCF0  }
0x2d: {  	[spmem:s11], [sflag:s8] =	dma.local [hbm:s15], $0x310  }
0x2e: {  	_ =	swait.ge [sflag:s10], $0x310  }
0x2f: {  	s22 =	rddreg [dreg:$0x9];
	[sflag:s10] =	ssyncset.done $0x0  }
0x30: {  	s23 =	rddreg [dreg:$0x1f];
	[sflag:s10] =	ssyncadd.s32 $0xFFFFFCF0  }
0x31: {  	[spmem:s23], [sflag:s8] =	dma.local [hbm:s22], $0x310  }
0x32: {  	_ =	swait.ge [sflag:s10], $0x310  }
0x33: {  	s25 =	sld [smem:$0x7FA]  }
0x34: {  	[sflag:s10] =	ssyncset.done $0x0  }
0x35: {  	s24 =	rddreg [dreg:$0xa];
	[sflag:s10] =	ssyncadd.s32 $0xFFFFFCF0  }
0x36: {  	[spmem:s25], [sflag:s8] =	dma.local [hbm:s24], $0x310  }
0x37: {  	_ =	swait.ge [sflag:s10], $0x310  }
0x38: {  	[sflag:s10] =	ssyncset.done $0x0  }
0x39: {  	[sflag:s10] =	ssyncadd.s32 $0xFFFFFCF0  }
0x3a: {  	s13 =	simm.s32 $0x1;
	[bflag:$0x0] =	sbarrier.arrive $0xFFFF  }
0x3b: {  	_ =	swait.ge [sflag:s13], $0x2710  }
0x3c: {  	[sflag:s13] =	ssyncset.done $0x0  }
0x3d: {  	s14 =	simm.s32 $0x3;
	[sflag:s13] =	ssyncadd.s32 $0xFFFFD8F0  }
0x3e: {  	_ =	swait.ge [sflag:s14], $0x2710  }
0x3f: {  	[sflag:s14] =	ssyncset.done $0x0  }
0x40: {  	s1 =	simm.s32 $0x9E00;
	s15 =	simm.s32 $0x2710;
	[sflag:s14] =	ssyncadd.s32 $0xFFFFD8F0  }
0x41: {  	[tilespmem:s1], [sflag:$0x5] =	stream.indirect.gather [spmem:s5], $0x1, s6, s15, $0xb8;
	[tilespmem:$0x19E00] =	vst v63  }
0x42: {  	s17 =	simm.s32 $0xED00;
	s18 =	simm.s32 $0x5  }
0x43: {  	[tilespmem:s17], [sflag:$0x7] =	stream.indirect.gather [spmem:s16], $0x1, s6, s15, $0xb8;
	[tilespmem:$0x19E00] =	vst v63  }
0x44: {  	_ =	swait.ge [sflag:s18], $0x2710  }
0x45: {  	[sflag:s18] =	ssyncset.done $0x0  }
0x46: {  	s19 =	simm.s32 $0x7;
	[sflag:s18] =	ssyncadd.s32 $0xFFFFD8F0  }
0x47: {  	_ =	swait.ge [sflag:s19], $0x2710  }
0x48: {  	[sflag:s19] =	ssyncset.done $0x0  }
0x49: {  	[sflag:s19] =	ssyncadd.s32 $0xFFFFD8F0  }
0x4a: {  	[spmem:s3] =	stream.indirect.scatter.add.f32 [tilespmem:s1], [sflag:$0x9], $0x1, s9, s15, $0xb8;
	[tilespmem:$0x19E00] =	vst v63  }
0x4b: {  	_ = 	snop  }
0x4c: {  	[spmem:s4] =	stream.indirect.scatter.add.f32 [tilespmem:s17], [sflag:$0xB], $0x1, s9, s15, $0xb8;
	[tilespmem:$0x19E00] =	vst v63  }
0x4d: {  	s20 =	simm.s32 $0x2780;
	s26 =	rddreg [dreg:$0xb]  }
0x4e: {  	[tilespmem:s20], [sflag:$0x2] =	stream.linear.gather [hbm4b:s26+s6], $0x2710, $0x38;
	[tilespmem:$0x19E00] =	vst v63  }
0x4f: {  	s21 =	simm.s32 $0x7680;
	s22 =	simm.s32 $0x2;
	s23 =	rddreg [dreg:$0xc]  }
0x50: {  	[tilespmem:s21], [sflag:$0x4] =	stream.linear.gather [hbm4b:s23+s6], $0x2710, $0x38;
	[tilespmem:$0x19E00] =	vst v63  }
0x51: {  	_ =	swait.ge [sflag:s22], $0x2710  }
0x52: {  	[sflag:s22] =	ssyncset.done $0x0  }
0x53: {  	s23 =	simm.s32 $0x4;
	[sflag:s22] =	ssyncadd.s32 $0xFFFFD8F0  }
0x54: {  	_ =	swait.ge [sflag:s23], $0x2710  }
0x55: {  	[sflag:s23] =	ssyncset.done $0x0  }
0x56: {  	s24 =	simm.s32 $0xC580;
	[sflag:s23] =	ssyncadd.s32 $0xFFFFD8F0  }
0x57: {  	[tilespmem:s24], [sflag:$0x6] =	stream.indirect.gather [spmem:s5], $0x1, s20, s15, $0xb8;
	[tilespmem:$0x19E00] =	vst v63  }
0x58: {  	s25 =	simm.s32 $0x11480;
	s26 =	simm.s32 $0x6  }
0x59: {  	[tilespmem:s25], [sflag:$0x8] =	stream.indirect.gather [spmem:s16], $0x1, s20, s15, $0xb8;
	[tilespmem:$0x19E00] =	vst v63  }
0x5a: {  	_ =	swait.ge [sflag:s26], $0x2710  }
0x5b: {  	[sflag:s26] =	ssyncset.done $0x0  }
0x5c: {  	s28 =	simm.s32 $0x8;
	[sflag:s26] =	ssyncadd.s32 $0xFFFFD8F0  }
0x5d: {  	_ =	swait.ge [sflag:s28], $0x2710  }
0x5e: {  	[sflag:s28] =	ssyncset.done $0x0  }
0x5f: {  	[sflag:s28] =	ssyncadd.s32 $0xFFFFD8F0  }
0x60: {  	[spmem:s3] =	stream.indirect.scatter.add.f32 [tilespmem:s24], [sflag:$0xA], $0x1, s21, s15, $0xb8;
	[tilespmem:$0x19E00] =	vst v63  }
0x61: {  	s29 =	simm.s32 $0x9  }
0x62: {  	[spmem:s4] =	stream.indirect.scatter.add.f32 [tilespmem:s25], [sflag:$0xC], $0x1, s21, s15, $0xb8;
	[tilespmem:$0x19E00] =	vst v63  }
0x63: {  	_ =	swait.ge [sflag:s29], $0x2710  }
0x64: {  	[sflag:s29] =	ssyncset.done $0x0  }
0x65: {  	s30 =	simm.s32 $0xB;
	[sflag:s29] =	ssyncadd.s32 $0xFFFFD8F0  }
0x66: {  	_ =	swait.ge [sflag:s30], $0x2710  }
0x67: {  	[sflag:s30] =	ssyncset.done $0x0  }
0x68: {  	s0 =	rddreg [dreg:$0xd];
	[sflag:s30] =	ssyncadd.s32 $0xFFFFD8F0  }
0x69: {  	[tilespmem:s6], [sflag:$0x1] =	stream.linear.gather [hbm4b:s0+s6], $0x2710, $0x38;
	[tilespmem:$0x19E00] =	vst v63  }
0x6a: {  	s31 =	rddreg [dreg:$0xe]  }
0x6b: {  	[tilespmem:s9], [sflag:$0x3] =	stream.linear.gather [hbm4b:s31+s6], $0x2710, $0x38;
	[tilespmem:$0x19E00] =	vst v63  }
0x6c: {  	_ =	swait.ge [sflag:s13], $0x2710  }
0x6d: {  	[sflag:s13] =	ssyncset.done $0x0  }
0x6e: {  	[sflag:s13] =	ssyncadd.s32 $0xFFFFD8F0  }
0x6f: {  	_ =	swait.ge [sflag:s14], $0x2710  }
0x70: {  	[sflag:s14] =	ssyncset.done $0x0  }
0x71: {  	[sflag:s14] =	ssyncadd.s32 $0xFFFFD8F0  }
0x72: {  	[tilespmem:s1], [sflag:$0x5] =	stream.indirect.gather [spmem:s5], $0x1, s6, s15, $0xb8;
	[tilespmem:$0x19E00] =	vst v63  }
0x73: {  	_ = 	snop  }
0x74: {  	[tilespmem:s17], [sflag:$0x7] =	stream.indirect.gather [spmem:s16], $0x1, s6, s15, $0xb8;
	[tilespmem:$0x19E00] =	vst v63  }
0x75: {  	_ =	swait.ge [sflag:s18], $0x2710  }
0x76: {  	[sflag:s18] =	ssyncset.done $0x0  }
0x77: {  	[sflag:s18] =	ssyncadd.s32 $0xFFFFD8F0  }
0x78: {  	_ =	swait.ge [sflag:s19], $0x2710  }
0x79: {  	[sflag:s19] =	ssyncset.done $0x0  }
0x7a: {  	[sflag:s19] =	ssyncadd.s32 $0xFFFFD8F0  }
0x7b: {  	[spmem:s3] =	stream.indirect.scatter.add.f32 [tilespmem:s1], [sflag:$0x9], $0x1, s9, s15, $0xb8;
	[tilespmem:$0x19E00] =	vst v63  }
0x7c: {  	s31 =	simm.s32 $0xA  }
0x7d: {  	[spmem:s4] =	stream.indirect.scatter.add.f32 [tilespmem:s17], [sflag:$0xB], $0x1, s9, s15, $0xb8;
	[tilespmem:$0x19E00] =	vst v63  }
0x7e: {  	_ =	swait.ge [sflag:s31], $0x2710  }
0x7f: {  	[sflag:s31] =	ssyncset.done $0x0  }
0x80: {  	s2 =	simm.s32 $0xC;
	[sflag:s31] =	ssyncadd.s32 $0xFFFFD8F0  }
0x81: {  	_ =	swait.ge [sflag:s2], $0x2710  }
0x82: {  	[sflag:s2] =	ssyncset.done $0x0  }
0x83: {  	s12 =	rddreg [dreg:$0xf];
	[sflag:s2] =	ssyncadd.s32 $0xFFFFD8F0  }
0x84: {  	[tilespmem:s20], [sflag:$0x2] =	stream.linear.gather [hbm4b:s12+s6], $0x2710, $0x38;
	[tilespmem:$0x19E00] =	vst v63  }
0x85: {  	s0 =	rddreg [dreg:$0x10]  }
0x86: {  	[tilespmem:s21], [sflag:$0x4] =	stream.linear.gather [hbm4b:s0+s6], $0x2710, $0x38;
	[tilespmem:$0x19E00] =	vst v63  }
0x87: {  	_ =	swait.ge [sflag:s22], $0x2710  }
0x88: {  	[sflag:s22] =	ssyncset.done $0x0  }
0x89: {  	[sflag:s22] =	ssyncadd.s32 $0xFFFFD8F0  }
0x8a: {  	_ =	swait.ge [sflag:s23], $0x2710  }
0x8b: {  	[sflag:s23] =	ssyncset.done $0x0  }
0x8c: {  	[sflag:s23] =	ssyncadd.s32 $0xFFFFD8F0  }
0x8d: {  	[tilespmem:s24], [sflag:$0x6] =	stream.indirect.gather [spmem:s5], $0x1, s20, s15, $0xb8;
	[tilespmem:$0x19E00] =	vst v63  }
0x8e: {  	_ = 	snop  }
0x8f: {  	[tilespmem:s25], [sflag:$0x8] =	stream.indirect.gather [spmem:s16], $0x1, s20, s15, $0xb8;
	[tilespmem:$0x19E00] =	vst v63  }
0x90: {  	_ =	swait.ge [sflag:s26], $0x2710  }
0x91: {  	[sflag:s26] =	ssyncset.done $0x0  }
0x92: {  	[sflag:s26] =	ssyncadd.s32 $0xFFFFD8F0  }
0x93: {  	_ =	swait.ge [sflag:s28], $0x2710  }
0x94: {  	[sflag:s28] =	ssyncset.done $0x0  }
0x95: {  	[sflag:s28] =	ssyncadd.s32 $0xFFFFD8F0  }
0x96: {  	[spmem:s3] =	stream.indirect.scatter.add.f32 [tilespmem:s24], [sflag:$0xA], $0x1, s21, s15, $0xb8;
	[tilespmem:$0x19E00] =	vst v63  }
0x97: {  	_ = 	snop  }
0x98: {  	[spmem:s4] =	stream.indirect.scatter.add.f32 [tilespmem:s25], [sflag:$0xC], $0x1, s21, s15, $0xb8;
	[tilespmem:$0x19E00] =	vst v63  }
0x99: {  	_ =	swait.ge [sflag:s29], $0x2710  }
0x9a: {  	[sflag:s29] =	ssyncset.done $0x0  }
0x9b: {  	[sflag:s29] =	ssyncadd.s32 $0xFFFFD8F0  }
0x9c: {  	_ =	swait.ge [sflag:s30], $0x2710  }
0x9d: {  	[sflag:s30] =	ssyncset.done $0x0  }
0x9e: {  	s12 =	rddreg [dreg:$0x11];
	[sflag:s30] =	ssyncadd.s32 $0xFFFFD8F0  }
0x9f: {  	[tilespmem:s6], [sflag:$0x1] =	stream.linear.gather [hbm4b:s12+s6], $0x2710, $0x38;
	[tilespmem:$0x19E00] =	vst v63  }
0xa0: {  	s0 =	rddreg [dreg:$0x12]  }
0xa1: {  	[tilespmem:s9], [sflag:$0x3] =	stream.linear.gather [hbm4b:s0+s6], $0x2710, $0x38;
	[tilespmem:$0x19E00] =	vst v63  }
0xa2: {  	_ =	swait.ge [sflag:s13], $0x2710  }
0xa3: {  	[sflag:s13] =	ssyncset.done $0x0  }
0xa4: {  	[sflag:s13] =	ssyncadd.s32 $0xFFFFD8F0  }
0xa5: {  	_ =	swait.ge [sflag:s14], $0x2710  }
0xa6: {  	[sflag:s14] =	ssyncset.done $0x0  }
0xa7: {  	[sflag:s14] =	ssyncadd.s32 $0xFFFFD8F0  }
0xa8: {  	[tilespmem:s1], [sflag:$0x5] =	stream.indirect.gather [spmem:s5], $0x1, s6, s15, $0xb8;
	[tilespmem:$0x19E00] =	vst v63  }
0xa9: {  	_ = 	snop  }
0xaa: {  	[tilespmem:s17], [sflag:$0x7] =	stream.indirect.gather [spmem:s16], $0x1, s6, s15, $0xb8;
	[tilespmem:$0x19E00] =	vst v63  }
0xab: {  	_ =	swait.ge [sflag:s18], $0x2710  }
0xac: {  	[sflag:s18] =	ssyncset.done $0x0  }
0xad: {  	[sflag:s18] =	ssyncadd.s32 $0xFFFFD8F0  }
0xae: {  	_ =	swait.ge [sflag:s19], $0x2710  }
0xaf: {  	[sflag:s19] =	ssyncset.done $0x0  }
0xb0: {  	[sflag:s19] =	ssyncadd.s32 $0xFFFFD8F0  }
0xb1: {  	[spmem:s3] =	stream.indirect.scatter.add.f32 [tilespmem:s1], [sflag:$0x9], $0x1, s9, s15, $0xb8;
	[tilespmem:$0x19E00] =	vst v63  }
0xb2: {  	_ = 	snop  }
0xb3: {  	[spmem:s4] =	stream.indirect.scatter.add.f32 [tilespmem:s17], [sflag:$0xB], $0x1, s9, s15, $0xb8;
	[tilespmem:$0x19E00] =	vst v63  }
0xb4: {  	_ =	swait.ge [sflag:s31], $0x2710  }
0xb5: {  	[sflag:s31] =	ssyncset.done $0x0  }
0xb6: {  	[sflag:s31] =	ssyncadd.s32 $0xFFFFD8F0  }
0xb7: {  	_ =	swait.ge [sflag:s2], $0x2710  }
0xb8: {  	[sflag:s2] =	ssyncset.done $0x0  }
0xb9: {  	s12 =	rddreg [dreg:$0x13];
	[sflag:s2] =	ssyncadd.s32 $0xFFFFD8F0  }
0xba: {  	[tilespmem:s20], [sflag:$0x2] =	stream.linear.gather [hbm4b:s12+s6], $0x2710, $0x38;
	[tilespmem:$0x19E00] =	vst v63  }
0xbb: {  	s0 =	rddreg [dreg:$0x14]  }
0xbc: {  	[tilespmem:s21], [sflag:$0x4] =	stream.linear.gather [hbm4b:s0+s6], $0x2710, $0x38;
	[tilespmem:$0x19E00] =	vst v63  }
0xbd: {  	_ =	swait.ge [sflag:s22], $0x2710  }
0xbe: {  	[sflag:s22] =	ssyncset.done $0x0  }
0xbf: {  	[sflag:s22] =	ssyncadd.s32 $0xFFFFD8F0  }
0xc0: {  	_ =	swait.ge [sflag:s23], $0x2710  }
0xc1: {  	[sflag:s23] =	ssyncset.done $0x0  }
0xc2: {  	[sflag:s23] =	ssyncadd.s32 $0xFFFFD8F0  }
0xc3: {  	[tilespmem:s24], [sflag:$0x6] =	stream.indirect.gather [spmem:s5], $0x1, s20, s15, $0xb8;
	[tilespmem:$0x19E00] =	vst v63  }
0xc4: {  	_ = 	snop  }
0xc5: {  	[tilespmem:s25], [sflag:$0x8] =	stream.indirect.gather [spmem:s16], $0x1, s20, s15, $0xb8;
	[tilespmem:$0x19E00] =	vst v63  }
0xc6: {  	_ =	swait.ge [sflag:s26], $0x2710  }
0xc7: {  	[sflag:s26] =	ssyncset.done $0x0  }
0xc8: {  	[sflag:s26] =	ssyncadd.s32 $0xFFFFD8F0  }
0xc9: {  	_ =	swait.ge [sflag:s28], $0x2710  }
0xca: {  	[sflag:s28] =	ssyncset.done $0x0  }
0xcb: {  	[sflag:s28] =	ssyncadd.s32 $0xFFFFD8F0  }
0xcc: {  	[spmem:s3] =	stream.indirect.scatter.add.f32 [tilespmem:s24], [sflag:$0xA], $0x1, s21, s15, $0xb8;
	[tilespmem:$0x19E00] =	vst v63  }
0xcd: {  	_ = 	snop  }
0xce: {  	[spmem:s4] =	stream.indirect.scatter.add.f32 [tilespmem:s25], [sflag:$0xC], $0x1, s21, s15, $0xb8;
	[tilespmem:$0x19E00] =	vst v63  }
0xcf: {  	_ =	swait.ge [sflag:s29], $0x2710  }
0xd0: {  	[sflag:s29] =	ssyncset.done $0x0  }
0xd1: {  	[sflag:s29] =	ssyncadd.s32 $0xFFFFD8F0  }
0xd2: {  	_ =	swait.ge [sflag:s30], $0x2710  }
0xd3: {  	[sflag:s30] =	ssyncset.done $0x0  }
0xd4: {  	s12 =	rddreg [dreg:$0x15];
	[sflag:s30] =	ssyncadd.s32 $0xFFFFD8F0  }
0xd5: {  	[tilespmem:s6], [sflag:$0x1] =	stream.linear.gather [hbm4b:s12+s6], $0x2710, $0x38;
	[tilespmem:$0x19E00] =	vst v63  }
0xd6: {  	s0 =	rddreg [dreg:$0x16]  }
0xd7: {  	[tilespmem:s9], [sflag:$0x3] =	stream.linear.gather [hbm4b:s0+s6], $0x2710, $0x38;
	[tilespmem:$0x19E00] =	vst v63  }
0xd8: {  	_ =	swait.ge [sflag:s13], $0x2710  }
0xd9: {  	[sflag:s13] =	ssyncset.done $0x0  }
0xda: {  	[sflag:s13] =	ssyncadd.s32 $0xFFFFD8F0  }
0xdb: {  	_ =	swait.ge [sflag:s14], $0x2710  }
0xdc: {  	[sflag:s14] =	ssyncset.done $0x0  }
0xdd: {  	[sflag:s14] =	ssyncadd.s32 $0xFFFFD8F0  }
0xde: {  	[tilespmem:s1], [sflag:$0x5] =	stream.indirect.gather [spmem:s5], $0x1, s6, s15, $0xb8;
	[tilespmem:$0x19E00] =	vst v63  }
0xdf: {  	_ = 	snop  }
0xe0: {  	[tilespmem:s17], [sflag:$0x7] =	stream.indirect.gather [spmem:s16], $0x1, s6, s15, $0xb8;
	[tilespmem:$0x19E00] =	vst v63  }
0xe1: {  	_ =	swait.ge [sflag:s18], $0x2710  }
0xe2: {  	[sflag:s18] =	ssyncset.done $0x0  }
0xe3: {  	[sflag:s18] =	ssyncadd.s32 $0xFFFFD8F0  }
0xe4: {  	_ =	swait.ge [sflag:s19], $0x2710  }
0xe5: {  	[sflag:s19] =	ssyncset.done $0x0  }
0xe6: {  	[sflag:s19] =	ssyncadd.s32 $0xFFFFD8F0  }
0xe7: {  	[spmem:s3] =	stream.indirect.scatter.add.f32 [tilespmem:s1], [sflag:$0x9], $0x1, s9, s15, $0xb8;
	[tilespmem:$0x19E00] =	vst v63  }
0xe8: {  	_ = 	snop  }
0xe9: {  	[spmem:s4] =	stream.indirect.scatter.add.f32 [tilespmem:s17], [sflag:$0xB], $0x1, s9, s15, $0xb8;
	[tilespmem:$0x19E00] =	vst v63  }
0xea: {  	_ =	swait.ge [sflag:s31], $0x2710  }
0xeb: {  	[sflag:s31] =	ssyncset.done $0x0  }
0xec: {  	[sflag:s31] =	ssyncadd.s32 $0xFFFFD8F0  }
0xed: {  	_ =	swait.ge [sflag:s2], $0x2710  }
0xee: {  	[sflag:s2] =	ssyncset.done $0x0  }
0xef: {  	s12 =	rddreg [dreg:$0x17];
	[sflag:s2] =	ssyncadd.s32 $0xFFFFD8F0  }
0xf0: {  	[tilespmem:s20], [sflag:$0x2] =	stream.linear.gather [hbm4b:s12+s6], $0x2710, $0x38;
	[tilespmem:$0x19E00] =	vst v63  }
0xf1: {  	s0 =	rddreg [dreg:$0x18]  }
0xf2: {  	[tilespmem:s21], [sflag:$0x4] =	stream.linear.gather [hbm4b:s0+s6], $0x2710, $0x38;
	[tilespmem:$0x19E00] =	vst v63  }
0xf3: {  	_ =	swait.ge [sflag:s22], $0x2710  }
0xf4: {  	[sflag:s22] =	ssyncset.done $0x0  }
0xf5: {  	[sflag:s22] =	ssyncadd.s32 $0xFFFFD8F0  }
0xf6: {  	_ =	swait.ge [sflag:s23], $0x2710  }
0xf7: {  	[sflag:s23] =	ssyncset.done $0x0  }
0xf8: {  	[sflag:s23] =	ssyncadd.s32 $0xFFFFD8F0  }
0xf9: {  	[tilespmem:s24], [sflag:$0x6] =	stream.indirect.gather [spmem:s5], $0x1, s20, s15, $0xb8;
	[tilespmem:$0x19E00] =	vst v63  }
0xfa: {  	_ = 	snop  }
0xfb: {  	[tilespmem:s25], [sflag:$0x8] =	stream.indirect.gather [spmem:s16], $0x1, s20, s15, $0xb8;
	[tilespmem:$0x19E00] =	vst v63  }
0xfc: {  	_ =	swait.ge [sflag:s26], $0x2710  }
0xfd: {  	[sflag:s26] =	ssyncset.done $0x0  }
0xfe: {  	[sflag:s26] =	ssyncadd.s32 $0xFFFFD8F0  }
0xff: {  	_ =	swait.ge [sflag:s28], $0x2710  }
0x100: {  	[sflag:s28] =	ssyncset.done $0x0  }
0x101: {  	[sflag:s28] =	ssyncadd.s32 $0xFFFFD8F0  }
0x102: {  	[spmem:s3] =	stream.indirect.scatter.add.f32 [tilespmem:s24], [sflag:$0xA], $0x1, s21, s15, $0xb8;
	[tilespmem:$0x19E00] =	vst v63  }
0x103: {  	_ = 	snop  }
0x104: {  	[spmem:s4] =	stream.indirect.scatter.add.f32 [tilespmem:s25], [sflag:$0xC], $0x1, s21, s15, $0xb8;
	[tilespmem:$0x19E00] =	vst v63  }
0x105: {  	_ =	swait.ge [sflag:s29], $0x2710  }
0x106: {  	[sflag:s29] =	ssyncset.done $0x0  }
0x107: {  	[sflag:s29] =	ssyncadd.s32 $0xFFFFD8F0  }
0x108: {  	_ =	swait.ge [sflag:s30], $0x2710  }
0x109: {  	[sflag:s30] =	ssyncset.done $0x0  }
0x10a: {  	s12 =	rddreg [dreg:$0x19];
	[sflag:s30] =	ssyncadd.s32 $0xFFFFD8F0  }
0x10b: {  	[tilespmem:s6], [sflag:$0x1] =	stream.linear.gather [hbm4b:s12+s6], $0x2710, $0x38;
	[tilespmem:$0x19E00] =	vst v63  }
0x10c: {  	s0 =	rddreg [dreg:$0x1a]  }
0x10d: {  	[tilespmem:s9], [sflag:$0x3] =	stream.linear.gather [hbm4b:s0+s6], $0x2710, $0x38;
	[tilespmem:$0x19E00] =	vst v63  }
0x10e: {  	_ =	swait.ge [sflag:s13], $0x2710  }
0x10f: {  	[sflag:s13] =	ssyncset.done $0x0  }
0x110: {  	[sflag:s13] =	ssyncadd.s32 $0xFFFFD8F0  }
0x111: {  	_ =	swait.ge [sflag:s14], $0x2710  }
0x112: {  	[sflag:s14] =	ssyncset.done $0x0  }
0x113: {  	[sflag:s14] =	ssyncadd.s32 $0xFFFFD8F0  }
0x114: {  	[tilespmem:s1], [sflag:$0x5] =	stream.indirect.gather [spmem:s5], $0x1, s6, s15, $0xb8;
	[tilespmem:$0x19E00] =	vst v63  }
0x115: {  	_ = 	snop  }
0x116: {  	[tilespmem:s17], [sflag:$0x7] =	stream.indirect.gather [spmem:s16], $0x1, s6, s15, $0xb8;
	[tilespmem:$0x19E00] =	vst v63  }
0x117: {  	_ =	swait.ge [sflag:s18], $0x2710  }
0x118: {  	[sflag:s18] =	ssyncset.done $0x0  }
0x119: {  	[sflag:s18] =	ssyncadd.s32 $0xFFFFD8F0  }
0x11a: {  	_ =	swait.ge [sflag:s19], $0x2710  }
0x11b: {  	[sflag:s19] =	ssyncset.done $0x0  }
0x11c: {  	[sflag:s19] =	ssyncadd.s32 $0xFFFFD8F0  }
0x11d: {  	[spmem:s3] =	stream.indirect.scatter.add.f32 [tilespmem:s1], [sflag:$0x9], $0x1, s9, s15, $0xb8;
	[tilespmem:$0x19E00] =	vst v63  }
0x11e: {  	_ = 	snop  }
0x11f: {  	[spmem:s4] =	stream.indirect.scatter.add.f32 [tilespmem:s17], [sflag:$0xB], $0x1, s9, s15, $0xb8;
	[tilespmem:$0x19E00] =	vst v63  }
0x120: {  	_ =	swait.ge [sflag:s31], $0x2710  }
0x121: {  	[sflag:s31] =	ssyncset.done $0x0  }
0x122: {  	[sflag:s31] =	ssyncadd.s32 $0xFFFFD8F0  }
0x123: {  	_ =	swait.ge [sflag:s2], $0x2710  }
0x124: {  	[sflag:s2] =	ssyncset.done $0x0  }
0x125: {  	s12 =	rddreg [dreg:$0x1b];
	[sflag:s2] =	ssyncadd.s32 $0xFFFFD8F0  }
0x126: {  	[tilespmem:s20], [sflag:$0x2] =	stream.linear.gather [hbm4b:s12+s6], $0x2710, $0x38;
	[tilespmem:$0x19E00] =	vst v63  }
0x127: {  	s0 =	rddreg [dreg:$0x1c]  }
0x128: {  	[tilespmem:s21], [sflag:$0x4] =	stream.linear.gather [hbm4b:s0+s6], $0x2710, $0x38;
	[tilespmem:$0x19E00] =	vst v63  }
0x129: {  	_ =	swait.ge [sflag:s22], $0x2710  }
0x12a: {  	[sflag:s22] =	ssyncset.done $0x0  }
0x12b: {  	[sflag:s22] =	ssyncadd.s32 $0xFFFFD8F0  }
0x12c: {  	_ =	swait.ge [sflag:s23], $0x2710  }
0x12d: {  	[sflag:s23] =	ssyncset.done $0x0  }
0x12e: {  	[sflag:s23] =	ssyncadd.s32 $0xFFFFD8F0  }
0x12f: {  	[tilespmem:s24], [sflag:$0x6] =	stream.indirect.gather [spmem:s5], $0x1, s20, s15, $0xb8;
	[tilespmem:$0x19E00] =	vst v63  }
0x130: {  	_ = 	snop  }
0x131: {  	[tilespmem:s25], [sflag:$0x8] =	stream.indirect.gather [spmem:s16], $0x1, s20, s15, $0xb8;
	[tilespmem:$0x19E00] =	vst v63  }
0x132: {  	_ =	swait.ge [sflag:s26], $0x2710  }
0x133: {  	[sflag:s26] =	ssyncset.done $0x0  }
0x134: {  	[sflag:s26] =	ssyncadd.s32 $0xFFFFD8F0  }
0x135: {  	_ =	swait.ge [sflag:s28], $0x2710  }
0x136: {  	[sflag:s28] =	ssyncset.done $0x0  }
0x137: {  	[sflag:s28] =	ssyncadd.s32 $0xFFFFD8F0  }
0x138: {  	[spmem:s3] =	stream.indirect.scatter.add.f32 [tilespmem:s24], [sflag:$0xA], $0x1, s21, s15, $0xb8;
	[tilespmem:$0x19E00] =	vst v63  }
0x139: {  	_ = 	snop  }
0x13a: {  	[spmem:s4] =	stream.indirect.scatter.add.f32 [tilespmem:s25], [sflag:$0xC], $0x1, s21, s15, $0xb8;
	[tilespmem:$0x19E00] =	vst v63  }
0x13b: {  	_ =	swait.ge [sflag:s29], $0x2710  }
0x13c: {  	[sflag:s29] =	ssyncset.done $0x0  }
0x13d: {  	[sflag:s29] =	ssyncadd.s32 $0xFFFFD8F0  }
0x13e: {  	_ =	swait.ge [sflag:s31], $0x2710  }
0x13f: {  	[sflag:s31] =	ssyncset.done $0x0  }
0x140: {  	[sflag:s31] =	ssyncadd.s32 $0xFFFFD8F0  }
0x141: {  	_ =	swait.ge [sflag:s30], $0x2710  }
0x142: {  	[sflag:s30] =	ssyncset.done $0x0  }
0x143: {  	[sflag:s30] =	ssyncadd.s32 $0xFFFFD8F0  }
0x144: {  	_ =	swait.ge [sflag:s2], $0x2710  }
0x145: {  	[sflag:s2] =	ssyncset.done $0x0  }
0x146: {  	[sflag:s2] =	ssyncadd.s32 $0xFFFFD8F0  }
0x147: {  	[bflag:$0x0] =	sbarrier.arrive $0xFFFF  }
0x148: {  	s3 =	rddreg [dreg:$0x1d]  }
0x149: {  	s5 =	simm.s32 $0x10;
	s4 =	simm.s32 $0x20;
	[smem:$0x7FB] =	sst s7  }
0x14a: {  	[hbm:s3@s4], [sflag:s8] =	dma.strided [spmem:s7@s5], $0x310, s13, $0x10   }
0x14b: {  	_ =	swait.ge [sflag:s10], $0x310  }
0x14c: {  	s7 =	sld [smem:$0x7FC];
	_ =	sdelay $0x2  }
0x14d: {  	s12 =	ssub.s32 $0x2, s7  }
0x14e: {  	s0 =	sshrl.u32 s12, $0x1  }
0x14f: {  	s0 =	ssub.s32 s12, s0  }
0x150: {  	s0 =	smax.u32 s0, $0x1  }
0x151: {  	p0 =	sne.s32 s0, $0x1  }
.Ltmp0:
0x152: {  	_ = 	snop;
	(pc) =	sbr.rel @!p0 .LBB2_2-.Ltmp0, $4  }
0x153: {  	s16 =	rddreg [dreg:$0x1e];
	[sflag:s10] =	ssyncset.done $0x0  }
0x154: {  	[smem:$0x7FD] =	sst s11;
	[sflag:s10] =	ssyncadd.s32 $0xFFFFFCF0  }
0x155: {  	[hbm:s16@s4], [sflag:s8] =	dma.strided [spmem:s11@s5], $0x310, s13, $0x10   }
0x156: {  	s0 =	sadd.s32 $0xFFFFFFFF, s0  }
.LBB2_1:
0x157: {  	_ =	swait.ge [sflag:s10], $0x310  }
0x158: {  	s7 =	rddreg [dreg:$0x7]  }
0x159: {  	[sflag:s10] =	ssyncset.done $0x0;
	s16 =	sld [smem:$0x7F9]  }
0x15a: {  	s12 =	sld [smem:$0x7FB];
	[sflag:s10] =	ssyncadd.s32 $0xFFFFFCF0  }
0x15b: {  	[tilespmem:s6], [sflag:$0x1] =	stream.linear.gather [hbm4b:s7+s6], $0x2710, $0x38;
	[tilespmem:$0x19E00] =	vst v63  }
0x15c: {  	s11 =	rddreg [dreg:$0x8]  }
0x15d: {  	[tilespmem:s9], [sflag:$0x3] =	stream.linear.gather [hbm4b:s11+s6], $0x2710, $0x38;
	[tilespmem:$0x19E00] =	vst v63  }
0x15e: {  	[spmem:s12], [sflag:s8] =	dma.local [hbm:s16], $0x310  }
0x15f: {  	_ =	swait.ge [sflag:s10], $0x310  }
0x160: {  	s3 =	sld [smem:$0x7FD]  }
0x161: {  	[sflag:s10] =	ssyncset.done $0x0  }
0x162: {  	[sflag:s10] =	ssyncadd.s32 $0xFFFFFCF0  }
0x163: {  	[spmem:s3], [sflag:s8] =	dma.local [hbm:s16], $0x310  }
0x164: {  	_ =	swait.ge [sflag:s10], $0x310  }
0x165: {  	[sflag:s10] =	ssyncset.done $0x0;
	s4 =	rddreg [dreg:$0x9]  }
0x166: {  	s5 =	rddreg [dreg:$0x1f];
	[sflag:s10] =	ssyncadd.s32 $0xFFFFFCF0  }
0x167: {  	[spmem:s5], [sflag:s8] =	dma.local [hbm:s4], $0x310  }
0x168: {  	_ =	swait.ge [sflag:s10], $0x310  }
0x169: {  	s3 =	sld [smem:$0x7FA]  }
0x16a: {  	[sflag:s10] =	ssyncset.done $0x0  }
0x16b: {  	s16 =	rddreg [dreg:$0xa];
	[sflag:s10] =	ssyncadd.s32 $0xFFFFFCF0  }
0x16c: {  	[spmem:s3], [sflag:s8] =	dma.local [hbm:s16], $0x310  }
0x16d: {  	_ =	swait.ge [sflag:s10], $0x310  }
0x16e: {  	[sflag:s10] =	ssyncset.done $0x0  }
0x16f: {  	[sflag:s10] =	ssyncadd.s32 $0xFFFFFCF0  }
0x170: {  	[bflag:$0x0] =	sbarrier.arrive $0xFFFF  }
0x171: {  	_ =	swait.ge [sflag:s13], $0x2710  }
0x172: {  	[sflag:s13] =	ssyncset.done $0x0  }
0x173: {  	[sflag:s13] =	ssyncadd.s32 $0xFFFFD8F0  }
0x174: {  	_ =	swait.ge [sflag:s14], $0x2710  }
0x175: {  	[sflag:s14] =	ssyncset.done $0x0  }
0x176: {  	[sflag:s14] =	ssyncadd.s32 $0xFFFFD8F0  }
0x177: {  	s5 =	rddreg [dreg:$0x4]  }
0x178: {  	[tilespmem:s1], [sflag:$0x5] =	stream.indirect.gather [spmem:s5], $0x1, s6, s15, $0xb8;
	[tilespmem:$0x19E00] =	vst v63  }
0x179: {  	s16 =	rddreg [dreg:$0x5]  }
0x17a: {  	[tilespmem:s17], [sflag:$0x7] =	stream.indirect.gather [spmem:s16], $0x1, s6, s15, $0xb8;
	[tilespmem:$0x19E00] =	vst v63  }
0x17b: {  	_ =	swait.ge [sflag:s18], $0x2710  }
0x17c: {  	[sflag:s18] =	ssyncset.done $0x0  }
0x17d: {  	[sflag:s18] =	ssyncadd.s32 $0xFFFFD8F0  }
0x17e: {  	_ =	swait.ge [sflag:s19], $0x2710  }
0x17f: {  	[sflag:s19] =	ssyncset.done $0x0  }
0x180: {  	[sflag:s19] =	ssyncadd.s32 $0xFFFFD8F0  }
0x181: {  	s3 =	rddreg [dreg:$0x2]  }
0x182: {  	[spmem:s3] =	stream.indirect.scatter.add.f32 [tilespmem:s1], [sflag:$0x9], $0x1, s9, s15, $0xb8;
	[tilespmem:$0x19E00] =	vst v63  }
0x183: {  	s4 =	rddreg [dreg:$0x3]  }
0x184: {  	[spmem:s4] =	stream.indirect.scatter.add.f32 [tilespmem:s17], [sflag:$0xB], $0x1, s9, s15, $0xb8;
	[tilespmem:$0x19E00] =	vst v63  }
0x185: {  	s7 =	rddreg [dreg:$0xb]  }
0x186: {  	[tilespmem:s20], [sflag:$0x2] =	stream.linear.gather [hbm4b:s7+s6], $0x2710, $0x38;
	[tilespmem:$0x19E00] =	vst v63  }
0x187: {  	s11 =	rddreg [dreg:$0xc]  }
0x188: {  	[tilespmem:s21], [sflag:$0x4] =	stream.linear.gather [hbm4b:s11+s6], $0x2710, $0x38;
	[tilespmem:$0x19E00] =	vst v63  }
0x189: {  	_ =	swait.ge [sflag:s22], $0x2710  }
0x18a: {  	[sflag:s22] =	ssyncset.done $0x0  }
0x18b: {  	[sflag:s22] =	ssyncadd.s32 $0xFFFFD8F0  }
0x18c: {  	_ =	swait.ge [sflag:s23], $0x2710  }
0x18d: {  	[sflag:s23] =	ssyncset.done $0x0  }
0x18e: {  	[sflag:s23] =	ssyncadd.s32 $0xFFFFD8F0  }
0x18f: {  	[tilespmem:s24], [sflag:$0x6] =	stream.indirect.gather [spmem:s5], $0x1, s20, s15, $0xb8;
	[tilespmem:$0x19E00] =	vst v63  }
0x190: {  	_ = 	snop  }
0x191: {  	[tilespmem:s25], [sflag:$0x8] =	stream.indirect.gather [spmem:s16], $0x1, s20, s15, $0xb8;
	[tilespmem:$0x19E00] =	vst v63  }
0x192: {  	_ =	swait.ge [sflag:s26], $0x2710  }
0x193: {  	[sflag:s26] =	ssyncset.done $0x0  }
0x194: {  	[sflag:s26] =	ssyncadd.s32 $0xFFFFD8F0  }
0x195: {  	_ =	swait.ge [sflag:s28], $0x2710  }
0x196: {  	[sflag:s28] =	ssyncset.done $0x0  }
0x197: {  	[sflag:s28] =	ssyncadd.s32 $0xFFFFD8F0  }
0x198: {  	[spmem:s3] =	stream.indirect.scatter.add.f32 [tilespmem:s24], [sflag:$0xA], $0x1, s21, s15, $0xb8;
	[tilespmem:$0x19E00] =	vst v63  }
0x199: {  	_ = 	snop  }
0x19a: {  	[spmem:s4] =	stream.indirect.scatter.add.f32 [tilespmem:s25], [sflag:$0xC], $0x1, s21, s15, $0xb8;
	[tilespmem:$0x19E00] =	vst v63  }
0x19b: {  	_ =	swait.ge [sflag:s29], $0x2710  }
0x19c: {  	[sflag:s29] =	ssyncset.done $0x0  }
0x19d: {  	[sflag:s29] =	ssyncadd.s32 $0xFFFFD8F0  }
0x19e: {  	_ =	swait.ge [sflag:s30], $0x2710  }
0x19f: {  	[sflag:s30] =	ssyncset.done $0x0  }
0x1a0: {  	s7 =	rddreg [dreg:$0xd];
	[sflag:s30] =	ssyncadd.s32 $0xFFFFD8F0  }
0x1a1: {  	[tilespmem:s6], [sflag:$0x1] =	stream.linear.gather [hbm4b:s7+s6], $0x2710, $0x38;
	[tilespmem:$0x19E00] =	vst v63  }
0x1a2: {  	s11 =	rddreg [dreg:$0xe]  }
0x1a3: {  	[tilespmem:s9], [sflag:$0x3] =	stream.linear.gather [hbm4b:s11+s6], $0x2710, $0x38;
	[tilespmem:$0x19E00] =	vst v63  }
0x1a4: {  	_ =	swait.ge [sflag:s13], $0x2710  }
0x1a5: {  	[sflag:s13] =	ssyncset.done $0x0  }
0x1a6: {  	[sflag:s13] =	ssyncadd.s32 $0xFFFFD8F0  }
0x1a7: {  	_ =	swait.ge [sflag:s14], $0x2710  }
0x1a8: {  	[sflag:s14] =	ssyncset.done $0x0  }
0x1a9: {  	[sflag:s14] =	ssyncadd.s32 $0xFFFFD8F0  }
0x1aa: {  	[tilespmem:s1], [sflag:$0x5] =	stream.indirect.gather [spmem:s5], $0x1, s6, s15, $0xb8;
	[tilespmem:$0x19E00] =	vst v63  }
0x1ab: {  	_ = 	snop  }
0x1ac: {  	[tilespmem:s17], [sflag:$0x7] =	stream.indirect.gather [spmem:s16], $0x1, s6, s15, $0xb8;
	[tilespmem:$0x19E00] =	vst v63  }
0x1ad: {  	_ =	swait.ge [sflag:s18], $0x2710  }
0x1ae: {  	[sflag:s18] =	ssyncset.done $0x0  }
0x1af: {  	[sflag:s18] =	ssyncadd.s32 $0xFFFFD8F0  }
0x1b0: {  	_ =	swait.ge [sflag:s19], $0x2710  }
0x1b1: {  	[sflag:s19] =	ssyncset.done $0x0  }
0x1b2: {  	[sflag:s19] =	ssyncadd.s32 $0xFFFFD8F0  }
0x1b3: {  	[spmem:s3] =	stream.indirect.scatter.add.f32 [tilespmem:s1], [sflag:$0x9], $0x1, s9, s15, $0xb8;
	[tilespmem:$0x19E00] =	vst v63  }
0x1b4: {  	_ = 	snop  }
0x1b5: {  	[spmem:s4] =	stream.indirect.scatter.add.f32 [tilespmem:s17], [sflag:$0xB], $0x1, s9, s15, $0xb8;
	[tilespmem:$0x19E00] =	vst v63  }
0x1b6: {  	_ =	swait.ge [sflag:s31], $0x2710  }
0x1b7: {  	[sflag:s31] =	ssyncset.done $0x0  }
0x1b8: {  	[sflag:s31] =	ssyncadd.s32 $0xFFFFD8F0  }
0x1b9: {  	_ =	swait.ge [sflag:s2], $0x2710  }
0x1ba: {  	[sflag:s2] =	ssyncset.done $0x0  }
0x1bb: {  	s7 =	rddreg [dreg:$0xf];
	[sflag:s2] =	ssyncadd.s32 $0xFFFFD8F0  }
0x1bc: {  	[tilespmem:s20], [sflag:$0x2] =	stream.linear.gather [hbm4b:s7+s6], $0x2710, $0x38;
	[tilespmem:$0x19E00] =	vst v63  }
0x1bd: {  	s11 =	rddreg [dreg:$0x10]  }
0x1be: {  	[tilespmem:s21], [sflag:$0x4] =	stream.linear.gather [hbm4b:s11+s6], $0x2710, $0x38;
	[tilespmem:$0x19E00] =	vst v63  }
0x1bf: {  	_ =	swait.ge [sflag:s22], $0x2710  }
0x1c0: {  	[sflag:s22] =	ssyncset.done $0x0  }
0x1c1: {  	[sflag:s22] =	ssyncadd.s32 $0xFFFFD8F0  }
0x1c2: {  	_ =	swait.ge [sflag:s23], $0x2710  }
0x1c3: {  	[sflag:s23] =	ssyncset.done $0x0  }
0x1c4: {  	[sflag:s23] =	ssyncadd.s32 $0xFFFFD8F0  }
0x1c5: {  	[tilespmem:s24], [sflag:$0x6] =	stream.indirect.gather [spmem:s5], $0x1, s20, s15, $0xb8;
	[tilespmem:$0x19E00] =	vst v63  }
0x1c6: {  	_ = 	snop  }
0x1c7: {  	[tilespmem:s25], [sflag:$0x8] =	stream.indirect.gather [spmem:s16], $0x1, s20, s15, $0xb8;
	[tilespmem:$0x19E00] =	vst v63  }
0x1c8: {  	_ =	swait.ge [sflag:s26], $0x2710  }
0x1c9: {  	[sflag:s26] =	ssyncset.done $0x0  }
0x1ca: {  	[sflag:s26] =	ssyncadd.s32 $0xFFFFD8F0  }
0x1cb: {  	_ =	swait.ge [sflag:s28], $0x2710  }
0x1cc: {  	[sflag:s28] =	ssyncset.done $0x0  }
0x1cd: {  	[sflag:s28] =	ssyncadd.s32 $0xFFFFD8F0  }
0x1ce: {  	[spmem:s3] =	stream.indirect.scatter.add.f32 [tilespmem:s24], [sflag:$0xA], $0x1, s21, s15, $0xb8;
	[tilespmem:$0x19E00] =	vst v63  }
0x1cf: {  	_ = 	snop  }
0x1d0: {  	[spmem:s4] =	stream.indirect.scatter.add.f32 [tilespmem:s25], [sflag:$0xC], $0x1, s21, s15, $0xb8;
	[tilespmem:$0x19E00] =	vst v63  }
0x1d1: {  	_ =	swait.ge [sflag:s29], $0x2710  }
0x1d2: {  	[sflag:s29] =	ssyncset.done $0x0  }
0x1d3: {  	[sflag:s29] =	ssyncadd.s32 $0xFFFFD8F0  }
0x1d4: {  	_ =	swait.ge [sflag:s30], $0x2710  }
0x1d5: {  	[sflag:s30] =	ssyncset.done $0x0  }
0x1d6: {  	s7 =	rddreg [dreg:$0x11];
	[sflag:s30] =	ssyncadd.s32 $0xFFFFD8F0  }
0x1d7: {  	[tilespmem:s6], [sflag:$0x1] =	stream.linear.gather [hbm4b:s7+s6], $0x2710, $0x38;
	[tilespmem:$0x19E00] =	vst v63  }
0x1d8: {  	s11 =	rddreg [dreg:$0x12]  }
0x1d9: {  	[tilespmem:s9], [sflag:$0x3] =	stream.linear.gather [hbm4b:s11+s6], $0x2710, $0x38;
	[tilespmem:$0x19E00] =	vst v63  }
0x1da: {  	_ =	swait.ge [sflag:s13], $0x2710  }
0x1db: {  	[sflag:s13] =	ssyncset.done $0x0  }
0x1dc: {  	[sflag:s13] =	ssyncadd.s32 $0xFFFFD8F0  }
0x1dd: {  	_ =	swait.ge [sflag:s14], $0x2710  }
0x1de: {  	[sflag:s14] =	ssyncset.done $0x0  }
0x1df: {  	[sflag:s14] =	ssyncadd.s32 $0xFFFFD8F0  }
0x1e0: {  	[tilespmem:s1], [sflag:$0x5] =	stream.indirect.gather [spmem:s5], $0x1, s6, s15, $0xb8;
	[tilespmem:$0x19E00] =	vst v63  }
0x1e1: {  	_ = 	snop  }
0x1e2: {  	[tilespmem:s17], [sflag:$0x7] =	stream.indirect.gather [spmem:s16], $0x1, s6, s15, $0xb8;
	[tilespmem:$0x19E00] =	vst v63  }
0x1e3: {  	_ =	swait.ge [sflag:s18], $0x2710  }
0x1e4: {  	[sflag:s18] =	ssyncset.done $0x0  }
0x1e5: {  	[sflag:s18] =	ssyncadd.s32 $0xFFFFD8F0  }
0x1e6: {  	_ =	swait.ge [sflag:s19], $0x2710  }
0x1e7: {  	[sflag:s19] =	ssyncset.done $0x0  }
0x1e8: {  	[sflag:s19] =	ssyncadd.s32 $0xFFFFD8F0  }
0x1e9: {  	[spmem:s3] =	stream.indirect.scatter.add.f32 [tilespmem:s1], [sflag:$0x9], $0x1, s9, s15, $0xb8;
	[tilespmem:$0x19E00] =	vst v63  }
0x1ea: {  	_ = 	snop  }
0x1eb: {  	[spmem:s4] =	stream.indirect.scatter.add.f32 [tilespmem:s17], [sflag:$0xB], $0x1, s9, s15, $0xb8;
	[tilespmem:$0x19E00] =	vst v63  }
0x1ec: {  	_ =	swait.ge [sflag:s31], $0x2710  }
0x1ed: {  	[sflag:s31] =	ssyncset.done $0x0  }
0x1ee: {  	[sflag:s31] =	ssyncadd.s32 $0xFFFFD8F0  }
0x1ef: {  	_ =	swait.ge [sflag:s2], $0x2710  }
0x1f0: {  	[sflag:s2] =	ssyncset.done $0x0  }
0x1f1: {  	s7 =	rddreg [dreg:$0x13];
	[sflag:s2] =	ssyncadd.s32 $0xFFFFD8F0  }
0x1f2: {  	[tilespmem:s20], [sflag:$0x2] =	stream.linear.gather [hbm4b:s7+s6], $0x2710, $0x38;
	[tilespmem:$0x19E00] =	vst v63  }
0x1f3: {  	s11 =	rddreg [dreg:$0x14]  }
0x1f4: {  	[tilespmem:s21], [sflag:$0x4] =	stream.linear.gather [hbm4b:s11+s6], $0x2710, $0x38;
	[tilespmem:$0x19E00] =	vst v63  }
0x1f5: {  	_ =	swait.ge [sflag:s22], $0x2710  }
0x1f6: {  	[sflag:s22] =	ssyncset.done $0x0  }
0x1f7: {  	[sflag:s22] =	ssyncadd.s32 $0xFFFFD8F0  }
0x1f8: {  	_ =	swait.ge [sflag:s23], $0x2710  }
0x1f9: {  	[sflag:s23] =	ssyncset.done $0x0  }
0x1fa: {  	[sflag:s23] =	ssyncadd.s32 $0xFFFFD8F0  }
0x1fb: {  	[tilespmem:s24], [sflag:$0x6] =	stream.indirect.gather [spmem:s5], $0x1, s20, s15, $0xb8;
	[tilespmem:$0x19E00] =	vst v63  }
0x1fc: {  	_ = 	snop  }
0x1fd: {  	[tilespmem:s25], [sflag:$0x8] =	stream.indirect.gather [spmem:s16], $0x1, s20, s15, $0xb8;
	[tilespmem:$0x19E00] =	vst v63  }
0x1fe: {  	_ =	swait.ge [sflag:s26], $0x2710  }
0x1ff: {  	[sflag:s26] =	ssyncset.done $0x0  }
0x200: {  	[sflag:s26] =	ssyncadd.s32 $0xFFFFD8F0  }
0x201: {  	_ =	swait.ge [sflag:s28], $0x2710  }
0x202: {  	[sflag:s28] =	ssyncset.done $0x0  }
0x203: {  	[sflag:s28] =	ssyncadd.s32 $0xFFFFD8F0  }
0x204: {  	[spmem:s3] =	stream.indirect.scatter.add.f32 [tilespmem:s24], [sflag:$0xA], $0x1, s21, s15, $0xb8;
	[tilespmem:$0x19E00] =	vst v63  }
0x205: {  	_ = 	snop  }
0x206: {  	[spmem:s4] =	stream.indirect.scatter.add.f32 [tilespmem:s25], [sflag:$0xC], $0x1, s21, s15, $0xb8;
	[tilespmem:$0x19E00] =	vst v63  }
0x207: {  	_ =	swait.ge [sflag:s29], $0x2710  }
0x208: {  	[sflag:s29] =	ssyncset.done $0x0  }
0x209: {  	[sflag:s29] =	ssyncadd.s32 $0xFFFFD8F0  }
0x20a: {  	_ =	swait.ge [sflag:s30], $0x2710  }
0x20b: {  	[sflag:s30] =	ssyncset.done $0x0  }
0x20c: {  	s7 =	rddreg [dreg:$0x15];
	[sflag:s30] =	ssyncadd.s32 $0xFFFFD8F0  }
0x20d: {  	[tilespmem:s6], [sflag:$0x1] =	stream.linear.gather [hbm4b:s7+s6], $0x2710, $0x38;
	[tilespmem:$0x19E00] =	vst v63  }
0x20e: {  	s11 =	rddreg [dreg:$0x16]  }
0x20f: {  	[tilespmem:s9], [sflag:$0x3] =	stream.linear.gather [hbm4b:s11+s6], $0x2710, $0x38;
	[tilespmem:$0x19E00] =	vst v63  }
0x210: {  	_ =	swait.ge [sflag:s13], $0x2710  }
0x211: {  	[sflag:s13] =	ssyncset.done $0x0  }
0x212: {  	[sflag:s13] =	ssyncadd.s32 $0xFFFFD8F0  }
0x213: {  	_ =	swait.ge [sflag:s14], $0x2710  }
0x214: {  	[sflag:s14] =	ssyncset.done $0x0  }
0x215: {  	[sflag:s14] =	ssyncadd.s32 $0xFFFFD8F0  }
0x216: {  	[tilespmem:s1], [sflag:$0x5] =	stream.indirect.gather [spmem:s5], $0x1, s6, s15, $0xb8;
	[tilespmem:$0x19E00] =	vst v63  }
0x217: {  	_ = 	snop  }
0x218: {  	[tilespmem:s17], [sflag:$0x7] =	stream.indirect.gather [spmem:s16], $0x1, s6, s15, $0xb8;
	[tilespmem:$0x19E00] =	vst v63  }
0x219: {  	_ =	swait.ge [sflag:s18], $0x2710  }
0x21a: {  	[sflag:s18] =	ssyncset.done $0x0  }
0x21b: {  	[sflag:s18] =	ssyncadd.s32 $0xFFFFD8F0  }
0x21c: {  	_ =	swait.ge [sflag:s19], $0x2710  }
0x21d: {  	[sflag:s19] =	ssyncset.done $0x0  }
0x21e: {  	[sflag:s19] =	ssyncadd.s32 $0xFFFFD8F0  }
0x21f: {  	[spmem:s3] =	stream.indirect.scatter.add.f32 [tilespmem:s1], [sflag:$0x9], $0x1, s9, s15, $0xb8;
	[tilespmem:$0x19E00] =	vst v63  }
0x220: {  	_ = 	snop  }
0x221: {  	[spmem:s4] =	stream.indirect.scatter.add.f32 [tilespmem:s17], [sflag:$0xB], $0x1, s9, s15, $0xb8;
	[tilespmem:$0x19E00] =	vst v63  }
0x222: {  	_ =	swait.ge [sflag:s31], $0x2710  }
0x223: {  	[sflag:s31] =	ssyncset.done $0x0  }
0x224: {  	[sflag:s31] =	ssyncadd.s32 $0xFFFFD8F0  }
0x225: {  	_ =	swait.ge [sflag:s2], $0x2710  }
0x226: {  	[sflag:s2] =	ssyncset.done $0x0  }
0x227: {  	s7 =	rddreg [dreg:$0x17];
	[sflag:s2] =	ssyncadd.s32 $0xFFFFD8F0  }
0x228: {  	[tilespmem:s20], [sflag:$0x2] =	stream.linear.gather [hbm4b:s7+s6], $0x2710, $0x38;
	[tilespmem:$0x19E00] =	vst v63  }
0x229: {  	s11 =	rddreg [dreg:$0x18]  }
0x22a: {  	[tilespmem:s21], [sflag:$0x4] =	stream.linear.gather [hbm4b:s11+s6], $0x2710, $0x38;
	[tilespmem:$0x19E00] =	vst v63  }
0x22b: {  	_ =	swait.ge [sflag:s22], $0x2710  }
0x22c: {  	[sflag:s22] =	ssyncset.done $0x0  }
0x22d: {  	[sflag:s22] =	ssyncadd.s32 $0xFFFFD8F0  }
0x22e: {  	_ =	swait.ge [sflag:s23], $0x2710  }
0x22f: {  	[sflag:s23] =	ssyncset.done $0x0  }
0x230: {  	[sflag:s23] =	ssyncadd.s32 $0xFFFFD8F0  }
0x231: {  	[tilespmem:s24], [sflag:$0x6] =	stream.indirect.gather [spmem:s5], $0x1, s20, s15, $0xb8;
	[tilespmem:$0x19E00] =	vst v63  }
0x232: {  	_ = 	snop  }
0x233: {  	[tilespmem:s25], [sflag:$0x8] =	stream.indirect.gather [spmem:s16], $0x1, s20, s15, $0xb8;
	[tilespmem:$0x19E00] =	vst v63  }
0x234: {  	_ =	swait.ge [sflag:s26], $0x2710  }
0x235: {  	[sflag:s26] =	ssyncset.done $0x0  }
0x236: {  	[sflag:s26] =	ssyncadd.s32 $0xFFFFD8F0  }
0x237: {  	_ =	swait.ge [sflag:s28], $0x2710  }
0x238: {  	[sflag:s28] =	ssyncset.done $0x0  }
0x239: {  	[sflag:s28] =	ssyncadd.s32 $0xFFFFD8F0  }
0x23a: {  	[spmem:s3] =	stream.indirect.scatter.add.f32 [tilespmem:s24], [sflag:$0xA], $0x1, s21, s15, $0xb8;
	[tilespmem:$0x19E00] =	vst v63  }
0x23b: {  	_ = 	snop  }
0x23c: {  	[spmem:s4] =	stream.indirect.scatter.add.f32 [tilespmem:s25], [sflag:$0xC], $0x1, s21, s15, $0xb8;
	[tilespmem:$0x19E00] =	vst v63  }
0x23d: {  	_ =	swait.ge [sflag:s29], $0x2710  }
0x23e: {  	[sflag:s29] =	ssyncset.done $0x0  }
0x23f: {  	[sflag:s29] =	ssyncadd.s32 $0xFFFFD8F0  }
0x240: {  	_ =	swait.ge [sflag:s30], $0x2710  }
0x241: {  	[sflag:s30] =	ssyncset.done $0x0  }
0x242: {  	s7 =	rddreg [dreg:$0x19];
	[sflag:s30] =	ssyncadd.s32 $0xFFFFD8F0  }
0x243: {  	[tilespmem:s6], [sflag:$0x1] =	stream.linear.gather [hbm4b:s7+s6], $0x2710, $0x38;
	[tilespmem:$0x19E00] =	vst v63  }
0x244: {  	s11 =	rddreg [dreg:$0x1a]  }
0x245: {  	[tilespmem:s9], [sflag:$0x3] =	stream.linear.gather [hbm4b:s11+s6], $0x2710, $0x38;
	[tilespmem:$0x19E00] =	vst v63  }
0x246: {  	_ =	swait.ge [sflag:s13], $0x2710  }
0x247: {  	[sflag:s13] =	ssyncset.done $0x0  }
0x248: {  	[sflag:s13] =	ssyncadd.s32 $0xFFFFD8F0  }
0x249: {  	_ =	swait.ge [sflag:s14], $0x2710  }
0x24a: {  	[sflag:s14] =	ssyncset.done $0x0  }
0x24b: {  	[sflag:s14] =	ssyncadd.s32 $0xFFFFD8F0  }
0x24c: {  	[tilespmem:s1], [sflag:$0x5] =	stream.indirect.gather [spmem:s5], $0x1, s6, s15, $0xb8;
	[tilespmem:$0x19E00] =	vst v63  }
0x24d: {  	_ = 	snop  }
0x24e: {  	[tilespmem:s17], [sflag:$0x7] =	stream.indirect.gather [spmem:s16], $0x1, s6, s15, $0xb8;
	[tilespmem:$0x19E00] =	vst v63  }
0x24f: {  	_ =	swait.ge [sflag:s18], $0x2710  }
0x250: {  	[sflag:s18] =	ssyncset.done $0x0  }
0x251: {  	[sflag:s18] =	ssyncadd.s32 $0xFFFFD8F0  }
0x252: {  	_ =	swait.ge [sflag:s19], $0x2710  }
0x253: {  	[sflag:s19] =	ssyncset.done $0x0  }
0x254: {  	[sflag:s19] =	ssyncadd.s32 $0xFFFFD8F0  }
0x255: {  	[spmem:s3] =	stream.indirect.scatter.add.f32 [tilespmem:s1], [sflag:$0x9], $0x1, s9, s15, $0xb8;
	[tilespmem:$0x19E00] =	vst v63  }
0x256: {  	_ = 	snop  }
0x257: {  	[spmem:s4] =	stream.indirect.scatter.add.f32 [tilespmem:s17], [sflag:$0xB], $0x1, s9, s15, $0xb8;
	[tilespmem:$0x19E00] =	vst v63  }
0x258: {  	_ =	swait.ge [sflag:s31], $0x2710  }
0x259: {  	[sflag:s31] =	ssyncset.done $0x0  }
0x25a: {  	[sflag:s31] =	ssyncadd.s32 $0xFFFFD8F0  }
0x25b: {  	_ =	swait.ge [sflag:s2], $0x2710  }
0x25c: {  	[sflag:s2] =	ssyncset.done $0x0  }
0x25d: {  	s7 =	rddreg [dreg:$0x1b];
	[sflag:s2] =	ssyncadd.s32 $0xFFFFD8F0  }
0x25e: {  	[tilespmem:s20], [sflag:$0x2] =	stream.linear.gather [hbm4b:s7+s6], $0x2710, $0x38;
	[tilespmem:$0x19E00] =	vst v63  }
0x25f: {  	s11 =	rddreg [dreg:$0x1c]  }
0x260: {  	[tilespmem:s21], [sflag:$0x4] =	stream.linear.gather [hbm4b:s11+s6], $0x2710, $0x38;
	[tilespmem:$0x19E00] =	vst v63  }
0x261: {  	_ =	swait.ge [sflag:s22], $0x2710  }
0x262: {  	[sflag:s22] =	ssyncset.done $0x0  }
0x263: {  	[sflag:s22] =	ssyncadd.s32 $0xFFFFD8F0  }
0x264: {  	_ =	swait.ge [sflag:s23], $0x2710  }
0x265: {  	[sflag:s23] =	ssyncset.done $0x0  }
0x266: {  	[sflag:s23] =	ssyncadd.s32 $0xFFFFD8F0  }
0x267: {  	[tilespmem:s24], [sflag:$0x6] =	stream.indirect.gather [spmem:s5], $0x1, s20, s15, $0xb8;
	[tilespmem:$0x19E00] =	vst v63  }
0x268: {  	_ = 	snop  }
0x269: {  	[tilespmem:s25], [sflag:$0x8] =	stream.indirect.gather [spmem:s16], $0x1, s20, s15, $0xb8;
	[tilespmem:$0x19E00] =	vst v63  }
0x26a: {  	_ =	swait.ge [sflag:s26], $0x2710  }
0x26b: {  	[sflag:s26] =	ssyncset.done $0x0  }
0x26c: {  	[sflag:s26] =	ssyncadd.s32 $0xFFFFD8F0  }
0x26d: {  	_ =	swait.ge [sflag:s28], $0x2710  }
0x26e: {  	[sflag:s28] =	ssyncset.done $0x0  }
0x26f: {  	[sflag:s28] =	ssyncadd.s32 $0xFFFFD8F0  }
0x270: {  	[spmem:s3] =	stream.indirect.scatter.add.f32 [tilespmem:s24], [sflag:$0xA], $0x1, s21, s15, $0xb8;
	[tilespmem:$0x19E00] =	vst v63  }
0x271: {  	_ = 	snop  }
0x272: {  	[spmem:s4] =	stream.indirect.scatter.add.f32 [tilespmem:s25], [sflag:$0xC], $0x1, s21, s15, $0xb8;
	[tilespmem:$0x19E00] =	vst v63  }
0x273: {  	_ =	swait.ge [sflag:s29], $0x2710  }
0x274: {  	[sflag:s29] =	ssyncset.done $0x0  }
0x275: {  	[sflag:s29] =	ssyncadd.s32 $0xFFFFD8F0  }
0x276: {  	_ =	swait.ge [sflag:s31], $0x2710  }
0x277: {  	[sflag:s31] =	ssyncset.done $0x0  }
0x278: {  	[sflag:s31] =	ssyncadd.s32 $0xFFFFD8F0  }
0x279: {  	_ =	swait.ge [sflag:s30], $0x2710  }
0x27a: {  	[sflag:s30] =	ssyncset.done $0x0  }
0x27b: {  	[sflag:s30] =	ssyncadd.s32 $0xFFFFD8F0  }
0x27c: {  	_ =	swait.ge [sflag:s2], $0x2710  }
0x27d: {  	[sflag:s2] =	ssyncset.done $0x0  }
0x27e: {  	[sflag:s2] =	ssyncadd.s32 $0xFFFFD8F0  }
0x27f: {  	p0 =	sne.s32 s0, $0x1;
	[bflag:$0x0] =	sbarrier.arrive $0xFFFF  }
0x280: {  	s11 =	simm.s32 $0x10;
	s5 =	simm.s32 $0x20;
	s4 =	rddreg [dreg:$0x1d]  }
0x281: {  	[hbm:s4@s5], [sflag:s8] =	dma.strided [spmem:s12@s11], $0x310, s13, $0x10   }
.Ltmp1:
0x282: {  	_ =	swait.ge [sflag:s10], $0x310;
	(pc) =	sbr.rel @p0 .LBB2_1-.Ltmp1, $4  }
0x283: {  	s16 =	sld [smem:$0x7FD]  }
0x284: {  	[sflag:s10] =	ssyncset.done $0x0  }
0x285: {  	s0 =	sadd.s32 $0xFFFFFFFF, s0;
	s12 =	rddreg [dreg:$0x1e];
	[sflag:s10] =	ssyncadd.s32 $0xFFFFFCF0  }
0x286: {  	[hbm:s12@s5], [sflag:s8] =	dma.strided [spmem:s16@s11], $0x310, s13, $0x10   }
.LBB2_2:
0x287: {  	_ =	swait.ge [sflag:s10], $0x310  }
0x288: {  	[sflag:s10] =	ssyncset.done $0x0  }
0x289: {  	[sflag:s10] =	ssyncadd.s32 $0xFFFFFCF0  }
0x28a: {  	_ =	sfence.sel $0x180000  }
0x28b: {  	[bflag:$0x0] =	sbarrier.arrive $0xFFFF  }
0x28c: {  	_ =	strace $0x9000004D  }
0x28d: {  	s0 =	stileid.u32;
	[bflag:$0x2] =	sbarrier.arrive $0xFFFF  }
0x28e: {  	p0 =	sne.s32 s0, $0x0;
	s0 =	rddreg [dreg:$0x6]  }
0x28f: {  	s0 =	sadd.s32 @!p0 $0x100000, s0  }
0x290: {  	[sflag:s0] =	ssyncadd.tile.s32 @!p0 $0x1;
	_ =	shalt  }
.Lfunc_end2:
_tile_overlayer_lowered:
.L_overlay_start_2:
0x291: {  	(tag) =	ssettag $0x2  }
0x292: {  	s0 =	rddreg [dreg:$0x0];
	s2 =	stileid.u32  }
0x293: {  	s1 =	rddreg [dreg:$0x1];
	p0 =	sne.s32 s2, $0x0  }
0x294: {  	s3 =	rddreg [dreg:$0x2];
	[bflag:$0x3] =	sbarrier.arrive $0xFFFF;
	s2 =	simm.s32 @!p0 $0x1C0D  }
0x295: {  	[timem:s3], [sflag:s2] =	dma.local @!p0 [hbm:s0], s1  }
0x296: {  	s0 =	simm.s32 @!p0 $0xD  }
0x297: {  	_ =	swait.ge @!p0 [sflag:s0], s1  }
0x298: {  	s1 =	ssub.s32 @!p0 $0x0, s1;
	[sflag:s0] =	ssyncset.done @!p0 $0x0  }
0x299: {  	[sflag:s0] =	ssyncadd.s32 @!p0 s1  }
0x29a: {  	[bflag:$0x3] =	sbarrier.arrive $0xFFFF  }
0x29b: {  	_ =	shalt  }

// kernel: kernel.8.cloned.1.call-start
scs
__scs_entry_jumppad:
0x0: {  	(pc) =	sbr.rel $0x88, $3  }
0x1: {  	(tag) =	ssettag $0x0;
	lr =	simm.s32 $0x1  }
0x2: {  	[smem:$0x3F9B] =	sst lr;
	_ =	strace $0xD0000000  }
0x3: {  	_ = 	snop  }
0x4: {  	_ = 	snop  }
0x5: {  	_ = 	snop  }
0x6: {  	_ = 	snop  }
0x7: {  	_ = 	snop  }
__scs_overlays_trampoline_lowered:
0x8: {  	[smem:$0x3FAA] =	sst s0  }
0x9: {  	[smem:$0x3FAB] =	sst s1  }
0xa: {  	[smem:$0x3FAC] =	sst s2  }
0xb: {  	[smem:$0x3FAD] =	sst s3  }
0xc: {  	[smem:$0x3FAE] =	sst s4  }
0xd: {  	[smem:$0x3FAF] =	sst s5  }
0xe: {  	[smem:$0x3FB0] =	sst s6  }
0xf: {  	[smem:$0x3FB1] =	sst s7  }
0x10: {  	[smem:$0x3FB2] =	sst s8  }
0x11: {  	[smem:$0x3FB3] =	sst s9;
	s0 =	simm.s32 @!p0 $0x0  }
0x12: {  	s1 =	sld [smem:$0x3F99];
	s0 =	simm.s32 @p0 $0x1  }
0x13: {  	[smem:$0x3FB4] =	sst s0;
	s0 =	simm.s32 @!p1 $0x0  }
0x14: {  	s2 =	sld [smem:$0x3F98];
	s0 =	simm.s32 @p1 $0x1  }
0x15: {  	[smem:$0x3FB5] =	sst s0;
	s0 =	simm.s32 @!p2 $0x0  }
0x16: {  	s3 =	sld [smem:$0x3FDB];
	s0 =	simm.s32 @p2 $0x1  }
0x17: {  	s4 =	simm.s32 $0x1BF5;
	[smem:$0x3FB7] =	sst s0  }
0x18: {  	s0 =	sld [smem:$0x3F9A];
	_ =	swait.ge [sflag:s4], $0x0  }
0x19: {  	s7 =	sld [smem:$0x3F9B]  }
0x1a: {  	s8 =	sadd.s32 $0xFFFFE003, lr  }
0x1b: {  	s9 =	sadd.s32 $0xFFFFFEF7, lr;
	s5 =	simm.s32 $0xFFFFFFFF;
	p2 =	slt.u32 s8, $0xFFFFF086  }
0x1c: {  	p1 =	slt.u32 s9, $0xF7A;
	s5 =	simm.s32 @!p2 $0x0  }
0x1d: {  	s5 =	simm.s32 @p1 $0x1;
	p0 =	seq.s32 s7, s2  }
0x1e: {  	s7 =	smul.u32 @!p0 $0xF7A, s2;
	p2 =	seq.s32 @!p0 s5, $0x0  }
0x1f: {  	s9 =	smul.u32 $0xF7A, s1;
	s8 =	simm.s32 @!p0 $0x1BF5;
	p2 =	por !p2, p0  }
0x20: {  	[sflag:s8] =	ssyncset.s32 @!p0 $0xFFFFF086;
	s6 =	sadd.s32 @!p0 s3, s7;
	s7 =	simm.s32 @!p0 $0x108  }
0x21: {  	s3 =	sadd.s32 s3, s9;
	s6 =	sadd.s32 @!p0 $0x88, s6;
	s7 =	simm.s32 @p2 $0x1082  }
0x22: {  	[simem:s7], [sflag:s8] =	dma.local @!p0 [hbm:s6], $0xF7A  }
0x23: {  	s9 =	sor.u32 $0xD0000000, s2;
	s6 =	simm.s32 $0x108;
	_ =	swait.ge @!p0 [sflag:s8], $0x0  }
0x24: {  	s3 =	sadd.s32 $0x88, s3;
	s6 =	simm.s32 @!p1 $0x1082;
	[sflag:s4] =	ssyncset.s32 $0xFFFFF086  }
0x25: {  	[simem:s6], [sflag:s4] =	dma.local [hbm:s3], $0xF7A  }
0x26: {  	[smem:$0x3F9B] =	sst s1;
	(tag) =	ssettag s2;
	_ =	strace s9  }
0x27: {  	s1 =	sld [smem:$0x3FAB]  }
0x28: {  	s2 =	sld [smem:$0x3FAC]  }
0x29: {  	s4 =	sld [smem:$0x3FAE]  }
0x2a: {  	p0 =	seq.s32 s5, $0x0;
	s5 =	sld [smem:$0x3FAF]  }
0x2b: {  	s6 =	sld [smem:$0x3FB0]  }
0x2c: {  	s7 =	sld [smem:$0x3FB1]  }
0x2d: {  	s3 =	simm.s32 $0x108;
	s8 =	sld [smem:$0x3FB2]  }
0x2e: {  	s3 =	simm.s32 @!p0 $0x1082;
	s9 =	sld [smem:$0x3FB3]  }
0x2f: {  	lr =	sadd.s32 s0, s3;
	s0 =	sld [smem:$0x3FAA]  }
0x30: {  	s3 =	sld [smem:$0x3FAD]  }
0x31: {  	[smem:$0x3FB6] =	sst s10  }
0x32: {  	s10 =	sld [smem:$0x3FB4];
	_ =	sdelay $0x3  }
0x33: {  	p0 =	seq.s32 s10, $0x1;
	s10 =	sld [smem:$0x3FB6];
	_ =	sdelay $0x3  }
0x34: {  	[smem:$0x3FB6] =	sst s10  }
0x35: {  	s10 =	sld [smem:$0x3FB5];
	_ =	sdelay $0x3  }
0x36: {  	p1 =	seq.s32 s10, $0x1;
	s10 =	sld [smem:$0x3FB6];
	_ =	sdelay $0x3  }
0x37: {  	[smem:$0x3FB6] =	sst s10  }
0x38: {  	s10 =	sld [smem:$0x3FB7]  }
0x39: {  	_ = 	snop;
	(pc) =	sbr.ind lr, $3  }
0x3a: {  	_ = 	snop  }
0x3b: {  	_ = 	snop  }
0x3c: {  	p2 =	seq.s32 s10, $0x1;
	s10 =	sld [smem:$0x3FB6]  }
0x3d: {  	_ =	shalt  }
0x3e: {  	_ =	shalt  }
0x3f: {  	_ =	shalt  }
0x40: {  	_ =	shalt  }
0x41: {  	_ =	shalt  }
0x42: {  	_ =	shalt  }
0x43: {  	_ =	shalt  }
0x44: {  	_ =	shalt  }
0x45: {  	_ =	shalt  }
0x46: {  	_ =	shalt  }
0x47: {  	_ =	shalt  }
0x48: {  	_ =	shalt  }
0x49: {  	_ =	shalt  }
0x4a: {  	_ =	shalt  }
0x4b: {  	_ =	shalt  }
0x4c: {  	_ =	shalt  }
0x4d: {  	_ =	shalt  }
0x4e: {  	_ =	shalt  }
0x4f: {  	_ =	shalt  }
0x50: {  	_ =	shalt  }
0x51: {  	_ =	shalt  }
0x52: {  	_ =	shalt  }
0x53: {  	_ =	shalt  }
0x54: {  	_ =	shalt  }
0x55: {  	_ =	shalt  }
0x56: {  	_ =	shalt  }
0x57: {  	_ =	shalt  }
0x58: {  	_ =	shalt  }
0x59: {  	_ =	shalt  }
0x5a: {  	_ =	shalt  }
0x5b: {  	_ =	shalt  }
0x5c: {  	_ =	shalt  }
0x5d: {  	_ =	shalt  }
0x5e: {  	_ =	shalt  }
0x5f: {  	_ =	shalt  }
0x60: {  	_ =	shalt  }
0x61: {  	_ =	shalt  }
0x62: {  	_ =	shalt  }
0x63: {  	_ =	shalt  }
0x64: {  	_ =	shalt  }
0x65: {  	_ =	shalt  }
0x66: {  	_ =	shalt  }
0x67: {  	_ =	shalt  }
0x68: {  	_ =	shalt  }
0x69: {  	_ =	shalt  }
0x6a: {  	_ =	shalt  }
0x6b: {  	_ =	shalt  }
0x6c: {  	_ =	shalt  }
0x6d: {  	_ =	shalt  }
0x6e: {  	_ =	shalt  }
0x6f: {  	_ =	shalt  }
0x70: {  	_ =	shalt  }
0x71: {  	_ =	shalt  }
0x72: {  	_ =	shalt  }
0x73: {  	_ =	shalt  }
0x74: {  	_ =	shalt  }
0x75: {  	_ =	shalt  }
0x76: {  	_ =	shalt  }
0x77: {  	_ =	shalt  }
0x78: {  	_ =	shalt  }
0x79: {  	_ =	shalt  }
0x7a: {  	_ =	shalt  }
0x7b: {  	_ =	shalt  }
0x7c: {  	_ =	shalt  }
0x7d: {  	_ =	shalt  }
0x7e: {  	_ =	shalt  }
0x7f: {  	_ =	shalt  }
0x80: {  	_ =	shalt  }
0x81: {  	_ =	shalt  }
0x82: {  	_ =	shalt  }
0x83: {  	_ =	shalt  }
0x84: {  	_ =	shalt  }
0x85: {  	_ =	shalt  }
0x86: {  	_ =	shalt  }
0x87: {  	_ =	shalt  }
.Lfunc_end0:
.L_simem_size_0:
called_computation_lowered:
.L_overlay_start_0:
0x88: {  	s2 =	sld [smem:$0x3FD9]  }
0x89: {  	s3 =	sld [smem:$0x3FFE];
	_ =	sdelay $0x1  }
0x8a: {  	s1 =	srdreg.scid  }
0x8b: {  	s0 =	sand.u32 $0x1, s1  }
0x8c: {  	s17 =	sshll.u32 s0, $0xA;
	s2 =	sadd.s32 s3, s2  }
0x8d: {  	s2 =	sadd.s32 s2, s17  }
0x8e: {  	[smem:$0x3FC2] =	sst s2  }
0x8f: {  	_ = 	snop  }
0x90: {  	s2 =	sld [smem:$0x3FD0];
	(tm) =	ssettm $0x1  }
0x91: {  	s18 =	sld [smem:$0x3FFB];
	_ =	sdelay $0x3  }
0x92: {  	_ =	strace s18  }
0x93: {  	s3 =	sld [smem:$0x3FFC];
	_ =	sdelay $0x3  }
0x94: {  	_ =	strace s3  }
0x95: {  	s3 =	sld [smem:$0x3FFD];
	_ =	sdelay $0x3  }
0x96: {  	_ =	strace s3  }
0x97: {  	_ =	strace $0x8FFFFFFF  }
0x98: {  	s19 =	sld [smem:$0x3FDB];
	_ =	sdelay $0x1  }
0x99: {  	s4 =	simm.s32 $_scs_section_size  }
0x9a: {  	s5 =	simm.s32 $_size__tile_overlayer_lowered;
	s6 =	simm.s32 $_tile_overlayer_lowered  }
0x9b: {  	s22 =	simm.s32 $0x1BFF;
	s21 =	sshll.u32 s6, $0x1;
	s3 =	sadd.s32 s4, s19  }
0x9c: {  	s7 =	simm.s32 $0x0;
	s20 =	sshll.u32 s5, $0x1;
	s5 =	sadd.s32 s21, s3  }
0x9d: {  	[timem:s7], [sflag:s22] =	dma.local [hbm:s5], s20  }
0x9e: {  	_ =	swait.ge [sflag:s22], s20  }
0x9f: {  	s4 =	ssub.s32 $0x0, s20;
	[sflag:s22] =	ssyncset.done $0x0  }
0xa0: {  	[sflag:s22] =	ssyncadd.s32 s4;
	_ =	sdelay $0x1  }
0xa1: {  	s23 =	simm.s32 $0x1B8B  }
0xa2: {  	_ =	swait.ge [sflag:s23], $0x1  }
0xa3: {  	[sflag:s23] =	ssyncset.done $0x0  }
0xa4: {  	s25 =	simm.s32 $0x1B8E;
	s24 =	sld [smem:$0x3FFE];
	[sflag:s23] =	ssyncadd.s32 $0xFFFFFFFF  }
0xa5: {  	s26 =	simm.s32 $execute0_lowered;
	[smem:$0x3FD2] =	sst s25  }
0xa6: {  	s5 =	sshll.u32 s26, $0x1;
	_ =	strace $0x80000046;
	[dreg:$0x1] =	wrdreg $0xFFFFFFFF  }
0xa7: {  	s28 =	simm.s32 $_size_execute0_lowered;
	s3 =	sadd.s32 s3, s5;
	[dreg:$0x0] =	wrdreg $0x0  }
0xa8: {  	s5 =	sshll.u32 s28, $0x1;
	[dreg:$0x2] =	wrdreg s3  }
0xa9: {  	[dreg:$0x3] =	wrdreg s5  }
0xaa: {  	[dreg:$0x4] =	wrdreg $0xC0  }
0xab: {  	_ =	task [dreg:s7], $0x5FFFF  }
0xac: {  	[dreg:$0x1] =	wrdreg $0xFFFFFFFF  }
0xad: {  	[dreg:$0x0] =	wrdreg $0x60  }
0xae: {  	[dreg:$0x2] =	wrdreg s24  }
0xaf: {  	[dreg:$0x3] =	wrdreg s2  }
0xb0: {  	[dreg:$0x4] =	wrdreg $0xEB800  }
0xb1: {  	[dreg:$0x5] =	wrdreg $0x9  }
0xb2: {  	_ =	task.clear_ibuf [dreg:s7], $0x6FFFF;
	_ =	strace $0x90000046  }
0xb3: {  	s29 =	simm.s32 $0x9;
	_ =	strace $0x80000048  }
0xb4: {  	_ =	swait.ge [sflag:s29], $0x1  }
0xb5: {  	[sflag:s29] =	ssyncadd.s32 $0xFFFFFFFF  }
0xb6: {  	_ =	strace $0x90000048  }
0xb7: {  	_ =	sfence  }
0xb8: {  	s30 =	sld [smem:$0x0];
	_ =	sdelay $0x2  }
0xb9: {  	s31 =	sshll.u32 s1, $0xD;
	s1 =	sshrl.u32 s1, $0x2  }
0xba: {  	s3 =	sand.u32 $0x4000, s31;
	s1 =	sadd.s32 s1, s30  }
0xbb: {  	s0 =	sor.u32 s3, s0;
	s1 =	sshll.u32 s1, $0x11  }
0xbc: {  	s0 =	sor.u32 s1, s0  }
0xbd: {  	s0 =	sadd.s32 $0x8F2B, s0  }
0xbe: {  	[sflag:s0] =	ssyncadd.remote.s32 $0x1  }
0xbf: {  	_ =	sfence.sel $0xFFFF  }
0xc0: {  	[dreg:$0x0] =	wrdreg $0xFFFFFFFF;
	(pc) =	sbr.abs _section_cstart, $3  }
0xc1: {  	[dreg:$0x1] =	wrdreg $0xFFFFFFFF  }
0xc2: {  	_ =	task.clear_ibuf [dreg:s7], $0x2FFFF;
	_ =	strace $0x9FFFFFFF  }
0xc3: {  	(tm) =	ssettm $0x7FFFFFFF  }
tec
execute0_lowered:
.L_overlay_start_1:
0x0: {  	(tag) =	ssettag $0x1  }
0x1: {  	s1 =	srdreg.scid;
	s21 =	rddreg [dreg:$0x0]  }
0x2: {  	s0 =	stileid.u32;
	s5 =	rddreg [dreg:$0x1]  }
0x3: {  	s2 =	rddreg [dreg:$0x2];
	s22 =	sand.u32 $0x1, s1;
	s29 =	sshll.u32 s0, $0x1  }
0x4: {  	s3 =	simm.s32 $0x0;
	s6 =	smul.u32 $0x1880, s0;
	s1 =	sor.u32 s22, s29  }
0x5: {  	[smem:$0x7FF] =	sst s3;
	s4 =	smul.u32 $0x186A0, s1  }
0x6: {  	s30 =	sshll.u32 s0, $0x6;
	s1 =	rddreg [dreg:$0x3];
	_ =	strace $0x80000047  }
0x7: {  	s7 =	sshrl.u32 s6, $0x3;
	s8 =	sadd.s32 s6, s2;
	s4 =	sshrl.u32 s4, $0x3  }
0x8: {  	s6 =	sor.u32 $0x1C05, s30;
	s5 =	sadd.s32 s5, s7;
	s20 =	sadd.s32 s4, s21  }
0x9: {  	s8 =	sshrl.u32 s8, $0x3;
	s7 =	simm.s32 $0x5;
	s4 =	sadd.s32 $0x63E80, s20  }
0xa: {  	[tilespmem:s3], [sflag:$0x1] =	stream.linear.gather [hbm4b:s4+s3], $0x4E20, $0x38;
	[tilespmem:$0x10400] =	vst v63  }
0xb: {  	[spmem:s8], [sflag:s6] =	dma.local [hbm:s5], $0x310  }
0xc: {  	_ =	swait.ge [sflag:s7], $0x310  }
0xd: {  	[sflag:s7] =	ssyncset.done $0x0  }
0xe: {  	s10 =	simm.s32 $0x9D00;
	s9 =	sadd.s32 $0xC5A00, s21;
	[sflag:s7] =	ssyncadd.s32 $0xFFFFFCF0  }
0xf: {  	[tilespmem:s10], [sflag:$0x5] =	stream.linear.gather [hbm4b:s9+s3], $0x4E80, $0x38;
	[tilespmem:$0x10400] =	vst v63  }
0x10: {  	_ =	swait.ge [sflag:s7], $0x4E80  }
0x11: {  	[sflag:s7] =	ssyncset.done $0x0  }
0x12: {  	[sflag:s7] =	ssyncadd.s32 $0xFFFFB180  }
0x13: {  	s11 =	simm.s32 $0x1;
	[bflag:$0x0] =	sbarrier.arrive $0xFFFF  }
0x14: {  	_ =	swait.ge [sflag:s11], $0x4E20  }
0x15: {  	[sflag:s11] =	ssyncset.done $0x0  }
0x16: {  	s12 =	simm.s32 $0x4E20;
	[sflag:s11] =	ssyncadd.s32 $0xFFFFB1E0  }
0x17: {  	[spmem:s2] =	stream.indirect.scatter.add.f32 [tilespmem:s10], [sflag:$0x3], $0x1, s3, s12, $0xb8;
	[tilespmem:$0x10400] =	vst v63  }
0x18: {  	s14 =	simm.s32 $0x4E80;
	s15 =	simm.s32 $0x2;
	s13 =	sadd.s32 $0x64844, s20  }
0x19: {  	[tilespmem:s14], [sflag:$0x2] =	stream.linear.gather [hbm4b:s13+s3], $0x4E20, $0x38;
	[tilespmem:$0x10400] =	vst v63  }
0x1a: {  	_ =	swait.ge [sflag:s15], $0x4E20  }
0x1b: {  	[sflag:s15] =	ssyncset.done $0x0  }
0x1c: {  	s16 =	simm.s32 $0x3;
	[sflag:s15] =	ssyncadd.s32 $0xFFFFB1E0  }
0x1d: {  	[spmem:s2] =	stream.indirect.scatter.add.f32 [tilespmem:s10], [sflag:$0x4], $0x1, s14, s12, $0xb8;
	[tilespmem:$0x10400] =	vst v63  }
0x1e: {  	_ =	swait.ge [sflag:s16], $0x4E20  }
0x1f: {  	[sflag:s16] =	ssyncset.done $0x0  }
0x20: {  	s17 =	sadd.s32 $0x65208, s20;
	[sflag:s16] =	ssyncadd.s32 $0xFFFFB1E0  }
0x21: {  	[tilespmem:s3], [sflag:$0x1] =	stream.linear.gather [hbm4b:s17+s3], $0x4E20, $0x38;
	[tilespmem:$0x10400] =	vst v63  }
0x22: {  	_ =	swait.ge [sflag:s11], $0x4E20  }
0x23: {  	[sflag:s11] =	ssyncset.done $0x0  }
0x24: {  	s18 =	simm.s32 $0x4;
	[sflag:s11] =	ssyncadd.s32 $0xFFFFB1E0  }
0x25: {  	[spmem:s2] =	stream.indirect.scatter.add.f32 [tilespmem:s10], [sflag:$0x3], $0x1, s3, s12, $0xb8;
	[tilespmem:$0x10400] =	vst v63  }
0x26: {  	_ =	swait.ge [sflag:s18], $0x4E20  }
0x27: {  	[sflag:s18] =	ssyncset.done $0x0  }
0x28: {  	s19 =	sadd.s32 $0x65BCC, s20;
	[sflag:s18] =	ssyncadd.s32 $0xFFFFB1E0  }
0x29: {  	[tilespmem:s14], [sflag:$0x2] =	stream.linear.gather [hbm4b:s19+s3], $0x4E20, $0x38;
	[tilespmem:$0x10400] =	vst v63  }
0x2a: {  	_ =	swait.ge [sflag:s15], $0x4E20  }
0x2b: {  	[sflag:s15] =	ssyncset.done $0x0  }
0x2c: {  	[sflag:s15] =	ssyncadd.s32 $0xFFFFB1E0  }
0x2d: {  	[spmem:s2] =	stream.indirect.scatter.add.f32 [tilespmem:s10], [sflag:$0x4], $0x1, s14, s12, $0xb8;
	[tilespmem:$0x10400] =	vst v63  }
0x2e: {  	_ =	swait.ge [sflag:s16], $0x4E20  }
0x2f: {  	[sflag:s16] =	ssyncset.done $0x0  }
0x30: {  	s20 =	sadd.s32 $0x66590, s20;
	[sflag:s16] =	ssyncadd.s32 $0xFFFFB1E0  }
0x31: {  	[tilespmem:s3], [sflag:$0x1] =	stream.linear.gather [hbm4b:s20+s3], $0x4E20, $0x38;
	[tilespmem:$0x10400] =	vst v63  }
0x32: {  	_ =	swait.ge [sflag:s11], $0x4E20  }
0x33: {  	[sflag:s11] =	ssyncset.done $0x0  }
0x34: {  	s23 =	smul.u32 $0x3100, s0;
	[sflag:s11] =	ssyncadd.s32 $0xFFFFB1E0  }
0x35: {  	[spmem:s2] =	stream.indirect.scatter.add.f32 [tilespmem:s10], [sflag:$0x3], $0x1, s3, s12, $0xb8;
	[tilespmem:$0x10400] =	vst v63  }
0x36: {  	s24 =	sshll.u32 s22, $0x7;
	s22 =	ssub.s32 $0x2, s22;
	_ =	swait.ge [sflag:s16], $0x4E20  }
0x37: {  	s31 =	sshrl.u32 s22, $0x1;
	[sflag:s16] =	ssyncset.done $0x0  }
0x38: {  	s23 =	sor.u32 s24, s23;
	s22 =	ssub.s32 s22, s31;
	[sflag:s16] =	ssyncadd.s32 $0xFFFFB1E0  }
0x39: {  	s23 =	sshrl.u32 s23, $0x3;
	s24 =	smax.u32 s22, $0x1;
	_ =	swait.ge [sflag:s18], $0x4E20  }
0x3a: {  	s22 =	simm.s32 $0x20;
	p0 =	sne.s32 s24, $0x1;
	[sflag:s18] =	ssyncset.done $0x0  }
.Ltmp0:
0x3b: {  	s21 =	sadd.s32 s23, s21;
	[sflag:s18] =	ssyncadd.s32 $0xFFFFB1E0;
	(pc) =	sbr.rel @!p0 .LBB2_2-.Ltmp0, $4  }
0x3c: {  	s23 =	simm.s32 $0x10;
	s21 =	sadd.s32 $0xC6400, s21;
	[bflag:$0x0] =	sbarrier.arrive $0xFFFF  }
0x3d: {  	[hbm:s21@s22], [sflag:s6] =	dma.strided [spmem:s8@s23], $0x310, s11, $0x10   }
0x3e: {  	_ =	swait.ge [sflag:s7], $0x310  }
0x3f: {  	s24 =	sadd.s32 $0xFFFFFFFF, s24;
	[sflag:s7] =	ssyncset.done $0x0  }
.LBB2_1:
0x40: {  	p0 =	sne.s32 s24, $0x1;
	s24 =	sadd.s32 $0xFFFFFFFF, s24;
	[sflag:s7] =	ssyncadd.s32 $0xFFFFFCF0  }
0x41: {  	[tilespmem:s3], [sflag:$0x1] =	stream.linear.gather [hbm4b:s4+s3], $0x4E20, $0x38;
	[tilespmem:$0x10400] =	vst v63  }
0x42: {  	[spmem:s8], [sflag:s6] =	dma.local [hbm:s5], $0x310  }
0x43: {  	_ =	swait.ge [sflag:s7], $0x310  }
0x44: {  	[sflag:s7] =	ssyncset.done $0x0  }
0x45: {  	[sflag:s7] =	ssyncadd.s32 $0xFFFFFCF0  }
0x46: {  	[tilespmem:s10], [sflag:$0x5] =	stream.linear.gather [hbm4b:s9+s3], $0x4E80, $0x38;
	[tilespmem:$0x10400] =	vst v63  }
0x47: {  	_ =	swait.ge [sflag:s7], $0x4E80  }
0x48: {  	[sflag:s7] =	ssyncset.done $0x0  }
0x49: {  	[sflag:s7] =	ssyncadd.s32 $0xFFFFB180  }
0x4a: {  	[bflag:$0x0] =	sbarrier.arrive $0xFFFF  }
0x4b: {  	_ =	swait.ge [sflag:s11], $0x4E20  }
0x4c: {  	[sflag:s11] =	ssyncset.done $0x0  }
0x4d: {  	[sflag:s11] =	ssyncadd.s32 $0xFFFFB1E0  }
0x4e: {  	[spmem:s2] =	stream.indirect.scatter.add.f32 [tilespmem:s10], [sflag:$0x3], $0x1, s3, s12, $0xb8;
	[tilespmem:$0x10400] =	vst v63  }
0x4f: {  	_ = 	snop  }
0x50: {  	[tilespmem:s14], [sflag:$0x2] =	stream.linear.gather [hbm4b:s13+s3], $0x4E20, $0x38;
	[tilespmem:$0x10400] =	vst v63  }
0x51: {  	_ =	swait.ge [sflag:s15], $0x4E20  }
0x52: {  	[sflag:s15] =	ssyncset.done $0x0  }
0x53: {  	[sflag:s15] =	ssyncadd.s32 $0xFFFFB1E0  }
0x54: {  	[spmem:s2] =	stream.indirect.scatter.add.f32 [tilespmem:s10], [sflag:$0x4], $0x1, s14, s12, $0xb8;
	[tilespmem:$0x10400] =	vst v63  }
0x55: {  	_ =	swait.ge [sflag:s16], $0x4E20  }
0x56: {  	[sflag:s16] =	ssyncset.done $0x0  }
0x57: {  	[sflag:s16] =	ssyncadd.s32 $0xFFFFB1E0  }
0x58: {  	[tilespmem:s3], [sflag:$0x1] =	stream.linear.gather [hbm4b:s17+s3], $0x4E20, $0x38;
	[tilespmem:$0x10400] =	vst v63  }
0x59: {  	_ =	swait.ge [sflag:s11], $0x4E20  }
0x5a: {  	[sflag:s11] =	ssyncset.done $0x0  }
0x5b: {  	[sflag:s11] =	ssyncadd.s32 $0xFFFFB1E0  }
0x5c: {  	[spmem:s2] =	stream.indirect.scatter.add.f32 [tilespmem:s10], [sflag:$0x3], $0x1, s3, s12, $0xb8;
	[tilespmem:$0x10400] =	vst v63  }
0x5d: {  	_ =	swait.ge [sflag:s18], $0x4E20  }
0x5e: {  	[sflag:s18] =	ssyncset.done $0x0  }
0x5f: {  	[sflag:s18] =	ssyncadd.s32 $0xFFFFB1E0  }
0x60: {  	[tilespmem:s14], [sflag:$0x2] =	stream.linear.gather [hbm4b:s19+s3], $0x4E20, $0x38;
	[tilespmem:$0x10400] =	vst v63  }
0x61: {  	_ =	swait.ge [sflag:s15], $0x4E20  }
0x62: {  	[sflag:s15] =	ssyncset.done $0x0  }
0x63: {  	[sflag:s15] =	ssyncadd.s32 $0xFFFFB1E0  }
0x64: {  	[spmem:s2] =	stream.indirect.scatter.add.f32 [tilespmem:s10], [sflag:$0x4], $0x1, s14, s12, $0xb8;
	[tilespmem:$0x10400] =	vst v63  }
0x65: {  	_ =	swait.ge [sflag:s16], $0x4E20  }
0x66: {  	[sflag:s16] =	ssyncset.done $0x0  }
0x67: {  	[sflag:s16] =	ssyncadd.s32 $0xFFFFB1E0  }
0x68: {  	[tilespmem:s3], [sflag:$0x1] =	stream.linear.gather [hbm4b:s20+s3], $0x4E20, $0x38;
	[tilespmem:$0x10400] =	vst v63  }
0x69: {  	_ =	swait.ge [sflag:s11], $0x4E20  }
0x6a: {  	[sflag:s11] =	ssyncset.done $0x0  }
0x6b: {  	[sflag:s11] =	ssyncadd.s32 $0xFFFFB1E0  }
0x6c: {  	[spmem:s2] =	stream.indirect.scatter.add.f32 [tilespmem:s10], [sflag:$0x3], $0x1, s3, s12, $0xb8;
	[tilespmem:$0x10400] =	vst v63  }
0x6d: {  	_ =	swait.ge [sflag:s16], $0x4E20  }
0x6e: {  	[sflag:s16] =	ssyncset.done $0x0  }
0x6f: {  	[sflag:s16] =	ssyncadd.s32 $0xFFFFB1E0  }
0x70: {  	_ =	swait.ge [sflag:s18], $0x4E20  }
0x71: {  	[sflag:s18] =	ssyncset.done $0x0  }
.Ltmp1:
0x72: {  	[sflag:s18] =	ssyncadd.s32 $0xFFFFB1E0;
	(pc) =	sbr.rel @p0 .LBB2_1-.Ltmp1, $4  }
0x73: {  	[bflag:$0x0] =	sbarrier.arrive $0xFFFF  }
0x74: {  	[hbm:s21@s22], [sflag:s6] =	dma.strided [spmem:s8@s23], $0x310, s11, $0x10   }
0x75: {  	_ =	swait.ge [sflag:s7], $0x310  }
0x76: {  	[sflag:s7] =	ssyncset.done $0x0  }
.LBB2_2:
0x77: {  	[sflag:s7] =	ssyncadd.s32 $0xFFFFFCF0  }
0x78: {  	_ =	sfence.sel $0x180000  }
0x79: {  	[bflag:$0x0] =	sbarrier.arrive $0xFFFF  }
0x7a: {  	p0 =	sne.s32 s0, $0x0;
	_ =	strace $0x90000047  }
0x7b: {  	s0 =	sadd.s32 @!p0 $0x100000, s1;
	[bflag:$0x2] =	sbarrier.arrive $0xFFFF  }
0x7c: {  	[sflag:s0] =	ssyncadd.tile.s32 @!p0 $0x1;
	_ =	shalt  }
.Lfunc_end2:
_tile_overlayer_lowered:
.L_overlay_start_2:
0x7d: {  	(tag) =	ssettag $0x2  }
0x7e: {  	s0 =	rddreg [dreg:$0x0];
	s2 =	stileid.u32  }
0x7f: {  	s1 =	rddreg [dreg:$0x1];
	p0 =	sne.s32 s2, $0x0  }
0x80: {  	s3 =	rddreg [dreg:$0x2];
	[bflag:$0x3] =	sbarrier.arrive $0xFFFF;
	s2 =	simm.s32 @!p0 $0x1C05  }
0x81: {  	[timem:s3], [sflag:s2] =	dma.local @!p0 [hbm:s0], s1  }
0x82: {  	s0 =	simm.s32 @!p0 $0x5  }
0x83: {  	_ =	swait.ge @!p0 [sflag:s0], s1  }
0x84: {  	s1 =	ssub.s32 @!p0 $0x0, s1;
	[sflag:s0] =	ssyncset.done @!p0 $0x0  }
0x85: {  	[sflag:s0] =	ssyncadd.s32 @!p0 s1  }
0x86: {  	[bflag:$0x3] =	sbarrier.arrive $0xFFFF  }
0x87: {  	_ =	shalt  }

</sc_bundles>
